<compile_context>
chip_gen: v7x
topology: tpu7x:2x2x1
jax: 0.10.2.dev20260603
libtpu: 0.0.44.dev20260713+nightly
codegen_flags: <defaults>
</compile_context>

<pallas_src>
import functools

import jax
import jax.numpy as jnp
from jax import lax
from jax.experimental import pallas as pl
from jax.experimental.pallas import tpu as pltpu
from jax.experimental.pallas import tpu_sc as plsc

_SEQ = 512
_BATCH = 8
_NW = 32
_GROUP = 16
_TCHUNK = 64
_NEG = float("-inf")


@functools.cache
def _counts_kernel(rows, S, width):
    per_w = rows // _NW
    groups = per_w // _GROUP
    mesh = plsc.VectorSubcoreMesh(core_axis_name="c", subcore_axis_name="s")

    GS = _GROUP * S
    GW = _GROUP * width

    @functools.partial(
        pl.kernel, mesh=mesh,
        out_type=jax.ShapeDtypeStruct((rows * width,), jnp.float32),
        compiler_params=pltpu.CompilerParams(needs_layout_passes=False),
        scratch_types=[
            pltpu.VMEM((2 * GS,), jnp.int32),
            pltpu.VMEM((2 * _GROUP,), jnp.int32),
            pltpu.VMEM((2 * GW,), jnp.float32),
            pltpu.SemaphoreType.DMA,
            pltpu.SemaphoreType.DMA,
        ],
    )
    def k(ids_hbm, n_hbm, zeros_hbm, out_hbm, ids_v, n_v, cnt_v, sem_in, sem_out):
        wid = lax.axis_index("s") * 2 + lax.axis_index("c")
        lanes = jnp.arange(_GROUP, dtype=jnp.int32)
        ones = jnp.ones((_GROUP,), jnp.float32)

        def in_desc(g, par):
            row0 = wid * per_w + g * _GROUP
            return [
                pltpu.make_async_copy(ids_hbm.at[pl.ds(row0 * S, GS)],
                                      ids_v.at[pl.ds(par * GS, GS)], sem_in),
                pltpu.make_async_copy(n_hbm.at[pl.ds(row0, _GROUP)],
                                      n_v.at[pl.ds(par * _GROUP, _GROUP)], sem_in),
                pltpu.make_async_copy(zeros_hbm,
                                      cnt_v.at[pl.ds(par * GW, GW)], sem_in),
            ]

        def out_desc(g, par):
            row0 = wid * per_w + g * _GROUP
            return [
                pltpu.make_async_copy(cnt_v.at[pl.ds(par * GW, GW)],
                                      out_hbm.at[pl.ds(row0 * width, GW)], sem_out),
            ]

        for d in in_desc(0, 0):
            d.start()

        def group_body(g, _):
            par = lax.rem(g, 2)

            @pl.when(g > 0)
            def _():
                for d in out_desc(g - 1, 1 - par):
                    d.wait()

            for d in in_desc(g, par):
                d.wait()

            @pl.when(g + 1 < groups)
            def _():
                for d in in_desc(g + 1, 1 - par):
                    d.start()

            nvec = n_v[pl.ds(par * _GROUP, _GROUP)]
            nmax = jnp.max(nvec)

            def slot_body(h, _):
                for u in range(2):
                    j = h * 2 + u
                    idx = plsc.load_gather(ids_v, [par * GS + lanes * S + j])
                    m = jnp.full((_GROUP,), j, jnp.int32) < nvec
                    plsc.addupdate_scatter(
                        cnt_v, [par * GW + lanes * width + idx], ones, mask=m)
                return 0

            lax.fori_loop(0, (nmax + 1) // 2, slot_body, 0)
            for d in out_desc(g, par):
                d.start()
            return 0

        lax.fori_loop(0, groups, group_body, 0)
        for d in out_desc(groups - 1, (groups - 1) % 2):
            d.wait()

    return k


def _counts(ids, n, width):
    T, B, S = ids.shape
    rows = T * B
    zeros = jnp.zeros((_GROUP * width,), jnp.float32)
    out = _counts_kernel(rows, S, width)(ids.reshape(rows * S), n.reshape(rows), zeros)
    return out.reshape(rows, width)


def _mm_scan_body(counts_ref, wt_ref, decay_ref, thresh_ref,
                  v0_ref, states_ref, scores_ref, v_ref, cur_ref):
    step = pl.program_id(0)

    @pl.when(step == 0)
    def _():
        v_ref[...] = v0_ref[...]

    cur = jnp.dot(counts_ref[...], wt_ref[...],
                  precision=jax.lax.Precision.HIGHEST,
                  preferred_element_type=jnp.float32)
    cur_ref[...] = cur.reshape(_TCHUNK, _BATCH, wt_ref.shape[1])
    decay = decay_ref[...]
    thresh = thresh_ref[...]

    def body(i, v):
        v_new = decay * v + cur_ref[i]
        spike = v_new > thresh
        v_reset = jnp.where(spike, 0.0, v_new)
        states_ref[i] = v_reset
        scores_ref[i] = jnp.where(spike, v_new, _NEG)
        return v_reset

    v_ref[...] = jax.lax.fori_loop(0, _TCHUNK, body, v_ref[...])


def _mm_scan(counts, wt, decay, thresh, v0):
    K, N = wt.shape
    T, B = _SEQ, _BATCH
    grid = (T // _TCHUNK,)
    out_shape = [
        jax.ShapeDtypeStruct((T, B, N), jnp.float32),
        jax.ShapeDtypeStruct((T, B, N), jnp.float32),
    ]
    out_specs = [
        pl.BlockSpec((_TCHUNK, B, N), lambda i: (i, 0, 0)),
        pl.BlockSpec((_TCHUNK, B, N), lambda i: (i, 0, 0)),
    ]
    in_specs = [
        pl.BlockSpec((_TCHUNK * B, K), lambda i: (i, 0)),
        pl.BlockSpec((K, N), lambda i: (0, 0)),
        pl.BlockSpec((1, N), lambda i: (0, 0)),
        pl.BlockSpec((1, N), lambda i: (0, 0)),
        pl.BlockSpec((B, N), lambda i: (0, 0)),
    ]
    states, scores = pl.pallas_call(
        _mm_scan_body,
        grid=grid,
        in_specs=in_specs,
        out_specs=out_specs,
        out_shape=out_shape,
        scratch_shapes=[pltpu.VMEM((B, N), jnp.float32),
                        pltpu.VMEM((_TCHUNK, B, N), jnp.float32)],
    )(counts, wt, decay.reshape(1, N), thresh.reshape(1, N), v0)
    return states, scores


def _pairstep(ka, va, kb, vb):
    cmp = ka >= kb
    return (jnp.where(cmp, ka, kb), jnp.where(cmp, va, vb),
            jnp.where(cmp, kb, ka), jnp.where(cmp, vb, va))


def _bitonic_merge(ak, av, bk, bv):
    m = len(ak)
    lk = list(ak) + [lax.rev(k, (0,)) for k in reversed(bk)]
    lv = list(av) + [lax.rev(v, (0,)) for v in reversed(bv)]
    n = 2 * m
    b = m
    while b >= 1:
        for blk in range(0, n, 2 * b):
            for i in range(blk, blk + b):
                hi_k, hi_v, lo_k, lo_v = _pairstep(lk[i], lv[i], lk[i + b], lv[i + b])
                lk[i], lv[i] = hi_k, hi_v
                lk[i + b], lv[i + b] = lo_k, lo_v
        b //= 2
    out = [plsc.sort_key_val(k, v, descending=True) for k, v in zip(lk, lv)]
    return [k for k, _ in out], [v for _, v in out]


def _sort_desc(ks, vs):
    runs = []
    for k, v in zip(ks, vs):
        sk, sv = plsc.sort_key_val(k, v, descending=True)
        runs.append(([sk], [sv]))
    while len(runs) > 1:
        nxt = []
        for i in range(0, len(runs), 2):
            ak, av = runs[i]
            bk, bv = runs[i + 1]
            nxt.append(tuple(_bitonic_merge(ak, av, bk, bv)))
        runs = nxt
    return runs[0]


@functools.cache
def _topk_kernel(rows, N, K, emit_counts):
    KCH = K // 16
    NCH = N // 16
    per_w = rows // _NW
    groups = per_w // _GROUP
    mesh = plsc.VectorSubcoreMesh(core_axis_name="c", subcore_axis_name="s")

    GN = _GROUP * N
    GK = _GROUP * K
    out_type = [
        jax.ShapeDtypeStruct((rows * K,), jnp.int32),
        jax.ShapeDtypeStruct((rows,), jnp.int32),
    ]
    scratch = [
        pltpu.VMEM((2 * GN,), jnp.float32),
        pltpu.VMEM((2 * GK,), jnp.int32),
        pltpu.VMEM((2 * _GROUP,), jnp.int32),
        pltpu.VMEM((N + 16,), jnp.float32),
        pltpu.VMEM((N + 16,), jnp.int32),
        pltpu.SemaphoreType.DMA,
        pltpu.SemaphoreType.DMA,
    ]
    if emit_counts:
        out_type.append(jax.ShapeDtypeStruct((rows * N,), jnp.float32))
        scratch.append(pltpu.VMEM((2 * GN,), jnp.float32))

    @functools.partial(
        pl.kernel, mesh=mesh, out_type=out_type,
        compiler_params=pltpu.CompilerParams(needs_layout_passes=False),
        scratch_types=scratch,
    )
    def k(scores_hbm, zeros_hbm, ids_hbm, n_hbm, *rest):
        if emit_counts:
            counts_hbm, scores_v, ids_v, n_v, vals_v, idxs_v, sem_in, sem_out, cnt_v = rest
        else:
            scores_v, ids_v, n_v, vals_v, idxs_v, sem_in, sem_out = rest
        wid = lax.axis_index("s") * 2 + lax.axis_index("c")
        lanes = jnp.arange(_GROUP, dtype=jnp.int32)
        neg = jnp.full((16,), _NEG, jnp.float32)
        ones = jnp.ones((16,), jnp.float32)

        def in_desc(g, par):
            row0 = wid * per_w + g * _GROUP
            ds = [pltpu.make_async_copy(scores_hbm.at[pl.ds(row0 * N, GN)],
                                        scores_v.at[pl.ds(par * GN, GN)], sem_in)]
            if emit_counts:
                ds.append(pltpu.make_async_copy(
                    zeros_hbm, cnt_v.at[pl.ds(par * GN, GN)], sem_in))
            return ds

        def out_desc(g, par):
            row0 = wid * per_w + g * _GROUP
            ds = [
                pltpu.make_async_copy(ids_v.at[pl.ds(par * GK, GK)],
                                      ids_hbm.at[pl.ds(row0 * K, GK)], sem_out),
                pltpu.make_async_copy(n_v.at[pl.ds(par * _GROUP, _GROUP)],
                                      n_hbm.at[pl.ds(row0, _GROUP)], sem_out),
            ]
            if emit_counts:
                ds.append(pltpu.make_async_copy(
                    cnt_v.at[pl.ds(par * GN, GN)],
                    counts_hbm.at[pl.ds(row0 * N, GN)], sem_out))
            return ds

        for d in in_desc(0, 0):
            d.start()

        def group_body(g, _):
            par = lax.rem(g, 2)

            @pl.when(g > 0)
            def _():
                for d in out_desc(g - 1, 1 - par):
                    d.wait()

            for d in in_desc(g, par):
                d.wait()

            @pl.when(g + 1 < groups)
            def _():
                for d in in_desc(g + 1, 1 - par):
                    d.start()

            def row_body(r, n_acc):
                base = par * GN + r * N
                for j in range(KCH):
                    vals_v[pl.ds(j * 16, 16)] = neg

                def cbody(c, cur):
                    s = scores_v[pl.ds(base + c * 16, 16)]
                    m = s > -3e38
                    plsc.store_compressed(vals_v.at[pl.ds(cur, 16)], s, mask=m)
                    plsc.store_compressed(
                        idxs_v.at[pl.ds(cur, 16)], lanes + c * 16, mask=m)
                    return cur + jnp.sum(m.astype(jnp.int32))

                n_raw = lax.fori_loop(0, NCH, cbody, 0)
                vals_v[pl.ds(n_raw, 16)] = neg

                tk = [vals_v[pl.ds(j * 16, 16)] for j in range(KCH)]
                tv = [idxs_v[pl.ds(j * 16, 16)] for j in range(KCH)]
                tk, tv = _sort_desc(tk, tv)

                def xbody(c, carry):
                    ck, cv = carry
                    ck = list(ck)
                    cv = list(cv)
                    ek = vals_v[pl.ds(c * 16, 16)]
                    ev = idxs_v[pl.ds(c * 16, 16)]
                    ek, ev = plsc.sort_key_val(ek, ev, descending=True)
                    rk = lax.rev(ek, (0,))
                    rv = lax.rev(ev, (0,))
                    hi_k, hi_v, _, _ = _pairstep(ck[-1], cv[-1], rk, rv)
                    ck[-1] = hi_k
                    cv[-1] = hi_v
                    sk, sv = _sort_desc(ck, cv)
                    return tuple(sk), tuple(sv)

                nc = (n_raw + 15) // 16
                tk, tv = lax.fori_loop(KCH, nc, xbody, (tuple(tk), tuple(tv)))

                kk = jnp.minimum(n_raw, K)
                for j in range(KCH):
                    m = (lanes + j * 16) < kk
                    ids_v[pl.ds(par * GK + r * K + j * 16, 16)] = jnp.where(m, tv[j], 0)
                    if emit_counts:
                        plsc.addupdate_scatter(
                            cnt_v, [par * GN + r * N + tv[j]], ones, mask=m)
                return jnp.where(lanes == r, kk, n_acc)

            n_acc = lax.fori_loop(0, _GROUP, row_body,
                                  jnp.zeros((_GROUP,), jnp.int32))
            n_v[pl.ds(par * _GROUP, _GROUP)] = n_acc
            for d in out_desc(g, par):
                d.start()
            return 0

        lax.fori_loop(0, groups, group_body, 0)
        for d in out_desc(groups - 1, (groups - 1) % 2):
            d.wait()

    return k


def _topk_phase(scores, sparse_out, emit_counts):
    T, B, N = scores.shape
    rows = T * B
    zeros = jnp.zeros((_GROUP * N,), jnp.float32)
    outs = _topk_kernel(rows, N, sparse_out, emit_counts)(
        scores.reshape(rows * N), zeros)
    ids = outs[0].reshape(T, B, sparse_out)
    n_out = outs[1].reshape(T, B)
    if emit_counts:
        return ids, n_out, outs[2].reshape(rows, N)
    return ids, n_out


def kernel(inp_spike_ids, num_inp_spikes, init_state_0, init_state_1, w0, w1, decay_0, decay_1, thresh_0, thresh_1):
    d0, d1, d2 = w0.shape[1], w0.shape[0], w1.shape[0]
    n0 = num_inp_spikes[..., 0]

    c0 = _counts(inp_spike_ids, n0, d0)
    s1, sc1 = _mm_scan(c0, jnp.transpose(w0), decay_0, thresh_0, init_state_0)
    ids1, n1, c1 = _topk_phase(sc1, 128, True)

    s2, sc2 = _mm_scan(c1, jnp.transpose(w1), decay_1, thresh_1, init_state_1)
    ids2, n2 = _topk_phase(sc2, 64, False)

    num1 = jnp.stack([n1, jnp.zeros_like(n1)], axis=-1)
    num2 = jnp.stack([n2, jnp.zeros_like(n2)], axis=-1)
    return (ids1, ids2, num1, num2, s1, s2)

# --- scband reference (transcript-rebuilt; emitter-appended) ---
"""Pipeline reference for scband-keras-multi-liflayer-sparse-46428596470115 (READ-ONLY COPY).

The authoritative reference and input builder live on the scoring server;
editing this copy changes nothing except your own understanding.
"""

import jax, jax.numpy as jnp
import numpy as np

DENSE = [1024, 1024, 512]
SPARSE = [128, 128, 64]
SEQ = 512
BATCH = 8
DECAY = 0.95
THRESH = 1.0


def setup_inputs(seed: int = 0) -> dict:
    key = jax.random.key(seed)
    ks = jax.random.split(key, 8)
    inp = {}
    inp["inp_spike_ids"] = jax.random.randint(ks[0], (SEQ, BATCH, SPARSE[0]), 0, DENSE[0], dtype=jnp.int32)
    inp["num_inp_spikes"] = jax.random.randint(ks[1], (SEQ, BATCH, 1), 0, SPARSE[0], dtype=jnp.int32)
    inp["init_state_0"] = jnp.zeros((BATCH, DENSE[1]), jnp.float32)
    inp["init_state_1"] = jnp.zeros((BATCH, DENSE[2]), jnp.float32)

    def winit(k, out_f, in_f):
        limit = (6.0 / in_f) ** 0.5 * 1.5
        return jax.random.uniform(k, (out_f, in_f), jnp.float32, -limit, limit)

    inp["w0"] = winit(ks[2], DENSE[1], DENSE[0])
    inp["w1"] = winit(ks[3], DENSE[2], DENSE[1])
    inp["decay_0"] = jnp.full((DENSE[1],), DECAY, jnp.float32)
    inp["decay_1"] = jnp.full((DENSE[2],), DECAY, jnp.float32)
    inp["thresh_0"] = jnp.full((DENSE[1],), THRESH, jnp.float32)
    inp["thresh_1"] = jnp.full((DENSE[2],), THRESH, jnp.float32)
    return inp


def _lif_layer(Wt, decay, thresh, v0, ids_seq, num_seq, sparse_out):
    # Wt: [in_feat, out_feat] (transposed weights, as in the custom op)
    sparse_in = ids_seq.shape[-1]

    def step(v, xs):
        ids_t, n_t = xs  # [B, sparse_in], [B]
        mask = (jnp.arange(sparse_in)[None, :] < n_t[:, None]).astype(Wt.dtype)
        gathered = jnp.take(Wt, ids_t, axis=0)  # [B, sparse_in, out]
        cur = jnp.sum(gathered * mask[..., None], axis=1)  # [B, out]
        v_new = decay[None, :] * v + cur
        spike = v_new > thresh[None, :]
        v_reset = jnp.where(spike, 0.0, v_new)
        scores = jnp.where(spike, v_new, -jnp.inf)
        _, top_ids = jax.lax.top_k(scores, sparse_out)
        n_out = jnp.minimum(jnp.sum(spike, axis=1), sparse_out).astype(jnp.int32)
        valid = jnp.arange(sparse_out)[None, :] < n_out[:, None]
        out_ids = jnp.where(valid, top_ids, 0).astype(jnp.int32)
        return v_reset, (out_ids, n_out, v_reset)

    _, (ids_o, n_o, states) = jax.lax.scan(step, v0, (ids_seq, num_seq))
    return ids_o, n_o, states


def reference(inp_spike_ids, num_inp_spikes, init_state_0, init_state_1, w0, w1, decay_0, decay_1, thresh_0, thresh_1):
    n0 = num_inp_spikes[..., 0]
    ids1, n1, s1 = _lif_layer(jnp.transpose(w0), decay_0, thresh_0, init_state_0, inp_spike_ids, n0, SPARSE[1])
    ids2, n2, s2 = _lif_layer(jnp.transpose(w1), decay_1, thresh_1, init_state_1, ids1, n1, SPARSE[2])
    num1 = jnp.stack([n1, jnp.zeros_like(n1)], axis=-1)
    num2 = jnp.stack([n2, jnp.zeros_like(n2)], axis=-1)
    return (ids1, ids2, num1, num2, s1, s2)

if __name__ == "__main__":
    import jax
    _d = setup_inputs()
    print(jax.jit(kernel)(*tuple(_d.values())))

</pallas_src>

<mosaic_0001>
#map = affine_map<(d0, d1) -> (0)>
module attributes {stable_mosaic.version = 14 : i64} {
  func.func @k(%arg0: i32, %arg1: i32, %arg2: memref<4194304xf32, #tpu.memory_space<hbm>>, %arg3: memref<16384xf32, #tpu.memory_space<hbm>>, %arg4: memref<524288xi32, #tpu.memory_space<hbm>>, %arg5: memref<4096xi32, #tpu.memory_space<hbm>>, %arg6: memref<4194304xf32, #tpu.memory_space<hbm>>, %arg7: memref<32768xf32, #tpu.memory_space<vmem>>, %arg8: memref<4096xi32, #tpu.memory_space<vmem>>, %arg9: memref<32xi32, #tpu.memory_space<vmem>>, %arg10: memref<1040xf32, #tpu.memory_space<vmem>>, %arg11: memref<1040xi32, #tpu.memory_space<vmem>>, %arg12: memref<!tpu.dma_semaphore, #tpu.memory_space<semaphore_mem>>, %arg13: memref<!tpu.dma_semaphore, #tpu.memory_space<semaphore_mem>>, %arg14: memref<32768xf32, #tpu.memory_space<vmem>>) attributes {dimension_semantics = [#tpu.dimension_semantics<core_parallel>, #tpu.dimension_semantics<subcore_parallel>], iteration_bounds = array<i64: 2, 16>, scalar_prefetch = 0 : i64, scratch_operands = 8 : i64, tpu.core_type = #tpu.core_type<sc_vector_subcore>, window_params = [{transform_indices = #map}, {transform_indices = #map}, {transform_indices = #map}, {transform_indices = #map}, {transform_indices = #map}]} {
    %mul3A = arith.constant 2 : i32
    %mul3A_0 = arith.muli %arg1, %mul3A : i32
    %add3A = arith.addi %mul3A_0, %arg0 : i32
    %iota3A = tpu.iota {dimensions = array<i32: 0>} : vector<16xi32>
    %broadcast_in_dim3A = arith.constant 0xFF800000 : f32
    %broadcast_in_dim3A_1 = vector.broadcast %broadcast_in_dim3A : f32 to vector<16xf32>
    %broadcast_in_dim3A_2 = arith.constant 1.000000e+00 : f32
    %broadcast_in_dim3A_3 = vector.broadcast %broadcast_in_dim3A_2 : f32 to vector<16xf32>
    %mul3A_4 = arith.constant 128 : i32
    %mul3A_5 = arith.muli %add3A, %mul3A_4 : i32
    %add3A_6 = arith.constant 0 : i32
    %add3A_7 = arith.addi %mul3A_5, %add3A_6 : i32
    %mul3A_8 = arith.constant 1024 : i32
    %mul3A_9 = arith.muli %add3A_7, %mul3A_8 : i32
    %dma_start3A = arith.constant 0 : i32
    %dma_start3A_10 = tpu.memref_slice %arg7[%dma_start3A] : memref<32768xf32, #tpu.memory_space<vmem>> -> memref<16384xf32, #tpu.memory_space<vmem>>
    %dma_start3A_11 = tpu.memref_slice %arg2[%mul3A_9] : memref<4194304xf32, #tpu.memory_space<hbm>> -> memref<16384xf32, #tpu.memory_space<hbm>>
    %dma_start3A_12 = arith.constant 0 : i32
    %dma_start3A_13 = tpu.memref_slice %arg7[%dma_start3A_12] : memref<32768xf32, #tpu.memory_space<vmem>> -> memref<16384xf32, #tpu.memory_space<vmem>>
    %dma_start3A_14 = tpu.memref_slice %arg2[%mul3A_9] : memref<4194304xf32, #tpu.memory_space<hbm>> -> memref<16384xf32, #tpu.memory_space<hbm>>
    tpu.enqueue_dma source(%dma_start3A_14 : memref<16384xf32, #tpu.memory_space<hbm>>) target(%dma_start3A_13 : memref<16384xf32, #tpu.memory_space<vmem>>) target_semaphore(%arg12 : memref<!tpu.dma_semaphore, #tpu.memory_space<semaphore_mem>>)
    %dma_start3A_15 = arith.constant 0 : i32
    %dma_start3A_16 = tpu.memref_slice %arg14[%dma_start3A_15] : memref<32768xf32, #tpu.memory_space<vmem>> -> memref<16384xf32, #tpu.memory_space<vmem>>
    %dma_start3A_17 = arith.constant 0 : i32
    %dma_start3A_18 = tpu.memref_slice %arg14[%dma_start3A_17] : memref<32768xf32, #tpu.memory_space<vmem>> -> memref<16384xf32, #tpu.memory_space<vmem>>
    tpu.enqueue_dma source(%arg3 : memref<16384xf32, #tpu.memory_space<hbm>>) target(%dma_start3A_18 : memref<16384xf32, #tpu.memory_space<vmem>>) target_semaphore(%arg12 : memref<!tpu.dma_semaphore, #tpu.memory_space<semaphore_mem>>)
    %scan3A = arith.constant 0 : i32
    %scan3A_19 = arith.constant 0 : i32
    %scan3A_20 = arith.constant 8 : i32
    %scan3A_21 = arith.addi %scan3A_19, %scan3A_20 : i32
    %scan3A_22 = arith.constant 1 : i32
    %scan3A_23 = scf.for %scan3A_50 = %scan3A_19 to %scan3A_21 step %scan3A_22 iter_args(%scan3A_51 = %scan3A) -> (i32)  : i32 {
      %rem3A = arith.constant 2 : i32
      %rem3A_52 = arith.remsi %scan3A_50, %rem3A : i32
      %gt3A = arith.constant 0 : i32
      %gt3A_53 = arith.cmpi sgt, %scan3A_50, %gt3A : i32
      %convert_element_type3A = arith.extui %gt3A_53 : i1 to i32
      %cond3A = arith.constant 0 : i32
      %cond3A_54 = arith.cmpi ne, %convert_element_type3A, %cond3A : i32
      scf.if %cond3A_54 {
        %sub3A = arith.constant 1 : i32
        %sub3A_117 = arith.subi %scan3A_50, %sub3A : i32
        %sub3A_118 = arith.constant 1 : i32
        %sub3A_119 = arith.subi %sub3A_118, %rem3A_52 : i32
        %mul3A_120 = arith.constant 128 : i32
        %mul3A_121 = arith.muli %add3A, %mul3A_120 : i32
        %mul3A_122 = arith.constant 16 : i32
        %mul3A_123 = arith.muli %sub3A_117, %mul3A_122 : i32
        %add3A_124 = arith.addi %mul3A_121, %mul3A_123 : i32
        %mul3A_125 = arith.constant 2048 : i32
        %mul3A_126 = arith.muli %sub3A_119, %mul3A_125 : i32
        %mul3A_127 = arith.constant 128 : i32
        %mul3A_128 = arith.muli %add3A_124, %mul3A_127 : i32
        %mul3A_129 = arith.constant 16 : i32
        %mul3A_130 = arith.muli %sub3A_119, %mul3A_129 : i32
        %mul3A_131 = arith.constant 16384 : i32
        %mul3A_132 = arith.muli %sub3A_119, %mul3A_131 : i32
        %mul3A_133 = arith.constant 1024 : i32
        %mul3A_134 = arith.muli %add3A_124, %mul3A_133 : i32
        %dma_wait3A_135 = tpu.memref_slice %arg8[%mul3A_126] : memref<4096xi32, #tpu.memory_space<vmem>> -> memref<2048xi32, #tpu.memory_space<vmem>>
        %dma_wait3A_136 = tpu.memref_slice %arg4[%mul3A_128] : memref<524288xi32, #tpu.memory_space<hbm>> -> memref<2048xi32, #tpu.memory_space<hbm>>
        %dma_wait3A_137 = tpu.memref_slice %arg4[%mul3A_128] : memref<524288xi32, #tpu.memory_space<hbm>> -> memref<2048xi32, #tpu.memory_space<hbm>>
        %dma_wait3A_138 = tpu.memref_slice %arg8[%mul3A_126] : memref<4096xi32, #tpu.memory_space<vmem>> -> memref<2048xi32, #tpu.memory_space<vmem>>
        tpu.wait_dma2 semaphore(%arg13 : memref<!tpu.dma_semaphore, #tpu.memory_space<semaphore_mem>>) src(%dma_wait3A_138 : memref<2048xi32, #tpu.memory_space<vmem>>) dst(%dma_wait3A_137 : memref<2048xi32, #tpu.memory_space<hbm>>)
        %dma_wait3A_139 = tpu.memref_slice %arg9[%mul3A_130] : memref<32xi32, #tpu.memory_space<vmem>> -> memref<16xi32, #tpu.memory_space<vmem>>
        %dma_wait3A_140 = tpu.memref_slice %arg5[%add3A_124] : memref<4096xi32, #tpu.memory_space<hbm>> -> memref<16xi32, #tpu.memory_space<hbm>>
        %dma_wait3A_141 = tpu.memref_slice %arg5[%add3A_124] : memref<4096xi32, #tpu.memory_space<hbm>> -> memref<16xi32, #tpu.memory_space<hbm>>
        %dma_wait3A_142 = tpu.memref_slice %arg9[%mul3A_130] : memref<32xi32, #tpu.memory_space<vmem>> -> memref<16xi32, #tpu.memory_space<vmem>>
        tpu.wait_dma2 semaphore(%arg13 : memref<!tpu.dma_semaphore, #tpu.memory_space<semaphore_mem>>) src(%dma_wait3A_142 : memref<16xi32, #tpu.memory_space<vmem>>) dst(%dma_wait3A_141 : memref<16xi32, #tpu.memory_space<hbm>>)
        %dma_wait3A_143 = tpu.memref_slice %arg14[%mul3A_132] : memref<32768xf32, #tpu.memory_space<vmem>> -> memref<16384xf32, #tpu.memory_space<vmem>>
        %dma_wait3A_144 = tpu.memref_slice %arg6[%mul3A_134] : memref<4194304xf32, #tpu.memory_space<hbm>> -> memref<16384xf32, #tpu.memory_space<hbm>>
        %dma_wait3A_145 = tpu.memref_slice %arg6[%mul3A_134] : memref<4194304xf32, #tpu.memory_space<hbm>> -> memref<16384xf32, #tpu.memory_space<hbm>>
        %dma_wait3A_146 = tpu.memref_slice %arg14[%mul3A_132] : memref<32768xf32, #tpu.memory_space<vmem>> -> memref<16384xf32, #tpu.memory_space<vmem>>
        tpu.wait_dma2 semaphore(%arg13 : memref<!tpu.dma_semaphore, #tpu.memory_space<semaphore_mem>>) src(%dma_wait3A_146 : memref<16384xf32, #tpu.memory_space<vmem>>) dst(%dma_wait3A_145 : memref<16384xf32, #tpu.memory_space<hbm>>)
      } else {
      }
      %mul3A_55 = arith.constant 128 : i32
      %mul3A_56 = arith.muli %add3A, %mul3A_55 : i32
      %mul3A_57 = arith.constant 16 : i32
      %mul3A_58 = arith.muli %scan3A_50, %mul3A_57 : i32
      %add3A_59 = arith.addi %mul3A_56, %mul3A_58 : i32
      %mul3A_60 = arith.constant 1024 : i32
      %mul3A_61 = arith.muli %add3A_59, %mul3A_60 : i32
      %mul3A_62 = arith.constant 16384 : i32
      %mul3A_63 = arith.muli %rem3A_52, %mul3A_62 : i32
      %mul3A_64 = arith.constant 16384 : i32
      %mul3A_65 = arith.muli %rem3A_52, %mul3A_64 : i32
      %dma_wait3A_66 = tpu.memref_slice %arg7[%mul3A_63] : memref<32768xf32, #tpu.memory_space<vmem>> -> memref<16384xf32, #tpu.memory_space<vmem>>
      %dma_wait3A_67 = tpu.memref_slice %arg2[%mul3A_61] : memref<4194304xf32, #tpu.memory_space<hbm>> -> memref<16384xf32, #tpu.memory_space<hbm>>
      %dma_wait3A_68 = tpu.memref_slice %arg7[%mul3A_63] : memref<32768xf32, #tpu.memory_space<vmem>> -> memref<16384xf32, #tpu.memory_space<vmem>>
      %dma_wait3A_69 = tpu.memref_slice %arg2[%mul3A_61] : memref<4194304xf32, #tpu.memory_space<hbm>> -> memref<16384xf32, #tpu.memory_space<hbm>>
      tpu.wait_dma2 semaphore(%arg12 : memref<!tpu.dma_semaphore, #tpu.memory_space<semaphore_mem>>) src(%dma_wait3A_69 : memref<16384xf32, #tpu.memory_space<hbm>>) dst(%dma_wait3A_68 : memref<16384xf32, #tpu.memory_space<vmem>>)
      %dma_wait3A_70 = tpu.memref_slice %arg14[%mul3A_65] : memref<32768xf32, #tpu.memory_space<vmem>> -> memref<16384xf32, #tpu.memory_space<vmem>>
      %dma_wait3A_71 = tpu.memref_slice %arg14[%mul3A_65] : memref<32768xf32, #tpu.memory_space<vmem>> -> memref<16384xf32, #tpu.memory_space<vmem>>
      tpu.wait_dma2 semaphore(%arg12 : memref<!tpu.dma_semaphore, #tpu.memory_space<semaphore_mem>>) src(%arg3 : memref<16384xf32, #tpu.memory_space<hbm>>) dst(%dma_wait3A_71 : memref<16384xf32, #tpu.memory_space<vmem>>)
      %add3A_72 = arith.constant 1 : i32
      %add3A_73 = arith.addi %scan3A_50, %add3A_72 : i32
      %lt3A = arith.constant 8 : i32
      %lt3A_74 = arith.cmpi slt, %add3A_73, %lt3A : i32
      %convert_element_type3A_75 = arith.extui %lt3A_74 : i1 to i32
      %cond3A_76 = arith.constant 0 : i32
      %cond3A_77 = arith.cmpi ne, %convert_element_type3A_75, %cond3A_76 : i32
      scf.if %cond3A_77 {
        %add3A_117 = arith.constant 1 : i32
        %add3A_118 = arith.addi %scan3A_50, %add3A_117 : i32
        %sub3A = arith.constant 1 : i32
        %sub3A_119 = arith.subi %sub3A, %rem3A_52 : i32
        %mul3A_120 = arith.constant 128 : i32
        %mul3A_121 = arith.muli %add3A, %mul3A_120 : i32
        %mul3A_122 = arith.constant 16 : i32
        %mul3A_123 = arith.muli %add3A_118, %mul3A_122 : i32
        %add3A_124 = arith.addi %mul3A_121, %mul3A_123 : i32
        %mul3A_125 = arith.constant 1024 : i32
        %mul3A_126 = arith.muli %add3A_124, %mul3A_125 : i32
        %mul3A_127 = arith.constant 16384 : i32
        %mul3A_128 = arith.muli %sub3A_119, %mul3A_127 : i32
        %mul3A_129 = arith.constant 16384 : i32
        %mul3A_130 = arith.muli %sub3A_119, %mul3A_129 : i32
        %dma_start3A_131 = tpu.memref_slice %arg7[%mul3A_128] : memref<32768xf32, #tpu.memory_space<vmem>> -> memref<16384xf32, #tpu.memory_space<vmem>>
        %dma_start3A_132 = tpu.memref_slice %arg2[%mul3A_126] : memref<4194304xf32, #tpu.memory_space<hbm>> -> memref<16384xf32, #tpu.memory_space<hbm>>
        %dma_start3A_133 = tpu.memref_slice %arg7[%mul3A_128] : memref<32768xf32, #tpu.memory_space<vmem>> -> memref<16384xf32, #tpu.memory_space<vmem>>
        %dma_start3A_134 = tpu.memref_slice %arg2[%mul3A_126] : memref<4194304xf32, #tpu.memory_space<hbm>> -> memref<16384xf32, #tpu.memory_space<hbm>>
        tpu.enqueue_dma source(%dma_start3A_134 : memref<16384xf32, #tpu.memory_space<hbm>>) target(%dma_start3A_133 : memref<16384xf32, #tpu.memory_space<vmem>>) target_semaphore(%arg12 : memref<!tpu.dma_semaphore, #tpu.memory_space<semaphore_mem>>)
        %dma_start3A_135 = tpu.memref_slice %arg14[%mul3A_130] : memref<32768xf32, #tpu.memory_space<vmem>> -> memref<16384xf32, #tpu.memory_space<vmem>>
        %dma_start3A_136 = tpu.memref_slice %arg14[%mul3A_130] : memref<32768xf32, #tpu.memory_space<vmem>> -> memref<16384xf32, #tpu.memory_space<vmem>>
        tpu.enqueue_dma source(%arg3 : memref<16384xf32, #tpu.memory_space<hbm>>) target(%dma_start3A_136 : memref<16384xf32, #tpu.memory_space<vmem>>) target_semaphore(%arg12 : memref<!tpu.dma_semaphore, #tpu.memory_space<semaphore_mem>>)
      } else {
      }
      %broadcast_in_dim3A_78 = arith.constant 0 : i32
      %broadcast_in_dim3A_79 = vector.broadcast %broadcast_in_dim3A_78 : i32 to vector<16xi32>
      %scan3A_80 = arith.constant 0 : i32
      %scan3A_81 = arith.constant 16 : i32
      %scan3A_82 = arith.addi %scan3A_80, %scan3A_81 : i32
      %scan3A_83 = arith.constant 1 : i32
      %scan3A_84 = scf.for %scan3A_117 = %scan3A_80 to %scan3A_82 step %scan3A_83 iter_args(%scan3A_118 = %broadcast_in_dim3A_79) -> (vector<16xi32>)  : i32 {
        %mul3A_119 = arith.constant 16384 : i32
        %mul3A_120 = arith.muli %rem3A_52, %mul3A_119 : i32
        %mul3A_121 = arith.constant 1024 : i32
        %mul3A_122 = arith.muli %scan3A_117, %mul3A_121 : i32
        %add3A_123 = arith.addi %mul3A_120, %mul3A_122 : i32
        %swap3A_124 = arith.constant 0 : index
        %swap3A_125 = tpu.vector_load %arg10[%swap3A_124] {strides = array<i32>} : memref<1040xf32, #tpu.memory_space<vmem>>, vector<16xf32>,
        tpu.vector_store %arg10[%swap3A_124], %broadcast_in_dim3A_1 {strides = array<i32>} : memref<1040xf32, #tpu.memory_space<vmem>>, vector<16xf32>,
        %swap3A_126 = arith.constant 16 : index
        %swap3A_127 = tpu.vector_load %arg10[%swap3A_126] {strides = array<i32>} : memref<1040xf32, #tpu.memory_space<vmem>>, vector<16xf32>,
        tpu.vector_store %arg10[%swap3A_126], %broadcast_in_dim3A_1 {strides = array<i32>} : memref<1040xf32, #tpu.memory_space<vmem>>, vector<16xf32>,
        %swap3A_128 = arith.constant 32 : index
        %swap3A_129 = tpu.vector_load %arg10[%swap3A_128] {strides = array<i32>} : memref<1040xf32, #tpu.memory_space<vmem>>, vector<16xf32>,
        tpu.vector_store %arg10[%swap3A_128], %broadcast_in_dim3A_1 {strides = array<i32>} : memref<1040xf32, #tpu.memory_space<vmem>>, vector<16xf32>,
        %swap3A_130 = arith.constant 48 : index
        %swap3A_131 = tpu.vector_load %arg10[%swap3A_130] {strides = array<i32>} : memref<1040xf32, #tpu.memory_space<vmem>>, vector<16xf32>,
        tpu.vector_store %arg10[%swap3A_130], %broadcast_in_dim3A_1 {strides = array<i32>} : memref<1040xf32, #tpu.memory_space<vmem>>, vector<16xf32>,
        %swap3A_132 = arith.constant 64 : index
        %swap3A_133 = tpu.vector_load %arg10[%swap3A_132] {strides = array<i32>} : memref<1040xf32, #tpu.memory_space<vmem>>, vector<16xf32>,
        tpu.vector_store %arg10[%swap3A_132], %broadcast_in_dim3A_1 {strides = array<i32>} : memref<1040xf32, #tpu.memory_space<vmem>>, vector<16xf32>,
        %swap3A_134 = arith.constant 80 : index
        %swap3A_135 = tpu.vector_load %arg10[%swap3A_134] {strides = array<i32>} : memref<1040xf32, #tpu.memory_space<vmem>>, vector<16xf32>,
        tpu.vector_store %arg10[%swap3A_134], %broadcast_in_dim3A_1 {strides = array<i32>} : memref<1040xf32, #tpu.memory_space<vmem>>, vector<16xf32>,
        %swap3A_136 = arith.constant 96 : index
        %swap3A_137 = tpu.vector_load %arg10[%swap3A_136] {strides = array<i32>} : memref<1040xf32, #tpu.memory_space<vmem>>, vector<16xf32>,
        tpu.vector_store %arg10[%swap3A_136], %broadcast_in_dim3A_1 {strides = array<i32>} : memref<1040xf32, #tpu.memory_space<vmem>>, vector<16xf32>,
        %swap3A_138 = arith.constant 112 : index
        %swap3A_139 = tpu.vector_load %arg10[%swap3A_138] {strides = array<i32>} : memref<1040xf32, #tpu.memory_space<vmem>>, vector<16xf32>,
        tpu.vector_store %arg10[%swap3A_138], %broadcast_in_dim3A_1 {strides = array<i32>} : memref<1040xf32, #tpu.memory_space<vmem>>, vector<16xf32>,
        %scan3A_140 = arith.constant 0 : i32
        %scan3A_141 = arith.constant 0 : i32
        %scan3A_142 = arith.constant 64 : i32
        %scan3A_143 = arith.addi %scan3A_141, %scan3A_142 : i32
        %scan3A_144 = arith.constant 1 : i32
        %scan3A_145 = scf.for %scan3A_770 = %scan3A_141 to %scan3A_143 step %scan3A_144 iter_args(%scan3A_771 = %scan3A_140) -> (i32)  : i32 {
          %mul3A_772 = arith.constant 16 : i32
          %mul3A_773 = arith.muli %scan3A_770, %mul3A_772 : i32
          %add3A_774 = arith.addi %add3A_123, %mul3A_773 : i32
          %get3A_775 = arith.index_cast %add3A_774 : i32 to index
          %get3A_776 = tpu.vector_load %arg7[%get3A_775] {strides = array<i32>} : memref<32768xf32, #tpu.memory_space<vmem>>, vector<16xf32>,
          %gt3A_777 = arith.constant -3.000000e+38 : f32
          %gt3A_778 = vector.broadcast %gt3A_777 : f32 to vector<16xf32>
          %gt3A_779 = arith.cmpf ogt, %get3A_776, %gt3A_778 : vector<16xf32>
          %swap3A_780 = arith.index_cast %scan3A_771 : i32 to index
          %swap3A_781 = tpu.vector_load %arg10[%swap3A_780] masked %gt3A_779 {strides = array<i32>} : memref<1040xf32, #tpu.memory_space<vmem>>, vector<16xf32>, vector<16xi1>
          tpu.vector_store %arg10[%swap3A_780], %get3A_776 masked %gt3A_779 {strides = array<i32>} : memref<1040xf32, #tpu.memory_space<vmem>>, vector<16xf32>, vector<16xi1>
          %mul3A_782 = arith.constant 16 : i32
          %mul3A_783 = arith.muli %scan3A_770, %mul3A_782 : i32
          %add3A_784 = vector.broadcast %mul3A_783 : i32 to vector<16xi32>
          %add3A_785 = arith.addi %iota3A, %add3A_784 : vector<16xi32>
          %swap3A_786 = arith.index_cast %scan3A_771 : i32 to index
          %swap3A_787 = tpu.vector_load %arg11[%swap3A_786] masked %gt3A_779 {strides = array<i32>} : memref<1040xi32, #tpu.memory_space<vmem>>, vector<16xi32>, vector<16xi1>
          tpu.vector_store %arg11[%swap3A_786], %add3A_785 masked %gt3A_779 {strides = array<i32>} : memref<1040xi32, #tpu.memory_space<vmem>>, vector<16xi32>, vector<16xi1>
          %convert_element_type3A_788 = arith.extui %gt3A_779 : vector<16xi1> to vector<16xi32>
          %reduce_sum3A = arith.constant true
          %reduce_sum3A_789 = vector.broadcast %reduce_sum3A : i1 to vector<16xi1>
          %reduce_sum3A_790 = tpu.scan <sum>, %convert_element_type3A_788 masked %reduce_sum3A_789 : vector<16xi32>, vector<16xi1> -> vector<16xi32>
          %reduce_sum3A_791 = vector.extract %reduce_sum3A_790[15] : i32 from vector<16xi32>
          %add3A_792 = arith.addi %scan3A_771, %reduce_sum3A_791 : i32
          scf.yield %add3A_792 : i32
        }
        %scan3A_146 = arith.constant 64 : i32
        %swap3A_147 = arith.index_cast %scan3A_145 : i32 to index
        %swap3A_148 = tpu.vector_load %arg10[%swap3A_147] {strides = array<i32>} : memref<1040xf32, #tpu.memory_space<vmem>>, vector<16xf32>,
        tpu.vector_store %arg10[%swap3A_147], %broadcast_in_dim3A_1 {strides = array<i32>} : memref<1040xf32, #tpu.memory_space<vmem>>, vector<16xf32>,
        %get3A = arith.constant 0 : index
        %get3A_149 = tpu.vector_load %arg10[%get3A] {strides = array<i32>} : memref<1040xf32, #tpu.memory_space<vmem>>, vector<16xf32>,
        %get3A_150 = arith.constant 16 : index
        %get3A_151 = tpu.vector_load %arg10[%get3A_150] {strides = array<i32>} : memref<1040xf32, #tpu.memory_space<vmem>>, vector<16xf32>,
        %get3A_152 = arith.constant 32 : index
        %get3A_153 = tpu.vector_load %arg10[%get3A_152] {strides = array<i32>} : memref<1040xf32, #tpu.memory_space<vmem>>, vector<16xf32>,
        %get3A_154 = arith.constant 48 : index
        %get3A_155 = tpu.vector_load %arg10[%get3A_154] {strides = array<i32>} : memref<1040xf32, #tpu.memory_space<vmem>>, vector<16xf32>,
        %get3A_156 = arith.constant 64 : index
        %get3A_157 = tpu.vector_load %arg10[%get3A_156] {strides = array<i32>} : memref<1040xf32, #tpu.memory_space<vmem>>, vector<16xf32>,
        %get3A_158 = arith.constant 80 : index
        %get3A_159 = tpu.vector_load %arg10[%get3A_158] {strides = array<i32>} : memref<1040xf32, #tpu.memory_space<vmem>>, vector<16xf32>,
        %get3A_160 = arith.constant 96 : index
        %get3A_161 = tpu.vector_load %arg10[%get3A_160] {strides = array<i32>} : memref<1040xf32, #tpu.memory_space<vmem>>, vector<16xf32>,
        %get3A_162 = arith.constant 112 : index
        %get3A_163 = tpu.vector_load %arg10[%get3A_162] {strides = array<i32>} : memref<1040xf32, #tpu.memory_space<vmem>>, vector<16xf32>,
        %get3A_164 = arith.constant 0 : index
        %get3A_165 = tpu.vector_load %arg11[%get3A_164] {strides = array<i32>} : memref<1040xi32, #tpu.memory_space<vmem>>, vector<16xi32>,
        %get3A_166 = arith.constant 16 : index
        %get3A_167 = tpu.vector_load %arg11[%get3A_166] {strides = array<i32>} : memref<1040xi32, #tpu.memory_space<vmem>>, vector<16xi32>,
        %get3A_168 = arith.constant 32 : index
        %get3A_169 = tpu.vector_load %arg11[%get3A_168] {strides = array<i32>} : memref<1040xi32, #tpu.memory_space<vmem>>, vector<16xi32>,
        %get3A_170 = arith.constant 48 : index
        %get3A_171 = tpu.vector_load %arg11[%get3A_170] {strides = array<i32>} : memref<1040xi32, #tpu.memory_space<vmem>>, vector<16xi32>,
        %get3A_172 = arith.constant 64 : index
        %get3A_173 = tpu.vector_load %arg11[%get3A_172] {strides = array<i32>} : memref<1040xi32, #tpu.memory_space<vmem>>, vector<16xi32>,
        %get3A_174 = arith.constant 80 : index
        %get3A_175 = tpu.vector_load %arg11[%get3A_174] {strides = array<i32>} : memref<1040xi32, #tpu.memory_space<vmem>>, vector<16xi32>,
        %get3A_176 = arith.constant 96 : index
        %get3A_177 = tpu.vector_load %arg11[%get3A_176] {strides = array<i32>} : memref<1040xi32, #tpu.memory_space<vmem>>, vector<16xi32>,
        %get3A_178 = arith.constant 112 : index
        %get3A_179 = tpu.vector_load %arg11[%get3A_178] {strides = array<i32>} : memref<1040xi32, #tpu.memory_space<vmem>>, vector<16xi32>,
        %masked_sort3A = arith.constant dense<true> : vector<16xi1>
        %masked_sort3A_180, %masked_sort3A_181, %masked_sort3A_182 = tpu.sort %get3A_149, %get3A_165 masked %masked_sort3A {descending = true} : (vector<16xf32>, vector<16xi32>, vector<16xi1>) -> (vector<16xi1>, vector<16xf32>, vector<16xi32>)
        %masked_sort3A_183 = arith.constant dense<true> : vector<16xi1>
        %masked_sort3A_184, %masked_sort3A_185, %masked_sort3A_186 = tpu.sort %get3A_151, %get3A_167 masked %masked_sort3A_183 {descending = true} : (vector<16xf32>, vector<16xi32>, vector<16xi1>) -> (vector<16xi1>, vector<16xf32>, vector<16xi32>)
        %masked_sort3A_187 = arith.constant dense<true> : vector<16xi1>
        %masked_sort3A_188, %masked_sort3A_189, %masked_sort3A_190 = tpu.sort %get3A_153, %get3A_169 masked %masked_sort3A_187 {descending = true} : (vector<16xf32>, vector<16xi32>, vector<16xi1>) -> (vector<16xi1>, vector<16xf32>, vector<16xi32>)
        %masked_sort3A_191 = arith.constant dense<true> : vector<16xi1>
        %masked_sort3A_192, %masked_sort3A_193, %masked_sort3A_194 = tpu.sort %get3A_155, %get3A_171 masked %masked_sort3A_191 {descending = true} : (vector<16xf32>, vector<16xi32>, vector<16xi1>) -> (vector<16xi1>, vector<16xf32>, vector<16xi32>)
        %masked_sort3A_195 = arith.constant dense<true> : vector<16xi1>
        %masked_sort3A_196, %masked_sort3A_197, %masked_sort3A_198 = tpu.sort %get3A_157, %get3A_173 masked %masked_sort3A_195 {descending = true} : (vector<16xf32>, vector<16xi32>, vector<16xi1>) -> (vector<16xi1>, vector<16xf32>, vector<16xi32>)
        %masked_sort3A_199 = arith.constant dense<true> : vector<16xi1>
        %masked_sort3A_200, %masked_sort3A_201, %masked_sort3A_202 = tpu.sort %get3A_159, %get3A_175 masked %masked_sort3A_199 {descending = true} : (vector<16xf32>, vector<16xi32>, vector<16xi1>) -> (vector<16xi1>, vector<16xf32>, vector<16xi32>)
        %masked_sort3A_203 = arith.constant dense<true> : vector<16xi1>
        %masked_sort3A_204, %masked_sort3A_205, %masked_sort3A_206 = tpu.sort %get3A_161, %get3A_177 masked %masked_sort3A_203 {descending = true} : (vector<16xf32>, vector<16xi32>, vector<16xi1>) -> (vector<16xi1>, vector<16xf32>, vector<16xi32>)
        %masked_sort3A_207 = arith.constant dense<true> : vector<16xi1>
        %masked_sort3A_208, %masked_sort3A_209, %masked_sort3A_210 = tpu.sort %get3A_163, %get3A_179 masked %masked_sort3A_207 {descending = true} : (vector<16xf32>, vector<16xi32>, vector<16xi1>) -> (vector<16xi1>, vector<16xf32>, vector<16xi32>)
        %rev3A = arith.constant 15 : i32
        %rev3A_211 = vector.broadcast %rev3A : i32 to vector<16xi32>
        %rev3A_212 = tpu.iota {dimensions = array<i32: 0>} : vector<16xi32>
        %rev3A_213 = arith.subi %rev3A_211, %rev3A_212 : vector<16xi32>
        %rev3A_214 = tpu.dynamic_gather %masked_sort3A_185[%rev3A_213] in [0] : vector<16xf32>, vector<16xi32> -> vector<16xf32>
        %rev3A_215 = arith.constant 15 : i32
        %rev3A_216 = vector.broadcast %rev3A_215 : i32 to vector<16xi32>
        %rev3A_217 = tpu.iota {dimensions = array<i32: 0>} : vector<16xi32>
        %rev3A_218 = arith.subi %rev3A_216, %rev3A_217 : vector<16xi32>
        %rev3A_219 = tpu.dynamic_gather %masked_sort3A_186[%rev3A_218] in [0] : vector<16xi32>, vector<16xi32> -> vector<16xi32>
        %ge3A = arith.cmpf oge, %masked_sort3A_181, %rev3A_214 : vector<16xf32>
        %select_n3A = arith.select %ge3A, %masked_sort3A_181, %rev3A_214 : vector<16xi1>, vector<16xf32>
        %select_n3A_220 = arith.select %ge3A, %masked_sort3A_182, %rev3A_219 : vector<16xi1>, vector<16xi32>
        %select_n3A_221 = arith.select %ge3A, %rev3A_214, %masked_sort3A_181 : vector<16xi1>, vector<16xf32>
        %select_n3A_222 = arith.select %ge3A, %rev3A_219, %masked_sort3A_182 : vector<16xi1>, vector<16xi32>
        %masked_sort3A_223 = arith.constant dense<true> : vector<16xi1>
        %masked_sort3A_224, %masked_sort3A_225, %masked_sort3A_226 = tpu.sort %select_n3A, %select_n3A_220 masked %masked_sort3A_223 {descending = true} : (vector<16xf32>, vector<16xi32>, vector<16xi1>) -> (vector<16xi1>, vector<16xf32>, vector<16xi32>)
        %masked_sort3A_227 = arith.constant dense<true> : vector<16xi1>
        %masked_sort3A_228, %masked_sort3A_229, %masked_sort3A_230 = tpu.sort %select_n3A_221, %select_n3A_222 masked %masked_sort3A_227 {descending = true} : (vector<16xf32>, vector<16xi32>, vector<16xi1>) -> (vector<16xi1>, vector<16xf32>, vector<16xi32>)
        %rev3A_231 = arith.constant 15 : i32
        %rev3A_232 = vector.broadcast %rev3A_231 : i32 to vector<16xi32>
        %rev3A_233 = tpu.iota {dimensions = array<i32: 0>} : vector<16xi32>
        %rev3A_234 = arith.subi %rev3A_232, %rev3A_233 : vector<16xi32>
        %rev3A_235 = tpu.dynamic_gather %masked_sort3A_193[%rev3A_234] in [0] : vector<16xf32>, vector<16xi32> -> vector<16xf32>
        %rev3A_236 = arith.constant 15 : i32
        %rev3A_237 = vector.broadcast %rev3A_236 : i32 to vector<16xi32>
        %rev3A_238 = tpu.iota {dimensions = array<i32: 0>} : vector<16xi32>
        %rev3A_239 = arith.subi %rev3A_237, %rev3A_238 : vector<16xi32>
        %rev3A_240 = tpu.dynamic_gather %masked_sort3A_194[%rev3A_239] in [0] : vector<16xi32>, vector<16xi32> -> vector<16xi32>
        %ge3A_241 = arith.cmpf oge, %masked_sort3A_189, %rev3A_235 : vector<16xf32>
        %select_n3A_242 = arith.select %ge3A_241, %masked_sort3A_189, %rev3A_235 : vector<16xi1>, vector<16xf32>
        %select_n3A_243 = arith.select %ge3A_241, %masked_sort3A_190, %rev3A_240 : vector<16xi1>, vector<16xi32>
        %select_n3A_244 = arith.select %ge3A_241, %rev3A_235, %masked_sort3A_189 : vector<16xi1>, vector<16xf32>
        %select_n3A_245 = arith.select %ge3A_241, %rev3A_240, %masked_sort3A_190 : vector<16xi1>, vector<16xi32>
        %masked_sort3A_246 = arith.constant dense<true> : vector<16xi1>
        %masked_sort3A_247, %masked_sort3A_248, %masked_sort3A_249 = tpu.sort %select_n3A_242, %select_n3A_243 masked %masked_sort3A_246 {descending = true} : (vector<16xf32>, vector<16xi32>, vector<16xi1>) -> (vector<16xi1>, vector<16xf32>, vector<16xi32>)
        %masked_sort3A_250 = arith.constant dense<true> : vector<16xi1>
        %masked_sort3A_251, %masked_sort3A_252, %masked_sort3A_253 = tpu.sort %select_n3A_244, %select_n3A_245 masked %masked_sort3A_250 {descending = true} : (vector<16xf32>, vector<16xi32>, vector<16xi1>) -> (vector<16xi1>, vector<16xf32>, vector<16xi32>)
        %rev3A_254 = arith.constant 15 : i32
        %rev3A_255 = vector.broadcast %rev3A_254 : i32 to vector<16xi32>
        %rev3A_256 = tpu.iota {dimensions = array<i32: 0>} : vector<16xi32>
        %rev3A_257 = arith.subi %rev3A_255, %rev3A_256 : vector<16xi32>
        %rev3A_258 = tpu.dynamic_gather %masked_sort3A_201[%rev3A_257] in [0] : vector<16xf32>, vector<16xi32> -> vector<16xf32>
        %rev3A_259 = arith.constant 15 : i32
        %rev3A_260 = vector.broadcast %rev3A_259 : i32 to vector<16xi32>
        %rev3A_261 = tpu.iota {dimensions = array<i32: 0>} : vector<16xi32>
        %rev3A_262 = arith.subi %rev3A_260, %rev3A_261 : vector<16xi32>
        %rev3A_263 = tpu.dynamic_gather %masked_sort3A_202[%rev3A_262] in [0] : vector<16xi32>, vector<16xi32> -> vector<16xi32>
        %ge3A_264 = arith.cmpf oge, %masked_sort3A_197, %rev3A_258 : vector<16xf32>
        %select_n3A_265 = arith.select %ge3A_264, %masked_sort3A_197, %rev3A_258 : vector<16xi1>, vector<16xf32>
        %select_n3A_266 = arith.select %ge3A_264, %masked_sort3A_198, %rev3A_263 : vector<16xi1>, vector<16xi32>
        %select_n3A_267 = arith.select %ge3A_264, %rev3A_258, %masked_sort3A_197 : vector<16xi1>, vector<16xf32>
        %select_n3A_268 = arith.select %ge3A_264, %rev3A_263, %masked_sort3A_198 : vector<16xi1>, vector<16xi32>
        %masked_sort3A_269 = arith.constant dense<true> : vector<16xi1>
        %masked_sort3A_270, %masked_sort3A_271, %masked_sort3A_272 = tpu.sort %select_n3A_265, %select_n3A_266 masked %masked_sort3A_269 {descending = true} : (vector<16xf32>, vector<16xi32>, vector<16xi1>) -> (vector<16xi1>, vector<16xf32>, vector<16xi32>)
        %masked_sort3A_273 = arith.constant dense<true> : vector<16xi1>
        %masked_sort3A_274, %masked_sort3A_275, %masked_sort3A_276 = tpu.sort %select_n3A_267, %select_n3A_268 masked %masked_sort3A_273 {descending = true} : (vector<16xf32>, vector<16xi32>, vector<16xi1>) -> (vector<16xi1>, vector<16xf32>, vector<16xi32>)
        %rev3A_277 = arith.constant 15 : i32
        %rev3A_278 = vector.broadcast %rev3A_277 : i32 to vector<16xi32>
        %rev3A_279 = tpu.iota {dimensions = array<i32: 0>} : vector<16xi32>
        %rev3A_280 = arith.subi %rev3A_278, %rev3A_279 : vector<16xi32>
        %rev3A_281 = tpu.dynamic_gather %masked_sort3A_209[%rev3A_280] in [0] : vector<16xf32>, vector<16xi32> -> vector<16xf32>
        %rev3A_282 = arith.constant 15 : i32
        %rev3A_283 = vector.broadcast %rev3A_282 : i32 to vector<16xi32>
        %rev3A_284 = tpu.iota {dimensions = array<i32: 0>} : vector<16xi32>
        %rev3A_285 = arith.subi %rev3A_283, %rev3A_284 : vector<16xi32>
        %rev3A_286 = tpu.dynamic_gather %masked_sort3A_210[%rev3A_285] in [0] : vector<16xi32>, vector<16xi32> -> vector<16xi32>
        %ge3A_287 = arith.cmpf oge, %masked_sort3A_205, %rev3A_281 : vector<16xf32>
        %select_n3A_288 = arith.select %ge3A_287, %masked_sort3A_205, %rev3A_281 : vector<16xi1>, vector<16xf32>
        %select_n3A_289 = arith.select %ge3A_287, %masked_sort3A_206, %rev3A_286 : vector<16xi1>, vector<16xi32>
        %select_n3A_290 = arith.select %ge3A_287, %rev3A_281, %masked_sort3A_205 : vector<16xi1>, vector<16xf32>
        %select_n3A_291 = arith.select %ge3A_287, %rev3A_286, %masked_sort3A_206 : vector<16xi1>, vector<16xi32>
        %masked_sort3A_292 = arith.constant dense<true> : vector<16xi1>
        %masked_sort3A_293, %masked_sort3A_294, %masked_sort3A_295 = tpu.sort %select_n3A_288, %select_n3A_289 masked %masked_sort3A_292 {descending = true} : (vector<16xf32>, vector<16xi32>, vector<16xi1>) -> (vector<16xi1>, vector<16xf32>, vector<16xi32>)
        %masked_sort3A_296 = arith.constant dense<true> : vector<16xi1>
        %masked_sort3A_297, %masked_sort3A_298, %masked_sort3A_299 = tpu.sort %select_n3A_290, %select_n3A_291 masked %masked_sort3A_296 {descending = true} : (vector<16xf32>, vector<16xi32>, vector<16xi1>) -> (vector<16xi1>, vector<16xf32>, vector<16xi32>)
        %rev3A_300 = arith.constant 15 : i32
        %rev3A_301 = vector.broadcast %rev3A_300 : i32 to vector<16xi32>
        %rev3A_302 = tpu.iota {dimensions = array<i32: 0>} : vector<16xi32>
        %rev3A_303 = arith.subi %rev3A_301, %rev3A_302 : vector<16xi32>
        %rev3A_304 = tpu.dynamic_gather %masked_sort3A_252[%rev3A_303] in [0] : vector<16xf32>, vector<16xi32> -> vector<16xf32>
        %rev3A_305 = arith.constant 15 : i32
        %rev3A_306 = vector.broadcast %rev3A_305 : i32 to vector<16xi32>
        %rev3A_307 = tpu.iota {dimensions = array<i32: 0>} : vector<16xi32>
        %rev3A_308 = arith.subi %rev3A_306, %rev3A_307 : vector<16xi32>
        %rev3A_309 = tpu.dynamic_gather %masked_sort3A_248[%rev3A_308] in [0] : vector<16xf32>, vector<16xi32> -> vector<16xf32>
        %rev3A_310 = arith.constant 15 : i32
        %rev3A_311 = vector.broadcast %rev3A_310 : i32 to vector<16xi32>
        %rev3A_312 = tpu.iota {dimensions = array<i32: 0>} : vector<16xi32>
        %rev3A_313 = arith.subi %rev3A_311, %rev3A_312 : vector<16xi32>
        %rev3A_314 = tpu.dynamic_gather %masked_sort3A_253[%rev3A_313] in [0] : vector<16xi32>, vector<16xi32> -> vector<16xi32>
        %rev3A_315 = arith.constant 15 : i32
        %rev3A_316 = vector.broadcast %rev3A_315 : i32 to vector<16xi32>
        %rev3A_317 = tpu.iota {dimensions = array<i32: 0>} : vector<16xi32>
        %rev3A_318 = arith.subi %rev3A_316, %rev3A_317 : vector<16xi32>
        %rev3A_319 = tpu.dynamic_gather %masked_sort3A_249[%rev3A_318] in [0] : vector<16xi32>, vector<16xi32> -> vector<16xi32>
        %ge3A_320 = arith.cmpf oge, %masked_sort3A_225, %rev3A_304 : vector<16xf32>
        %select_n3A_321 = arith.select %ge3A_320, %masked_sort3A_225, %rev3A_304 : vector<16xi1>, vector<16xf32>
        %select_n3A_322 = arith.select %ge3A_320, %masked_sort3A_226, %rev3A_314 : vector<16xi1>, vector<16xi32>
        %select_n3A_323 = arith.select %ge3A_320, %rev3A_304, %masked_sort3A_225 : vector<16xi1>, vector<16xf32>
        %select_n3A_324 = arith.select %ge3A_320, %rev3A_314, %masked_sort3A_226 : vector<16xi1>, vector<16xi32>
        %ge3A_325 = arith.cmpf oge, %masked_sort3A_229, %rev3A_309 : vector<16xf32>
        %select_n3A_326 = arith.select %ge3A_325, %masked_sort3A_229, %rev3A_309 : vector<16xi1>, vector<16xf32>
        %select_n3A_327 = arith.select %ge3A_325, %masked_sort3A_230, %rev3A_319 : vector<16xi1>, vector<16xi32>
        %select_n3A_328 = arith.select %ge3A_325, %rev3A_309, %masked_sort3A_229 : vector<16xi1>, vector<16xf32>
        %select_n3A_329 = arith.select %ge3A_325, %rev3A_319, %masked_sort3A_230 : vector<16xi1>, vector<16xi32>
        %ge3A_330 = arith.cmpf oge, %select_n3A_321, %select_n3A_326 : vector<16xf32>
        %select_n3A_331 = arith.select %ge3A_330, %select_n3A_321, %select_n3A_326 : vector<16xi1>, vector<16xf32>
        %select_n3A_332 = arith.select %ge3A_330, %select_n3A_322, %select_n3A_327 : vector<16xi1>, vector<16xi32>
        %select_n3A_333 = arith.select %ge3A_330, %select_n3A_326, %select_n3A_321 : vector<16xi1>, vector<16xf32>
        %select_n3A_334 = arith.select %ge3A_330, %select_n3A_327, %select_n3A_322 : vector<16xi1>, vector<16xi32>
        %ge3A_335 = arith.cmpf oge, %select_n3A_323, %select_n3A_328 : vector<16xf32>
        %select_n3A_336 = arith.select %ge3A_335, %select_n3A_323, %select_n3A_328 : vector<16xi1>, vector<16xf32>
        %select_n3A_337 = arith.select %ge3A_335, %select_n3A_324, %select_n3A_329 : vector<16xi1>, vector<16xi32>
        %select_n3A_338 = arith.select %ge3A_335, %select_n3A_328, %select_n3A_323 : vector<16xi1>, vector<16xf32>
        %select_n3A_339 = arith.select %ge3A_335, %select_n3A_329, %select_n3A_324 : vector<16xi1>, vector<16xi32>
        %masked_sort3A_340 = arith.constant dense<true> : vector<16xi1>
        %masked_sort3A_341, %masked_sort3A_342, %masked_sort3A_343 = tpu.sort %select_n3A_331, %select_n3A_332 masked %masked_sort3A_340 {descending = true} : (vector<16xf32>, vector<16xi32>, vector<16xi1>) -> (vector<16xi1>, vector<16xf32>, vector<16xi32>)
        %masked_sort3A_344 = arith.constant dense<true> : vector<16xi1>
        %masked_sort3A_345, %masked_sort3A_346, %masked_sort3A_347 = tpu.sort %select_n3A_333, %select_n3A_334 masked %masked_sort3A_344 {descending = true} : (vector<16xf32>, vector<16xi32>, vector<16xi1>) -> (vector<16xi1>, vector<16xf32>, vector<16xi32>)
        %masked_sort3A_348 = arith.constant dense<true> : vector<16xi1>
        %masked_sort3A_349, %masked_sort3A_350, %masked_sort3A_351 = tpu.sort %select_n3A_336, %select_n3A_337 masked %masked_sort3A_348 {descending = true} : (vector<16xf32>, vector<16xi32>, vector<16xi1>) -> (vector<16xi1>, vector<16xf32>, vector<16xi32>)
        %masked_sort3A_352 = arith.constant dense<true> : vector<16xi1>
        %masked_sort3A_353, %masked_sort3A_354, %masked_sort3A_355 = tpu.sort %select_n3A_338, %select_n3A_339 masked %masked_sort3A_352 {descending = true} : (vector<16xf32>, vector<16xi32>, vector<16xi1>) -> (vector<16xi1>, vector<16xf32>, vector<16xi32>)
        %rev3A_356 = arith.constant 15 : i32
        %rev3A_357 = vector.broadcast %rev3A_356 : i32 to vector<16xi32>
        %rev3A_358 = tpu.iota {dimensions = array<i32: 0>} : vector<16xi32>
        %rev3A_359 = arith.subi %rev3A_357, %rev3A_358 : vector<16xi32>
        %rev3A_360 = tpu.dynamic_gather %masked_sort3A_298[%rev3A_359] in [0] : vector<16xf32>, vector<16xi32> -> vector<16xf32>
        %rev3A_361 = arith.constant 15 : i32
        %rev3A_362 = vector.broadcast %rev3A_361 : i32 to vector<16xi32>
        %rev3A_363 = tpu.iota {dimensions = array<i32: 0>} : vector<16xi32>
        %rev3A_364 = arith.subi %rev3A_362, %rev3A_363 : vector<16xi32>
        %rev3A_365 = tpu.dynamic_gather %masked_sort3A_294[%rev3A_364] in [0] : vector<16xf32>, vector<16xi32> -> vector<16xf32>
        %rev3A_366 = arith.constant 15 : i32
        %rev3A_367 = vector.broadcast %rev3A_366 : i32 to vector<16xi32>
        %rev3A_368 = tpu.iota {dimensions = array<i32: 0>} : vector<16xi32>
        %rev3A_369 = arith.subi %rev3A_367, %rev3A_368 : vector<16xi32>
        %rev3A_370 = tpu.dynamic_gather %masked_sort3A_299[%rev3A_369] in [0] : vector<16xi32>, vector<16xi32> -> vector<16xi32>
        %rev3A_371 = arith.constant 15 : i32
        %rev3A_372 = vector.broadcast %rev3A_371 : i32 to vector<16xi32>
        %rev3A_373 = tpu.iota {dimensions = array<i32: 0>} : vector<16xi32>
        %rev3A_374 = arith.subi %rev3A_372, %rev3A_373 : vector<16xi32>
        %rev3A_375 = tpu.dynamic_gather %masked_sort3A_295[%rev3A_374] in [0] : vector<16xi32>, vector<16xi32> -> vector<16xi32>
        %ge3A_376 = arith.cmpf oge, %masked_sort3A_271, %rev3A_360 : vector<16xf32>
        %select_n3A_377 = arith.select %ge3A_376, %masked_sort3A_271, %rev3A_360 : vector<16xi1>, vector<16xf32>
        %select_n3A_378 = arith.select %ge3A_376, %masked_sort3A_272, %rev3A_370 : vector<16xi1>, vector<16xi32>
        %select_n3A_379 = arith.select %ge3A_376, %rev3A_360, %masked_sort3A_271 : vector<16xi1>, vector<16xf32>
        %select_n3A_380 = arith.select %ge3A_376, %rev3A_370, %masked_sort3A_272 : vector<16xi1>, vector<16xi32>
        %ge3A_381 = arith.cmpf oge, %masked_sort3A_275, %rev3A_365 : vector<16xf32>
        %select_n3A_382 = arith.select %ge3A_381, %masked_sort3A_275, %rev3A_365 : vector<16xi1>, vector<16xf32>
        %select_n3A_383 = arith.select %ge3A_381, %masked_sort3A_276, %rev3A_375 : vector<16xi1>, vector<16xi32>
        %select_n3A_384 = arith.select %ge3A_381, %rev3A_365, %masked_sort3A_275 : vector<16xi1>, vector<16xf32>
        %select_n3A_385 = arith.select %ge3A_381, %rev3A_375, %masked_sort3A_276 : vector<16xi1>, vector<16xi32>
        %ge3A_386 = arith.cmpf oge, %select_n3A_377, %select_n3A_382 : vector<16xf32>
        %select_n3A_387 = arith.select %ge3A_386, %select_n3A_377, %select_n3A_382 : vector<16xi1>, vector<16xf32>
        %select_n3A_388 = arith.select %ge3A_386, %select_n3A_378, %select_n3A_383 : vector<16xi1>, vector<16xi32>
        %select_n3A_389 = arith.select %ge3A_386, %select_n3A_382, %select_n3A_377 : vector<16xi1>, vector<16xf32>
        %select_n3A_390 = arith.select %ge3A_386, %select_n3A_383, %select_n3A_378 : vector<16xi1>, vector<16xi32>
        %ge3A_391 = arith.cmpf oge, %select_n3A_379, %select_n3A_384 : vector<16xf32>
        %select_n3A_392 = arith.select %ge3A_391, %select_n3A_379, %select_n3A_384 : vector<16xi1>, vector<16xf32>
        %select_n3A_393 = arith.select %ge3A_391, %select_n3A_380, %select_n3A_385 : vector<16xi1>, vector<16xi32>
        %select_n3A_394 = arith.select %ge3A_391, %select_n3A_384, %select_n3A_379 : vector<16xi1>, vector<16xf32>
        %select_n3A_395 = arith.select %ge3A_391, %select_n3A_385, %select_n3A_380 : vector<16xi1>, vector<16xi32>
        %masked_sort3A_396 = arith.constant dense<true> : vector<16xi1>
        %masked_sort3A_397, %masked_sort3A_398, %masked_sort3A_399 = tpu.sort %select_n3A_387, %select_n3A_388 masked %masked_sort3A_396 {descending = true} : (vector<16xf32>, vector<16xi32>, vector<16xi1>) -> (vector<16xi1>, vector<16xf32>, vector<16xi32>)
        %masked_sort3A_400 = arith.constant dense<true> : vector<16xi1>
        %masked_sort3A_401, %masked_sort3A_402, %masked_sort3A_403 = tpu.sort %select_n3A_389, %select_n3A_390 masked %masked_sort3A_400 {descending = true} : (vector<16xf32>, vector<16xi32>, vector<16xi1>) -> (vector<16xi1>, vector<16xf32>, vector<16xi32>)
        %masked_sort3A_404 = arith.constant dense<true> : vector<16xi1>
        %masked_sort3A_405, %masked_sort3A_406, %masked_sort3A_407 = tpu.sort %select_n3A_392, %select_n3A_393 masked %masked_sort3A_404 {descending = true} : (vector<16xf32>, vector<16xi32>, vector<16xi1>) -> (vector<16xi1>, vector<16xf32>, vector<16xi32>)
        %masked_sort3A_408 = arith.constant dense<true> : vector<16xi1>
        %masked_sort3A_409, %masked_sort3A_410, %masked_sort3A_411 = tpu.sort %select_n3A_394, %select_n3A_395 masked %masked_sort3A_408 {descending = true} : (vector<16xf32>, vector<16xi32>, vector<16xi1>) -> (vector<16xi1>, vector<16xf32>, vector<16xi32>)
        %rev3A_412 = arith.constant 15 : i32
        %rev3A_413 = vector.broadcast %rev3A_412 : i32 to vector<16xi32>
        %rev3A_414 = tpu.iota {dimensions = array<i32: 0>} : vector<16xi32>
        %rev3A_415 = arith.subi %rev3A_413, %rev3A_414 : vector<16xi32>
        %rev3A_416 = tpu.dynamic_gather %masked_sort3A_410[%rev3A_415] in [0] : vector<16xf32>, vector<16xi32> -> vector<16xf32>
        %rev3A_417 = arith.constant 15 : i32
        %rev3A_418 = vector.broadcast %rev3A_417 : i32 to vector<16xi32>
        %rev3A_419 = tpu.iota {dimensions = array<i32: 0>} : vector<16xi32>
        %rev3A_420 = arith.subi %rev3A_418, %rev3A_419 : vector<16xi32>
        %rev3A_421 = tpu.dynamic_gather %masked_sort3A_406[%rev3A_420] in [0] : vector<16xf32>, vector<16xi32> -> vector<16xf32>
        %rev3A_422 = arith.constant 15 : i32
        %rev3A_423 = vector.broadcast %rev3A_422 : i32 to vector<16xi32>
        %rev3A_424 = tpu.iota {dimensions = array<i32: 0>} : vector<16xi32>
        %rev3A_425 = arith.subi %rev3A_423, %rev3A_424 : vector<16xi32>
        %rev3A_426 = tpu.dynamic_gather %masked_sort3A_402[%rev3A_425] in [0] : vector<16xf32>, vector<16xi32> -> vector<16xf32>
        %rev3A_427 = arith.constant 15 : i32
        %rev3A_428 = vector.broadcast %rev3A_427 : i32 to vector<16xi32>
        %rev3A_429 = tpu.iota {dimensions = array<i32: 0>} : vector<16xi32>
        %rev3A_430 = arith.subi %rev3A_428, %rev3A_429 : vector<16xi32>
        %rev3A_431 = tpu.dynamic_gather %masked_sort3A_398[%rev3A_430] in [0] : vector<16xf32>, vector<16xi32> -> vector<16xf32>
        %rev3A_432 = arith.constant 15 : i32
        %rev3A_433 = vector.broadcast %rev3A_432 : i32 to vector<16xi32>
        %rev3A_434 = tpu.iota {dimensions = array<i32: 0>} : vector<16xi32>
        %rev3A_435 = arith.subi %rev3A_433, %rev3A_434 : vector<16xi32>
        %rev3A_436 = tpu.dynamic_gather %masked_sort3A_411[%rev3A_435] in [0] : vector<16xi32>, vector<16xi32> -> vector<16xi32>
        %rev3A_437 = arith.constant 15 : i32
        %rev3A_438 = vector.broadcast %rev3A_437 : i32 to vector<16xi32>
        %rev3A_439 = tpu.iota {dimensions = array<i32: 0>} : vector<16xi32>
        %rev3A_440 = arith.subi %rev3A_438, %rev3A_439 : vector<16xi32>
        %rev3A_441 = tpu.dynamic_gather %masked_sort3A_407[%rev3A_440] in [0] : vector<16xi32>, vector<16xi32> -> vector<16xi32>
        %rev3A_442 = arith.constant 15 : i32
        %rev3A_443 = vector.broadcast %rev3A_442 : i32 to vector<16xi32>
        %rev3A_444 = tpu.iota {dimensions = array<i32: 0>} : vector<16xi32>
        %rev3A_445 = arith.subi %rev3A_443, %rev3A_444 : vector<16xi32>
        %rev3A_446 = tpu.dynamic_gather %masked_sort3A_403[%rev3A_445] in [0] : vector<16xi32>, vector<16xi32> -> vector<16xi32>
        %rev3A_447 = arith.constant 15 : i32
        %rev3A_448 = vector.broadcast %rev3A_447 : i32 to vector<16xi32>
        %rev3A_449 = tpu.iota {dimensions = array<i32: 0>} : vector<16xi32>
        %rev3A_450 = arith.subi %rev3A_448, %rev3A_449 : vector<16xi32>
        %rev3A_451 = tpu.dynamic_gather %masked_sort3A_399[%rev3A_450] in [0] : vector<16xi32>, vector<16xi32> -> vector<16xi32>
        %ge3A_452 = arith.cmpf oge, %masked_sort3A_342, %rev3A_416 : vector<16xf32>
        %select_n3A_453 = arith.select %ge3A_452, %masked_sort3A_342, %rev3A_416 : vector<16xi1>, vector<16xf32>
        %select_n3A_454 = arith.select %ge3A_452, %masked_sort3A_343, %rev3A_436 : vector<16xi1>, vector<16xi32>
        %select_n3A_455 = arith.select %ge3A_452, %rev3A_416, %masked_sort3A_342 : vector<16xi1>, vector<16xf32>
        %select_n3A_456 = arith.select %ge3A_452, %rev3A_436, %masked_sort3A_343 : vector<16xi1>, vector<16xi32>
        %ge3A_457 = arith.cmpf oge, %masked_sort3A_346, %rev3A_421 : vector<16xf32>
        %select_n3A_458 = arith.select %ge3A_457, %masked_sort3A_346, %rev3A_421 : vector<16xi1>, vector<16xf32>
        %select_n3A_459 = arith.select %ge3A_457, %masked_sort3A_347, %rev3A_441 : vector<16xi1>, vector<16xi32>
        %select_n3A_460 = arith.select %ge3A_457, %rev3A_421, %masked_sort3A_346 : vector<16xi1>, vector<16xf32>
        %select_n3A_461 = arith.select %ge3A_457, %rev3A_441, %masked_sort3A_347 : vector<16xi1>, vector<16xi32>
        %ge3A_462 = arith.cmpf oge, %masked_sort3A_350, %rev3A_426 : vector<16xf32>
        %select_n3A_463 = arith.select %ge3A_462, %masked_sort3A_350, %rev3A_426 : vector<16xi1>, vector<16xf32>
        %select_n3A_464 = arith.select %ge3A_462, %masked_sort3A_351, %rev3A_446 : vector<16xi1>, vector<16xi32>
        %select_n3A_465 = arith.select %ge3A_462, %rev3A_426, %masked_sort3A_350 : vector<16xi1>, vector<16xf32>
        %select_n3A_466 = arith.select %ge3A_462, %rev3A_446, %masked_sort3A_351 : vector<16xi1>, vector<16xi32>
        %ge3A_467 = arith.cmpf oge, %masked_sort3A_354, %rev3A_431 : vector<16xf32>
        %select_n3A_468 = arith.select %ge3A_467, %masked_sort3A_354, %rev3A_431 : vector<16xi1>, vector<16xf32>
        %select_n3A_469 = arith.select %ge3A_467, %masked_sort3A_355, %rev3A_451 : vector<16xi1>, vector<16xi32>
        %select_n3A_470 = arith.select %ge3A_467, %rev3A_431, %masked_sort3A_354 : vector<16xi1>, vector<16xf32>
        %select_n3A_471 = arith.select %ge3A_467, %rev3A_451, %masked_sort3A_355 : vector<16xi1>, vector<16xi32>
        %ge3A_472 = arith.cmpf oge, %select_n3A_453, %select_n3A_463 : vector<16xf32>
        %select_n3A_473 = arith.select %ge3A_472, %select_n3A_453, %select_n3A_463 : vector<16xi1>, vector<16xf32>
        %select_n3A_474 = arith.select %ge3A_472, %select_n3A_454, %select_n3A_464 : vector<16xi1>, vector<16xi32>
        %select_n3A_475 = arith.select %ge3A_472, %select_n3A_463, %select_n3A_453 : vector<16xi1>, vector<16xf32>
        %select_n3A_476 = arith.select %ge3A_472, %select_n3A_464, %select_n3A_454 : vector<16xi1>, vector<16xi32>
        %ge3A_477 = arith.cmpf oge, %select_n3A_458, %select_n3A_468 : vector<16xf32>
        %select_n3A_478 = arith.select %ge3A_477, %select_n3A_458, %select_n3A_468 : vector<16xi1>, vector<16xf32>
        %select_n3A_479 = arith.select %ge3A_477, %select_n3A_459, %select_n3A_469 : vector<16xi1>, vector<16xi32>
        %select_n3A_480 = arith.select %ge3A_477, %select_n3A_468, %select_n3A_458 : vector<16xi1>, vector<16xf32>
        %select_n3A_481 = arith.select %ge3A_477, %select_n3A_469, %select_n3A_459 : vector<16xi1>, vector<16xi32>
        %ge3A_482 = arith.cmpf oge, %select_n3A_455, %select_n3A_465 : vector<16xf32>
        %select_n3A_483 = arith.select %ge3A_482, %select_n3A_455, %select_n3A_465 : vector<16xi1>, vector<16xf32>
        %select_n3A_484 = arith.select %ge3A_482, %select_n3A_456, %select_n3A_466 : vector<16xi1>, vector<16xi32>
        %select_n3A_485 = arith.select %ge3A_482, %select_n3A_465, %select_n3A_455 : vector<16xi1>, vector<16xf32>
        %select_n3A_486 = arith.select %ge3A_482, %select_n3A_466, %select_n3A_456 : vector<16xi1>, vector<16xi32>
        %ge3A_487 = arith.cmpf oge, %select_n3A_460, %select_n3A_470 : vector<16xf32>
        %select_n3A_488 = arith.select %ge3A_487, %select_n3A_460, %select_n3A_470 : vector<16xi1>, vector<16xf32>
        %select_n3A_489 = arith.select %ge3A_487, %select_n3A_461, %select_n3A_471 : vector<16xi1>, vector<16xi32>
        %select_n3A_490 = arith.select %ge3A_487, %select_n3A_470, %select_n3A_460 : vector<16xi1>, vector<16xf32>
        %select_n3A_491 = arith.select %ge3A_487, %select_n3A_471, %select_n3A_461 : vector<16xi1>, vector<16xi32>
        %ge3A_492 = arith.cmpf oge, %select_n3A_473, %select_n3A_478 : vector<16xf32>
        %select_n3A_493 = arith.select %ge3A_492, %select_n3A_473, %select_n3A_478 : vector<16xi1>, vector<16xf32>
        %select_n3A_494 = arith.select %ge3A_492, %select_n3A_474, %select_n3A_479 : vector<16xi1>, vector<16xi32>
        %select_n3A_495 = arith.select %ge3A_492, %select_n3A_478, %select_n3A_473 : vector<16xi1>, vector<16xf32>
        %select_n3A_496 = arith.select %ge3A_492, %select_n3A_479, %select_n3A_474 : vector<16xi1>, vector<16xi32>
        %ge3A_497 = arith.cmpf oge, %select_n3A_475, %select_n3A_480 : vector<16xf32>
        %select_n3A_498 = arith.select %ge3A_497, %select_n3A_475, %select_n3A_480 : vector<16xi1>, vector<16xf32>
        %select_n3A_499 = arith.select %ge3A_497, %select_n3A_476, %select_n3A_481 : vector<16xi1>, vector<16xi32>
        %select_n3A_500 = arith.select %ge3A_497, %select_n3A_480, %select_n3A_475 : vector<16xi1>, vector<16xf32>
        %select_n3A_501 = arith.select %ge3A_497, %select_n3A_481, %select_n3A_476 : vector<16xi1>, vector<16xi32>
        %ge3A_502 = arith.cmpf oge, %select_n3A_483, %select_n3A_488 : vector<16xf32>
        %select_n3A_503 = arith.select %ge3A_502, %select_n3A_483, %select_n3A_488 : vector<16xi1>, vector<16xf32>
        %select_n3A_504 = arith.select %ge3A_502, %select_n3A_484, %select_n3A_489 : vector<16xi1>, vector<16xi32>
        %select_n3A_505 = arith.select %ge3A_502, %select_n3A_488, %select_n3A_483 : vector<16xi1>, vector<16xf32>
        %select_n3A_506 = arith.select %ge3A_502, %select_n3A_489, %select_n3A_484 : vector<16xi1>, vector<16xi32>
        %ge3A_507 = arith.cmpf oge, %select_n3A_485, %select_n3A_490 : vector<16xf32>
        %select_n3A_508 = arith.select %ge3A_507, %select_n3A_485, %select_n3A_490 : vector<16xi1>, vector<16xf32>
        %select_n3A_509 = arith.select %ge3A_507, %select_n3A_486, %select_n3A_491 : vector<16xi1>, vector<16xi32>
        %select_n3A_510 = arith.select %ge3A_507, %select_n3A_490, %select_n3A_485 : vector<16xi1>, vector<16xf32>
        %select_n3A_511 = arith.select %ge3A_507, %select_n3A_491, %select_n3A_486 : vector<16xi1>, vector<16xi32>
        %masked_sort3A_512 = arith.constant dense<true> : vector<16xi1>
        %masked_sort3A_513, %masked_sort3A_514, %masked_sort3A_515 = tpu.sort %select_n3A_493, %select_n3A_494 masked %masked_sort3A_512 {descending = true} : (vector<16xf32>, vector<16xi32>, vector<16xi1>) -> (vector<16xi1>, vector<16xf32>, vector<16xi32>)
        %masked_sort3A_516 = arith.constant dense<true> : vector<16xi1>
        %masked_sort3A_517, %masked_sort3A_518, %masked_sort3A_519 = tpu.sort %select_n3A_495, %select_n3A_496 masked %masked_sort3A_516 {descending = true} : (vector<16xf32>, vector<16xi32>, vector<16xi1>) -> (vector<16xi1>, vector<16xf32>, vector<16xi32>)
        %masked_sort3A_520 = arith.constant dense<true> : vector<16xi1>
        %masked_sort3A_521, %masked_sort3A_522, %masked_sort3A_523 = tpu.sort %select_n3A_498, %select_n3A_499 masked %masked_sort3A_520 {descending = true} : (vector<16xf32>, vector<16xi32>, vector<16xi1>) -> (vector<16xi1>, vector<16xf32>, vector<16xi32>)
        %masked_sort3A_524 = arith.constant dense<true> : vector<16xi1>
        %masked_sort3A_525, %masked_sort3A_526, %masked_sort3A_527 = tpu.sort %select_n3A_500, %select_n3A_501 masked %masked_sort3A_524 {descending = true} : (vector<16xf32>, vector<16xi32>, vector<16xi1>) -> (vector<16xi1>, vector<16xf32>, vector<16xi32>)
        %masked_sort3A_528 = arith.constant dense<true> : vector<16xi1>
        %masked_sort3A_529, %masked_sort3A_530, %masked_sort3A_531 = tpu.sort %select_n3A_503, %select_n3A_504 masked %masked_sort3A_528 {descending = true} : (vector<16xf32>, vector<16xi32>, vector<16xi1>) -> (vector<16xi1>, vector<16xf32>, vector<16xi32>)
        %masked_sort3A_532 = arith.constant dense<true> : vector<16xi1>
        %masked_sort3A_533, %masked_sort3A_534, %masked_sort3A_535 = tpu.sort %select_n3A_505, %select_n3A_506 masked %masked_sort3A_532 {descending = true} : (vector<16xf32>, vector<16xi32>, vector<16xi1>) -> (vector<16xi1>, vector<16xf32>, vector<16xi32>)
        %masked_sort3A_536 = arith.constant dense<true> : vector<16xi1>
        %masked_sort3A_537, %masked_sort3A_538, %masked_sort3A_539 = tpu.sort %select_n3A_508, %select_n3A_509 masked %masked_sort3A_536 {descending = true} : (vector<16xf32>, vector<16xi32>, vector<16xi1>) -> (vector<16xi1>, vector<16xf32>, vector<16xi32>)
        %masked_sort3A_540 = arith.constant dense<true> : vector<16xi1>
        %masked_sort3A_541, %masked_sort3A_542, %masked_sort3A_543 = tpu.sort %select_n3A_510, %select_n3A_511 masked %masked_sort3A_540 {descending = true} : (vector<16xf32>, vector<16xi32>, vector<16xi1>) -> (vector<16xi1>, vector<16xf32>, vector<16xi32>)
        %add3A_544 = arith.constant 15 : i32
        %add3A_545 = arith.addi %scan3A_145, %add3A_544 : i32
        %jit3A = arith.constant 16 : i32
        %div3A = arith.divsi %add3A_545, %jit3A : i32
        %sign3A = arith.constant 0 : i32
        %sign3A_546 = arith.cmpi sgt, %add3A_545, %sign3A : i32
        %sign3A_547 = arith.extui %sign3A_546 : i1 to i32
        %sign3A_548 = arith.constant 0 : i32
        %sign3A_549 = arith.cmpi slt, %add3A_545, %sign3A_548 : i32
        %sign3A_550 = arith.extui %sign3A_549 : i1 to i32
        %sign3A_551 = arith.subi %sign3A_547, %sign3A_550 : i32
        %sign3A_552 = arith.constant 0 : i32
        %sign3A_553 = arith.cmpi sgt, %jit3A, %sign3A_552 : i32
        %sign3A_554 = arith.extui %sign3A_553 : i1 to i32
        %sign3A_555 = arith.constant 0 : i32
        %sign3A_556 = arith.cmpi slt, %jit3A, %sign3A_555 : i32
        %sign3A_557 = arith.extui %sign3A_556 : i1 to i32
        %sign3A_558 = arith.subi %sign3A_554, %sign3A_557 : i32
        %ne3A = arith.cmpi ne, %sign3A_551, %sign3A_558 : i32
        %rem3A_559 = arith.remsi %add3A_545, %jit3A : i32
        %ne3A_560 = arith.constant 0 : i32
        %ne3A_561 = arith.cmpi ne, %rem3A_559, %ne3A_560 : i32
        %and3A = arith.andi %ne3A, %ne3A_561 : i1
        %sub3A = arith.constant 1 : i32
        %sub3A_562 = arith.subi %div3A, %sub3A : i32
        %select_n3A_563 = arith.select %and3A, %sub3A_562, %div3A : i32
        %while3A = arith.constant 8 : i32
        %while3A_564 = arith.subi %select_n3A_563, %while3A : i32
        %while3A_565 = arith.addi %while3A, %while3A_564 : i32
        %while3A_566 = arith.constant 1 : i32
        %while3A_567 = arith.divsi %while3A_564, %while3A_566 : i32
        %while3A_568 = arith.muli %while3A_567, %while3A_566 : i32
        %while3A_569 = arith.addi %while3A, %while3A_568 : i32
        %while3A_570 = arith.constant 1 : i32
        %while3A_571:16 = scf.for %while3A_770 = %while3A to %while3A_569 step %while3A_570 iter_args(%while3A_771 = %masked_sort3A_514, %while3A_772 = %masked_sort3A_518, %while3A_773 = %masked_sort3A_522, %while3A_774 = %masked_sort3A_526, %while3A_775 = %masked_sort3A_530, %while3A_776 = %masked_sort3A_534, %while3A_777 = %masked_sort3A_538, %while3A_778 = %masked_sort3A_542, %while3A_779 = %masked_sort3A_515, %while3A_780 = %masked_sort3A_519, %while3A_781 = %masked_sort3A_523, %while3A_782 = %masked_sort3A_527, %while3A_783 = %masked_sort3A_531, %while3A_784 = %masked_sort3A_535, %while3A_785 = %masked_sort3A_539, %while3A_786 = %masked_sort3A_543) -> (vector<16xf32>, vector<16xf32>, vector<16xf32>, vector<16xf32>, vector<16xf32>, vector<16xf32>, vector<16xf32>, vector<16xf32>, vector<16xi32>, vector<16xi32>, vector<16xi32>, vector<16xi32>, vector<16xi32>, vector<16xi32>, vector<16xi32>, vector<16xi32>)  : i32 {
          %mul3A_787 = arith.constant 16 : i32
          %mul3A_788 = arith.muli %while3A_770, %mul3A_787 : i32
          %get3A_789 = arith.index_cast %mul3A_788 : i32 to index
          %get3A_790 = tpu.vector_load %arg10[%get3A_789] {strides = array<i32>} : memref<1040xf32, #tpu.memory_space<vmem>>, vector<16xf32>,
          %mul3A_791 = arith.constant 16 : i32
          %mul3A_792 = arith.muli %while3A_770, %mul3A_791 : i32
          %get3A_793 = arith.index_cast %mul3A_792 : i32 to index
          %get3A_794 = tpu.vector_load %arg11[%get3A_793] {strides = array<i32>} : memref<1040xi32, #tpu.memory_space<vmem>>, vector<16xi32>,
          %masked_sort3A_795 = arith.constant dense<true> : vector<16xi1>
          %masked_sort3A_796, %masked_sort3A_797, %masked_sort3A_798 = tpu.sort %get3A_790, %get3A_794 masked %masked_sort3A_795 {descending = true} : (vector<16xf32>, vector<16xi32>, vector<16xi1>) -> (vector<16xi1>, vector<16xf32>, vector<16xi32>)
          %rev3A_799 = arith.constant 15 : i32
          %rev3A_800 = vector.broadcast %rev3A_799 : i32 to vector<16xi32>
          %rev3A_801 = tpu.iota {dimensions = array<i32: 0>} : vector<16xi32>
          %rev3A_802 = arith.subi %rev3A_800, %rev3A_801 : vector<16xi32>
          %rev3A_803 = tpu.dynamic_gather %masked_sort3A_797[%rev3A_802] in [0] : vector<16xf32>, vector<16xi32> -> vector<16xf32>
          %rev3A_804 = arith.constant 15 : i32
          %rev3A_805 = vector.broadcast %rev3A_804 : i32 to vector<16xi32>
          %rev3A_806 = tpu.iota {dimensions = array<i32: 0>} : vector<16xi32>
          %rev3A_807 = arith.subi %rev3A_805, %rev3A_806 : vector<16xi32>
          %rev3A_808 = tpu.dynamic_gather %masked_sort3A_798[%rev3A_807] in [0] : vector<16xi32>, vector<16xi32> -> vector<16xi32>
          %ge3A_809 = arith.cmpf oge, %while3A_778, %rev3A_803 : vector<16xf32>
          %select_n3A_810 = arith.select %ge3A_809, %while3A_778, %rev3A_803 : vector<16xi1>, vector<16xf32>
          %select_n3A_811 = arith.select %ge3A_809, %while3A_786, %rev3A_808 : vector<16xi1>, vector<16xi32>
          %select_n3A_812 = arith.select %ge3A_809, %rev3A_803, %while3A_778 : vector<16xi1>, vector<16xf32>
          %select_n3A_813 = arith.select %ge3A_809, %rev3A_808, %while3A_786 : vector<16xi1>, vector<16xi32>
          %masked_sort3A_814 = arith.constant dense<true> : vector<16xi1>
          %masked_sort3A_815, %masked_sort3A_816, %masked_sort3A_817 = tpu.sort %while3A_771, %while3A_779 masked %masked_sort3A_814 {descending = true} : (vector<16xf32>, vector<16xi32>, vector<16xi1>) -> (vector<16xi1>, vector<16xf32>, vector<16xi32>)
          %masked_sort3A_818 = arith.constant dense<true> : vector<16xi1>
          %masked_sort3A_819, %masked_sort3A_820, %masked_sort3A_821 = tpu.sort %while3A_772, %while3A_780 masked %masked_sort3A_818 {descending = true} : (vector<16xf32>, vector<16xi32>, vector<16xi1>) -> (vector<16xi1>, vector<16xf32>, vector<16xi32>)
          %masked_sort3A_822 = arith.constant dense<true> : vector<16xi1>
          %masked_sort3A_823, %masked_sort3A_824, %masked_sort3A_825 = tpu.sort %while3A_773, %while3A_781 masked %masked_sort3A_822 {descending = true} : (vector<16xf32>, vector<16xi32>, vector<16xi1>) -> (vector<16xi1>, vector<16xf32>, vector<16xi32>)
          %masked_sort3A_826 = arith.constant dense<true> : vector<16xi1>
          %masked_sort3A_827, %masked_sort3A_828, %masked_sort3A_829 = tpu.sort %while3A_774, %while3A_782 masked %masked_sort3A_826 {descending = true} : (vector<16xf32>, vector<16xi32>, vector<16xi1>) -> (vector<16xi1>, vector<16xf32>, vector<16xi32>)
          %masked_sort3A_830 = arith.constant dense<true> : vector<16xi1>
          %masked_sort3A_831, %masked_sort3A_832, %masked_sort3A_833 = tpu.sort %while3A_775, %while3A_783 masked %masked_sort3A_830 {descending = true} : (vector<16xf32>, vector<16xi32>, vector<16xi1>) -> (vector<16xi1>, vector<16xf32>, vector<16xi32>)
          %masked_sort3A_834 = arith.constant dense<true> : vector<16xi1>
          %masked_sort3A_835, %masked_sort3A_836, %masked_sort3A_837 = tpu.sort %while3A_776, %while3A_784 masked %masked_sort3A_834 {descending = true} : (vector<16xf32>, vector<16xi32>, vector<16xi1>) -> (vector<16xi1>, vector<16xf32>, vector<16xi32>)
          %masked_sort3A_838 = arith.constant dense<true> : vector<16xi1>
          %masked_sort3A_839, %masked_sort3A_840, %masked_sort3A_841 = tpu.sort %while3A_777, %while3A_785 masked %masked_sort3A_838 {descending = true} : (vector<16xf32>, vector<16xi32>, vector<16xi1>) -> (vector<16xi1>, vector<16xf32>, vector<16xi32>)
          %masked_sort3A_842 = arith.constant dense<true> : vector<16xi1>
          %masked_sort3A_843, %masked_sort3A_844, %masked_sort3A_845 = tpu.sort %select_n3A_810, %select_n3A_811 masked %masked_sort3A_842 {descending = true} : (vector<16xf32>, vector<16xi32>, vector<16xi1>) -> (vector<16xi1>, vector<16xf32>, vector<16xi32>)
          %rev3A_846 = arith.constant 15 : i32
          %rev3A_847 = vector.broadcast %rev3A_846 : i32 to vector<16xi32>
          %rev3A_848 = tpu.iota {dimensions = array<i32: 0>} : vector<16xi32>
          %rev3A_849 = arith.subi %rev3A_847, %rev3A_848 : vector<16xi32>
          %rev3A_850 = tpu.dynamic_gather %masked_sort3A_820[%rev3A_849] in [0] : vector<16xf32>, vector<16xi32> -> vector<16xf32>
          %rev3A_851 = arith.constant 15 : i32
          %rev3A_852 = vector.broadcast %rev3A_851 : i32 to vector<16xi32>
          %rev3A_853 = tpu.iota {dimensions = array<i32: 0>} : vector<16xi32>
          %rev3A_854 = arith.subi %rev3A_852, %rev3A_853 : vector<16xi32>
          %rev3A_855 = tpu.dynamic_gather %masked_sort3A_821[%rev3A_854] in [0] : vector<16xi32>, vector<16xi32> -> vector<16xi32>
          %ge3A_856 = arith.cmpf oge, %masked_sort3A_816, %rev3A_850 : vector<16xf32>
          %select_n3A_857 = arith.select %ge3A_856, %masked_sort3A_816, %rev3A_850 : vector<16xi1>, vector<16xf32>
          %select_n3A_858 = arith.select %ge3A_856, %masked_sort3A_817, %rev3A_855 : vector<16xi1>, vector<16xi32>
          %select_n3A_859 = arith.select %ge3A_856, %rev3A_850, %masked_sort3A_816 : vector<16xi1>, vector<16xf32>
          %select_n3A_860 = arith.select %ge3A_856, %rev3A_855, %masked_sort3A_817 : vector<16xi1>, vector<16xi32>
          %masked_sort3A_861 = arith.constant dense<true> : vector<16xi1>
          %masked_sort3A_862, %masked_sort3A_863, %masked_sort3A_864 = tpu.sort %select_n3A_857, %select_n3A_858 masked %masked_sort3A_861 {descending = true} : (vector<16xf32>, vector<16xi32>, vector<16xi1>) -> (vector<16xi1>, vector<16xf32>, vector<16xi32>)
          %masked_sort3A_865 = arith.constant dense<true> : vector<16xi1>
          %masked_sort3A_866, %masked_sort3A_867, %masked_sort3A_868 = tpu.sort %select_n3A_859, %select_n3A_860 masked %masked_sort3A_865 {descending = true} : (vector<16xf32>, vector<16xi32>, vector<16xi1>) -> (vector<16xi1>, vector<16xf32>, vector<16xi32>)
          %rev3A_869 = arith.constant 15 : i32
          %rev3A_870 = vector.broadcast %rev3A_869 : i32 to vector<16xi32>
          %rev3A_871 = tpu.iota {dimensions = array<i32: 0>} : vector<16xi32>
          %rev3A_872 = arith.subi %rev3A_870, %rev3A_871 : vector<16xi32>
          %rev3A_873 = tpu.dynamic_gather %masked_sort3A_828[%rev3A_872] in [0] : vector<16xf32>, vector<16xi32> -> vector<16xf32>
          %rev3A_874 = arith.constant 15 : i32
          %rev3A_875 = vector.broadcast %rev3A_874 : i32 to vector<16xi32>
          %rev3A_876 = tpu.iota {dimensions = array<i32: 0>} : vector<16xi32>
          %rev3A_877 = arith.subi %rev3A_875, %rev3A_876 : vector<16xi32>
          %rev3A_878 = tpu.dynamic_gather %masked_sort3A_829[%rev3A_877] in [0] : vector<16xi32>, vector<16xi32> -> vector<16xi32>
          %ge3A_879 = arith.cmpf oge, %masked_sort3A_824, %rev3A_873 : vector<16xf32>
          %select_n3A_880 = arith.select %ge3A_879, %masked_sort3A_824, %rev3A_873 : vector<16xi1>, vector<16xf32>
          %select_n3A_881 = arith.select %ge3A_879, %masked_sort3A_825, %rev3A_878 : vector<16xi1>, vector<16xi32>
          %select_n3A_882 = arith.select %ge3A_879, %rev3A_873, %masked_sort3A_824 : vector<16xi1>, vector<16xf32>
          %select_n3A_883 = arith.select %ge3A_879, %rev3A_878, %masked_sort3A_825 : vector<16xi1>, vector<16xi32>
          %masked_sort3A_884 = arith.constant dense<true> : vector<16xi1>
          %masked_sort3A_885, %masked_sort3A_886, %masked_sort3A_887 = tpu.sort %select_n3A_880, %select_n3A_881 masked %masked_sort3A_884 {descending = true} : (vector<16xf32>, vector<16xi32>, vector<16xi1>) -> (vector<16xi1>, vector<16xf32>, vector<16xi32>)
          %masked_sort3A_888 = arith.constant dense<true> : vector<16xi1>
          %masked_sort3A_889, %masked_sort3A_890, %masked_sort3A_891 = tpu.sort %select_n3A_882, %select_n3A_883 masked %masked_sort3A_888 {descending = true} : (vector<16xf32>, vector<16xi32>, vector<16xi1>) -> (vector<16xi1>, vector<16xf32>, vector<16xi32>)
          %rev3A_892 = arith.constant 15 : i32
          %rev3A_893 = vector.broadcast %rev3A_892 : i32 to vector<16xi32>
          %rev3A_894 = tpu.iota {dimensions = array<i32: 0>} : vector<16xi32>
          %rev3A_895 = arith.subi %rev3A_893, %rev3A_894 : vector<16xi32>
          %rev3A_896 = tpu.dynamic_gather %masked_sort3A_836[%rev3A_895] in [0] : vector<16xf32>, vector<16xi32> -> vector<16xf32>
          %rev3A_897 = arith.constant 15 : i32
          %rev3A_898 = vector.broadcast %rev3A_897 : i32 to vector<16xi32>
          %rev3A_899 = tpu.iota {dimensions = array<i32: 0>} : vector<16xi32>
          %rev3A_900 = arith.subi %rev3A_898, %rev3A_899 : vector<16xi32>
          %rev3A_901 = tpu.dynamic_gather %masked_sort3A_837[%rev3A_900] in [0] : vector<16xi32>, vector<16xi32> -> vector<16xi32>
          %ge3A_902 = arith.cmpf oge, %masked_sort3A_832, %rev3A_896 : vector<16xf32>
          %select_n3A_903 = arith.select %ge3A_902, %masked_sort3A_832, %rev3A_896 : vector<16xi1>, vector<16xf32>
          %select_n3A_904 = arith.select %ge3A_902, %masked_sort3A_833, %rev3A_901 : vector<16xi1>, vector<16xi32>
          %select_n3A_905 = arith.select %ge3A_902, %rev3A_896, %masked_sort3A_832 : vector<16xi1>, vector<16xf32>
          %select_n3A_906 = arith.select %ge3A_902, %rev3A_901, %masked_sort3A_833 : vector<16xi1>, vector<16xi32>
          %masked_sort3A_907 = arith.constant dense<true> : vector<16xi1>
          %masked_sort3A_908, %masked_sort3A_909, %masked_sort3A_910 = tpu.sort %select_n3A_903, %select_n3A_904 masked %masked_sort3A_907 {descending = true} : (vector<16xf32>, vector<16xi32>, vector<16xi1>) -> (vector<16xi1>, vector<16xf32>, vector<16xi32>)
          %masked_sort3A_911 = arith.constant dense<true> : vector<16xi1>
          %masked_sort3A_912, %masked_sort3A_913, %masked_sort3A_914 = tpu.sort %select_n3A_905, %select_n3A_906 masked %masked_sort3A_911 {descending = true} : (vector<16xf32>, vector<16xi32>, vector<16xi1>) -> (vector<16xi1>, vector<16xf32>, vector<16xi32>)
          %rev3A_915 = arith.constant 15 : i32
          %rev3A_916 = vector.broadcast %rev3A_915 : i32 to vector<16xi32>
          %rev3A_917 = tpu.iota {dimensions = array<i32: 0>} : vector<16xi32>
          %rev3A_918 = arith.subi %rev3A_916, %rev3A_917 : vector<16xi32>
          %rev3A_919 = tpu.dynamic_gather %masked_sort3A_844[%rev3A_918] in [0] : vector<16xf32>, vector<16xi32> -> vector<16xf32>
          %rev3A_920 = arith.constant 15 : i32
          %rev3A_921 = vector.broadcast %rev3A_920 : i32 to vector<16xi32>
          %rev3A_922 = tpu.iota {dimensions = array<i32: 0>} : vector<16xi32>
          %rev3A_923 = arith.subi %rev3A_921, %rev3A_922 : vector<16xi32>
          %rev3A_924 = tpu.dynamic_gather %masked_sort3A_845[%rev3A_923] in [0] : vector<16xi32>, vector<16xi32> -> vector<16xi32>
          %ge3A_925 = arith.cmpf oge, %masked_sort3A_840, %rev3A_919 : vector<16xf32>
          %select_n3A_926 = arith.select %ge3A_925, %masked_sort3A_840, %rev3A_919 : vector<16xi1>, vector<16xf32>
          %select_n3A_927 = arith.select %ge3A_925, %masked_sort3A_841, %rev3A_924 : vector<16xi1>, vector<16xi32>
          %select_n3A_928 = arith.select %ge3A_925, %rev3A_919, %masked_sort3A_840 : vector<16xi1>, vector<16xf32>
          %select_n3A_929 = arith.select %ge3A_925, %rev3A_924, %masked_sort3A_841 : vector<16xi1>, vector<16xi32>
          %masked_sort3A_930 = arith.constant dense<true> : vector<16xi1>
          %masked_sort3A_931, %masked_sort3A_932, %masked_sort3A_933 = tpu.sort %select_n3A_926, %select_n3A_927 masked %masked_sort3A_930 {descending = true} : (vector<16xf32>, vector<16xi32>, vector<16xi1>) -> (vector<16xi1>, vector<16xf32>, vector<16xi32>)
          %masked_sort3A_934 = arith.constant dense<true> : vector<16xi1>
          %masked_sort3A_935, %masked_sort3A_936, %masked_sort3A_937 = tpu.sort %select_n3A_928, %select_n3A_929 masked %masked_sort3A_934 {descending = true} : (vector<16xf32>, vector<16xi32>, vector<16xi1>) -> (vector<16xi1>, vector<16xf32>, vector<16xi32>)
          %rev3A_938 = arith.constant 15 : i32
          %rev3A_939 = vector.broadcast %rev3A_938 : i32 to vector<16xi32>
          %rev3A_940 = tpu.iota {dimensions = array<i32: 0>} : vector<16xi32>
          %rev3A_941 = arith.subi %rev3A_939, %rev3A_940 : vector<16xi32>
          %rev3A_942 = tpu.dynamic_gather %masked_sort3A_890[%rev3A_941] in [0] : vector<16xf32>, vector<16xi32> -> vector<16xf32>
          %rev3A_943 = arith.constant 15 : i32
          %rev3A_944 = vector.broadcast %rev3A_943 : i32 to vector<16xi32>
          %rev3A_945 = tpu.iota {dimensions = array<i32: 0>} : vector<16xi32>
          %rev3A_946 = arith.subi %rev3A_944, %rev3A_945 : vector<16xi32>
          %rev3A_947 = tpu.dynamic_gather %masked_sort3A_886[%rev3A_946] in [0] : vector<16xf32>, vector<16xi32> -> vector<16xf32>
          %rev3A_948 = arith.constant 15 : i32
          %rev3A_949 = vector.broadcast %rev3A_948 : i32 to vector<16xi32>
          %rev3A_950 = tpu.iota {dimensions = array<i32: 0>} : vector<16xi32>
          %rev3A_951 = arith.subi %rev3A_949, %rev3A_950 : vector<16xi32>
          %rev3A_952 = tpu.dynamic_gather %masked_sort3A_891[%rev3A_951] in [0] : vector<16xi32>, vector<16xi32> -> vector<16xi32>
          %rev3A_953 = arith.constant 15 : i32
          %rev3A_954 = vector.broadcast %rev3A_953 : i32 to vector<16xi32>
          %rev3A_955 = tpu.iota {dimensions = array<i32: 0>} : vector<16xi32>
          %rev3A_956 = arith.subi %rev3A_954, %rev3A_955 : vector<16xi32>
          %rev3A_957 = tpu.dynamic_gather %masked_sort3A_887[%rev3A_956] in [0] : vector<16xi32>, vector<16xi32> -> vector<16xi32>
          %ge3A_958 = arith.cmpf oge, %masked_sort3A_863, %rev3A_942 : vector<16xf32>
          %select_n3A_959 = arith.select %ge3A_958, %masked_sort3A_863, %rev3A_942 : vector<16xi1>, vector<16xf32>
          %select_n3A_960 = arith.select %ge3A_958, %masked_sort3A_864, %rev3A_952 : vector<16xi1>, vector<16xi32>
          %select_n3A_961 = arith.select %ge3A_958, %rev3A_942, %masked_sort3A_863 : vector<16xi1>, vector<16xf32>
          %select_n3A_962 = arith.select %ge3A_958, %rev3A_952, %masked_sort3A_864 : vector<16xi1>, vector<16xi32>
          %ge3A_963 = arith.cmpf oge, %masked_sort3A_867, %rev3A_947 : vector<16xf32>
          %select_n3A_964 = arith.select %ge3A_963, %masked_sort3A_867, %rev3A_947 : vector<16xi1>, vector<16xf32>
          %select_n3A_965 = arith.select %ge3A_963, %masked_sort3A_868, %rev3A_957 : vector<16xi1>, vector<16xi32>
          %select_n3A_966 = arith.select %ge3A_963, %rev3A_947, %masked_sort3A_867 : vector<16xi1>, vector<16xf32>
          %select_n3A_967 = arith.select %ge3A_963, %rev3A_957, %masked_sort3A_868 : vector<16xi1>, vector<16xi32>
          %ge3A_968 = arith.cmpf oge, %select_n3A_959, %select_n3A_964 : vector<16xf32>
          %select_n3A_969 = arith.select %ge3A_968, %select_n3A_959, %select_n3A_964 : vector<16xi1>, vector<16xf32>
          %select_n3A_970 = arith.select %ge3A_968, %select_n3A_960, %select_n3A_965 : vector<16xi1>, vector<16xi32>
          %select_n3A_971 = arith.select %ge3A_968, %select_n3A_964, %select_n3A_959 : vector<16xi1>, vector<16xf32>
          %select_n3A_972 = arith.select %ge3A_968, %select_n3A_965, %select_n3A_960 : vector<16xi1>, vector<16xi32>
          %ge3A_973 = arith.cmpf oge, %select_n3A_961, %select_n3A_966 : vector<16xf32>
          %select_n3A_974 = arith.select %ge3A_973, %select_n3A_961, %select_n3A_966 : vector<16xi1>, vector<16xf32>
          %select_n3A_975 = arith.select %ge3A_973, %select_n3A_962, %select_n3A_967 : vector<16xi1>, vector<16xi32>
          %select_n3A_976 = arith.select %ge3A_973, %select_n3A_966, %select_n3A_961 : vector<16xi1>, vector<16xf32>
          %select_n3A_977 = arith.select %ge3A_973, %select_n3A_967, %select_n3A_962 : vector<16xi1>, vector<16xi32>
          %masked_sort3A_978 = arith.constant dense<true> : vector<16xi1>
          %masked_sort3A_979, %masked_sort3A_980, %masked_sort3A_981 = tpu.sort %select_n3A_969, %select_n3A_970 masked %masked_sort3A_978 {descending = true} : (vector<16xf32>, vector<16xi32>, vector<16xi1>) -> (vector<16xi1>, vector<16xf32>, vector<16xi32>)
          %masked_sort3A_982 = arith.constant dense<true> : vector<16xi1>
          %masked_sort3A_983, %masked_sort3A_984, %masked_sort3A_985 = tpu.sort %select_n3A_971, %select_n3A_972 masked %masked_sort3A_982 {descending = true} : (vector<16xf32>, vector<16xi32>, vector<16xi1>) -> (vector<16xi1>, vector<16xf32>, vector<16xi32>)
          %masked_sort3A_986 = arith.constant dense<true> : vector<16xi1>
          %masked_sort3A_987, %masked_sort3A_988, %masked_sort3A_989 = tpu.sort %select_n3A_974, %select_n3A_975 masked %masked_sort3A_986 {descending = true} : (vector<16xf32>, vector<16xi32>, vector<16xi1>) -> (vector<16xi1>, vector<16xf32>, vector<16xi32>)
          %masked_sort3A_990 = arith.constant dense<true> : vector<16xi1>
          %masked_sort3A_991, %masked_sort3A_992, %masked_sort3A_993 = tpu.sort %select_n3A_976, %select_n3A_977 masked %masked_sort3A_990 {descending = true} : (vector<16xf32>, vector<16xi32>, vector<16xi1>) -> (vector<16xi1>, vector<16xf32>, vector<16xi32>)
          %rev3A_994 = arith.constant 15 : i32
          %rev3A_995 = vector.broadcast %rev3A_994 : i32 to vector<16xi32>
          %rev3A_996 = tpu.iota {dimensions = array<i32: 0>} : vector<16xi32>
          %rev3A_997 = arith.subi %rev3A_995, %rev3A_996 : vector<16xi32>
          %rev3A_998 = tpu.dynamic_gather %masked_sort3A_936[%rev3A_997] in [0] : vector<16xf32>, vector<16xi32> -> vector<16xf32>
          %rev3A_999 = arith.constant 15 : i32
          %rev3A_1000 = vector.broadcast %rev3A_999 : i32 to vector<16xi32>
          %rev3A_1001 = tpu.iota {dimensions = array<i32: 0>} : vector<16xi32>
          %rev3A_1002 = arith.subi %rev3A_1000, %rev3A_1001 : vector<16xi32>
          %rev3A_1003 = tpu.dynamic_gather %masked_sort3A_932[%rev3A_1002] in [0] : vector<16xf32>, vector<16xi32> -> vector<16xf32>
          %rev3A_1004 = arith.constant 15 : i32
          %rev3A_1005 = vector.broadcast %rev3A_1004 : i32 to vector<16xi32>
          %rev3A_1006 = tpu.iota {dimensions = array<i32: 0>} : vector<16xi32>
          %rev3A_1007 = arith.subi %rev3A_1005, %rev3A_1006 : vector<16xi32>
          %rev3A_1008 = tpu.dynamic_gather %masked_sort3A_937[%rev3A_1007] in [0] : vector<16xi32>, vector<16xi32> -> vector<16xi32>
          %rev3A_1009 = arith.constant 15 : i32
          %rev3A_1010 = vector.broadcast %rev3A_1009 : i32 to vector<16xi32>
          %rev3A_1011 = tpu.iota {dimensions = array<i32: 0>} : vector<16xi32>
          %rev3A_1012 = arith.subi %rev3A_1010, %rev3A_1011 : vector<16xi32>
          %rev3A_1013 = tpu.dynamic_gather %masked_sort3A_933[%rev3A_1012] in [0] : vector<16xi32>, vector<16xi32> -> vector<16xi32>
          %ge3A_1014 = arith.cmpf oge, %masked_sort3A_909, %rev3A_998 : vector<16xf32>
          %select_n3A_1015 = arith.select %ge3A_1014, %masked_sort3A_909, %rev3A_998 : vector<16xi1>, vector<16xf32>
          %select_n3A_1016 = arith.select %ge3A_1014, %masked_sort3A_910, %rev3A_1008 : vector<16xi1>, vector<16xi32>
          %select_n3A_1017 = arith.select %ge3A_1014, %rev3A_998, %masked_sort3A_909 : vector<16xi1>, vector<16xf32>
          %select_n3A_1018 = arith.select %ge3A_1014, %rev3A_1008, %masked_sort3A_910 : vector<16xi1>, vector<16xi32>
          %ge3A_1019 = arith.cmpf oge, %masked_sort3A_913, %rev3A_1003 : vector<16xf32>
          %select_n3A_1020 = arith.select %ge3A_1019, %masked_sort3A_913, %rev3A_1003 : vector<16xi1>, vector<16xf32>
          %select_n3A_1021 = arith.select %ge3A_1019, %masked_sort3A_914, %rev3A_1013 : vector<16xi1>, vector<16xi32>
          %select_n3A_1022 = arith.select %ge3A_1019, %rev3A_1003, %masked_sort3A_913 : vector<16xi1>, vector<16xf32>
          %select_n3A_1023 = arith.select %ge3A_1019, %rev3A_1013, %masked_sort3A_914 : vector<16xi1>, vector<16xi32>
          %ge3A_1024 = arith.cmpf oge, %select_n3A_1015, %select_n3A_1020 : vector<16xf32>
          %select_n3A_1025 = arith.select %ge3A_1024, %select_n3A_1015, %select_n3A_1020 : vector<16xi1>, vector<16xf32>
          %select_n3A_1026 = arith.select %ge3A_1024, %select_n3A_1016, %select_n3A_1021 : vector<16xi1>, vector<16xi32>
          %select_n3A_1027 = arith.select %ge3A_1024, %select_n3A_1020, %select_n3A_1015 : vector<16xi1>, vector<16xf32>
          %select_n3A_1028 = arith.select %ge3A_1024, %select_n3A_1021, %select_n3A_1016 : vector<16xi1>, vector<16xi32>
          %ge3A_1029 = arith.cmpf oge, %select_n3A_1017, %select_n3A_1022 : vector<16xf32>
          %select_n3A_1030 = arith.select %ge3A_1029, %select_n3A_1017, %select_n3A_1022 : vector<16xi1>, vector<16xf32>
          %select_n3A_1031 = arith.select %ge3A_1029, %select_n3A_1018, %select_n3A_1023 : vector<16xi1>, vector<16xi32>
          %select_n3A_1032 = arith.select %ge3A_1029, %select_n3A_1022, %select_n3A_1017 : vector<16xi1>, vector<16xf32>
          %select_n3A_1033 = arith.select %ge3A_1029, %select_n3A_1023, %select_n3A_1018 : vector<16xi1>, vector<16xi32>
          %masked_sort3A_1034 = arith.constant dense<true> : vector<16xi1>
          %masked_sort3A_1035, %masked_sort3A_1036, %masked_sort3A_1037 = tpu.sort %select_n3A_1025, %select_n3A_1026 masked %masked_sort3A_1034 {descending = true} : (vector<16xf32>, vector<16xi32>, vector<16xi1>) -> (vector<16xi1>, vector<16xf32>, vector<16xi32>)
          %masked_sort3A_1038 = arith.constant dense<true> : vector<16xi1>
          %masked_sort3A_1039, %masked_sort3A_1040, %masked_sort3A_1041 = tpu.sort %select_n3A_1027, %select_n3A_1028 masked %masked_sort3A_1038 {descending = true} : (vector<16xf32>, vector<16xi32>, vector<16xi1>) -> (vector<16xi1>, vector<16xf32>, vector<16xi32>)
          %masked_sort3A_1042 = arith.constant dense<true> : vector<16xi1>
          %masked_sort3A_1043, %masked_sort3A_1044, %masked_sort3A_1045 = tpu.sort %select_n3A_1030, %select_n3A_1031 masked %masked_sort3A_1042 {descending = true} : (vector<16xf32>, vector<16xi32>, vector<16xi1>) -> (vector<16xi1>, vector<16xf32>, vector<16xi32>)
          %masked_sort3A_1046 = arith.constant dense<true> : vector<16xi1>
          %masked_sort3A_1047, %masked_sort3A_1048, %masked_sort3A_1049 = tpu.sort %select_n3A_1032, %select_n3A_1033 masked %masked_sort3A_1046 {descending = true} : (vector<16xf32>, vector<16xi32>, vector<16xi1>) -> (vector<16xi1>, vector<16xf32>, vector<16xi32>)
          %rev3A_1050 = arith.constant 15 : i32
          %rev3A_1051 = vector.broadcast %rev3A_1050 : i32 to vector<16xi32>
          %rev3A_1052 = tpu.iota {dimensions = array<i32: 0>} : vector<16xi32>
          %rev3A_1053 = arith.subi %rev3A_1051, %rev3A_1052 : vector<16xi32>
          %rev3A_1054 = tpu.dynamic_gather %masked_sort3A_1048[%rev3A_1053] in [0] : vector<16xf32>, vector<16xi32> -> vector<16xf32>
          %rev3A_1055 = arith.constant 15 : i32
          %rev3A_1056 = vector.broadcast %rev3A_1055 : i32 to vector<16xi32>
          %rev3A_1057 = tpu.iota {dimensions = array<i32: 0>} : vector<16xi32>
          %rev3A_1058 = arith.subi %rev3A_1056, %rev3A_1057 : vector<16xi32>
          %rev3A_1059 = tpu.dynamic_gather %masked_sort3A_1044[%rev3A_1058] in [0] : vector<16xf32>, vector<16xi32> -> vector<16xf32>
          %rev3A_1060 = arith.constant 15 : i32
          %rev3A_1061 = vector.broadcast %rev3A_1060 : i32 to vector<16xi32>
          %rev3A_1062 = tpu.iota {dimensions = array<i32: 0>} : vector<16xi32>
          %rev3A_1063 = arith.subi %rev3A_1061, %rev3A_1062 : vector<16xi32>
          %rev3A_1064 = tpu.dynamic_gather %masked_sort3A_1040[%rev3A_1063] in [0] : vector<16xf32>, vector<16xi32> -> vector<16xf32>
          %rev3A_1065 = arith.constant 15 : i32
          %rev3A_1066 = vector.broadcast %rev3A_1065 : i32 to vector<16xi32>
          %rev3A_1067 = tpu.iota {dimensions = array<i32: 0>} : vector<16xi32>
          %rev3A_1068 = arith.subi %rev3A_1066, %rev3A_1067 : vector<16xi32>
          %rev3A_1069 = tpu.dynamic_gather %masked_sort3A_1036[%rev3A_1068] in [0] : vector<16xf32>, vector<16xi32> -> vector<16xf32>
          %rev3A_1070 = arith.constant 15 : i32
          %rev3A_1071 = vector.broadcast %rev3A_1070 : i32 to vector<16xi32>
          %rev3A_1072 = tpu.iota {dimensions = array<i32: 0>} : vector<16xi32>
          %rev3A_1073 = arith.subi %rev3A_1071, %rev3A_1072 : vector<16xi32>
          %rev3A_1074 = tpu.dynamic_gather %masked_sort3A_1049[%rev3A_1073] in [0] : vector<16xi32>, vector<16xi32> -> vector<16xi32>
          %rev3A_1075 = arith.constant 15 : i32
          %rev3A_1076 = vector.broadcast %rev3A_1075 : i32 to vector<16xi32>
          %rev3A_1077 = tpu.iota {dimensions = array<i32: 0>} : vector<16xi32>
          %rev3A_1078 = arith.subi %rev3A_1076, %rev3A_1077 : vector<16xi32>
          %rev3A_1079 = tpu.dynamic_gather %masked_sort3A_1045[%rev3A_1078] in [0] : vector<16xi32>, vector<16xi32> -> vector<16xi32>
          %rev3A_1080 = arith.constant 15 : i32
          %rev3A_1081 = vector.broadcast %rev3A_1080 : i32 to vector<16xi32>
          %rev3A_1082 = tpu.iota {dimensions = array<i32: 0>} : vector<16xi32>
          %rev3A_1083 = arith.subi %rev3A_1081, %rev3A_1082 : vector<16xi32>
          %rev3A_1084 = tpu.dynamic_gather %masked_sort3A_1041[%rev3A_1083] in [0] : vector<16xi32>, vector<16xi32> -> vector<16xi32>
          %rev3A_1085 = arith.constant 15 : i32
          %rev3A_1086 = vector.broadcast %rev3A_1085 : i32 to vector<16xi32>
          %rev3A_1087 = tpu.iota {dimensions = array<i32: 0>} : vector<16xi32>
          %rev3A_1088 = arith.subi %rev3A_1086, %rev3A_1087 : vector<16xi32>
          %rev3A_1089 = tpu.dynamic_gather %masked_sort3A_1037[%rev3A_1088] in [0] : vector<16xi32>, vector<16xi32> -> vector<16xi32>
          %ge3A_1090 = arith.cmpf oge, %masked_sort3A_980, %rev3A_1054 : vector<16xf32>
          %select_n3A_1091 = arith.select %ge3A_1090, %masked_sort3A_980, %rev3A_1054 : vector<16xi1>, vector<16xf32>
          %select_n3A_1092 = arith.select %ge3A_1090, %masked_sort3A_981, %rev3A_1074 : vector<16xi1>, vector<16xi32>
          %select_n3A_1093 = arith.select %ge3A_1090, %rev3A_1054, %masked_sort3A_980 : vector<16xi1>, vector<16xf32>
          %select_n3A_1094 = arith.select %ge3A_1090, %rev3A_1074, %masked_sort3A_981 : vector<16xi1>, vector<16xi32>
          %ge3A_1095 = arith.cmpf oge, %masked_sort3A_984, %rev3A_1059 : vector<16xf32>
          %select_n3A_1096 = arith.select %ge3A_1095, %masked_sort3A_984, %rev3A_1059 : vector<16xi1>, vector<16xf32>
          %select_n3A_1097 = arith.select %ge3A_1095, %masked_sort3A_985, %rev3A_1079 : vector<16xi1>, vector<16xi32>
          %select_n3A_1098 = arith.select %ge3A_1095, %rev3A_1059, %masked_sort3A_984 : vector<16xi1>, vector<16xf32>
          %select_n3A_1099 = arith.select %ge3A_1095, %rev3A_1079, %masked_sort3A_985 : vector<16xi1>, vector<16xi32>
          %ge3A_1100 = arith.cmpf oge, %masked_sort3A_988, %rev3A_1064 : vector<16xf32>
          %select_n3A_1101 = arith.select %ge3A_1100, %masked_sort3A_988, %rev3A_1064 : vector<16xi1>, vector<16xf32>
          %select_n3A_1102 = arith.select %ge3A_1100, %masked_sort3A_989, %rev3A_1084 : vector<16xi1>, vector<16xi32>
          %select_n3A_1103 = arith.select %ge3A_1100, %rev3A_1064, %masked_sort3A_988 : vector<16xi1>, vector<16xf32>
          %select_n3A_1104 = arith.select %ge3A_1100, %rev3A_1084, %masked_sort3A_989 : vector<16xi1>, vector<16xi32>
          %ge3A_1105 = arith.cmpf oge, %masked_sort3A_992, %rev3A_1069 : vector<16xf32>
          %select_n3A_1106 = arith.select %ge3A_1105, %masked_sort3A_992, %rev3A_1069 : vector<16xi1>, vector<16xf32>
          %select_n3A_1107 = arith.select %ge3A_1105, %masked_sort3A_993, %rev3A_1089 : vector<16xi1>, vector<16xi32>
          %select_n3A_1108 = arith.select %ge3A_1105, %rev3A_1069, %masked_sort3A_992 : vector<16xi1>, vector<16xf32>
          %select_n3A_1109 = arith.select %ge3A_1105, %rev3A_1089, %masked_sort3A_993 : vector<16xi1>, vector<16xi32>
          %ge3A_1110 = arith.cmpf oge, %select_n3A_1091, %select_n3A_1101 : vector<16xf32>
          %select_n3A_1111 = arith.select %ge3A_1110, %select_n3A_1091, %select_n3A_1101 : vector<16xi1>, vector<16xf32>
          %select_n3A_1112 = arith.select %ge3A_1110, %select_n3A_1092, %select_n3A_1102 : vector<16xi1>, vector<16xi32>
          %select_n3A_1113 = arith.select %ge3A_1110, %select_n3A_1101, %select_n3A_1091 : vector<16xi1>, vector<16xf32>
          %select_n3A_1114 = arith.select %ge3A_1110, %select_n3A_1102, %select_n3A_1092 : vector<16xi1>, vector<16xi32>
          %ge3A_1115 = arith.cmpf oge, %select_n3A_1096, %select_n3A_1106 : vector<16xf32>
          %select_n3A_1116 = arith.select %ge3A_1115, %select_n3A_1096, %select_n3A_1106 : vector<16xi1>, vector<16xf32>
          %select_n3A_1117 = arith.select %ge3A_1115, %select_n3A_1097, %select_n3A_1107 : vector<16xi1>, vector<16xi32>
          %select_n3A_1118 = arith.select %ge3A_1115, %select_n3A_1106, %select_n3A_1096 : vector<16xi1>, vector<16xf32>
          %select_n3A_1119 = arith.select %ge3A_1115, %select_n3A_1107, %select_n3A_1097 : vector<16xi1>, vector<16xi32>
          %ge3A_1120 = arith.cmpf oge, %select_n3A_1093, %select_n3A_1103 : vector<16xf32>
          %select_n3A_1121 = arith.select %ge3A_1120, %select_n3A_1093, %select_n3A_1103 : vector<16xi1>, vector<16xf32>
          %select_n3A_1122 = arith.select %ge3A_1120, %select_n3A_1094, %select_n3A_1104 : vector<16xi1>, vector<16xi32>
          %select_n3A_1123 = arith.select %ge3A_1120, %select_n3A_1103, %select_n3A_1093 : vector<16xi1>, vector<16xf32>
          %select_n3A_1124 = arith.select %ge3A_1120, %select_n3A_1104, %select_n3A_1094 : vector<16xi1>, vector<16xi32>
          %ge3A_1125 = arith.cmpf oge, %select_n3A_1098, %select_n3A_1108 : vector<16xf32>
          %select_n3A_1126 = arith.select %ge3A_1125, %select_n3A_1098, %select_n3A_1108 : vector<16xi1>, vector<16xf32>
          %select_n3A_1127 = arith.select %ge3A_1125, %select_n3A_1099, %select_n3A_1109 : vector<16xi1>, vector<16xi32>
          %select_n3A_1128 = arith.select %ge3A_1125, %select_n3A_1108, %select_n3A_1098 : vector<16xi1>, vector<16xf32>
          %select_n3A_1129 = arith.select %ge3A_1125, %select_n3A_1109, %select_n3A_1099 : vector<16xi1>, vector<16xi32>
          %ge3A_1130 = arith.cmpf oge, %select_n3A_1111, %select_n3A_1116 : vector<16xf32>
          %select_n3A_1131 = arith.select %ge3A_1130, %select_n3A_1111, %select_n3A_1116 : vector<16xi1>, vector<16xf32>
          %select_n3A_1132 = arith.select %ge3A_1130, %select_n3A_1112, %select_n3A_1117 : vector<16xi1>, vector<16xi32>
          %select_n3A_1133 = arith.select %ge3A_1130, %select_n3A_1116, %select_n3A_1111 : vector<16xi1>, vector<16xf32>
          %select_n3A_1134 = arith.select %ge3A_1130, %select_n3A_1117, %select_n3A_1112 : vector<16xi1>, vector<16xi32>
          %ge3A_1135 = arith.cmpf oge, %select_n3A_1113, %select_n3A_1118 : vector<16xf32>
          %select_n3A_1136 = arith.select %ge3A_1135, %select_n3A_1113, %select_n3A_1118 : vector<16xi1>, vector<16xf32>
          %select_n3A_1137 = arith.select %ge3A_1135, %select_n3A_1114, %select_n3A_1119 : vector<16xi1>, vector<16xi32>
          %select_n3A_1138 = arith.select %ge3A_1135, %select_n3A_1118, %select_n3A_1113 : vector<16xi1>, vector<16xf32>
          %select_n3A_1139 = arith.select %ge3A_1135, %select_n3A_1119, %select_n3A_1114 : vector<16xi1>, vector<16xi32>
          %ge3A_1140 = arith.cmpf oge, %select_n3A_1121, %select_n3A_1126 : vector<16xf32>
          %select_n3A_1141 = arith.select %ge3A_1140, %select_n3A_1121, %select_n3A_1126 : vector<16xi1>, vector<16xf32>
          %select_n3A_1142 = arith.select %ge3A_1140, %select_n3A_1122, %select_n3A_1127 : vector<16xi1>, vector<16xi32>
          %select_n3A_1143 = arith.select %ge3A_1140, %select_n3A_1126, %select_n3A_1121 : vector<16xi1>, vector<16xf32>
          %select_n3A_1144 = arith.select %ge3A_1140, %select_n3A_1127, %select_n3A_1122 : vector<16xi1>, vector<16xi32>
          %ge3A_1145 = arith.cmpf oge, %select_n3A_1123, %select_n3A_1128 : vector<16xf32>
          %select_n3A_1146 = arith.select %ge3A_1145, %select_n3A_1123, %select_n3A_1128 : vector<16xi1>, vector<16xf32>
          %select_n3A_1147 = arith.select %ge3A_1145, %select_n3A_1124, %select_n3A_1129 : vector<16xi1>, vector<16xi32>
          %select_n3A_1148 = arith.select %ge3A_1145, %select_n3A_1128, %select_n3A_1123 : vector<16xi1>, vector<16xf32>
          %select_n3A_1149 = arith.select %ge3A_1145, %select_n3A_1129, %select_n3A_1124 : vector<16xi1>, vector<16xi32>
          %masked_sort3A_1150 = arith.constant dense<true> : vector<16xi1>
          %masked_sort3A_1151, %masked_sort3A_1152, %masked_sort3A_1153 = tpu.sort %select_n3A_1131, %select_n3A_1132 masked %masked_sort3A_1150 {descending = true} : (vector<16xf32>, vector<16xi32>, vector<16xi1>) -> (vector<16xi1>, vector<16xf32>, vector<16xi32>)
          %masked_sort3A_1154 = arith.constant dense<true> : vector<16xi1>
          %masked_sort3A_1155, %masked_sort3A_1156, %masked_sort3A_1157 = tpu.sort %select_n3A_1133, %select_n3A_1134 masked %masked_sort3A_1154 {descending = true} : (vector<16xf32>, vector<16xi32>, vector<16xi1>) -> (vector<16xi1>, vector<16xf32>, vector<16xi32>)
          %masked_sort3A_1158 = arith.constant dense<true> : vector<16xi1>
          %masked_sort3A_1159, %masked_sort3A_1160, %masked_sort3A_1161 = tpu.sort %select_n3A_1136, %select_n3A_1137 masked %masked_sort3A_1158 {descending = true} : (vector<16xf32>, vector<16xi32>, vector<16xi1>) -> (vector<16xi1>, vector<16xf32>, vector<16xi32>)
          %masked_sort3A_1162 = arith.constant dense<true> : vector<16xi1>
          %masked_sort3A_1163, %masked_sort3A_1164, %masked_sort3A_1165 = tpu.sort %select_n3A_1138, %select_n3A_1139 masked %masked_sort3A_1162 {descending = true} : (vector<16xf32>, vector<16xi32>, vector<16xi1>) -> (vector<16xi1>, vector<16xf32>, vector<16xi32>)
          %masked_sort3A_1166 = arith.constant dense<true> : vector<16xi1>
          %masked_sort3A_1167, %masked_sort3A_1168, %masked_sort3A_1169 = tpu.sort %select_n3A_1141, %select_n3A_1142 masked %masked_sort3A_1166 {descending = true} : (vector<16xf32>, vector<16xi32>, vector<16xi1>) -> (vector<16xi1>, vector<16xf32>, vector<16xi32>)
          %masked_sort3A_1170 = arith.constant dense<true> : vector<16xi1>
          %masked_sort3A_1171, %masked_sort3A_1172, %masked_sort3A_1173 = tpu.sort %select_n3A_1143, %select_n3A_1144 masked %masked_sort3A_1170 {descending = true} : (vector<16xf32>, vector<16xi32>, vector<16xi1>) -> (vector<16xi1>, vector<16xf32>, vector<16xi32>)
          %masked_sort3A_1174 = arith.constant dense<true> : vector<16xi1>
          %masked_sort3A_1175, %masked_sort3A_1176, %masked_sort3A_1177 = tpu.sort %select_n3A_1146, %select_n3A_1147 masked %masked_sort3A_1174 {descending = true} : (vector<16xf32>, vector<16xi32>, vector<16xi1>) -> (vector<16xi1>, vector<16xf32>, vector<16xi32>)
          %masked_sort3A_1178 = arith.constant dense<true> : vector<16xi1>
          %masked_sort3A_1179, %masked_sort3A_1180, %masked_sort3A_1181 = tpu.sort %select_n3A_1148, %select_n3A_1149 masked %masked_sort3A_1178 {descending = true} : (vector<16xf32>, vector<16xi32>, vector<16xi1>) -> (vector<16xi1>, vector<16xf32>, vector<16xi32>)
          scf.yield %masked_sort3A_1152, %masked_sort3A_1156, %masked_sort3A_1160, %masked_sort3A_1164, %masked_sort3A_1168, %masked_sort3A_1172, %masked_sort3A_1176, %masked_sort3A_1180, %masked_sort3A_1153, %masked_sort3A_1157, %masked_sort3A_1161, %masked_sort3A_1165, %masked_sort3A_1169, %masked_sort3A_1173, %masked_sort3A_1177, %masked_sort3A_1181 : vector<16xf32>, vector<16xf32>, vector<16xf32>, vector<16xf32>, vector<16xf32>, vector<16xf32>, vector<16xf32>, vector<16xf32>, vector<16xi32>, vector<16xi32>, vector<16xi32>, vector<16xi32>, vector<16xi32>, vector<16xi32>, vector<16xi32>, vector<16xi32>
        }
        %while3A_572 = arith.constant 1 : i32
        %while3A_573:16 = scf.for %while3A_770 = %while3A_569 to %while3A_565 step %while3A_572 iter_args(%while3A_771 = %while3A_571#0, %while3A_772 = %while3A_571#1, %while3A_773 = %while3A_571#2, %while3A_774 = %while3A_571#3, %while3A_775 = %while3A_571#4, %while3A_776 = %while3A_571#5, %while3A_777 = %while3A_571#6, %while3A_778 = %while3A_571#7, %while3A_779 = %while3A_571#8, %while3A_780 = %while3A_571#9, %while3A_781 = %while3A_571#10, %while3A_782 = %while3A_571#11, %while3A_783 = %while3A_571#12, %while3A_784 = %while3A_571#13, %while3A_785 = %while3A_571#14, %while3A_786 = %while3A_571#15) -> (vector<16xf32>, vector<16xf32>, vector<16xf32>, vector<16xf32>, vector<16xf32>, vector<16xf32>, vector<16xf32>, vector<16xf32>, vector<16xi32>, vector<16xi32>, vector<16xi32>, vector<16xi32>, vector<16xi32>, vector<16xi32>, vector<16xi32>, vector<16xi32>)  : i32 {
          %mul3A_787 = arith.constant 16 : i32
          %mul3A_788 = arith.muli %while3A_770, %mul3A_787 : i32
          %get3A_789 = arith.index_cast %mul3A_788 : i32 to index
          %get3A_790 = tpu.vector_load %arg10[%get3A_789] {strides = array<i32>} : memref<1040xf32, #tpu.memory_space<vmem>>, vector<16xf32>,
          %mul3A_791 = arith.constant 16 : i32
          %mul3A_792 = arith.muli %while3A_770, %mul3A_791 : i32
          %get3A_793 = arith.index_cast %mul3A_792 : i32 to index
          %get3A_794 = tpu.vector_load %arg11[%get3A_793] {strides = array<i32>} : memref<1040xi32, #tpu.memory_space<vmem>>, vector<16xi32>,
          %masked_sort3A_795 = arith.constant dense<true> : vector<16xi1>
          %masked_sort3A_796, %masked_sort3A_797, %masked_sort3A_798 = tpu.sort %get3A_790, %get3A_794 masked %masked_sort3A_795 {descending = true} : (vector<16xf32>, vector<16xi32>, vector<16xi1>) -> (vector<16xi1>, vector<16xf32>, vector<16xi32>)
          %rev3A_799 = arith.constant 15 : i32
          %rev3A_800 = vector.broadcast %rev3A_799 : i32 to vector<16xi32>
          %rev3A_801 = tpu.iota {dimensions = array<i32: 0>} : vector<16xi32>
          %rev3A_802 = arith.subi %rev3A_800, %rev3A_801 : vector<16xi32>
          %rev3A_803 = tpu.dynamic_gather %masked_sort3A_797[%rev3A_802] in [0] : vector<16xf32>, vector<16xi32> -> vector<16xf32>
          %rev3A_804 = arith.constant 15 : i32
          %rev3A_805 = vector.broadcast %rev3A_804 : i32 to vector<16xi32>
          %rev3A_806 = tpu.iota {dimensions = array<i32: 0>} : vector<16xi32>
          %rev3A_807 = arith.subi %rev3A_805, %rev3A_806 : vector<16xi32>
          %rev3A_808 = tpu.dynamic_gather %masked_sort3A_798[%rev3A_807] in [0] : vector<16xi32>, vector<16xi32> -> vector<16xi32>
          %ge3A_809 = arith.cmpf oge, %while3A_778, %rev3A_803 : vector<16xf32>
          %select_n3A_810 = arith.select %ge3A_809, %while3A_778, %rev3A_803 : vector<16xi1>, vector<16xf32>
          %select_n3A_811 = arith.select %ge3A_809, %while3A_786, %rev3A_808 : vector<16xi1>, vector<16xi32>
          %select_n3A_812 = arith.select %ge3A_809, %rev3A_803, %while3A_778 : vector<16xi1>, vector<16xf32>
          %select_n3A_813 = arith.select %ge3A_809, %rev3A_808, %while3A_786 : vector<16xi1>, vector<16xi32>
          %masked_sort3A_814 = arith.constant dense<true> : vector<16xi1>
          %masked_sort3A_815, %masked_sort3A_816, %masked_sort3A_817 = tpu.sort %while3A_771, %while3A_779 masked %masked_sort3A_814 {descending = true} : (vector<16xf32>, vector<16xi32>, vector<16xi1>) -> (vector<16xi1>, vector<16xf32>, vector<16xi32>)
          %masked_sort3A_818 = arith.constant dense<true> : vector<16xi1>
          %masked_sort3A_819, %masked_sort3A_820, %masked_sort3A_821 = tpu.sort %while3A_772, %while3A_780 masked %masked_sort3A_818 {descending = true} : (vector<16xf32>, vector<16xi32>, vector<16xi1>) -> (vector<16xi1>, vector<16xf32>, vector<16xi32>)
          %masked_sort3A_822 = arith.constant dense<true> : vector<16xi1>
          %masked_sort3A_823, %masked_sort3A_824, %masked_sort3A_825 = tpu.sort %while3A_773, %while3A_781 masked %masked_sort3A_822 {descending = true} : (vector<16xf32>, vector<16xi32>, vector<16xi1>) -> (vector<16xi1>, vector<16xf32>, vector<16xi32>)
          %masked_sort3A_826 = arith.constant dense<true> : vector<16xi1>
          %masked_sort3A_827, %masked_sort3A_828, %masked_sort3A_829 = tpu.sort %while3A_774, %while3A_782 masked %masked_sort3A_826 {descending = true} : (vector<16xf32>, vector<16xi32>, vector<16xi1>) -> (vector<16xi1>, vector<16xf32>, vector<16xi32>)
          %masked_sort3A_830 = arith.constant dense<true> : vector<16xi1>
          %masked_sort3A_831, %masked_sort3A_832, %masked_sort3A_833 = tpu.sort %while3A_775, %while3A_783 masked %masked_sort3A_830 {descending = true} : (vector<16xf32>, vector<16xi32>, vector<16xi1>) -> (vector<16xi1>, vector<16xf32>, vector<16xi32>)
          %masked_sort3A_834 = arith.constant dense<true> : vector<16xi1>
          %masked_sort3A_835, %masked_sort3A_836, %masked_sort3A_837 = tpu.sort %while3A_776, %while3A_784 masked %masked_sort3A_834 {descending = true} : (vector<16xf32>, vector<16xi32>, vector<16xi1>) -> (vector<16xi1>, vector<16xf32>, vector<16xi32>)
          %masked_sort3A_838 = arith.constant dense<true> : vector<16xi1>
          %masked_sort3A_839, %masked_sort3A_840, %masked_sort3A_841 = tpu.sort %while3A_777, %while3A_785 masked %masked_sort3A_838 {descending = true} : (vector<16xf32>, vector<16xi32>, vector<16xi1>) -> (vector<16xi1>, vector<16xf32>, vector<16xi32>)
          %masked_sort3A_842 = arith.constant dense<true> : vector<16xi1>
          %masked_sort3A_843, %masked_sort3A_844, %masked_sort3A_845 = tpu.sort %select_n3A_810, %select_n3A_811 masked %masked_sort3A_842 {descending = true} : (vector<16xf32>, vector<16xi32>, vector<16xi1>) -> (vector<16xi1>, vector<16xf32>, vector<16xi32>)
          %rev3A_846 = arith.constant 15 : i32
          %rev3A_847 = vector.broadcast %rev3A_846 : i32 to vector<16xi32>
          %rev3A_848 = tpu.iota {dimensions = array<i32: 0>} : vector<16xi32>
          %rev3A_849 = arith.subi %rev3A_847, %rev3A_848 : vector<16xi32>
          %rev3A_850 = tpu.dynamic_gather %masked_sort3A_820[%rev3A_849] in [0] : vector<16xf32>, vector<16xi32> -> vector<16xf32>
          %rev3A_851 = arith.constant 15 : i32
          %rev3A_852 = vector.broadcast %rev3A_851 : i32 to vector<16xi32>
          %rev3A_853 = tpu.iota {dimensions = array<i32: 0>} : vector<16xi32>
          %rev3A_854 = arith.subi %rev3A_852, %rev3A_853 : vector<16xi32>
          %rev3A_855 = tpu.dynamic_gather %masked_sort3A_821[%rev3A_854] in [0] : vector<16xi32>, vector<16xi32> -> vector<16xi32>
          %ge3A_856 = arith.cmpf oge, %masked_sort3A_816, %rev3A_850 : vector<16xf32>
          %select_n3A_857 = arith.select %ge3A_856, %masked_sort3A_816, %rev3A_850 : vector<16xi1>, vector<16xf32>
          %select_n3A_858 = arith.select %ge3A_856, %masked_sort3A_817, %rev3A_855 : vector<16xi1>, vector<16xi32>
          %select_n3A_859 = arith.select %ge3A_856, %rev3A_850, %masked_sort3A_816 : vector<16xi1>, vector<16xf32>
          %select_n3A_860 = arith.select %ge3A_856, %rev3A_855, %masked_sort3A_817 : vector<16xi1>, vector<16xi32>
          %masked_sort3A_861 = arith.constant dense<true> : vector<16xi1>
          %masked_sort3A_862, %masked_sort3A_863, %masked_sort3A_864 = tpu.sort %select_n3A_857, %select_n3A_858 masked %masked_sort3A_861 {descending = true} : (vector<16xf32>, vector<16xi32>, vector<16xi1>) -> (vector<16xi1>, vector<16xf32>, vector<16xi32>)
          %masked_sort3A_865 = arith.constant dense<true> : vector<16xi1>
          %masked_sort3A_866, %masked_sort3A_867, %masked_sort3A_868 = tpu.sort %select_n3A_859, %select_n3A_860 masked %masked_sort3A_865 {descending = true} : (vector<16xf32>, vector<16xi32>, vector<16xi1>) -> (vector<16xi1>, vector<16xf32>, vector<16xi32>)
          %rev3A_869 = arith.constant 15 : i32
          %rev3A_870 = vector.broadcast %rev3A_869 : i32 to vector<16xi32>
          %rev3A_871 = tpu.iota {dimensions = array<i32: 0>} : vector<16xi32>
          %rev3A_872 = arith.subi %rev3A_870, %rev3A_871 : vector<16xi32>
          %rev3A_873 = tpu.dynamic_gather %masked_sort3A_828[%rev3A_872] in [0] : vector<16xf32>, vector<16xi32> -> vector<16xf32>
          %rev3A_874 = arith.constant 15 : i32
          %rev3A_875 = vector.broadcast %rev3A_874 : i32 to vector<16xi32>
          %rev3A_876 = tpu.iota {dimensions = array<i32: 0>} : vector<16xi32>
          %rev3A_877 = arith.subi %rev3A_875, %rev3A_876 : vector<16xi32>
          %rev3A_878 = tpu.dynamic_gather %masked_sort3A_829[%rev3A_877] in [0] : vector<16xi32>, vector<16xi32> -> vector<16xi32>
          %ge3A_879 = arith.cmpf oge, %masked_sort3A_824, %rev3A_873 : vector<16xf32>
          %select_n3A_880 = arith.select %ge3A_879, %masked_sort3A_824, %rev3A_873 : vector<16xi1>, vector<16xf32>
          %select_n3A_881 = arith.select %ge3A_879, %masked_sort3A_825, %rev3A_878 : vector<16xi1>, vector<16xi32>
          %select_n3A_882 = arith.select %ge3A_879, %rev3A_873, %masked_sort3A_824 : vector<16xi1>, vector<16xf32>
          %select_n3A_883 = arith.select %ge3A_879, %rev3A_878, %masked_sort3A_825 : vector<16xi1>, vector<16xi32>
          %masked_sort3A_884 = arith.constant dense<true> : vector<16xi1>
          %masked_sort3A_885, %masked_sort3A_886, %masked_sort3A_887 = tpu.sort %select_n3A_880, %select_n3A_881 masked %masked_sort3A_884 {descending = true} : (vector<16xf32>, vector<16xi32>, vector<16xi1>) -> (vector<16xi1>, vector<16xf32>, vector<16xi32>)
          %masked_sort3A_888 = arith.constant dense<true> : vector<16xi1>
          %masked_sort3A_889, %masked_sort3A_890, %masked_sort3A_891 = tpu.sort %select_n3A_882, %select_n3A_883 masked %masked_sort3A_888 {descending = true} : (vector<16xf32>, vector<16xi32>, vector<16xi1>) -> (vector<16xi1>, vector<16xf32>, vector<16xi32>)
          %rev3A_892 = arith.constant 15 : i32
          %rev3A_893 = vector.broadcast %rev3A_892 : i32 to vector<16xi32>
          %rev3A_894 = tpu.iota {dimensions = array<i32: 0>} : vector<16xi32>
          %rev3A_895 = arith.subi %rev3A_893, %rev3A_894 : vector<16xi32>
          %rev3A_896 = tpu.dynamic_gather %masked_sort3A_836[%rev3A_895] in [0] : vector<16xf32>, vector<16xi32> -> vector<16xf32>
          %rev3A_897 = arith.constant 15 : i32
          %rev3A_898 = vector.broadcast %rev3A_897 : i32 to vector<16xi32>
          %rev3A_899 = tpu.iota {dimensions = array<i32: 0>} : vector<16xi32>
          %rev3A_900 = arith.subi %rev3A_898, %rev3A_899 : vector<16xi32>
          %rev3A_901 = tpu.dynamic_gather %masked_sort3A_837[%rev3A_900] in [0] : vector<16xi32>, vector<16xi32> -> vector<16xi32>
          %ge3A_902 = arith.cmpf oge, %masked_sort3A_832, %rev3A_896 : vector<16xf32>
          %select_n3A_903 = arith.select %ge3A_902, %masked_sort3A_832, %rev3A_896 : vector<16xi1>, vector<16xf32>
          %select_n3A_904 = arith.select %ge3A_902, %masked_sort3A_833, %rev3A_901 : vector<16xi1>, vector<16xi32>
          %select_n3A_905 = arith.select %ge3A_902, %rev3A_896, %masked_sort3A_832 : vector<16xi1>, vector<16xf32>
          %select_n3A_906 = arith.select %ge3A_902, %rev3A_901, %masked_sort3A_833 : vector<16xi1>, vector<16xi32>
          %masked_sort3A_907 = arith.constant dense<true> : vector<16xi1>
          %masked_sort3A_908, %masked_sort3A_909, %masked_sort3A_910 = tpu.sort %select_n3A_903, %select_n3A_904 masked %masked_sort3A_907 {descending = true} : (vector<16xf32>, vector<16xi32>, vector<16xi1>) -> (vector<16xi1>, vector<16xf32>, vector<16xi32>)
          %masked_sort3A_911 = arith.constant dense<true> : vector<16xi1>
          %masked_sort3A_912, %masked_sort3A_913, %masked_sort3A_914 = tpu.sort %select_n3A_905, %select_n3A_906 masked %masked_sort3A_911 {descending = true} : (vector<16xf32>, vector<16xi32>, vector<16xi1>) -> (vector<16xi1>, vector<16xf32>, vector<16xi32>)
          %rev3A_915 = arith.constant 15 : i32
          %rev3A_916 = vector.broadcast %rev3A_915 : i32 to vector<16xi32>
          %rev3A_917 = tpu.iota {dimensions = array<i32: 0>} : vector<16xi32>
          %rev3A_918 = arith.subi %rev3A_916, %rev3A_917 : vector<16xi32>
          %rev3A_919 = tpu.dynamic_gather %masked_sort3A_844[%rev3A_918] in [0] : vector<16xf32>, vector<16xi32> -> vector<16xf32>
          %rev3A_920 = arith.constant 15 : i32
          %rev3A_921 = vector.broadcast %rev3A_920 : i32 to vector<16xi32>
          %rev3A_922 = tpu.iota {dimensions = array<i32: 0>} : vector<16xi32>
          %rev3A_923 = arith.subi %rev3A_921, %rev3A_922 : vector<16xi32>
          %rev3A_924 = tpu.dynamic_gather %masked_sort3A_845[%rev3A_923] in [0] : vector<16xi32>, vector<16xi32> -> vector<16xi32>
          %ge3A_925 = arith.cmpf oge, %masked_sort3A_840, %rev3A_919 : vector<16xf32>
          %select_n3A_926 = arith.select %ge3A_925, %masked_sort3A_840, %rev3A_919 : vector<16xi1>, vector<16xf32>
          %select_n3A_927 = arith.select %ge3A_925, %masked_sort3A_841, %rev3A_924 : vector<16xi1>, vector<16xi32>
          %select_n3A_928 = arith.select %ge3A_925, %rev3A_919, %masked_sort3A_840 : vector<16xi1>, vector<16xf32>
          %select_n3A_929 = arith.select %ge3A_925, %rev3A_924, %masked_sort3A_841 : vector<16xi1>, vector<16xi32>
          %masked_sort3A_930 = arith.constant dense<true> : vector<16xi1>
          %masked_sort3A_931, %masked_sort3A_932, %masked_sort3A_933 = tpu.sort %select_n3A_926, %select_n3A_927 masked %masked_sort3A_930 {descending = true} : (vector<16xf32>, vector<16xi32>, vector<16xi1>) -> (vector<16xi1>, vector<16xf32>, vector<16xi32>)
          %masked_sort3A_934 = arith.constant dense<true> : vector<16xi1>
          %masked_sort3A_935, %masked_sort3A_936, %masked_sort3A_937 = tpu.sort %select_n3A_928, %select_n3A_929 masked %masked_sort3A_934 {descending = true} : (vector<16xf32>, vector<16xi32>, vector<16xi1>) -> (vector<16xi1>, vector<16xf32>, vector<16xi32>)
          %rev3A_938 = arith.constant 15 : i32
          %rev3A_939 = vector.broadcast %rev3A_938 : i32 to vector<16xi32>
          %rev3A_940 = tpu.iota {dimensions = array<i32: 0>} : vector<16xi32>
          %rev3A_941 = arith.subi %rev3A_939, %rev3A_940 : vector<16xi32>
          %rev3A_942 = tpu.dynamic_gather %masked_sort3A_890[%rev3A_941] in [0] : vector<16xf32>, vector<16xi32> -> vector<16xf32>
          %rev3A_943 = arith.constant 15 : i32
          %rev3A_944 = vector.broadcast %rev3A_943 : i32 to vector<16xi32>
          %rev3A_945 = tpu.iota {dimensions = array<i32: 0>} : vector<16xi32>
          %rev3A_946 = arith.subi %rev3A_944, %rev3A_945 : vector<16xi32>
          %rev3A_947 = tpu.dynamic_gather %masked_sort3A_886[%rev3A_946] in [0] : vector<16xf32>, vector<16xi32> -> vector<16xf32>
          %rev3A_948 = arith.constant 15 : i32
          %rev3A_949 = vector.broadcast %rev3A_948 : i32 to vector<16xi32>
          %rev3A_950 = tpu.iota {dimensions = array<i32: 0>} : vector<16xi32>
          %rev3A_951 = arith.subi %rev3A_949, %rev3A_950 : vector<16xi32>
          %rev3A_952 = tpu.dynamic_gather %masked_sort3A_891[%rev3A_951] in [0] : vector<16xi32>, vector<16xi32> -> vector<16xi32>
          %rev3A_953 = arith.constant 15 : i32
          %rev3A_954 = vector.broadcast %rev3A_953 : i32 to vector<16xi32>
          %rev3A_955 = tpu.iota {dimensions = array<i32: 0>} : vector<16xi32>
          %rev3A_956 = arith.subi %rev3A_954, %rev3A_955 : vector<16xi32>
          %rev3A_957 = tpu.dynamic_gather %masked_sort3A_887[%rev3A_956] in [0] : vector<16xi32>, vector<16xi32> -> vector<16xi32>
          %ge3A_958 = arith.cmpf oge, %masked_sort3A_863, %rev3A_942 : vector<16xf32>
          %select_n3A_959 = arith.select %ge3A_958, %masked_sort3A_863, %rev3A_942 : vector<16xi1>, vector<16xf32>
          %select_n3A_960 = arith.select %ge3A_958, %masked_sort3A_864, %rev3A_952 : vector<16xi1>, vector<16xi32>
          %select_n3A_961 = arith.select %ge3A_958, %rev3A_942, %masked_sort3A_863 : vector<16xi1>, vector<16xf32>
          %select_n3A_962 = arith.select %ge3A_958, %rev3A_952, %masked_sort3A_864 : vector<16xi1>, vector<16xi32>
          %ge3A_963 = arith.cmpf oge, %masked_sort3A_867, %rev3A_947 : vector<16xf32>
          %select_n3A_964 = arith.select %ge3A_963, %masked_sort3A_867, %rev3A_947 : vector<16xi1>, vector<16xf32>
          %select_n3A_965 = arith.select %ge3A_963, %masked_sort3A_868, %rev3A_957 : vector<16xi1>, vector<16xi32>
          %select_n3A_966 = arith.select %ge3A_963, %rev3A_947, %masked_sort3A_867 : vector<16xi1>, vector<16xf32>
          %select_n3A_967 = arith.select %ge3A_963, %rev3A_957, %masked_sort3A_868 : vector<16xi1>, vector<16xi32>
          %ge3A_968 = arith.cmpf oge, %select_n3A_959, %select_n3A_964 : vector<16xf32>
          %select_n3A_969 = arith.select %ge3A_968, %select_n3A_959, %select_n3A_964 : vector<16xi1>, vector<16xf32>
          %select_n3A_970 = arith.select %ge3A_968, %select_n3A_960, %select_n3A_965 : vector<16xi1>, vector<16xi32>
          %select_n3A_971 = arith.select %ge3A_968, %select_n3A_964, %select_n3A_959 : vector<16xi1>, vector<16xf32>
          %select_n3A_972 = arith.select %ge3A_968, %select_n3A_965, %select_n3A_960 : vector<16xi1>, vector<16xi32>
          %ge3A_973 = arith.cmpf oge, %select_n3A_961, %select_n3A_966 : vector<16xf32>
          %select_n3A_974 = arith.select %ge3A_973, %select_n3A_961, %select_n3A_966 : vector<16xi1>, vector<16xf32>
          %select_n3A_975 = arith.select %ge3A_973, %select_n3A_962, %select_n3A_967 : vector<16xi1>, vector<16xi32>
          %select_n3A_976 = arith.select %ge3A_973, %select_n3A_966, %select_n3A_961 : vector<16xi1>, vector<16xf32>
          %select_n3A_977 = arith.select %ge3A_973, %select_n3A_967, %select_n3A_962 : vector<16xi1>, vector<16xi32>
          %masked_sort3A_978 = arith.constant dense<true> : vector<16xi1>
          %masked_sort3A_979, %masked_sort3A_980, %masked_sort3A_981 = tpu.sort %select_n3A_969, %select_n3A_970 masked %masked_sort3A_978 {descending = true} : (vector<16xf32>, vector<16xi32>, vector<16xi1>) -> (vector<16xi1>, vector<16xf32>, vector<16xi32>)
          %masked_sort3A_982 = arith.constant dense<true> : vector<16xi1>
          %masked_sort3A_983, %masked_sort3A_984, %masked_sort3A_985 = tpu.sort %select_n3A_971, %select_n3A_972 masked %masked_sort3A_982 {descending = true} : (vector<16xf32>, vector<16xi32>, vector<16xi1>) -> (vector<16xi1>, vector<16xf32>, vector<16xi32>)
          %masked_sort3A_986 = arith.constant dense<true> : vector<16xi1>
          %masked_sort3A_987, %masked_sort3A_988, %masked_sort3A_989 = tpu.sort %select_n3A_974, %select_n3A_975 masked %masked_sort3A_986 {descending = true} : (vector<16xf32>, vector<16xi32>, vector<16xi1>) -> (vector<16xi1>, vector<16xf32>, vector<16xi32>)
          %masked_sort3A_990 = arith.constant dense<true> : vector<16xi1>
          %masked_sort3A_991, %masked_sort3A_992, %masked_sort3A_993 = tpu.sort %select_n3A_976, %select_n3A_977 masked %masked_sort3A_990 {descending = true} : (vector<16xf32>, vector<16xi32>, vector<16xi1>) -> (vector<16xi1>, vector<16xf32>, vector<16xi32>)
          %rev3A_994 = arith.constant 15 : i32
          %rev3A_995 = vector.broadcast %rev3A_994 : i32 to vector<16xi32>
          %rev3A_996 = tpu.iota {dimensions = array<i32: 0>} : vector<16xi32>
          %rev3A_997 = arith.subi %rev3A_995, %rev3A_996 : vector<16xi32>
          %rev3A_998 = tpu.dynamic_gather %masked_sort3A_936[%rev3A_997] in [0] : vector<16xf32>, vector<16xi32> -> vector<16xf32>
          %rev3A_999 = arith.constant 15 : i32
          %rev3A_1000 = vector.broadcast %rev3A_999 : i32 to vector<16xi32>
          %rev3A_1001 = tpu.iota {dimensions = array<i32: 0>} : vector<16xi32>
          %rev3A_1002 = arith.subi %rev3A_1000, %rev3A_1001 : vector<16xi32>
          %rev3A_1003 = tpu.dynamic_gather %masked_sort3A_932[%rev3A_1002] in [0] : vector<16xf32>, vector<16xi32> -> vector<16xf32>
          %rev3A_1004 = arith.constant 15 : i32
          %rev3A_1005 = vector.broadcast %rev3A_1004 : i32 to vector<16xi32>
          %rev3A_1006 = tpu.iota {dimensions = array<i32: 0>} : vector<16xi32>
          %rev3A_1007 = arith.subi %rev3A_1005, %rev3A_1006 : vector<16xi32>
          %rev3A_1008 = tpu.dynamic_gather %masked_sort3A_937[%rev3A_1007] in [0] : vector<16xi32>, vector<16xi32> -> vector<16xi32>
          %rev3A_1009 = arith.constant 15 : i32
          %rev3A_1010 = vector.broadcast %rev3A_1009 : i32 to vector<16xi32>
          %rev3A_1011 = tpu.iota {dimensions = array<i32: 0>} : vector<16xi32>
          %rev3A_1012 = arith.subi %rev3A_1010, %rev3A_1011 : vector<16xi32>
          %rev3A_1013 = tpu.dynamic_gather %masked_sort3A_933[%rev3A_1012] in [0] : vector<16xi32>, vector<16xi32> -> vector<16xi32>
          %ge3A_1014 = arith.cmpf oge, %masked_sort3A_909, %rev3A_998 : vector<16xf32>
          %select_n3A_1015 = arith.select %ge3A_1014, %masked_sort3A_909, %rev3A_998 : vector<16xi1>, vector<16xf32>
          %select_n3A_1016 = arith.select %ge3A_1014, %masked_sort3A_910, %rev3A_1008 : vector<16xi1>, vector<16xi32>
          %select_n3A_1017 = arith.select %ge3A_1014, %rev3A_998, %masked_sort3A_909 : vector<16xi1>, vector<16xf32>
          %select_n3A_1018 = arith.select %ge3A_1014, %rev3A_1008, %masked_sort3A_910 : vector<16xi1>, vector<16xi32>
          %ge3A_1019 = arith.cmpf oge, %masked_sort3A_913, %rev3A_1003 : vector<16xf32>
          %select_n3A_1020 = arith.select %ge3A_1019, %masked_sort3A_913, %rev3A_1003 : vector<16xi1>, vector<16xf32>
          %select_n3A_1021 = arith.select %ge3A_1019, %masked_sort3A_914, %rev3A_1013 : vector<16xi1>, vector<16xi32>
          %select_n3A_1022 = arith.select %ge3A_1019, %rev3A_1003, %masked_sort3A_913 : vector<16xi1>, vector<16xf32>
          %select_n3A_1023 = arith.select %ge3A_1019, %rev3A_1013, %masked_sort3A_914 : vector<16xi1>, vector<16xi32>
          %ge3A_1024 = arith.cmpf oge, %select_n3A_1015, %select_n3A_1020 : vector<16xf32>
          %select_n3A_1025 = arith.select %ge3A_1024, %select_n3A_1015, %select_n3A_1020 : vector<16xi1>, vector<16xf32>
          %select_n3A_1026 = arith.select %ge3A_1024, %select_n3A_1016, %select_n3A_1021 : vector<16xi1>, vector<16xi32>
          %select_n3A_1027 = arith.select %ge3A_1024, %select_n3A_1020, %select_n3A_1015 : vector<16xi1>, vector<16xf32>
          %select_n3A_1028 = arith.select %ge3A_1024, %select_n3A_1021, %select_n3A_1016 : vector<16xi1>, vector<16xi32>
          %ge3A_1029 = arith.cmpf oge, %select_n3A_1017, %select_n3A_1022 : vector<16xf32>
          %select_n3A_1030 = arith.select %ge3A_1029, %select_n3A_1017, %select_n3A_1022 : vector<16xi1>, vector<16xf32>
          %select_n3A_1031 = arith.select %ge3A_1029, %select_n3A_1018, %select_n3A_1023 : vector<16xi1>, vector<16xi32>
          %select_n3A_1032 = arith.select %ge3A_1029, %select_n3A_1022, %select_n3A_1017 : vector<16xi1>, vector<16xf32>
          %select_n3A_1033 = arith.select %ge3A_1029, %select_n3A_1023, %select_n3A_1018 : vector<16xi1>, vector<16xi32>
          %masked_sort3A_1034 = arith.constant dense<true> : vector<16xi1>
          %masked_sort3A_1035, %masked_sort3A_1036, %masked_sort3A_1037 = tpu.sort %select_n3A_1025, %select_n3A_1026 masked %masked_sort3A_1034 {descending = true} : (vector<16xf32>, vector<16xi32>, vector<16xi1>) -> (vector<16xi1>, vector<16xf32>, vector<16xi32>)
          %masked_sort3A_1038 = arith.constant dense<true> : vector<16xi1>
          %masked_sort3A_1039, %masked_sort3A_1040, %masked_sort3A_1041 = tpu.sort %select_n3A_1027, %select_n3A_1028 masked %masked_sort3A_1038 {descending = true} : (vector<16xf32>, vector<16xi32>, vector<16xi1>) -> (vector<16xi1>, vector<16xf32>, vector<16xi32>)
          %masked_sort3A_1042 = arith.constant dense<true> : vector<16xi1>
          %masked_sort3A_1043, %masked_sort3A_1044, %masked_sort3A_1045 = tpu.sort %select_n3A_1030, %select_n3A_1031 masked %masked_sort3A_1042 {descending = true} : (vector<16xf32>, vector<16xi32>, vector<16xi1>) -> (vector<16xi1>, vector<16xf32>, vector<16xi32>)
          %masked_sort3A_1046 = arith.constant dense<true> : vector<16xi1>
          %masked_sort3A_1047, %masked_sort3A_1048, %masked_sort3A_1049 = tpu.sort %select_n3A_1032, %select_n3A_1033 masked %masked_sort3A_1046 {descending = true} : (vector<16xf32>, vector<16xi32>, vector<16xi1>) -> (vector<16xi1>, vector<16xf32>, vector<16xi32>)
          %rev3A_1050 = arith.constant 15 : i32
          %rev3A_1051 = vector.broadcast %rev3A_1050 : i32 to vector<16xi32>
          %rev3A_1052 = tpu.iota {dimensions = array<i32: 0>} : vector<16xi32>
          %rev3A_1053 = arith.subi %rev3A_1051, %rev3A_1052 : vector<16xi32>
          %rev3A_1054 = tpu.dynamic_gather %masked_sort3A_1048[%rev3A_1053] in [0] : vector<16xf32>, vector<16xi32> -> vector<16xf32>
          %rev3A_1055 = arith.constant 15 : i32
          %rev3A_1056 = vector.broadcast %rev3A_1055 : i32 to vector<16xi32>
          %rev3A_1057 = tpu.iota {dimensions = array<i32: 0>} : vector<16xi32>
          %rev3A_1058 = arith.subi %rev3A_1056, %rev3A_1057 : vector<16xi32>
          %rev3A_1059 = tpu.dynamic_gather %masked_sort3A_1044[%rev3A_1058] in [0] : vector<16xf32>, vector<16xi32> -> vector<16xf32>
          %rev3A_1060 = arith.constant 15 : i32
          %rev3A_1061 = vector.broadcast %rev3A_1060 : i32 to vector<16xi32>
          %rev3A_1062 = tpu.iota {dimensions = array<i32: 0>} : vector<16xi32>
          %rev3A_1063 = arith.subi %rev3A_1061, %rev3A_1062 : vector<16xi32>
          %rev3A_1064 = tpu.dynamic_gather %masked_sort3A_1040[%rev3A_1063] in [0] : vector<16xf32>, vector<16xi32> -> vector<16xf32>
          %rev3A_1065 = arith.constant 15 : i32
          %rev3A_1066 = vector.broadcast %rev3A_1065 : i32 to vector<16xi32>
          %rev3A_1067 = tpu.iota {dimensions = array<i32: 0>} : vector<16xi32>
          %rev3A_1068 = arith.subi %rev3A_1066, %rev3A_1067 : vector<16xi32>
          %rev3A_1069 = tpu.dynamic_gather %masked_sort3A_1036[%rev3A_1068] in [0] : vector<16xf32>, vector<16xi32> -> vector<16xf32>
          %rev3A_1070 = arith.constant 15 : i32
          %rev3A_1071 = vector.broadcast %rev3A_1070 : i32 to vector<16xi32>
          %rev3A_1072 = tpu.iota {dimensions = array<i32: 0>} : vector<16xi32>
          %rev3A_1073 = arith.subi %rev3A_1071, %rev3A_1072 : vector<16xi32>
          %rev3A_1074 = tpu.dynamic_gather %masked_sort3A_1049[%rev3A_1073] in [0] : vector<16xi32>, vector<16xi32> -> vector<16xi32>
          %rev3A_1075 = arith.constant 15 : i32
          %rev3A_1076 = vector.broadcast %rev3A_1075 : i32 to vector<16xi32>
          %rev3A_1077 = tpu.iota {dimensions = array<i32: 0>} : vector<16xi32>
          %rev3A_1078 = arith.subi %rev3A_1076, %rev3A_1077 : vector<16xi32>
          %rev3A_1079 = tpu.dynamic_gather %masked_sort3A_1045[%rev3A_1078] in [0] : vector<16xi32>, vector<16xi32> -> vector<16xi32>
          %rev3A_1080 = arith.constant 15 : i32
          %rev3A_1081 = vector.broadcast %rev3A_1080 : i32 to vector<16xi32>
          %rev3A_1082 = tpu.iota {dimensions = array<i32: 0>} : vector<16xi32>
          %rev3A_1083 = arith.subi %rev3A_1081, %rev3A_1082 : vector<16xi32>
          %rev3A_1084 = tpu.dynamic_gather %masked_sort3A_1041[%rev3A_1083] in [0] : vector<16xi32>, vector<16xi32> -> vector<16xi32>
          %rev3A_1085 = arith.constant 15 : i32
          %rev3A_1086 = vector.broadcast %rev3A_1085 : i32 to vector<16xi32>
          %rev3A_1087 = tpu.iota {dimensions = array<i32: 0>} : vector<16xi32>
          %rev3A_1088 = arith.subi %rev3A_1086, %rev3A_1087 : vector<16xi32>
          %rev3A_1089 = tpu.dynamic_gather %masked_sort3A_1037[%rev3A_1088] in [0] : vector<16xi32>, vector<16xi32> -> vector<16xi32>
          %ge3A_1090 = arith.cmpf oge, %masked_sort3A_980, %rev3A_1054 : vector<16xf32>
          %select_n3A_1091 = arith.select %ge3A_1090, %masked_sort3A_980, %rev3A_1054 : vector<16xi1>, vector<16xf32>
          %select_n3A_1092 = arith.select %ge3A_1090, %masked_sort3A_981, %rev3A_1074 : vector<16xi1>, vector<16xi32>
          %select_n3A_1093 = arith.select %ge3A_1090, %rev3A_1054, %masked_sort3A_980 : vector<16xi1>, vector<16xf32>
          %select_n3A_1094 = arith.select %ge3A_1090, %rev3A_1074, %masked_sort3A_981 : vector<16xi1>, vector<16xi32>
          %ge3A_1095 = arith.cmpf oge, %masked_sort3A_984, %rev3A_1059 : vector<16xf32>
          %select_n3A_1096 = arith.select %ge3A_1095, %masked_sort3A_984, %rev3A_1059 : vector<16xi1>, vector<16xf32>
          %select_n3A_1097 = arith.select %ge3A_1095, %masked_sort3A_985, %rev3A_1079 : vector<16xi1>, vector<16xi32>
          %select_n3A_1098 = arith.select %ge3A_1095, %rev3A_1059, %masked_sort3A_984 : vector<16xi1>, vector<16xf32>
          %select_n3A_1099 = arith.select %ge3A_1095, %rev3A_1079, %masked_sort3A_985 : vector<16xi1>, vector<16xi32>
          %ge3A_1100 = arith.cmpf oge, %masked_sort3A_988, %rev3A_1064 : vector<16xf32>
          %select_n3A_1101 = arith.select %ge3A_1100, %masked_sort3A_988, %rev3A_1064 : vector<16xi1>, vector<16xf32>
          %select_n3A_1102 = arith.select %ge3A_1100, %masked_sort3A_989, %rev3A_1084 : vector<16xi1>, vector<16xi32>
          %select_n3A_1103 = arith.select %ge3A_1100, %rev3A_1064, %masked_sort3A_988 : vector<16xi1>, vector<16xf32>
          %select_n3A_1104 = arith.select %ge3A_1100, %rev3A_1084, %masked_sort3A_989 : vector<16xi1>, vector<16xi32>
          %ge3A_1105 = arith.cmpf oge, %masked_sort3A_992, %rev3A_1069 : vector<16xf32>
          %select_n3A_1106 = arith.select %ge3A_1105, %masked_sort3A_992, %rev3A_1069 : vector<16xi1>, vector<16xf32>
          %select_n3A_1107 = arith.select %ge3A_1105, %masked_sort3A_993, %rev3A_1089 : vector<16xi1>, vector<16xi32>
          %select_n3A_1108 = arith.select %ge3A_1105, %rev3A_1069, %masked_sort3A_992 : vector<16xi1>, vector<16xf32>
          %select_n3A_1109 = arith.select %ge3A_1105, %rev3A_1089, %masked_sort3A_993 : vector<16xi1>, vector<16xi32>
          %ge3A_1110 = arith.cmpf oge, %select_n3A_1091, %select_n3A_1101 : vector<16xf32>
          %select_n3A_1111 = arith.select %ge3A_1110, %select_n3A_1091, %select_n3A_1101 : vector<16xi1>, vector<16xf32>
          %select_n3A_1112 = arith.select %ge3A_1110, %select_n3A_1092, %select_n3A_1102 : vector<16xi1>, vector<16xi32>
          %select_n3A_1113 = arith.select %ge3A_1110, %select_n3A_1101, %select_n3A_1091 : vector<16xi1>, vector<16xf32>
          %select_n3A_1114 = arith.select %ge3A_1110, %select_n3A_1102, %select_n3A_1092 : vector<16xi1>, vector<16xi32>
          %ge3A_1115 = arith.cmpf oge, %select_n3A_1096, %select_n3A_1106 : vector<16xf32>
          %select_n3A_1116 = arith.select %ge3A_1115, %select_n3A_1096, %select_n3A_1106 : vector<16xi1>, vector<16xf32>
          %select_n3A_1117 = arith.select %ge3A_1115, %select_n3A_1097, %select_n3A_1107 : vector<16xi1>, vector<16xi32>
          %select_n3A_1118 = arith.select %ge3A_1115, %select_n3A_1106, %select_n3A_1096 : vector<16xi1>, vector<16xf32>
          %select_n3A_1119 = arith.select %ge3A_1115, %select_n3A_1107, %select_n3A_1097 : vector<16xi1>, vector<16xi32>
          %ge3A_1120 = arith.cmpf oge, %select_n3A_1093, %select_n3A_1103 : vector<16xf32>
          %select_n3A_1121 = arith.select %ge3A_1120, %select_n3A_1093, %select_n3A_1103 : vector<16xi1>, vector<16xf32>
          %select_n3A_1122 = arith.select %ge3A_1120, %select_n3A_1094, %select_n3A_1104 : vector<16xi1>, vector<16xi32>
          %select_n3A_1123 = arith.select %ge3A_1120, %select_n3A_1103, %select_n3A_1093 : vector<16xi1>, vector<16xf32>
          %select_n3A_1124 = arith.select %ge3A_1120, %select_n3A_1104, %select_n3A_1094 : vector<16xi1>, vector<16xi32>
          %ge3A_1125 = arith.cmpf oge, %select_n3A_1098, %select_n3A_1108 : vector<16xf32>
          %select_n3A_1126 = arith.select %ge3A_1125, %select_n3A_1098, %select_n3A_1108 : vector<16xi1>, vector<16xf32>
          %select_n3A_1127 = arith.select %ge3A_1125, %select_n3A_1099, %select_n3A_1109 : vector<16xi1>, vector<16xi32>
          %select_n3A_1128 = arith.select %ge3A_1125, %select_n3A_1108, %select_n3A_1098 : vector<16xi1>, vector<16xf32>
          %select_n3A_1129 = arith.select %ge3A_1125, %select_n3A_1109, %select_n3A_1099 : vector<16xi1>, vector<16xi32>
          %ge3A_1130 = arith.cmpf oge, %select_n3A_1111, %select_n3A_1116 : vector<16xf32>
          %select_n3A_1131 = arith.select %ge3A_1130, %select_n3A_1111, %select_n3A_1116 : vector<16xi1>, vector<16xf32>
          %select_n3A_1132 = arith.select %ge3A_1130, %select_n3A_1112, %select_n3A_1117 : vector<16xi1>, vector<16xi32>
          %select_n3A_1133 = arith.select %ge3A_1130, %select_n3A_1116, %select_n3A_1111 : vector<16xi1>, vector<16xf32>
          %select_n3A_1134 = arith.select %ge3A_1130, %select_n3A_1117, %select_n3A_1112 : vector<16xi1>, vector<16xi32>
          %ge3A_1135 = arith.cmpf oge, %select_n3A_1113, %select_n3A_1118 : vector<16xf32>
          %select_n3A_1136 = arith.select %ge3A_1135, %select_n3A_1113, %select_n3A_1118 : vector<16xi1>, vector<16xf32>
          %select_n3A_1137 = arith.select %ge3A_1135, %select_n3A_1114, %select_n3A_1119 : vector<16xi1>, vector<16xi32>
          %select_n3A_1138 = arith.select %ge3A_1135, %select_n3A_1118, %select_n3A_1113 : vector<16xi1>, vector<16xf32>
          %select_n3A_1139 = arith.select %ge3A_1135, %select_n3A_1119, %select_n3A_1114 : vector<16xi1>, vector<16xi32>
          %ge3A_1140 = arith.cmpf oge, %select_n3A_1121, %select_n3A_1126 : vector<16xf32>
          %select_n3A_1141 = arith.select %ge3A_1140, %select_n3A_1121, %select_n3A_1126 : vector<16xi1>, vector<16xf32>
          %select_n3A_1142 = arith.select %ge3A_1140, %select_n3A_1122, %select_n3A_1127 : vector<16xi1>, vector<16xi32>
          %select_n3A_1143 = arith.select %ge3A_1140, %select_n3A_1126, %select_n3A_1121 : vector<16xi1>, vector<16xf32>
          %select_n3A_1144 = arith.select %ge3A_1140, %select_n3A_1127, %select_n3A_1122 : vector<16xi1>, vector<16xi32>
          %ge3A_1145 = arith.cmpf oge, %select_n3A_1123, %select_n3A_1128 : vector<16xf32>
          %select_n3A_1146 = arith.select %ge3A_1145, %select_n3A_1123, %select_n3A_1128 : vector<16xi1>, vector<16xf32>
          %select_n3A_1147 = arith.select %ge3A_1145, %select_n3A_1124, %select_n3A_1129 : vector<16xi1>, vector<16xi32>
          %select_n3A_1148 = arith.select %ge3A_1145, %select_n3A_1128, %select_n3A_1123 : vector<16xi1>, vector<16xf32>
          %select_n3A_1149 = arith.select %ge3A_1145, %select_n3A_1129, %select_n3A_1124 : vector<16xi1>, vector<16xi32>
          %masked_sort3A_1150 = arith.constant dense<true> : vector<16xi1>
          %masked_sort3A_1151, %masked_sort3A_1152, %masked_sort3A_1153 = tpu.sort %select_n3A_1131, %select_n3A_1132 masked %masked_sort3A_1150 {descending = true} : (vector<16xf32>, vector<16xi32>, vector<16xi1>) -> (vector<16xi1>, vector<16xf32>, vector<16xi32>)
          %masked_sort3A_1154 = arith.constant dense<true> : vector<16xi1>
          %masked_sort3A_1155, %masked_sort3A_1156, %masked_sort3A_1157 = tpu.sort %select_n3A_1133, %select_n3A_1134 masked %masked_sort3A_1154 {descending = true} : (vector<16xf32>, vector<16xi32>, vector<16xi1>) -> (vector<16xi1>, vector<16xf32>, vector<16xi32>)
          %masked_sort3A_1158 = arith.constant dense<true> : vector<16xi1>
          %masked_sort3A_1159, %masked_sort3A_1160, %masked_sort3A_1161 = tpu.sort %select_n3A_1136, %select_n3A_1137 masked %masked_sort3A_1158 {descending = true} : (vector<16xf32>, vector<16xi32>, vector<16xi1>) -> (vector<16xi1>, vector<16xf32>, vector<16xi32>)
          %masked_sort3A_1162 = arith.constant dense<true> : vector<16xi1>
          %masked_sort3A_1163, %masked_sort3A_1164, %masked_sort3A_1165 = tpu.sort %select_n3A_1138, %select_n3A_1139 masked %masked_sort3A_1162 {descending = true} : (vector<16xf32>, vector<16xi32>, vector<16xi1>) -> (vector<16xi1>, vector<16xf32>, vector<16xi32>)
          %masked_sort3A_1166 = arith.constant dense<true> : vector<16xi1>
          %masked_sort3A_1167, %masked_sort3A_1168, %masked_sort3A_1169 = tpu.sort %select_n3A_1141, %select_n3A_1142 masked %masked_sort3A_1166 {descending = true} : (vector<16xf32>, vector<16xi32>, vector<16xi1>) -> (vector<16xi1>, vector<16xf32>, vector<16xi32>)
          %masked_sort3A_1170 = arith.constant dense<true> : vector<16xi1>
          %masked_sort3A_1171, %masked_sort3A_1172, %masked_sort3A_1173 = tpu.sort %select_n3A_1143, %select_n3A_1144 masked %masked_sort3A_1170 {descending = true} : (vector<16xf32>, vector<16xi32>, vector<16xi1>) -> (vector<16xi1>, vector<16xf32>, vector<16xi32>)
          %masked_sort3A_1174 = arith.constant dense<true> : vector<16xi1>
          %masked_sort3A_1175, %masked_sort3A_1176, %masked_sort3A_1177 = tpu.sort %select_n3A_1146, %select_n3A_1147 masked %masked_sort3A_1174 {descending = true} : (vector<16xf32>, vector<16xi32>, vector<16xi1>) -> (vector<16xi1>, vector<16xf32>, vector<16xi32>)
          %masked_sort3A_1178 = arith.constant dense<true> : vector<16xi1>
          %masked_sort3A_1179, %masked_sort3A_1180, %masked_sort3A_1181 = tpu.sort %select_n3A_1148, %select_n3A_1149 masked %masked_sort3A_1178 {descending = true} : (vector<16xf32>, vector<16xi32>, vector<16xi1>) -> (vector<16xi1>, vector<16xf32>, vector<16xi32>)
          scf.yield %masked_sort3A_1152, %masked_sort3A_1156, %masked_sort3A_1160, %masked_sort3A_1164, %masked_sort3A_1168, %masked_sort3A_1172, %masked_sort3A_1176, %masked_sort3A_1180, %masked_sort3A_1153, %masked_sort3A_1157, %masked_sort3A_1161, %masked_sort3A_1165, %masked_sort3A_1169, %masked_sort3A_1173, %masked_sort3A_1177, %masked_sort3A_1181 : vector<16xf32>, vector<16xf32>, vector<16xf32>, vector<16xf32>, vector<16xf32>, vector<16xf32>, vector<16xf32>, vector<16xf32>, vector<16xi32>, vector<16xi32>, vector<16xi32>, vector<16xi32>, vector<16xi32>, vector<16xi32>, vector<16xi32>, vector<16xi32>
        }
        %min3A = arith.constant 128 : i32
        %min3A_574 = arith.minsi %scan3A_145, %min3A : i32
        %add3A_575 = arith.constant 0 : i32
        %add3A_576 = vector.broadcast %add3A_575 : i32 to vector<16xi32>
        %add3A_577 = arith.addi %iota3A, %add3A_576 : vector<16xi32>
        %lt3A_578 = vector.broadcast %min3A_574 : i32 to vector<16xi32>
        %lt3A_579 = arith.cmpi slt, %add3A_577, %lt3A_578 : vector<16xi32>
        %jit3A_580 = arith.constant 0 : i32
        %broadcast_in_dim3A_581 = vector.broadcast %jit3A_580 : i32 to vector<16xi32>
        %select_n3A_582 = arith.select %lt3A_579, %while3A_573#8, %broadcast_in_dim3A_581 : vector<16xi1>, vector<16xi32>
        %mul3A_583 = arith.constant 2048 : i32
        %mul3A_584 = arith.muli %rem3A_52, %mul3A_583 : i32
        %mul3A_585 = arith.constant 128 : i32
        %mul3A_586 = arith.muli %scan3A_117, %mul3A_585 : i32
        %add3A_587 = arith.addi %mul3A_584, %mul3A_586 : i32
        %add3A_588 = arith.constant 0 : i32
        %add3A_589 = arith.addi %add3A_587, %add3A_588 : i32
        %swap3A_590 = arith.index_cast %add3A_589 : i32 to index
        %swap3A_591 = tpu.vector_load %arg8[%swap3A_590] {strides = array<i32>} : memref<4096xi32, #tpu.memory_space<vmem>>, vector<16xi32>,
        tpu.vector_store %arg8[%swap3A_590], %select_n3A_582 {strides = array<i32>} : memref<4096xi32, #tpu.memory_space<vmem>>, vector<16xi32>,
        %mul3A_592 = arith.constant 16384 : i32
        %mul3A_593 = arith.muli %rem3A_52, %mul3A_592 : i32
        %mul3A_594 = arith.constant 1024 : i32
        %mul3A_595 = arith.muli %scan3A_117, %mul3A_594 : i32
        %add3A_596 = arith.addi %mul3A_593, %mul3A_595 : i32
        %add3A_597 = vector.broadcast %add3A_596 : i32 to vector<16xi32>
        %add3A_598 = arith.addi %add3A_597, %while3A_573#8 : vector<16xi32>
        tpu.vector_store_idx %arg14[%add3A_598], %broadcast_in_dim3A_3 masked %lt3A_579 {add = true} : memref<32768xf32, #tpu.memory_space<vmem>>[vector<16xi32>], vector<16xf32>, vector<16xi1>
        %add3A_599 = arith.constant 16 : i32
        %add3A_600 = vector.broadcast %add3A_599 : i32 to vector<16xi32>
        %add3A_601 = arith.addi %iota3A, %add3A_600 : vector<16xi32>
        %lt3A_602 = vector.broadcast %min3A_574 : i32 to vector<16xi32>
        %lt3A_603 = arith.cmpi slt, %add3A_601, %lt3A_602 : vector<16xi32>
        %jit3A_604 = arith.constant 0 : i32
        %broadcast_in_dim3A_605 = vector.broadcast %jit3A_604 : i32 to vector<16xi32>
        %select_n3A_606 = arith.select %lt3A_603, %while3A_573#9, %broadcast_in_dim3A_605 : vector<16xi1>, vector<16xi32>
        %mul3A_607 = arith.constant 2048 : i32
        %mul3A_608 = arith.muli %rem3A_52, %mul3A_607 : i32
        %mul3A_609 = arith.constant 128 : i32
        %mul3A_610 = arith.muli %scan3A_117, %mul3A_609 : i32
        %add3A_611 = arith.addi %mul3A_608, %mul3A_610 : i32
        %add3A_612 = arith.constant 16 : i32
        %add3A_613 = arith.addi %add3A_611, %add3A_612 : i32
        %swap3A_614 = arith.index_cast %add3A_613 : i32 to index
        %swap3A_615 = tpu.vector_load %arg8[%swap3A_614] {strides = array<i32>} : memref<4096xi32, #tpu.memory_space<vmem>>, vector<16xi32>,
        tpu.vector_store %arg8[%swap3A_614], %select_n3A_606 {strides = array<i32>} : memref<4096xi32, #tpu.memory_space<vmem>>, vector<16xi32>,
        %mul3A_616 = arith.constant 16384 : i32
        %mul3A_617 = arith.muli %rem3A_52, %mul3A_616 : i32
        %mul3A_618 = arith.constant 1024 : i32
        %mul3A_619 = arith.muli %scan3A_117, %mul3A_618 : i32
        %add3A_620 = arith.addi %mul3A_617, %mul3A_619 : i32
        %add3A_621 = vector.broadcast %add3A_620 : i32 to vector<16xi32>
        %add3A_622 = arith.addi %add3A_621, %while3A_573#9 : vector<16xi32>
        tpu.vector_store_idx %arg14[%add3A_622], %broadcast_in_dim3A_3 masked %lt3A_603 {add = true} : memref<32768xf32, #tpu.memory_space<vmem>>[vector<16xi32>], vector<16xf32>, vector<16xi1>
        %add3A_623 = arith.constant 32 : i32
        %add3A_624 = vector.broadcast %add3A_623 : i32 to vector<16xi32>
        %add3A_625 = arith.addi %iota3A, %add3A_624 : vector<16xi32>
        %lt3A_626 = vector.broadcast %min3A_574 : i32 to vector<16xi32>
        %lt3A_627 = arith.cmpi slt, %add3A_625, %lt3A_626 : vector<16xi32>
        %jit3A_628 = arith.constant 0 : i32
        %broadcast_in_dim3A_629 = vector.broadcast %jit3A_628 : i32 to vector<16xi32>
        %select_n3A_630 = arith.select %lt3A_627, %while3A_573#10, %broadcast_in_dim3A_629 : vector<16xi1>, vector<16xi32>
        %mul3A_631 = arith.constant 2048 : i32
        %mul3A_632 = arith.muli %rem3A_52, %mul3A_631 : i32
        %mul3A_633 = arith.constant 128 : i32
        %mul3A_634 = arith.muli %scan3A_117, %mul3A_633 : i32
        %add3A_635 = arith.addi %mul3A_632, %mul3A_634 : i32
        %add3A_636 = arith.constant 32 : i32
        %add3A_637 = arith.addi %add3A_635, %add3A_636 : i32
        %swap3A_638 = arith.index_cast %add3A_637 : i32 to index
        %swap3A_639 = tpu.vector_load %arg8[%swap3A_638] {strides = array<i32>} : memref<4096xi32, #tpu.memory_space<vmem>>, vector<16xi32>,
        tpu.vector_store %arg8[%swap3A_638], %select_n3A_630 {strides = array<i32>} : memref<4096xi32, #tpu.memory_space<vmem>>, vector<16xi32>,
        %mul3A_640 = arith.constant 16384 : i32
        %mul3A_641 = arith.muli %rem3A_52, %mul3A_640 : i32
        %mul3A_642 = arith.constant 1024 : i32
        %mul3A_643 = arith.muli %scan3A_117, %mul3A_642 : i32
        %add3A_644 = arith.addi %mul3A_641, %mul3A_643 : i32
        %add3A_645 = vector.broadcast %add3A_644 : i32 to vector<16xi32>
        %add3A_646 = arith.addi %add3A_645, %while3A_573#10 : vector<16xi32>
        tpu.vector_store_idx %arg14[%add3A_646], %broadcast_in_dim3A_3 masked %lt3A_627 {add = true} : memref<32768xf32, #tpu.memory_space<vmem>>[vector<16xi32>], vector<16xf32>, vector<16xi1>
        %add3A_647 = arith.constant 48 : i32
        %add3A_648 = vector.broadcast %add3A_647 : i32 to vector<16xi32>
        %add3A_649 = arith.addi %iota3A, %add3A_648 : vector<16xi32>
        %lt3A_650 = vector.broadcast %min3A_574 : i32 to vector<16xi32>
        %lt3A_651 = arith.cmpi slt, %add3A_649, %lt3A_650 : vector<16xi32>
        %jit3A_652 = arith.constant 0 : i32
        %broadcast_in_dim3A_653 = vector.broadcast %jit3A_652 : i32 to vector<16xi32>
        %select_n3A_654 = arith.select %lt3A_651, %while3A_573#11, %broadcast_in_dim3A_653 : vector<16xi1>, vector<16xi32>
        %mul3A_655 = arith.constant 2048 : i32
        %mul3A_656 = arith.muli %rem3A_52, %mul3A_655 : i32
        %mul3A_657 = arith.constant 128 : i32
        %mul3A_658 = arith.muli %scan3A_117, %mul3A_657 : i32
        %add3A_659 = arith.addi %mul3A_656, %mul3A_658 : i32
        %add3A_660 = arith.constant 48 : i32
        %add3A_661 = arith.addi %add3A_659, %add3A_660 : i32
        %swap3A_662 = arith.index_cast %add3A_661 : i32 to index
        %swap3A_663 = tpu.vector_load %arg8[%swap3A_662] {strides = array<i32>} : memref<4096xi32, #tpu.memory_space<vmem>>, vector<16xi32>,
        tpu.vector_store %arg8[%swap3A_662], %select_n3A_654 {strides = array<i32>} : memref<4096xi32, #tpu.memory_space<vmem>>, vector<16xi32>,
        %mul3A_664 = arith.constant 16384 : i32
        %mul3A_665 = arith.muli %rem3A_52, %mul3A_664 : i32
        %mul3A_666 = arith.constant 1024 : i32
        %mul3A_667 = arith.muli %scan3A_117, %mul3A_666 : i32
        %add3A_668 = arith.addi %mul3A_665, %mul3A_667 : i32
        %add3A_669 = vector.broadcast %add3A_668 : i32 to vector<16xi32>
        %add3A_670 = arith.addi %add3A_669, %while3A_573#11 : vector<16xi32>
        tpu.vector_store_idx %arg14[%add3A_670], %broadcast_in_dim3A_3 masked %lt3A_651 {add = true} : memref<32768xf32, #tpu.memory_space<vmem>>[vector<16xi32>], vector<16xf32>, vector<16xi1>
        %add3A_671 = arith.constant 64 : i32
        %add3A_672 = vector.broadcast %add3A_671 : i32 to vector<16xi32>
        %add3A_673 = arith.addi %iota3A, %add3A_672 : vector<16xi32>
        %lt3A_674 = vector.broadcast %min3A_574 : i32 to vector<16xi32>
        %lt3A_675 = arith.cmpi slt, %add3A_673, %lt3A_674 : vector<16xi32>
        %jit3A_676 = arith.constant 0 : i32
        %broadcast_in_dim3A_677 = vector.broadcast %jit3A_676 : i32 to vector<16xi32>
        %select_n3A_678 = arith.select %lt3A_675, %while3A_573#12, %broadcast_in_dim3A_677 : vector<16xi1>, vector<16xi32>
        %mul3A_679 = arith.constant 2048 : i32
        %mul3A_680 = arith.muli %rem3A_52, %mul3A_679 : i32
        %mul3A_681 = arith.constant 128 : i32
        %mul3A_682 = arith.muli %scan3A_117, %mul3A_681 : i32
        %add3A_683 = arith.addi %mul3A_680, %mul3A_682 : i32
        %add3A_684 = arith.constant 64 : i32
        %add3A_685 = arith.addi %add3A_683, %add3A_684 : i32
        %swap3A_686 = arith.index_cast %add3A_685 : i32 to index
        %swap3A_687 = tpu.vector_load %arg8[%swap3A_686] {strides = array<i32>} : memref<4096xi32, #tpu.memory_space<vmem>>, vector<16xi32>,
        tpu.vector_store %arg8[%swap3A_686], %select_n3A_678 {strides = array<i32>} : memref<4096xi32, #tpu.memory_space<vmem>>, vector<16xi32>,
        %mul3A_688 = arith.constant 16384 : i32
        %mul3A_689 = arith.muli %rem3A_52, %mul3A_688 : i32
        %mul3A_690 = arith.constant 1024 : i32
        %mul3A_691 = arith.muli %scan3A_117, %mul3A_690 : i32
        %add3A_692 = arith.addi %mul3A_689, %mul3A_691 : i32
        %add3A_693 = vector.broadcast %add3A_692 : i32 to vector<16xi32>
        %add3A_694 = arith.addi %add3A_693, %while3A_573#12 : vector<16xi32>
        tpu.vector_store_idx %arg14[%add3A_694], %broadcast_in_dim3A_3 masked %lt3A_675 {add = true} : memref<32768xf32, #tpu.memory_space<vmem>>[vector<16xi32>], vector<16xf32>, vector<16xi1>
        %add3A_695 = arith.constant 80 : i32
        %add3A_696 = vector.broadcast %add3A_695 : i32 to vector<16xi32>
        %add3A_697 = arith.addi %iota3A, %add3A_696 : vector<16xi32>
        %lt3A_698 = vector.broadcast %min3A_574 : i32 to vector<16xi32>
        %lt3A_699 = arith.cmpi slt, %add3A_697, %lt3A_698 : vector<16xi32>
        %jit3A_700 = arith.constant 0 : i32
        %broadcast_in_dim3A_701 = vector.broadcast %jit3A_700 : i32 to vector<16xi32>
        %select_n3A_702 = arith.select %lt3A_699, %while3A_573#13, %broadcast_in_dim3A_701 : vector<16xi1>, vector<16xi32>
        %mul3A_703 = arith.constant 2048 : i32
        %mul3A_704 = arith.muli %rem3A_52, %mul3A_703 : i32
        %mul3A_705 = arith.constant 128 : i32
        %mul3A_706 = arith.muli %scan3A_117, %mul3A_705 : i32
        %add3A_707 = arith.addi %mul3A_704, %mul3A_706 : i32
        %add3A_708 = arith.constant 80 : i32
        %add3A_709 = arith.addi %add3A_707, %add3A_708 : i32
        %swap3A_710 = arith.index_cast %add3A_709 : i32 to index
        %swap3A_711 = tpu.vector_load %arg8[%swap3A_710] {strides = array<i32>} : memref<4096xi32, #tpu.memory_space<vmem>>, vector<16xi32>,
        tpu.vector_store %arg8[%swap3A_710], %select_n3A_702 {strides = array<i32>} : memref<4096xi32, #tpu.memory_space<vmem>>, vector<16xi32>,
        %mul3A_712 = arith.constant 16384 : i32
        %mul3A_713 = arith.muli %rem3A_52, %mul3A_712 : i32
        %mul3A_714 = arith.constant 1024 : i32
        %mul3A_715 = arith.muli %scan3A_117, %mul3A_714 : i32
        %add3A_716 = arith.addi %mul3A_713, %mul3A_715 : i32
        %add3A_717 = vector.broadcast %add3A_716 : i32 to vector<16xi32>
        %add3A_718 = arith.addi %add3A_717, %while3A_573#13 : vector<16xi32>
        tpu.vector_store_idx %arg14[%add3A_718], %broadcast_in_dim3A_3 masked %lt3A_699 {add = true} : memref<32768xf32, #tpu.memory_space<vmem>>[vector<16xi32>], vector<16xf32>, vector<16xi1>
        %add3A_719 = arith.constant 96 : i32
        %add3A_720 = vector.broadcast %add3A_719 : i32 to vector<16xi32>
        %add3A_721 = arith.addi %iota3A, %add3A_720 : vector<16xi32>
        %lt3A_722 = vector.broadcast %min3A_574 : i32 to vector<16xi32>
        %lt3A_723 = arith.cmpi slt, %add3A_721, %lt3A_722 : vector<16xi32>
        %jit3A_724 = arith.constant 0 : i32
        %broadcast_in_dim3A_725 = vector.broadcast %jit3A_724 : i32 to vector<16xi32>
        %select_n3A_726 = arith.select %lt3A_723, %while3A_573#14, %broadcast_in_dim3A_725 : vector<16xi1>, vector<16xi32>
        %mul3A_727 = arith.constant 2048 : i32
        %mul3A_728 = arith.muli %rem3A_52, %mul3A_727 : i32
        %mul3A_729 = arith.constant 128 : i32
        %mul3A_730 = arith.muli %scan3A_117, %mul3A_729 : i32
        %add3A_731 = arith.addi %mul3A_728, %mul3A_730 : i32
        %add3A_732 = arith.constant 96 : i32
        %add3A_733 = arith.addi %add3A_731, %add3A_732 : i32
        %swap3A_734 = arith.index_cast %add3A_733 : i32 to index
        %swap3A_735 = tpu.vector_load %arg8[%swap3A_734] {strides = array<i32>} : memref<4096xi32, #tpu.memory_space<vmem>>, vector<16xi32>,
        tpu.vector_store %arg8[%swap3A_734], %select_n3A_726 {strides = array<i32>} : memref<4096xi32, #tpu.memory_space<vmem>>, vector<16xi32>,
        %mul3A_736 = arith.constant 16384 : i32
        %mul3A_737 = arith.muli %rem3A_52, %mul3A_736 : i32
        %mul3A_738 = arith.constant 1024 : i32
        %mul3A_739 = arith.muli %scan3A_117, %mul3A_738 : i32
        %add3A_740 = arith.addi %mul3A_737, %mul3A_739 : i32
        %add3A_741 = vector.broadcast %add3A_740 : i32 to vector<16xi32>
        %add3A_742 = arith.addi %add3A_741, %while3A_573#14 : vector<16xi32>
        tpu.vector_store_idx %arg14[%add3A_742], %broadcast_in_dim3A_3 masked %lt3A_723 {add = true} : memref<32768xf32, #tpu.memory_space<vmem>>[vector<16xi32>], vector<16xf32>, vector<16xi1>
        %add3A_743 = arith.constant 112 : i32
        %add3A_744 = vector.broadcast %add3A_743 : i32 to vector<16xi32>
        %add3A_745 = arith.addi %iota3A, %add3A_744 : vector<16xi32>
        %lt3A_746 = vector.broadcast %min3A_574 : i32 to vector<16xi32>
        %lt3A_747 = arith.cmpi slt, %add3A_745, %lt3A_746 : vector<16xi32>
        %jit3A_748 = arith.constant 0 : i32
        %broadcast_in_dim3A_749 = vector.broadcast %jit3A_748 : i32 to vector<16xi32>
        %select_n3A_750 = arith.select %lt3A_747, %while3A_573#15, %broadcast_in_dim3A_749 : vector<16xi1>, vector<16xi32>
        %mul3A_751 = arith.constant 2048 : i32
        %mul3A_752 = arith.muli %rem3A_52, %mul3A_751 : i32
        %mul3A_753 = arith.constant 128 : i32
        %mul3A_754 = arith.muli %scan3A_117, %mul3A_753 : i32
        %add3A_755 = arith.addi %mul3A_752, %mul3A_754 : i32
        %add3A_756 = arith.constant 112 : i32
        %add3A_757 = arith.addi %add3A_755, %add3A_756 : i32
        %swap3A_758 = arith.index_cast %add3A_757 : i32 to index
        %swap3A_759 = tpu.vector_load %arg8[%swap3A_758] {strides = array<i32>} : memref<4096xi32, #tpu.memory_space<vmem>>, vector<16xi32>,
        tpu.vector_store %arg8[%swap3A_758], %select_n3A_750 {strides = array<i32>} : memref<4096xi32, #tpu.memory_space<vmem>>, vector<16xi32>,
        %mul3A_760 = arith.constant 16384 : i32
        %mul3A_761 = arith.muli %rem3A_52, %mul3A_760 : i32
        %mul3A_762 = arith.constant 1024 : i32
        %mul3A_763 = arith.muli %scan3A_117, %mul3A_762 : i32
        %add3A_764 = arith.addi %mul3A_761, %mul3A_763 : i32
        %add3A_765 = vector.broadcast %add3A_764 : i32 to vector<16xi32>
        %add3A_766 = arith.addi %add3A_765, %while3A_573#15 : vector<16xi32>
        tpu.vector_store_idx %arg14[%add3A_766], %broadcast_in_dim3A_3 masked %lt3A_747 {add = true} : memref<32768xf32, #tpu.memory_space<vmem>>[vector<16xi32>], vector<16xf32>, vector<16xi1>
        %eq3A = vector.broadcast %scan3A_117 : i32 to vector<16xi32>
        %eq3A_767 = arith.cmpi eq, %iota3A, %eq3A : vector<16xi32>
        %broadcast_in_dim3A_768 = vector.broadcast %min3A_574 : i32 to vector<16xi32>
        %select_n3A_769 = arith.select %eq3A_767, %broadcast_in_dim3A_768, %scan3A_118 : vector<16xi1>, vector<16xi32>
        scf.yield %select_n3A_769 : vector<16xi32>
      }
      %scan3A_85 = arith.constant 16 : i32
      %mul3A_86 = arith.constant 16 : i32
      %mul3A_87 = arith.muli %rem3A_52, %mul3A_86 : i32
      %swap3A = arith.index_cast %mul3A_87 : i32 to index
      %swap3A_88 = tpu.vector_load %arg9[%swap3A] {strides = array<i32>} : memref<32xi32, #tpu.memory_space<vmem>>, vector<16xi32>,
      tpu.vector_store %arg9[%swap3A], %scan3A_84 {strides = array<i32>} : memref<32xi32, #tpu.memory_space<vmem>>, vector<16xi32>,
      %mul3A_89 = arith.constant 128 : i32
      %mul3A_90 = arith.muli %add3A, %mul3A_89 : i32
      %mul3A_91 = arith.constant 16 : i32
      %mul3A_92 = arith.muli %scan3A_50, %mul3A_91 : i32
      %add3A_93 = arith.addi %mul3A_90, %mul3A_92 : i32
      %mul3A_94 = arith.constant 2048 : i32
      %mul3A_95 = arith.muli %rem3A_52, %mul3A_94 : i32
      %mul3A_96 = arith.constant 128 : i32
      %mul3A_97 = arith.muli %add3A_93, %mul3A_96 : i32
      %mul3A_98 = arith.constant 16 : i32
      %mul3A_99 = arith.muli %rem3A_52, %mul3A_98 : i32
      %mul3A_100 = arith.constant 16384 : i32
      %mul3A_101 = arith.muli %rem3A_52, %mul3A_100 : i32
      %mul3A_102 = arith.constant 1024 : i32
      %mul3A_103 = arith.muli %add3A_93, %mul3A_102 : i32
      %dma_start3A_104 = tpu.memref_slice %arg8[%mul3A_95] : memref<4096xi32, #tpu.memory_space<vmem>> -> memref<2048xi32, #tpu.memory_space<vmem>>
      %dma_start3A_105 = tpu.memref_slice %arg4[%mul3A_97] : memref<524288xi32, #tpu.memory_space<hbm>> -> memref<2048xi32, #tpu.memory_space<hbm>>
      %dma_start3A_106 = tpu.memref_slice %arg4[%mul3A_97] : memref<524288xi32, #tpu.memory_space<hbm>> -> memref<2048xi32, #tpu.memory_space<hbm>>
      %dma_start3A_107 = tpu.memref_slice %arg8[%mul3A_95] : memref<4096xi32, #tpu.memory_space<vmem>> -> memref<2048xi32, #tpu.memory_space<vmem>>
      tpu.enqueue_dma source(%dma_start3A_107 : memref<2048xi32, #tpu.memory_space<vmem>>) target(%dma_start3A_106 : memref<2048xi32, #tpu.memory_space<hbm>>) target_semaphore(%arg13 : memref<!tpu.dma_semaphore, #tpu.memory_space<semaphore_mem>>)
      %dma_start3A_108 = tpu.memref_slice %arg9[%mul3A_99] : memref<32xi32, #tpu.memory_space<vmem>> -> memref<16xi32, #tpu.memory_space<vmem>>
      %dma_start3A_109 = tpu.memref_slice %arg5[%add3A_93] : memref<4096xi32, #tpu.memory_space<hbm>> -> memref<16xi32, #tpu.memory_space<hbm>>
      %dma_start3A_110 = tpu.memref_slice %arg5[%add3A_93] : memref<4096xi32, #tpu.memory_space<hbm>> -> memref<16xi32, #tpu.memory_space<hbm>>
      %dma_start3A_111 = tpu.memref_slice %arg9[%mul3A_99] : memref<32xi32, #tpu.memory_space<vmem>> -> memref<16xi32, #tpu.memory_space<vmem>>
      tpu.enqueue_dma source(%dma_start3A_111 : memref<16xi32, #tpu.memory_space<vmem>>) target(%dma_start3A_110 : memref<16xi32, #tpu.memory_space<hbm>>) target_semaphore(%arg13 : memref<!tpu.dma_semaphore, #tpu.memory_space<semaphore_mem>>)
      %dma_start3A_112 = tpu.memref_slice %arg14[%mul3A_101] : memref<32768xf32, #tpu.memory_space<vmem>> -> memref<16384xf32, #tpu.memory_space<vmem>>
      %dma_start3A_113 = tpu.memref_slice %arg6[%mul3A_103] : memref<4194304xf32, #tpu.memory_space<hbm>> -> memref<16384xf32, #tpu.memory_space<hbm>>
      %dma_start3A_114 = tpu.memref_slice %arg6[%mul3A_103] : memref<4194304xf32, #tpu.memory_space<hbm>> -> memref<16384xf32, #tpu.memory_space<hbm>>
      %dma_start3A_115 = tpu.memref_slice %arg14[%mul3A_101] : memref<32768xf32, #tpu.memory_space<vmem>> -> memref<16384xf32, #tpu.memory_space<vmem>>
      tpu.enqueue_dma source(%dma_start3A_115 : memref<16384xf32, #tpu.memory_space<vmem>>) target(%dma_start3A_114 : memref<16384xf32, #tpu.memory_space<hbm>>) target_semaphore(%arg13 : memref<!tpu.dma_semaphore, #tpu.memory_space<semaphore_mem>>)
      %scan3A_116 = arith.constant 0 : i32
      scf.yield %scan3A_116 : i32
    }
    %scan3A_24 = arith.constant 8 : i32
    %mul3A_25 = arith.constant 128 : i32
    %mul3A_26 = arith.muli %add3A, %mul3A_25 : i32
    %add3A_27 = arith.constant 112 : i32
    %add3A_28 = arith.addi %mul3A_26, %add3A_27 : i32
    %mul3A_29 = arith.constant 128 : i32
    %mul3A_30 = arith.muli %add3A_28, %mul3A_29 : i32
    %mul3A_31 = arith.constant 1024 : i32
    %mul3A_32 = arith.muli %add3A_28, %mul3A_31 : i32
    %dma_wait3A = arith.constant 2048 : i32
    %dma_wait3A_33 = tpu.memref_slice %arg8[%dma_wait3A] : memref<4096xi32, #tpu.memory_space<vmem>> -> memref<2048xi32, #tpu.memory_space<vmem>>
    %dma_wait3A_34 = tpu.memref_slice %arg4[%mul3A_30] : memref<524288xi32, #tpu.memory_space<hbm>> -> memref<2048xi32, #tpu.memory_space<hbm>>
    %dma_wait3A_35 = tpu.memref_slice %arg4[%mul3A_30] : memref<524288xi32, #tpu.memory_space<hbm>> -> memref<2048xi32, #tpu.memory_space<hbm>>
    %dma_wait3A_36 = arith.constant 2048 : i32
    %dma_wait3A_37 = tpu.memref_slice %arg8[%dma_wait3A_36] : memref<4096xi32, #tpu.memory_space<vmem>> -> memref<2048xi32, #tpu.memory_space<vmem>>
    tpu.wait_dma2 semaphore(%arg13 : memref<!tpu.dma_semaphore, #tpu.memory_space<semaphore_mem>>) src(%dma_wait3A_37 : memref<2048xi32, #tpu.memory_space<vmem>>) dst(%dma_wait3A_35 : memref<2048xi32, #tpu.memory_space<hbm>>)
    %dma_wait3A_38 = arith.constant 16 : i32
    %dma_wait3A_39 = tpu.memref_slice %arg9[%dma_wait3A_38] : memref<32xi32, #tpu.memory_space<vmem>> -> memref<16xi32, #tpu.memory_space<vmem>>
    %dma_wait3A_40 = tpu.memref_slice %arg5[%add3A_28] : memref<4096xi32, #tpu.memory_space<hbm>> -> memref<16xi32, #tpu.memory_space<hbm>>
    %dma_wait3A_41 = tpu.memref_slice %arg5[%add3A_28] : memref<4096xi32, #tpu.memory_space<hbm>> -> memref<16xi32, #tpu.memory_space<hbm>>
    %dma_wait3A_42 = arith.constant 16 : i32
    %dma_wait3A_43 = tpu.memref_slice %arg9[%dma_wait3A_42] : memref<32xi32, #tpu.memory_space<vmem>> -> memref<16xi32, #tpu.memory_space<vmem>>
    tpu.wait_dma2 semaphore(%arg13 : memref<!tpu.dma_semaphore, #tpu.memory_space<semaphore_mem>>) src(%dma_wait3A_43 : memref<16xi32, #tpu.memory_space<vmem>>) dst(%dma_wait3A_41 : memref<16xi32, #tpu.memory_space<hbm>>)
    %dma_wait3A_44 = arith.constant 16384 : i32
    %dma_wait3A_45 = tpu.memref_slice %arg14[%dma_wait3A_44] : memref<32768xf32, #tpu.memory_space<vmem>> -> memref<16384xf32, #tpu.memory_space<vmem>>
    %dma_wait3A_46 = tpu.memref_slice %arg6[%mul3A_32] : memref<4194304xf32, #tpu.memory_space<hbm>> -> memref<16384xf32, #tpu.memory_space<hbm>>
    %dma_wait3A_47 = tpu.memref_slice %arg6[%mul3A_32] : memref<4194304xf32, #tpu.memory_space<hbm>> -> memref<16384xf32, #tpu.memory_space<hbm>>
    %dma_wait3A_48 = arith.constant 16384 : i32
    %dma_wait3A_49 = tpu.memref_slice %arg14[%dma_wait3A_48] : memref<32768xf32, #tpu.memory_space<vmem>> -> memref<16384xf32, #tpu.memory_space<vmem>>
    tpu.wait_dma2 semaphore(%arg13 : memref<!tpu.dma_semaphore, #tpu.memory_space<semaphore_mem>>) src(%dma_wait3A_49 : memref<16384xf32, #tpu.memory_space<vmem>>) dst(%dma_wait3A_47 : memref<16384xf32, #tpu.memory_space<hbm>>)
    return
  }
}

#map = affine_map<(d0, d1) -> (0)>
module attributes {stable_mosaic.version = 14 : i64} {
  func.func @k(%arg0: i32, %arg1: i32, %arg2: memref<524288xi32, #tpu.memory_space<hbm>>, %arg3: memref<4096xi32, #tpu.memory_space<hbm>>, %arg4: memref<16384xf32, #tpu.memory_space<hbm>>, %arg5: memref<4194304xf32, #tpu.memory_space<hbm>>, %arg6: memref<4096xi32, #tpu.memory_space<vmem>>, %arg7: memref<32xi32, #tpu.memory_space<vmem>>, %arg8: memref<32768xf32, #tpu.memory_space<vmem>>, %arg9: memref<!tpu.dma_semaphore, #tpu.memory_space<semaphore_mem>>, %arg10: memref<!tpu.dma_semaphore, #tpu.memory_space<semaphore_mem>>) attributes {dimension_semantics = [#tpu.dimension_semantics<core_parallel>, #tpu.dimension_semantics<subcore_parallel>], iteration_bounds = array<i64: 2, 16>, scalar_prefetch = 0 : i64, scratch_operands = 5 : i64, tpu.core_type = #tpu.core_type<sc_vector_subcore>, window_params = [{transform_indices = #map}, {transform_indices = #map}, {transform_indices = #map}, {transform_indices = #map}]} {
    %mul3A = arith.constant 2 : i32
    %mul3A_0 = arith.muli %arg1, %mul3A : i32
    %add3A = arith.addi %mul3A_0, %arg0 : i32
    %iota3A = tpu.iota {dimensions = array<i32: 0>} : vector<16xi32>
    %broadcast_in_dim3A = arith.constant 1.000000e+00 : f32
    %broadcast_in_dim3A_1 = vector.broadcast %broadcast_in_dim3A : f32 to vector<16xf32>
    %mul3A_2 = arith.constant 128 : i32
    %mul3A_3 = arith.muli %add3A, %mul3A_2 : i32
    %add3A_4 = arith.constant 0 : i32
    %add3A_5 = arith.addi %mul3A_3, %add3A_4 : i32
    %mul3A_6 = arith.constant 128 : i32
    %mul3A_7 = arith.muli %add3A_5, %mul3A_6 : i32
    %dma_start3A = arith.constant 0 : i32
    %dma_start3A_8 = tpu.memref_slice %arg6[%dma_start3A] : memref<4096xi32, #tpu.memory_space<vmem>> -> memref<2048xi32, #tpu.memory_space<vmem>>
    %dma_start3A_9 = tpu.memref_slice %arg2[%mul3A_7] : memref<524288xi32, #tpu.memory_space<hbm>> -> memref<2048xi32, #tpu.memory_space<hbm>>
    %dma_start3A_10 = arith.constant 0 : i32
    %dma_start3A_11 = tpu.memref_slice %arg6[%dma_start3A_10] : memref<4096xi32, #tpu.memory_space<vmem>> -> memref<2048xi32, #tpu.memory_space<vmem>>
    %dma_start3A_12 = tpu.memref_slice %arg2[%mul3A_7] : memref<524288xi32, #tpu.memory_space<hbm>> -> memref<2048xi32, #tpu.memory_space<hbm>>
    tpu.enqueue_dma source(%dma_start3A_12 : memref<2048xi32, #tpu.memory_space<hbm>>) target(%dma_start3A_11 : memref<2048xi32, #tpu.memory_space<vmem>>) target_semaphore(%arg9 : memref<!tpu.dma_semaphore, #tpu.memory_space<semaphore_mem>>)
    %dma_start3A_13 = arith.constant 0 : i32
    %dma_start3A_14 = tpu.memref_slice %arg7[%dma_start3A_13] : memref<32xi32, #tpu.memory_space<vmem>> -> memref<16xi32, #tpu.memory_space<vmem>>
    %dma_start3A_15 = tpu.memref_slice %arg3[%add3A_5] : memref<4096xi32, #tpu.memory_space<hbm>> -> memref<16xi32, #tpu.memory_space<hbm>>
    %dma_start3A_16 = arith.constant 0 : i32
    %dma_start3A_17 = tpu.memref_slice %arg7[%dma_start3A_16] : memref<32xi32, #tpu.memory_space<vmem>> -> memref<16xi32, #tpu.memory_space<vmem>>
    %dma_start3A_18 = tpu.memref_slice %arg3[%add3A_5] : memref<4096xi32, #tpu.memory_space<hbm>> -> memref<16xi32, #tpu.memory_space<hbm>>
    tpu.enqueue_dma source(%dma_start3A_18 : memref<16xi32, #tpu.memory_space<hbm>>) target(%dma_start3A_17 : memref<16xi32, #tpu.memory_space<vmem>>) target_semaphore(%arg9 : memref<!tpu.dma_semaphore, #tpu.memory_space<semaphore_mem>>)
    %dma_start3A_19 = arith.constant 0 : i32
    %dma_start3A_20 = tpu.memref_slice %arg8[%dma_start3A_19] : memref<32768xf32, #tpu.memory_space<vmem>> -> memref<16384xf32, #tpu.memory_space<vmem>>
    %dma_start3A_21 = arith.constant 0 : i32
    %dma_start3A_22 = tpu.memref_slice %arg8[%dma_start3A_21] : memref<32768xf32, #tpu.memory_space<vmem>> -> memref<16384xf32, #tpu.memory_space<vmem>>
    tpu.enqueue_dma source(%arg4 : memref<16384xf32, #tpu.memory_space<hbm>>) target(%dma_start3A_22 : memref<16384xf32, #tpu.memory_space<vmem>>) target_semaphore(%arg9 : memref<!tpu.dma_semaphore, #tpu.memory_space<semaphore_mem>>)
    %scan3A = arith.constant 0 : i32
    %scan3A_23 = arith.constant 0 : i32
    %scan3A_24 = arith.constant 8 : i32
    %scan3A_25 = arith.addi %scan3A_23, %scan3A_24 : i32
    %scan3A_26 = arith.constant 1 : i32
    %scan3A_27 = scf.for %scan3A_40 = %scan3A_23 to %scan3A_25 step %scan3A_26 iter_args(%scan3A_41 = %scan3A) -> (i32)  : i32 {
      %rem3A = arith.constant 2 : i32
      %rem3A_42 = arith.remsi %scan3A_40, %rem3A : i32
      %gt3A = arith.constant 0 : i32
      %gt3A_43 = arith.cmpi sgt, %scan3A_40, %gt3A : i32
      %convert_element_type3A = arith.extui %gt3A_43 : i1 to i32
      %cond3A = arith.constant 0 : i32
      %cond3A_44 = arith.cmpi ne, %convert_element_type3A, %cond3A : i32
      scf.if %cond3A_44 {
        %sub3A_128 = arith.constant 1 : i32
        %sub3A_129 = arith.subi %scan3A_40, %sub3A_128 : i32
        %sub3A_130 = arith.constant 1 : i32
        %sub3A_131 = arith.subi %sub3A_130, %rem3A_42 : i32
        %mul3A_132 = arith.constant 128 : i32
        %mul3A_133 = arith.muli %add3A, %mul3A_132 : i32
        %mul3A_134 = arith.constant 16 : i32
        %mul3A_135 = arith.muli %sub3A_129, %mul3A_134 : i32
        %add3A_136 = arith.addi %mul3A_133, %mul3A_135 : i32
        %mul3A_137 = arith.constant 16384 : i32
        %mul3A_138 = arith.muli %sub3A_131, %mul3A_137 : i32
        %mul3A_139 = arith.constant 1024 : i32
        %mul3A_140 = arith.muli %add3A_136, %mul3A_139 : i32
        %dma_wait3A_141 = tpu.memref_slice %arg8[%mul3A_138] : memref<32768xf32, #tpu.memory_space<vmem>> -> memref<16384xf32, #tpu.memory_space<vmem>>
        %dma_wait3A_142 = tpu.memref_slice %arg5[%mul3A_140] : memref<4194304xf32, #tpu.memory_space<hbm>> -> memref<16384xf32, #tpu.memory_space<hbm>>
        %dma_wait3A_143 = tpu.memref_slice %arg5[%mul3A_140] : memref<4194304xf32, #tpu.memory_space<hbm>> -> memref<16384xf32, #tpu.memory_space<hbm>>
        %dma_wait3A_144 = tpu.memref_slice %arg8[%mul3A_138] : memref<32768xf32, #tpu.memory_space<vmem>> -> memref<16384xf32, #tpu.memory_space<vmem>>
        tpu.wait_dma2 semaphore(%arg10 : memref<!tpu.dma_semaphore, #tpu.memory_space<semaphore_mem>>) src(%dma_wait3A_144 : memref<16384xf32, #tpu.memory_space<vmem>>) dst(%dma_wait3A_143 : memref<16384xf32, #tpu.memory_space<hbm>>)
      } else {
      }
      %mul3A_45 = arith.constant 128 : i32
      %mul3A_46 = arith.muli %add3A, %mul3A_45 : i32
      %mul3A_47 = arith.constant 16 : i32
      %mul3A_48 = arith.muli %scan3A_40, %mul3A_47 : i32
      %add3A_49 = arith.addi %mul3A_46, %mul3A_48 : i32
      %mul3A_50 = arith.constant 128 : i32
      %mul3A_51 = arith.muli %add3A_49, %mul3A_50 : i32
      %mul3A_52 = arith.constant 2048 : i32
      %mul3A_53 = arith.muli %rem3A_42, %mul3A_52 : i32
      %mul3A_54 = arith.constant 16 : i32
      %mul3A_55 = arith.muli %rem3A_42, %mul3A_54 : i32
      %mul3A_56 = arith.constant 16384 : i32
      %mul3A_57 = arith.muli %rem3A_42, %mul3A_56 : i32
      %dma_wait3A_58 = tpu.memref_slice %arg6[%mul3A_53] : memref<4096xi32, #tpu.memory_space<vmem>> -> memref<2048xi32, #tpu.memory_space<vmem>>
      %dma_wait3A_59 = tpu.memref_slice %arg2[%mul3A_51] : memref<524288xi32, #tpu.memory_space<hbm>> -> memref<2048xi32, #tpu.memory_space<hbm>>
      %dma_wait3A_60 = tpu.memref_slice %arg6[%mul3A_53] : memref<4096xi32, #tpu.memory_space<vmem>> -> memref<2048xi32, #tpu.memory_space<vmem>>
      %dma_wait3A_61 = tpu.memref_slice %arg2[%mul3A_51] : memref<524288xi32, #tpu.memory_space<hbm>> -> memref<2048xi32, #tpu.memory_space<hbm>>
      tpu.wait_dma2 semaphore(%arg9 : memref<!tpu.dma_semaphore, #tpu.memory_space<semaphore_mem>>) src(%dma_wait3A_61 : memref<2048xi32, #tpu.memory_space<hbm>>) dst(%dma_wait3A_60 : memref<2048xi32, #tpu.memory_space<vmem>>)
      %dma_wait3A_62 = tpu.memref_slice %arg7[%mul3A_55] : memref<32xi32, #tpu.memory_space<vmem>> -> memref<16xi32, #tpu.memory_space<vmem>>
      %dma_wait3A_63 = tpu.memref_slice %arg3[%add3A_49] : memref<4096xi32, #tpu.memory_space<hbm>> -> memref<16xi32, #tpu.memory_space<hbm>>
      %dma_wait3A_64 = tpu.memref_slice %arg7[%mul3A_55] : memref<32xi32, #tpu.memory_space<vmem>> -> memref<16xi32, #tpu.memory_space<vmem>>
      %dma_wait3A_65 = tpu.memref_slice %arg3[%add3A_49] : memref<4096xi32, #tpu.memory_space<hbm>> -> memref<16xi32, #tpu.memory_space<hbm>>
      tpu.wait_dma2 semaphore(%arg9 : memref<!tpu.dma_semaphore, #tpu.memory_space<semaphore_mem>>) src(%dma_wait3A_65 : memref<16xi32, #tpu.memory_space<hbm>>) dst(%dma_wait3A_64 : memref<16xi32, #tpu.memory_space<vmem>>)
      %dma_wait3A_66 = tpu.memref_slice %arg8[%mul3A_57] : memref<32768xf32, #tpu.memory_space<vmem>> -> memref<16384xf32, #tpu.memory_space<vmem>>
      %dma_wait3A_67 = tpu.memref_slice %arg8[%mul3A_57] : memref<32768xf32, #tpu.memory_space<vmem>> -> memref<16384xf32, #tpu.memory_space<vmem>>
      tpu.wait_dma2 semaphore(%arg9 : memref<!tpu.dma_semaphore, #tpu.memory_space<semaphore_mem>>) src(%arg4 : memref<16384xf32, #tpu.memory_space<hbm>>) dst(%dma_wait3A_67 : memref<16384xf32, #tpu.memory_space<vmem>>)
      %add3A_68 = arith.constant 1 : i32
      %add3A_69 = arith.addi %scan3A_40, %add3A_68 : i32
      %lt3A = arith.constant 8 : i32
      %lt3A_70 = arith.cmpi slt, %add3A_69, %lt3A : i32
      %convert_element_type3A_71 = arith.extui %lt3A_70 : i1 to i32
      %cond3A_72 = arith.constant 0 : i32
      %cond3A_73 = arith.cmpi ne, %convert_element_type3A_71, %cond3A_72 : i32
      scf.if %cond3A_73 {
        %add3A_128 = arith.constant 1 : i32
        %add3A_129 = arith.addi %scan3A_40, %add3A_128 : i32
        %sub3A_130 = arith.constant 1 : i32
        %sub3A_131 = arith.subi %sub3A_130, %rem3A_42 : i32
        %mul3A_132 = arith.constant 128 : i32
        %mul3A_133 = arith.muli %add3A, %mul3A_132 : i32
        %mul3A_134 = arith.constant 16 : i32
        %mul3A_135 = arith.muli %add3A_129, %mul3A_134 : i32
        %add3A_136 = arith.addi %mul3A_133, %mul3A_135 : i32
        %mul3A_137 = arith.constant 128 : i32
        %mul3A_138 = arith.muli %add3A_136, %mul3A_137 : i32
        %mul3A_139 = arith.constant 2048 : i32
        %mul3A_140 = arith.muli %sub3A_131, %mul3A_139 : i32
        %mul3A_141 = arith.constant 16 : i32
        %mul3A_142 = arith.muli %sub3A_131, %mul3A_141 : i32
        %mul3A_143 = arith.constant 16384 : i32
        %mul3A_144 = arith.muli %sub3A_131, %mul3A_143 : i32
        %dma_start3A_145 = tpu.memref_slice %arg6[%mul3A_140] : memref<4096xi32, #tpu.memory_space<vmem>> -> memref<2048xi32, #tpu.memory_space<vmem>>
        %dma_start3A_146 = tpu.memref_slice %arg2[%mul3A_138] : memref<524288xi32, #tpu.memory_space<hbm>> -> memref<2048xi32, #tpu.memory_space<hbm>>
        %dma_start3A_147 = tpu.memref_slice %arg6[%mul3A_140] : memref<4096xi32, #tpu.memory_space<vmem>> -> memref<2048xi32, #tpu.memory_space<vmem>>
        %dma_start3A_148 = tpu.memref_slice %arg2[%mul3A_138] : memref<524288xi32, #tpu.memory_space<hbm>> -> memref<2048xi32, #tpu.memory_space<hbm>>
        tpu.enqueue_dma source(%dma_start3A_148 : memref<2048xi32, #tpu.memory_space<hbm>>) target(%dma_start3A_147 : memref<2048xi32, #tpu.memory_space<vmem>>) target_semaphore(%arg9 : memref<!tpu.dma_semaphore, #tpu.memory_space<semaphore_mem>>)
        %dma_start3A_149 = tpu.memref_slice %arg7[%mul3A_142] : memref<32xi32, #tpu.memory_space<vmem>> -> memref<16xi32, #tpu.memory_space<vmem>>
        %dma_start3A_150 = tpu.memref_slice %arg3[%add3A_136] : memref<4096xi32, #tpu.memory_space<hbm>> -> memref<16xi32, #tpu.memory_space<hbm>>
        %dma_start3A_151 = tpu.memref_slice %arg7[%mul3A_142] : memref<32xi32, #tpu.memory_space<vmem>> -> memref<16xi32, #tpu.memory_space<vmem>>
        %dma_start3A_152 = tpu.memref_slice %arg3[%add3A_136] : memref<4096xi32, #tpu.memory_space<hbm>> -> memref<16xi32, #tpu.memory_space<hbm>>
        tpu.enqueue_dma source(%dma_start3A_152 : memref<16xi32, #tpu.memory_space<hbm>>) target(%dma_start3A_151 : memref<16xi32, #tpu.memory_space<vmem>>) target_semaphore(%arg9 : memref<!tpu.dma_semaphore, #tpu.memory_space<semaphore_mem>>)
        %dma_start3A_153 = tpu.memref_slice %arg8[%mul3A_144] : memref<32768xf32, #tpu.memory_space<vmem>> -> memref<16384xf32, #tpu.memory_space<vmem>>
        %dma_start3A_154 = tpu.memref_slice %arg8[%mul3A_144] : memref<32768xf32, #tpu.memory_space<vmem>> -> memref<16384xf32, #tpu.memory_space<vmem>>
        tpu.enqueue_dma source(%arg4 : memref<16384xf32, #tpu.memory_space<hbm>>) target(%dma_start3A_154 : memref<16384xf32, #tpu.memory_space<vmem>>) target_semaphore(%arg9 : memref<!tpu.dma_semaphore, #tpu.memory_space<semaphore_mem>>)
      } else {
      }
      %mul3A_74 = arith.constant 16 : i32
      %mul3A_75 = arith.muli %rem3A_42, %mul3A_74 : i32
      %get3A = arith.index_cast %mul3A_75 : i32 to index
      %get3A_76 = tpu.vector_load %arg7[%get3A] {strides = array<i32>} : memref<32xi32, #tpu.memory_space<vmem>>, vector<16xi32>,
      %reduce_max3A = arith.constant true
      %reduce_max3A_77 = vector.broadcast %reduce_max3A : i1 to vector<16xi1>
      %reduce_max3A_78 = arith.constant -2147483648 : i32
      %reduce_max3A_79 = vector.broadcast %reduce_max3A_78 : i32 to vector<16xi32>
      %reduce_max3A_80 = arith.xori %get3A_76, %reduce_max3A_79 : vector<16xi32>
      %reduce_max3A_81 = tpu.scan <max>, %reduce_max3A_80 masked %reduce_max3A_77 : vector<16xi32>, vector<16xi1> -> vector<16xi32>
      %reduce_max3A_82 = arith.xori %reduce_max3A_81, %reduce_max3A_79 : vector<16xi32>
      %reduce_max3A_83 = vector.extract %reduce_max3A_82[15] : i32 from vector<16xi32>
      %add3A_84 = arith.constant 1 : i32
      %add3A_85 = arith.addi %reduce_max3A_83, %add3A_84 : i32
      %jit3A = arith.constant 2 : i32
      %div3A = arith.divsi %add3A_85, %jit3A : i32
      %sign3A = arith.constant 0 : i32
      %sign3A_86 = arith.cmpi sgt, %add3A_85, %sign3A : i32
      %sign3A_87 = arith.extui %sign3A_86 : i1 to i32
      %sign3A_88 = arith.constant 0 : i32
      %sign3A_89 = arith.cmpi slt, %add3A_85, %sign3A_88 : i32
      %sign3A_90 = arith.extui %sign3A_89 : i1 to i32
      %sign3A_91 = arith.subi %sign3A_87, %sign3A_90 : i32
      %sign3A_92 = arith.constant 0 : i32
      %sign3A_93 = arith.cmpi sgt, %jit3A, %sign3A_92 : i32
      %sign3A_94 = arith.extui %sign3A_93 : i1 to i32
      %sign3A_95 = arith.constant 0 : i32
      %sign3A_96 = arith.cmpi slt, %jit3A, %sign3A_95 : i32
      %sign3A_97 = arith.extui %sign3A_96 : i1 to i32
      %sign3A_98 = arith.subi %sign3A_94, %sign3A_97 : i32
      %ne3A = arith.cmpi ne, %sign3A_91, %sign3A_98 : i32
      %rem3A_99 = arith.remsi %add3A_85, %jit3A : i32
      %ne3A_100 = arith.constant 0 : i32
      %ne3A_101 = arith.cmpi ne, %rem3A_99, %ne3A_100 : i32
      %and3A = arith.andi %ne3A, %ne3A_101 : i1
      %sub3A = arith.constant 1 : i32
      %sub3A_102 = arith.subi %div3A, %sub3A : i32
      %select_n3A = arith.select %and3A, %sub3A_102, %div3A : i32
      %while3A = arith.constant 0 : i32
      %while3A_103 = arith.constant 0 : i32
      %while3A_104 = arith.subi %select_n3A, %while3A : i32
      %while3A_105 = arith.addi %while3A, %while3A_104 : i32
      %while3A_106 = arith.constant 1 : i32
      %while3A_107 = arith.divsi %while3A_104, %while3A_106 : i32
      %while3A_108 = arith.muli %while3A_107, %while3A_106 : i32
      %while3A_109 = arith.addi %while3A, %while3A_108 : i32
      %while3A_110 = arith.constant 1 : i32
      %while3A_111 = scf.for %while3A_128 = %while3A to %while3A_109 step %while3A_110 iter_args(%while3A_129 = %while3A_103) -> (i32)  : i32 {
        %mul3A_130 = arith.constant 2 : i32
        %mul3A_131 = arith.muli %while3A_128, %mul3A_130 : i32
        %add3A_132 = arith.constant 0 : i32
        %add3A_133 = arith.addi %mul3A_131, %add3A_132 : i32
        %mul3A_134 = arith.constant 2048 : i32
        %mul3A_135 = arith.muli %rem3A_42, %mul3A_134 : i32
        %mul3A_136 = arith.constant 128 : i32
        %mul3A_137 = vector.broadcast %mul3A_136 : i32 to vector<16xi32>
        %mul3A_138 = arith.muli %iota3A, %mul3A_137 : vector<16xi32>
        %add3A_139 = vector.broadcast %mul3A_135 : i32 to vector<16xi32>
        %add3A_140 = arith.addi %add3A_139, %mul3A_138 : vector<16xi32>
        %add3A_141 = vector.broadcast %add3A_133 : i32 to vector<16xi32>
        %add3A_142 = arith.addi %add3A_140, %add3A_141 : vector<16xi32>
        %gather3A = tpu.vector_load_idx %arg6[%add3A_142] : memref<4096xi32, #tpu.memory_space<vmem>>[vector<16xi32>], vector<16xi32>,
        %broadcast_in_dim3A_143 = vector.broadcast %add3A_133 : i32 to vector<16xi32>
        %lt3A_144 = arith.cmpi slt, %broadcast_in_dim3A_143, %get3A_76 : vector<16xi32>
        %mul3A_145 = arith.constant 16384 : i32
        %mul3A_146 = arith.muli %rem3A_42, %mul3A_145 : i32
        %mul3A_147 = arith.constant 1024 : i32
        %mul3A_148 = vector.broadcast %mul3A_147 : i32 to vector<16xi32>
        %mul3A_149 = arith.muli %iota3A, %mul3A_148 : vector<16xi32>
        %add3A_150 = vector.broadcast %mul3A_146 : i32 to vector<16xi32>
        %add3A_151 = arith.addi %add3A_150, %mul3A_149 : vector<16xi32>
        %add3A_152 = arith.addi %add3A_151, %gather3A : vector<16xi32>
        tpu.vector_store_idx %arg8[%add3A_152], %broadcast_in_dim3A_1 masked %lt3A_144 {add = true} : memref<32768xf32, #tpu.memory_space<vmem>>[vector<16xi32>], vector<16xf32>, vector<16xi1>
        %mul3A_153 = arith.constant 2 : i32
        %mul3A_154 = arith.muli %while3A_128, %mul3A_153 : i32
        %add3A_155 = arith.constant 1 : i32
        %add3A_156 = arith.addi %mul3A_154, %add3A_155 : i32
        %mul3A_157 = arith.constant 2048 : i32
        %mul3A_158 = arith.muli %rem3A_42, %mul3A_157 : i32
        %mul3A_159 = arith.constant 128 : i32
        %mul3A_160 = vector.broadcast %mul3A_159 : i32 to vector<16xi32>
        %mul3A_161 = arith.muli %iota3A, %mul3A_160 : vector<16xi32>
        %add3A_162 = vector.broadcast %mul3A_158 : i32 to vector<16xi32>
        %add3A_163 = arith.addi %add3A_162, %mul3A_161 : vector<16xi32>
        %add3A_164 = vector.broadcast %add3A_156 : i32 to vector<16xi32>
        %add3A_165 = arith.addi %add3A_163, %add3A_164 : vector<16xi32>
        %gather3A_166 = tpu.vector_load_idx %arg6[%add3A_165] : memref<4096xi32, #tpu.memory_space<vmem>>[vector<16xi32>], vector<16xi32>,
        %broadcast_in_dim3A_167 = vector.broadcast %add3A_156 : i32 to vector<16xi32>
        %lt3A_168 = arith.cmpi slt, %broadcast_in_dim3A_167, %get3A_76 : vector<16xi32>
        %mul3A_169 = arith.constant 16384 : i32
        %mul3A_170 = arith.muli %rem3A_42, %mul3A_169 : i32
        %mul3A_171 = arith.constant 1024 : i32
        %mul3A_172 = vector.broadcast %mul3A_171 : i32 to vector<16xi32>
        %mul3A_173 = arith.muli %iota3A, %mul3A_172 : vector<16xi32>
        %add3A_174 = vector.broadcast %mul3A_170 : i32 to vector<16xi32>
        %add3A_175 = arith.addi %add3A_174, %mul3A_173 : vector<16xi32>
        %add3A_176 = arith.addi %add3A_175, %gather3A_166 : vector<16xi32>
        tpu.vector_store_idx %arg8[%add3A_176], %broadcast_in_dim3A_1 masked %lt3A_168 {add = true} : memref<32768xf32, #tpu.memory_space<vmem>>[vector<16xi32>], vector<16xf32>, vector<16xi1>
        %while3A_177 = arith.constant 0 : i32
        scf.yield %while3A_177 : i32
      }
      %while3A_112 = arith.constant 1 : i32
      %while3A_113 = scf.for %while3A_128 = %while3A_109 to %while3A_105 step %while3A_112 iter_args(%while3A_129 = %while3A_111) -> (i32)  : i32 {
        %mul3A_130 = arith.constant 2 : i32
        %mul3A_131 = arith.muli %while3A_128, %mul3A_130 : i32
        %add3A_132 = arith.constant 0 : i32
        %add3A_133 = arith.addi %mul3A_131, %add3A_132 : i32
        %mul3A_134 = arith.constant 2048 : i32
        %mul3A_135 = arith.muli %rem3A_42, %mul3A_134 : i32
        %mul3A_136 = arith.constant 128 : i32
        %mul3A_137 = vector.broadcast %mul3A_136 : i32 to vector<16xi32>
        %mul3A_138 = arith.muli %iota3A, %mul3A_137 : vector<16xi32>
        %add3A_139 = vector.broadcast %mul3A_135 : i32 to vector<16xi32>
        %add3A_140 = arith.addi %add3A_139, %mul3A_138 : vector<16xi32>
        %add3A_141 = vector.broadcast %add3A_133 : i32 to vector<16xi32>
        %add3A_142 = arith.addi %add3A_140, %add3A_141 : vector<16xi32>
        %gather3A = tpu.vector_load_idx %arg6[%add3A_142] : memref<4096xi32, #tpu.memory_space<vmem>>[vector<16xi32>], vector<16xi32>,
        %broadcast_in_dim3A_143 = vector.broadcast %add3A_133 : i32 to vector<16xi32>
        %lt3A_144 = arith.cmpi slt, %broadcast_in_dim3A_143, %get3A_76 : vector<16xi32>
        %mul3A_145 = arith.constant 16384 : i32
        %mul3A_146 = arith.muli %rem3A_42, %mul3A_145 : i32
        %mul3A_147 = arith.constant 1024 : i32
        %mul3A_148 = vector.broadcast %mul3A_147 : i32 to vector<16xi32>
        %mul3A_149 = arith.muli %iota3A, %mul3A_148 : vector<16xi32>
        %add3A_150 = vector.broadcast %mul3A_146 : i32 to vector<16xi32>
        %add3A_151 = arith.addi %add3A_150, %mul3A_149 : vector<16xi32>
        %add3A_152 = arith.addi %add3A_151, %gather3A : vector<16xi32>
        tpu.vector_store_idx %arg8[%add3A_152], %broadcast_in_dim3A_1 masked %lt3A_144 {add = true} : memref<32768xf32, #tpu.memory_space<vmem>>[vector<16xi32>], vector<16xf32>, vector<16xi1>
        %mul3A_153 = arith.constant 2 : i32
        %mul3A_154 = arith.muli %while3A_128, %mul3A_153 : i32
        %add3A_155 = arith.constant 1 : i32
        %add3A_156 = arith.addi %mul3A_154, %add3A_155 : i32
        %mul3A_157 = arith.constant 2048 : i32
        %mul3A_158 = arith.muli %rem3A_42, %mul3A_157 : i32
        %mul3A_159 = arith.constant 128 : i32
        %mul3A_160 = vector.broadcast %mul3A_159 : i32 to vector<16xi32>
        %mul3A_161 = arith.muli %iota3A, %mul3A_160 : vector<16xi32>
        %add3A_162 = vector.broadcast %mul3A_158 : i32 to vector<16xi32>
        %add3A_163 = arith.addi %add3A_162, %mul3A_161 : vector<16xi32>
        %add3A_164 = vector.broadcast %add3A_156 : i32 to vector<16xi32>
        %add3A_165 = arith.addi %add3A_163, %add3A_164 : vector<16xi32>
        %gather3A_166 = tpu.vector_load_idx %arg6[%add3A_165] : memref<4096xi32, #tpu.memory_space<vmem>>[vector<16xi32>], vector<16xi32>,
        %broadcast_in_dim3A_167 = vector.broadcast %add3A_156 : i32 to vector<16xi32>
        %lt3A_168 = arith.cmpi slt, %broadcast_in_dim3A_167, %get3A_76 : vector<16xi32>
        %mul3A_169 = arith.constant 16384 : i32
        %mul3A_170 = arith.muli %rem3A_42, %mul3A_169 : i32
        %mul3A_171 = arith.constant 1024 : i32
        %mul3A_172 = vector.broadcast %mul3A_171 : i32 to vector<16xi32>
        %mul3A_173 = arith.muli %iota3A, %mul3A_172 : vector<16xi32>
        %add3A_174 = vector.broadcast %mul3A_170 : i32 to vector<16xi32>
        %add3A_175 = arith.addi %add3A_174, %mul3A_173 : vector<16xi32>
        %add3A_176 = arith.addi %add3A_175, %gather3A_166 : vector<16xi32>
        tpu.vector_store_idx %arg8[%add3A_176], %broadcast_in_dim3A_1 masked %lt3A_168 {add = true} : memref<32768xf32, #tpu.memory_space<vmem>>[vector<16xi32>], vector<16xf32>, vector<16xi1>
        %while3A_177 = arith.constant 0 : i32
        scf.yield %while3A_177 : i32
      }
      %mul3A_114 = arith.constant 128 : i32
      %mul3A_115 = arith.muli %add3A, %mul3A_114 : i32
      %mul3A_116 = arith.constant 16 : i32
      %mul3A_117 = arith.muli %scan3A_40, %mul3A_116 : i32
      %add3A_118 = arith.addi %mul3A_115, %mul3A_117 : i32
      %mul3A_119 = arith.constant 16384 : i32
      %mul3A_120 = arith.muli %rem3A_42, %mul3A_119 : i32
      %mul3A_121 = arith.constant 1024 : i32
      %mul3A_122 = arith.muli %add3A_118, %mul3A_121 : i32
      %dma_start3A_123 = tpu.memref_slice %arg8[%mul3A_120] : memref<32768xf32, #tpu.memory_space<vmem>> -> memref<16384xf32, #tpu.memory_space<vmem>>
      %dma_start3A_124 = tpu.memref_slice %arg5[%mul3A_122] : memref<4194304xf32, #tpu.memory_space<hbm>> -> memref<16384xf32, #tpu.memory_space<hbm>>
      %dma_start3A_125 = tpu.memref_slice %arg5[%mul3A_122] : memref<4194304xf32, #tpu.memory_space<hbm>> -> memref<16384xf32, #tpu.memory_space<hbm>>
      %dma_start3A_126 = tpu.memref_slice %arg8[%mul3A_120] : memref<32768xf32, #tpu.memory_space<vmem>> -> memref<16384xf32, #tpu.memory_space<vmem>>
      tpu.enqueue_dma source(%dma_start3A_126 : memref<16384xf32, #tpu.memory_space<vmem>>) target(%dma_start3A_125 : memref<16384xf32, #tpu.memory_space<hbm>>) target_semaphore(%arg10 : memref<!tpu.dma_semaphore, #tpu.memory_space<semaphore_mem>>)
      %scan3A_127 = arith.constant 0 : i32
      scf.yield %scan3A_127 : i32
    }
    %scan3A_28 = arith.constant 8 : i32
    %mul3A_29 = arith.constant 128 : i32
    %mul3A_30 = arith.muli %add3A, %mul3A_29 : i32
    %add3A_31 = arith.constant 112 : i32
    %add3A_32 = arith.addi %mul3A_30, %add3A_31 : i32
    %mul3A_33 = arith.constant 1024 : i32
    %mul3A_34 = arith.muli %add3A_32, %mul3A_33 : i32
    %dma_wait3A = arith.constant 16384 : i32
    %dma_wait3A_35 = tpu.memref_slice %arg8[%dma_wait3A] : memref<32768xf32, #tpu.memory_space<vmem>> -> memref<16384xf32, #tpu.memory_space<vmem>>
    %dma_wait3A_36 = tpu.memref_slice %arg5[%mul3A_34] : memref<4194304xf32, #tpu.memory_space<hbm>> -> memref<16384xf32, #tpu.memory_space<hbm>>
    %dma_wait3A_37 = tpu.memref_slice %arg5[%mul3A_34] : memref<4194304xf32, #tpu.memory_space<hbm>> -> memref<16384xf32, #tpu.memory_space<hbm>>
    %dma_wait3A_38 = arith.constant 16384 : i32
    %dma_wait3A_39 = tpu.memref_slice %arg8[%dma_wait3A_38] : memref<32768xf32, #tpu.memory_space<vmem>> -> memref<16384xf32, #tpu.memory_space<vmem>>
    tpu.wait_dma2 semaphore(%arg10 : memref<!tpu.dma_semaphore, #tpu.memory_space<semaphore_mem>>) src(%dma_wait3A_39 : memref<16384xf32, #tpu.memory_space<vmem>>) dst(%dma_wait3A_37 : memref<16384xf32, #tpu.memory_space<hbm>>)
    return
  }
}

#map = affine_map<(d0, d1) -> (0)>
module attributes {stable_mosaic.version = 14 : i64} {
  func.func @k(%arg0: i32, %arg1: i32, %arg2: memref<2097152xf32, #tpu.memory_space<hbm>>, %arg3: memref<8192xf32, #tpu.memory_space<hbm>>, %arg4: memref<262144xi32, #tpu.memory_space<hbm>>, %arg5: memref<4096xi32, #tpu.memory_space<hbm>>, %arg6: memref<16384xf32, #tpu.memory_space<vmem>>, %arg7: memref<2048xi32, #tpu.memory_space<vmem>>, %arg8: memref<32xi32, #tpu.memory_space<vmem>>, %arg9: memref<528xf32, #tpu.memory_space<vmem>>, %arg10: memref<528xi32, #tpu.memory_space<vmem>>, %arg11: memref<!tpu.dma_semaphore, #tpu.memory_space<semaphore_mem>>, %arg12: memref<!tpu.dma_semaphore, #tpu.memory_space<semaphore_mem>>) attributes {dimension_semantics = [#tpu.dimension_semantics<core_parallel>, #tpu.dimension_semantics<subcore_parallel>], iteration_bounds = array<i64: 2, 16>, scalar_prefetch = 0 : i64, scratch_operands = 7 : i64, tpu.core_type = #tpu.core_type<sc_vector_subcore>, window_params = [{transform_indices = #map}, {transform_indices = #map}, {transform_indices = #map}, {transform_indices = #map}]} {
    %mul3A = arith.constant 2 : i32
    %mul3A_0 = arith.muli %arg1, %mul3A : i32
    %add3A = arith.addi %mul3A_0, %arg0 : i32
    %iota3A = tpu.iota {dimensions = array<i32: 0>} : vector<16xi32>
    %broadcast_in_dim3A = arith.constant 0xFF800000 : f32
    %broadcast_in_dim3A_1 = vector.broadcast %broadcast_in_dim3A : f32 to vector<16xf32>
    %broadcast_in_dim3A_2 = arith.constant 1.000000e+00 : f32
    %broadcast_in_dim3A_3 = vector.broadcast %broadcast_in_dim3A_2 : f32 to vector<16xf32>
    %mul3A_4 = arith.constant 128 : i32
    %mul3A_5 = arith.muli %add3A, %mul3A_4 : i32
    %add3A_6 = arith.constant 0 : i32
    %add3A_7 = arith.addi %mul3A_5, %add3A_6 : i32
    %mul3A_8 = arith.constant 512 : i32
    %mul3A_9 = arith.muli %add3A_7, %mul3A_8 : i32
    %dma_start3A = arith.constant 0 : i32
    %dma_start3A_10 = tpu.memref_slice %arg6[%dma_start3A] : memref<16384xf32, #tpu.memory_space<vmem>> -> memref<8192xf32, #tpu.memory_space<vmem>>
    %dma_start3A_11 = tpu.memref_slice %arg2[%mul3A_9] : memref<2097152xf32, #tpu.memory_space<hbm>> -> memref<8192xf32, #tpu.memory_space<hbm>>
    %dma_start3A_12 = arith.constant 0 : i32
    %dma_start3A_13 = tpu.memref_slice %arg6[%dma_start3A_12] : memref<16384xf32, #tpu.memory_space<vmem>> -> memref<8192xf32, #tpu.memory_space<vmem>>
    %dma_start3A_14 = tpu.memref_slice %arg2[%mul3A_9] : memref<2097152xf32, #tpu.memory_space<hbm>> -> memref<8192xf32, #tpu.memory_space<hbm>>
    tpu.enqueue_dma source(%dma_start3A_14 : memref<8192xf32, #tpu.memory_space<hbm>>) target(%dma_start3A_13 : memref<8192xf32, #tpu.memory_space<vmem>>) target_semaphore(%arg11 : memref<!tpu.dma_semaphore, #tpu.memory_space<semaphore_mem>>)
    %scan3A = arith.constant 0 : i32
    %scan3A_15 = arith.constant 0 : i32
    %scan3A_16 = arith.constant 8 : i32
    %scan3A_17 = arith.addi %scan3A_15, %scan3A_16 : i32
    %scan3A_18 = arith.constant 1 : i32
    %scan3A_19 = scf.for %scan3A_38 = %scan3A_15 to %scan3A_17 step %scan3A_18 iter_args(%scan3A_39 = %scan3A) -> (i32)  : i32 {
      %rem3A = arith.constant 2 : i32
      %rem3A_40 = arith.remsi %scan3A_38, %rem3A : i32
      %gt3A = arith.constant 0 : i32
      %gt3A_41 = arith.cmpi sgt, %scan3A_38, %gt3A : i32
      %convert_element_type3A = arith.extui %gt3A_41 : i1 to i32
      %cond3A = arith.constant 0 : i32
      %cond3A_42 = arith.cmpi ne, %convert_element_type3A, %cond3A : i32
      scf.if %cond3A_42 {
        %sub3A = arith.constant 1 : i32
        %sub3A_93 = arith.subi %scan3A_38, %sub3A : i32
        %sub3A_94 = arith.constant 1 : i32
        %sub3A_95 = arith.subi %sub3A_94, %rem3A_40 : i32
        %mul3A_96 = arith.constant 128 : i32
        %mul3A_97 = arith.muli %add3A, %mul3A_96 : i32
        %mul3A_98 = arith.constant 16 : i32
        %mul3A_99 = arith.muli %sub3A_93, %mul3A_98 : i32
        %add3A_100 = arith.addi %mul3A_97, %mul3A_99 : i32
        %mul3A_101 = arith.constant 1024 : i32
        %mul3A_102 = arith.muli %sub3A_95, %mul3A_101 : i32
        %mul3A_103 = arith.constant 64 : i32
        %mul3A_104 = arith.muli %add3A_100, %mul3A_103 : i32
        %mul3A_105 = arith.constant 16 : i32
        %mul3A_106 = arith.muli %sub3A_95, %mul3A_105 : i32
        %dma_wait3A_107 = tpu.memref_slice %arg7[%mul3A_102] : memref<2048xi32, #tpu.memory_space<vmem>> -> memref<1024xi32, #tpu.memory_space<vmem>>
        %dma_wait3A_108 = tpu.memref_slice %arg4[%mul3A_104] : memref<262144xi32, #tpu.memory_space<hbm>> -> memref<1024xi32, #tpu.memory_space<hbm>>
        %dma_wait3A_109 = tpu.memref_slice %arg4[%mul3A_104] : memref<262144xi32, #tpu.memory_space<hbm>> -> memref<1024xi32, #tpu.memory_space<hbm>>
        %dma_wait3A_110 = tpu.memref_slice %arg7[%mul3A_102] : memref<2048xi32, #tpu.memory_space<vmem>> -> memref<1024xi32, #tpu.memory_space<vmem>>
        tpu.wait_dma2 semaphore(%arg12 : memref<!tpu.dma_semaphore, #tpu.memory_space<semaphore_mem>>) src(%dma_wait3A_110 : memref<1024xi32, #tpu.memory_space<vmem>>) dst(%dma_wait3A_109 : memref<1024xi32, #tpu.memory_space<hbm>>)
        %dma_wait3A_111 = tpu.memref_slice %arg8[%mul3A_106] : memref<32xi32, #tpu.memory_space<vmem>> -> memref<16xi32, #tpu.memory_space<vmem>>
        %dma_wait3A_112 = tpu.memref_slice %arg5[%add3A_100] : memref<4096xi32, #tpu.memory_space<hbm>> -> memref<16xi32, #tpu.memory_space<hbm>>
        %dma_wait3A_113 = tpu.memref_slice %arg5[%add3A_100] : memref<4096xi32, #tpu.memory_space<hbm>> -> memref<16xi32, #tpu.memory_space<hbm>>
        %dma_wait3A_114 = tpu.memref_slice %arg8[%mul3A_106] : memref<32xi32, #tpu.memory_space<vmem>> -> memref<16xi32, #tpu.memory_space<vmem>>
        tpu.wait_dma2 semaphore(%arg12 : memref<!tpu.dma_semaphore, #tpu.memory_space<semaphore_mem>>) src(%dma_wait3A_114 : memref<16xi32, #tpu.memory_space<vmem>>) dst(%dma_wait3A_113 : memref<16xi32, #tpu.memory_space<hbm>>)
      } else {
      }
      %mul3A_43 = arith.constant 128 : i32
      %mul3A_44 = arith.muli %add3A, %mul3A_43 : i32
      %mul3A_45 = arith.constant 16 : i32
      %mul3A_46 = arith.muli %scan3A_38, %mul3A_45 : i32
      %add3A_47 = arith.addi %mul3A_44, %mul3A_46 : i32
      %mul3A_48 = arith.constant 512 : i32
      %mul3A_49 = arith.muli %add3A_47, %mul3A_48 : i32
      %mul3A_50 = arith.constant 8192 : i32
      %mul3A_51 = arith.muli %rem3A_40, %mul3A_50 : i32
      %dma_wait3A_52 = tpu.memref_slice %arg6[%mul3A_51] : memref<16384xf32, #tpu.memory_space<vmem>> -> memref<8192xf32, #tpu.memory_space<vmem>>
      %dma_wait3A_53 = tpu.memref_slice %arg2[%mul3A_49] : memref<2097152xf32, #tpu.memory_space<hbm>> -> memref<8192xf32, #tpu.memory_space<hbm>>
      %dma_wait3A_54 = tpu.memref_slice %arg6[%mul3A_51] : memref<16384xf32, #tpu.memory_space<vmem>> -> memref<8192xf32, #tpu.memory_space<vmem>>
      %dma_wait3A_55 = tpu.memref_slice %arg2[%mul3A_49] : memref<2097152xf32, #tpu.memory_space<hbm>> -> memref<8192xf32, #tpu.memory_space<hbm>>
      tpu.wait_dma2 semaphore(%arg11 : memref<!tpu.dma_semaphore, #tpu.memory_space<semaphore_mem>>) src(%dma_wait3A_55 : memref<8192xf32, #tpu.memory_space<hbm>>) dst(%dma_wait3A_54 : memref<8192xf32, #tpu.memory_space<vmem>>)
      %add3A_56 = arith.constant 1 : i32
      %add3A_57 = arith.addi %scan3A_38, %add3A_56 : i32
      %lt3A = arith.constant 8 : i32
      %lt3A_58 = arith.cmpi slt, %add3A_57, %lt3A : i32
      %convert_element_type3A_59 = arith.extui %lt3A_58 : i1 to i32
      %cond3A_60 = arith.constant 0 : i32
      %cond3A_61 = arith.cmpi ne, %convert_element_type3A_59, %cond3A_60 : i32
      scf.if %cond3A_61 {
        %add3A_93 = arith.constant 1 : i32
        %add3A_94 = arith.addi %scan3A_38, %add3A_93 : i32
        %sub3A = arith.constant 1 : i32
        %sub3A_95 = arith.subi %sub3A, %rem3A_40 : i32
        %mul3A_96 = arith.constant 128 : i32
        %mul3A_97 = arith.muli %add3A, %mul3A_96 : i32
        %mul3A_98 = arith.constant 16 : i32
        %mul3A_99 = arith.muli %add3A_94, %mul3A_98 : i32
        %add3A_100 = arith.addi %mul3A_97, %mul3A_99 : i32
        %mul3A_101 = arith.constant 512 : i32
        %mul3A_102 = arith.muli %add3A_100, %mul3A_101 : i32
        %mul3A_103 = arith.constant 8192 : i32
        %mul3A_104 = arith.muli %sub3A_95, %mul3A_103 : i32
        %dma_start3A_105 = tpu.memref_slice %arg6[%mul3A_104] : memref<16384xf32, #tpu.memory_space<vmem>> -> memref<8192xf32, #tpu.memory_space<vmem>>
        %dma_start3A_106 = tpu.memref_slice %arg2[%mul3A_102] : memref<2097152xf32, #tpu.memory_space<hbm>> -> memref<8192xf32, #tpu.memory_space<hbm>>
        %dma_start3A_107 = tpu.memref_slice %arg6[%mul3A_104] : memref<16384xf32, #tpu.memory_space<vmem>> -> memref<8192xf32, #tpu.memory_space<vmem>>
        %dma_start3A_108 = tpu.memref_slice %arg2[%mul3A_102] : memref<2097152xf32, #tpu.memory_space<hbm>> -> memref<8192xf32, #tpu.memory_space<hbm>>
        tpu.enqueue_dma source(%dma_start3A_108 : memref<8192xf32, #tpu.memory_space<hbm>>) target(%dma_start3A_107 : memref<8192xf32, #tpu.memory_space<vmem>>) target_semaphore(%arg11 : memref<!tpu.dma_semaphore, #tpu.memory_space<semaphore_mem>>)
      } else {
      }
      %broadcast_in_dim3A_62 = arith.constant 0 : i32
      %broadcast_in_dim3A_63 = vector.broadcast %broadcast_in_dim3A_62 : i32 to vector<16xi32>
      %scan3A_64 = arith.constant 0 : i32
      %scan3A_65 = arith.constant 16 : i32
      %scan3A_66 = arith.addi %scan3A_64, %scan3A_65 : i32
      %scan3A_67 = arith.constant 1 : i32
      %scan3A_68 = scf.for %scan3A_93 = %scan3A_64 to %scan3A_66 step %scan3A_67 iter_args(%scan3A_94 = %broadcast_in_dim3A_63) -> (vector<16xi32>)  : i32 {
        %mul3A_95 = arith.constant 8192 : i32
        %mul3A_96 = arith.muli %rem3A_40, %mul3A_95 : i32
        %mul3A_97 = arith.constant 512 : i32
        %mul3A_98 = arith.muli %scan3A_93, %mul3A_97 : i32
        %add3A_99 = arith.addi %mul3A_96, %mul3A_98 : i32
        %swap3A_100 = arith.constant 0 : index
        %swap3A_101 = tpu.vector_load %arg9[%swap3A_100] {strides = array<i32>} : memref<528xf32, #tpu.memory_space<vmem>>, vector<16xf32>,
        tpu.vector_store %arg9[%swap3A_100], %broadcast_in_dim3A_1 {strides = array<i32>} : memref<528xf32, #tpu.memory_space<vmem>>, vector<16xf32>,
        %swap3A_102 = arith.constant 16 : index
        %swap3A_103 = tpu.vector_load %arg9[%swap3A_102] {strides = array<i32>} : memref<528xf32, #tpu.memory_space<vmem>>, vector<16xf32>,
        tpu.vector_store %arg9[%swap3A_102], %broadcast_in_dim3A_1 {strides = array<i32>} : memref<528xf32, #tpu.memory_space<vmem>>, vector<16xf32>,
        %swap3A_104 = arith.constant 32 : index
        %swap3A_105 = tpu.vector_load %arg9[%swap3A_104] {strides = array<i32>} : memref<528xf32, #tpu.memory_space<vmem>>, vector<16xf32>,
        tpu.vector_store %arg9[%swap3A_104], %broadcast_in_dim3A_1 {strides = array<i32>} : memref<528xf32, #tpu.memory_space<vmem>>, vector<16xf32>,
        %swap3A_106 = arith.constant 48 : index
        %swap3A_107 = tpu.vector_load %arg9[%swap3A_106] {strides = array<i32>} : memref<528xf32, #tpu.memory_space<vmem>>, vector<16xf32>,
        tpu.vector_store %arg9[%swap3A_106], %broadcast_in_dim3A_1 {strides = array<i32>} : memref<528xf32, #tpu.memory_space<vmem>>, vector<16xf32>,
        %scan3A_108 = arith.constant 0 : i32
        %scan3A_109 = arith.constant 0 : i32
        %scan3A_110 = arith.constant 32 : i32
        %scan3A_111 = arith.addi %scan3A_109, %scan3A_110 : i32
        %scan3A_112 = arith.constant 1 : i32
        %scan3A_113 = scf.for %scan3A_348 = %scan3A_109 to %scan3A_111 step %scan3A_112 iter_args(%scan3A_349 = %scan3A_108) -> (i32)  : i32 {
          %mul3A_350 = arith.constant 16 : i32
          %mul3A_351 = arith.muli %scan3A_348, %mul3A_350 : i32
          %add3A_352 = arith.addi %add3A_99, %mul3A_351 : i32
          %get3A_353 = arith.index_cast %add3A_352 : i32 to index
          %get3A_354 = tpu.vector_load %arg6[%get3A_353] {strides = array<i32>} : memref<16384xf32, #tpu.memory_space<vmem>>, vector<16xf32>,
          %gt3A_355 = arith.constant -3.000000e+38 : f32
          %gt3A_356 = vector.broadcast %gt3A_355 : f32 to vector<16xf32>
          %gt3A_357 = arith.cmpf ogt, %get3A_354, %gt3A_356 : vector<16xf32>
          %swap3A_358 = arith.index_cast %scan3A_349 : i32 to index
          %swap3A_359 = tpu.vector_load %arg9[%swap3A_358] masked %gt3A_357 {strides = array<i32>} : memref<528xf32, #tpu.memory_space<vmem>>, vector<16xf32>, vector<16xi1>
          tpu.vector_store %arg9[%swap3A_358], %get3A_354 masked %gt3A_357 {strides = array<i32>} : memref<528xf32, #tpu.memory_space<vmem>>, vector<16xf32>, vector<16xi1>
          %mul3A_360 = arith.constant 16 : i32
          %mul3A_361 = arith.muli %scan3A_348, %mul3A_360 : i32
          %add3A_362 = vector.broadcast %mul3A_361 : i32 to vector<16xi32>
          %add3A_363 = arith.addi %iota3A, %add3A_362 : vector<16xi32>
          %swap3A_364 = arith.index_cast %scan3A_349 : i32 to index
          %swap3A_365 = tpu.vector_load %arg10[%swap3A_364] masked %gt3A_357 {strides = array<i32>} : memref<528xi32, #tpu.memory_space<vmem>>, vector<16xi32>, vector<16xi1>
          tpu.vector_store %arg10[%swap3A_364], %add3A_363 masked %gt3A_357 {strides = array<i32>} : memref<528xi32, #tpu.memory_space<vmem>>, vector<16xi32>, vector<16xi1>
          %convert_element_type3A_366 = arith.extui %gt3A_357 : vector<16xi1> to vector<16xi32>
          %reduce_sum3A = arith.constant true
          %reduce_sum3A_367 = vector.broadcast %reduce_sum3A : i1 to vector<16xi1>
          %reduce_sum3A_368 = tpu.scan <sum>, %convert_element_type3A_366 masked %reduce_sum3A_367 : vector<16xi32>, vector<16xi1> -> vector<16xi32>
          %reduce_sum3A_369 = vector.extract %reduce_sum3A_368[15] : i32 from vector<16xi32>
          %add3A_370 = arith.addi %scan3A_349, %reduce_sum3A_369 : i32
          scf.yield %add3A_370 : i32
        }
        %scan3A_114 = arith.constant 32 : i32
        %swap3A_115 = arith.index_cast %scan3A_113 : i32 to index
        %swap3A_116 = tpu.vector_load %arg9[%swap3A_115] {strides = array<i32>} : memref<528xf32, #tpu.memory_space<vmem>>, vector<16xf32>,
        tpu.vector_store %arg9[%swap3A_115], %broadcast_in_dim3A_1 {strides = array<i32>} : memref<528xf32, #tpu.memory_space<vmem>>, vector<16xf32>,
        %get3A = arith.constant 0 : index
        %get3A_117 = tpu.vector_load %arg9[%get3A] {strides = array<i32>} : memref<528xf32, #tpu.memory_space<vmem>>, vector<16xf32>,
        %get3A_118 = arith.constant 16 : index
        %get3A_119 = tpu.vector_load %arg9[%get3A_118] {strides = array<i32>} : memref<528xf32, #tpu.memory_space<vmem>>, vector<16xf32>,
        %get3A_120 = arith.constant 32 : index
        %get3A_121 = tpu.vector_load %arg9[%get3A_120] {strides = array<i32>} : memref<528xf32, #tpu.memory_space<vmem>>, vector<16xf32>,
        %get3A_122 = arith.constant 48 : index
        %get3A_123 = tpu.vector_load %arg9[%get3A_122] {strides = array<i32>} : memref<528xf32, #tpu.memory_space<vmem>>, vector<16xf32>,
        %get3A_124 = arith.constant 0 : index
        %get3A_125 = tpu.vector_load %arg10[%get3A_124] {strides = array<i32>} : memref<528xi32, #tpu.memory_space<vmem>>, vector<16xi32>,
        %get3A_126 = arith.constant 16 : index
        %get3A_127 = tpu.vector_load %arg10[%get3A_126] {strides = array<i32>} : memref<528xi32, #tpu.memory_space<vmem>>, vector<16xi32>,
        %get3A_128 = arith.constant 32 : index
        %get3A_129 = tpu.vector_load %arg10[%get3A_128] {strides = array<i32>} : memref<528xi32, #tpu.memory_space<vmem>>, vector<16xi32>,
        %get3A_130 = arith.constant 48 : index
        %get3A_131 = tpu.vector_load %arg10[%get3A_130] {strides = array<i32>} : memref<528xi32, #tpu.memory_space<vmem>>, vector<16xi32>,
        %masked_sort3A = arith.constant dense<true> : vector<16xi1>
        %masked_sort3A_132, %masked_sort3A_133, %masked_sort3A_134 = tpu.sort %get3A_117, %get3A_125 masked %masked_sort3A {descending = true} : (vector<16xf32>, vector<16xi32>, vector<16xi1>) -> (vector<16xi1>, vector<16xf32>, vector<16xi32>)
        %masked_sort3A_135 = arith.constant dense<true> : vector<16xi1>
        %masked_sort3A_136, %masked_sort3A_137, %masked_sort3A_138 = tpu.sort %get3A_119, %get3A_127 masked %masked_sort3A_135 {descending = true} : (vector<16xf32>, vector<16xi32>, vector<16xi1>) -> (vector<16xi1>, vector<16xf32>, vector<16xi32>)
        %masked_sort3A_139 = arith.constant dense<true> : vector<16xi1>
        %masked_sort3A_140, %masked_sort3A_141, %masked_sort3A_142 = tpu.sort %get3A_121, %get3A_129 masked %masked_sort3A_139 {descending = true} : (vector<16xf32>, vector<16xi32>, vector<16xi1>) -> (vector<16xi1>, vector<16xf32>, vector<16xi32>)
        %masked_sort3A_143 = arith.constant dense<true> : vector<16xi1>
        %masked_sort3A_144, %masked_sort3A_145, %masked_sort3A_146 = tpu.sort %get3A_123, %get3A_131 masked %masked_sort3A_143 {descending = true} : (vector<16xf32>, vector<16xi32>, vector<16xi1>) -> (vector<16xi1>, vector<16xf32>, vector<16xi32>)
        %rev3A = arith.constant 15 : i32
        %rev3A_147 = vector.broadcast %rev3A : i32 to vector<16xi32>
        %rev3A_148 = tpu.iota {dimensions = array<i32: 0>} : vector<16xi32>
        %rev3A_149 = arith.subi %rev3A_147, %rev3A_148 : vector<16xi32>
        %rev3A_150 = tpu.dynamic_gather %masked_sort3A_137[%rev3A_149] in [0] : vector<16xf32>, vector<16xi32> -> vector<16xf32>
        %rev3A_151 = arith.constant 15 : i32
        %rev3A_152 = vector.broadcast %rev3A_151 : i32 to vector<16xi32>
        %rev3A_153 = tpu.iota {dimensions = array<i32: 0>} : vector<16xi32>
        %rev3A_154 = arith.subi %rev3A_152, %rev3A_153 : vector<16xi32>
        %rev3A_155 = tpu.dynamic_gather %masked_sort3A_138[%rev3A_154] in [0] : vector<16xi32>, vector<16xi32> -> vector<16xi32>
        %ge3A = arith.cmpf oge, %masked_sort3A_133, %rev3A_150 : vector<16xf32>
        %select_n3A = arith.select %ge3A, %masked_sort3A_133, %rev3A_150 : vector<16xi1>, vector<16xf32>
        %select_n3A_156 = arith.select %ge3A, %masked_sort3A_134, %rev3A_155 : vector<16xi1>, vector<16xi32>
        %select_n3A_157 = arith.select %ge3A, %rev3A_150, %masked_sort3A_133 : vector<16xi1>, vector<16xf32>
        %select_n3A_158 = arith.select %ge3A, %rev3A_155, %masked_sort3A_134 : vector<16xi1>, vector<16xi32>
        %masked_sort3A_159 = arith.constant dense<true> : vector<16xi1>
        %masked_sort3A_160, %masked_sort3A_161, %masked_sort3A_162 = tpu.sort %select_n3A, %select_n3A_156 masked %masked_sort3A_159 {descending = true} : (vector<16xf32>, vector<16xi32>, vector<16xi1>) -> (vector<16xi1>, vector<16xf32>, vector<16xi32>)
        %masked_sort3A_163 = arith.constant dense<true> : vector<16xi1>
        %masked_sort3A_164, %masked_sort3A_165, %masked_sort3A_166 = tpu.sort %select_n3A_157, %select_n3A_158 masked %masked_sort3A_163 {descending = true} : (vector<16xf32>, vector<16xi32>, vector<16xi1>) -> (vector<16xi1>, vector<16xf32>, vector<16xi32>)
        %rev3A_167 = arith.constant 15 : i32
        %rev3A_168 = vector.broadcast %rev3A_167 : i32 to vector<16xi32>
        %rev3A_169 = tpu.iota {dimensions = array<i32: 0>} : vector<16xi32>
        %rev3A_170 = arith.subi %rev3A_168, %rev3A_169 : vector<16xi32>
        %rev3A_171 = tpu.dynamic_gather %masked_sort3A_145[%rev3A_170] in [0] : vector<16xf32>, vector<16xi32> -> vector<16xf32>
        %rev3A_172 = arith.constant 15 : i32
        %rev3A_173 = vector.broadcast %rev3A_172 : i32 to vector<16xi32>
        %rev3A_174 = tpu.iota {dimensions = array<i32: 0>} : vector<16xi32>
        %rev3A_175 = arith.subi %rev3A_173, %rev3A_174 : vector<16xi32>
        %rev3A_176 = tpu.dynamic_gather %masked_sort3A_146[%rev3A_175] in [0] : vector<16xi32>, vector<16xi32> -> vector<16xi32>
        %ge3A_177 = arith.cmpf oge, %masked_sort3A_141, %rev3A_171 : vector<16xf32>
        %select_n3A_178 = arith.select %ge3A_177, %masked_sort3A_141, %rev3A_171 : vector<16xi1>, vector<16xf32>
        %select_n3A_179 = arith.select %ge3A_177, %masked_sort3A_142, %rev3A_176 : vector<16xi1>, vector<16xi32>
        %select_n3A_180 = arith.select %ge3A_177, %rev3A_171, %masked_sort3A_141 : vector<16xi1>, vector<16xf32>
        %select_n3A_181 = arith.select %ge3A_177, %rev3A_176, %masked_sort3A_142 : vector<16xi1>, vector<16xi32>
        %masked_sort3A_182 = arith.constant dense<true> : vector<16xi1>
        %masked_sort3A_183, %masked_sort3A_184, %masked_sort3A_185 = tpu.sort %select_n3A_178, %select_n3A_179 masked %masked_sort3A_182 {descending = true} : (vector<16xf32>, vector<16xi32>, vector<16xi1>) -> (vector<16xi1>, vector<16xf32>, vector<16xi32>)
        %masked_sort3A_186 = arith.constant dense<true> : vector<16xi1>
        %masked_sort3A_187, %masked_sort3A_188, %masked_sort3A_189 = tpu.sort %select_n3A_180, %select_n3A_181 masked %masked_sort3A_186 {descending = true} : (vector<16xf32>, vector<16xi32>, vector<16xi1>) -> (vector<16xi1>, vector<16xf32>, vector<16xi32>)
        %rev3A_190 = arith.constant 15 : i32
        %rev3A_191 = vector.broadcast %rev3A_190 : i32 to vector<16xi32>
        %rev3A_192 = tpu.iota {dimensions = array<i32: 0>} : vector<16xi32>
        %rev3A_193 = arith.subi %rev3A_191, %rev3A_192 : vector<16xi32>
        %rev3A_194 = tpu.dynamic_gather %masked_sort3A_188[%rev3A_193] in [0] : vector<16xf32>, vector<16xi32> -> vector<16xf32>
        %rev3A_195 = arith.constant 15 : i32
        %rev3A_196 = vector.broadcast %rev3A_195 : i32 to vector<16xi32>
        %rev3A_197 = tpu.iota {dimensions = array<i32: 0>} : vector<16xi32>
        %rev3A_198 = arith.subi %rev3A_196, %rev3A_197 : vector<16xi32>
        %rev3A_199 = tpu.dynamic_gather %masked_sort3A_184[%rev3A_198] in [0] : vector<16xf32>, vector<16xi32> -> vector<16xf32>
        %rev3A_200 = arith.constant 15 : i32
        %rev3A_201 = vector.broadcast %rev3A_200 : i32 to vector<16xi32>
        %rev3A_202 = tpu.iota {dimensions = array<i32: 0>} : vector<16xi32>
        %rev3A_203 = arith.subi %rev3A_201, %rev3A_202 : vector<16xi32>
        %rev3A_204 = tpu.dynamic_gather %masked_sort3A_189[%rev3A_203] in [0] : vector<16xi32>, vector<16xi32> -> vector<16xi32>
        %rev3A_205 = arith.constant 15 : i32
        %rev3A_206 = vector.broadcast %rev3A_205 : i32 to vector<16xi32>
        %rev3A_207 = tpu.iota {dimensions = array<i32: 0>} : vector<16xi32>
        %rev3A_208 = arith.subi %rev3A_206, %rev3A_207 : vector<16xi32>
        %rev3A_209 = tpu.dynamic_gather %masked_sort3A_185[%rev3A_208] in [0] : vector<16xi32>, vector<16xi32> -> vector<16xi32>
        %ge3A_210 = arith.cmpf oge, %masked_sort3A_161, %rev3A_194 : vector<16xf32>
        %select_n3A_211 = arith.select %ge3A_210, %masked_sort3A_161, %rev3A_194 : vector<16xi1>, vector<16xf32>
        %select_n3A_212 = arith.select %ge3A_210, %masked_sort3A_162, %rev3A_204 : vector<16xi1>, vector<16xi32>
        %select_n3A_213 = arith.select %ge3A_210, %rev3A_194, %masked_sort3A_161 : vector<16xi1>, vector<16xf32>
        %select_n3A_214 = arith.select %ge3A_210, %rev3A_204, %masked_sort3A_162 : vector<16xi1>, vector<16xi32>
        %ge3A_215 = arith.cmpf oge, %masked_sort3A_165, %rev3A_199 : vector<16xf32>
        %select_n3A_216 = arith.select %ge3A_215, %masked_sort3A_165, %rev3A_199 : vector<16xi1>, vector<16xf32>
        %select_n3A_217 = arith.select %ge3A_215, %masked_sort3A_166, %rev3A_209 : vector<16xi1>, vector<16xi32>
        %select_n3A_218 = arith.select %ge3A_215, %rev3A_199, %masked_sort3A_165 : vector<16xi1>, vector<16xf32>
        %select_n3A_219 = arith.select %ge3A_215, %rev3A_209, %masked_sort3A_166 : vector<16xi1>, vector<16xi32>
        %ge3A_220 = arith.cmpf oge, %select_n3A_211, %select_n3A_216 : vector<16xf32>
        %select_n3A_221 = arith.select %ge3A_220, %select_n3A_211, %select_n3A_216 : vector<16xi1>, vector<16xf32>
        %select_n3A_222 = arith.select %ge3A_220, %select_n3A_212, %select_n3A_217 : vector<16xi1>, vector<16xi32>
        %select_n3A_223 = arith.select %ge3A_220, %select_n3A_216, %select_n3A_211 : vector<16xi1>, vector<16xf32>
        %select_n3A_224 = arith.select %ge3A_220, %select_n3A_217, %select_n3A_212 : vector<16xi1>, vector<16xi32>
        %ge3A_225 = arith.cmpf oge, %select_n3A_213, %select_n3A_218 : vector<16xf32>
        %select_n3A_226 = arith.select %ge3A_225, %select_n3A_213, %select_n3A_218 : vector<16xi1>, vector<16xf32>
        %select_n3A_227 = arith.select %ge3A_225, %select_n3A_214, %select_n3A_219 : vector<16xi1>, vector<16xi32>
        %select_n3A_228 = arith.select %ge3A_225, %select_n3A_218, %select_n3A_213 : vector<16xi1>, vector<16xf32>
        %select_n3A_229 = arith.select %ge3A_225, %select_n3A_219, %select_n3A_214 : vector<16xi1>, vector<16xi32>
        %masked_sort3A_230 = arith.constant dense<true> : vector<16xi1>
        %masked_sort3A_231, %masked_sort3A_232, %masked_sort3A_233 = tpu.sort %select_n3A_221, %select_n3A_222 masked %masked_sort3A_230 {descending = true} : (vector<16xf32>, vector<16xi32>, vector<16xi1>) -> (vector<16xi1>, vector<16xf32>, vector<16xi32>)
        %masked_sort3A_234 = arith.constant dense<true> : vector<16xi1>
        %masked_sort3A_235, %masked_sort3A_236, %masked_sort3A_237 = tpu.sort %select_n3A_223, %select_n3A_224 masked %masked_sort3A_234 {descending = true} : (vector<16xf32>, vector<16xi32>, vector<16xi1>) -> (vector<16xi1>, vector<16xf32>, vector<16xi32>)
        %masked_sort3A_238 = arith.constant dense<true> : vector<16xi1>
        %masked_sort3A_239, %masked_sort3A_240, %masked_sort3A_241 = tpu.sort %select_n3A_226, %select_n3A_227 masked %masked_sort3A_238 {descending = true} : (vector<16xf32>, vector<16xi32>, vector<16xi1>) -> (vector<16xi1>, vector<16xf32>, vector<16xi32>)
        %masked_sort3A_242 = arith.constant dense<true> : vector<16xi1>
        %masked_sort3A_243, %masked_sort3A_244, %masked_sort3A_245 = tpu.sort %select_n3A_228, %select_n3A_229 masked %masked_sort3A_242 {descending = true} : (vector<16xf32>, vector<16xi32>, vector<16xi1>) -> (vector<16xi1>, vector<16xf32>, vector<16xi32>)
        %add3A_246 = arith.constant 15 : i32
        %add3A_247 = arith.addi %scan3A_113, %add3A_246 : i32
        %jit3A = arith.constant 16 : i32
        %div3A = arith.divsi %add3A_247, %jit3A : i32
        %sign3A = arith.constant 0 : i32
        %sign3A_248 = arith.cmpi sgt, %add3A_247, %sign3A : i32
        %sign3A_249 = arith.extui %sign3A_248 : i1 to i32
        %sign3A_250 = arith.constant 0 : i32
        %sign3A_251 = arith.cmpi slt, %add3A_247, %sign3A_250 : i32
        %sign3A_252 = arith.extui %sign3A_251 : i1 to i32
        %sign3A_253 = arith.subi %sign3A_249, %sign3A_252 : i32
        %sign3A_254 = arith.constant 0 : i32
        %sign3A_255 = arith.cmpi sgt, %jit3A, %sign3A_254 : i32
        %sign3A_256 = arith.extui %sign3A_255 : i1 to i32
        %sign3A_257 = arith.constant 0 : i32
        %sign3A_258 = arith.cmpi slt, %jit3A, %sign3A_257 : i32
        %sign3A_259 = arith.extui %sign3A_258 : i1 to i32
        %sign3A_260 = arith.subi %sign3A_256, %sign3A_259 : i32
        %ne3A = arith.cmpi ne, %sign3A_253, %sign3A_260 : i32
        %rem3A_261 = arith.remsi %add3A_247, %jit3A : i32
        %ne3A_262 = arith.constant 0 : i32
        %ne3A_263 = arith.cmpi ne, %rem3A_261, %ne3A_262 : i32
        %and3A = arith.andi %ne3A, %ne3A_263 : i1
        %sub3A = arith.constant 1 : i32
        %sub3A_264 = arith.subi %div3A, %sub3A : i32
        %select_n3A_265 = arith.select %and3A, %sub3A_264, %div3A : i32
        %while3A = arith.constant 4 : i32
        %while3A_266 = arith.subi %select_n3A_265, %while3A : i32
        %while3A_267 = arith.addi %while3A, %while3A_266 : i32
        %while3A_268 = arith.constant 1 : i32
        %while3A_269 = arith.divsi %while3A_266, %while3A_268 : i32
        %while3A_270 = arith.muli %while3A_269, %while3A_268 : i32
        %while3A_271 = arith.addi %while3A, %while3A_270 : i32
        %while3A_272 = arith.constant 1 : i32
        %while3A_273:8 = scf.for %while3A_348 = %while3A to %while3A_271 step %while3A_272 iter_args(%while3A_349 = %masked_sort3A_232, %while3A_350 = %masked_sort3A_236, %while3A_351 = %masked_sort3A_240, %while3A_352 = %masked_sort3A_244, %while3A_353 = %masked_sort3A_233, %while3A_354 = %masked_sort3A_237, %while3A_355 = %masked_sort3A_241, %while3A_356 = %masked_sort3A_245) -> (vector<16xf32>, vector<16xf32>, vector<16xf32>, vector<16xf32>, vector<16xi32>, vector<16xi32>, vector<16xi32>, vector<16xi32>)  : i32 {
          %mul3A_357 = arith.constant 16 : i32
          %mul3A_358 = arith.muli %while3A_348, %mul3A_357 : i32
          %get3A_359 = arith.index_cast %mul3A_358 : i32 to index
          %get3A_360 = tpu.vector_load %arg9[%get3A_359] {strides = array<i32>} : memref<528xf32, #tpu.memory_space<vmem>>, vector<16xf32>,
          %mul3A_361 = arith.constant 16 : i32
          %mul3A_362 = arith.muli %while3A_348, %mul3A_361 : i32
          %get3A_363 = arith.index_cast %mul3A_362 : i32 to index
          %get3A_364 = tpu.vector_load %arg10[%get3A_363] {strides = array<i32>} : memref<528xi32, #tpu.memory_space<vmem>>, vector<16xi32>,
          %masked_sort3A_365 = arith.constant dense<true> : vector<16xi1>
          %masked_sort3A_366, %masked_sort3A_367, %masked_sort3A_368 = tpu.sort %get3A_360, %get3A_364 masked %masked_sort3A_365 {descending = true} : (vector<16xf32>, vector<16xi32>, vector<16xi1>) -> (vector<16xi1>, vector<16xf32>, vector<16xi32>)
          %rev3A_369 = arith.constant 15 : i32
          %rev3A_370 = vector.broadcast %rev3A_369 : i32 to vector<16xi32>
          %rev3A_371 = tpu.iota {dimensions = array<i32: 0>} : vector<16xi32>
          %rev3A_372 = arith.subi %rev3A_370, %rev3A_371 : vector<16xi32>
          %rev3A_373 = tpu.dynamic_gather %masked_sort3A_367[%rev3A_372] in [0] : vector<16xf32>, vector<16xi32> -> vector<16xf32>
          %rev3A_374 = arith.constant 15 : i32
          %rev3A_375 = vector.broadcast %rev3A_374 : i32 to vector<16xi32>
          %rev3A_376 = tpu.iota {dimensions = array<i32: 0>} : vector<16xi32>
          %rev3A_377 = arith.subi %rev3A_375, %rev3A_376 : vector<16xi32>
          %rev3A_378 = tpu.dynamic_gather %masked_sort3A_368[%rev3A_377] in [0] : vector<16xi32>, vector<16xi32> -> vector<16xi32>
          %ge3A_379 = arith.cmpf oge, %while3A_352, %rev3A_373 : vector<16xf32>
          %select_n3A_380 = arith.select %ge3A_379, %while3A_352, %rev3A_373 : vector<16xi1>, vector<16xf32>
          %select_n3A_381 = arith.select %ge3A_379, %while3A_356, %rev3A_378 : vector<16xi1>, vector<16xi32>
          %select_n3A_382 = arith.select %ge3A_379, %rev3A_373, %while3A_352 : vector<16xi1>, vector<16xf32>
          %select_n3A_383 = arith.select %ge3A_379, %rev3A_378, %while3A_356 : vector<16xi1>, vector<16xi32>
          %masked_sort3A_384 = arith.constant dense<true> : vector<16xi1>
          %masked_sort3A_385, %masked_sort3A_386, %masked_sort3A_387 = tpu.sort %while3A_349, %while3A_353 masked %masked_sort3A_384 {descending = true} : (vector<16xf32>, vector<16xi32>, vector<16xi1>) -> (vector<16xi1>, vector<16xf32>, vector<16xi32>)
          %masked_sort3A_388 = arith.constant dense<true> : vector<16xi1>
          %masked_sort3A_389, %masked_sort3A_390, %masked_sort3A_391 = tpu.sort %while3A_350, %while3A_354 masked %masked_sort3A_388 {descending = true} : (vector<16xf32>, vector<16xi32>, vector<16xi1>) -> (vector<16xi1>, vector<16xf32>, vector<16xi32>)
          %masked_sort3A_392 = arith.constant dense<true> : vector<16xi1>
          %masked_sort3A_393, %masked_sort3A_394, %masked_sort3A_395 = tpu.sort %while3A_351, %while3A_355 masked %masked_sort3A_392 {descending = true} : (vector<16xf32>, vector<16xi32>, vector<16xi1>) -> (vector<16xi1>, vector<16xf32>, vector<16xi32>)
          %masked_sort3A_396 = arith.constant dense<true> : vector<16xi1>
          %masked_sort3A_397, %masked_sort3A_398, %masked_sort3A_399 = tpu.sort %select_n3A_380, %select_n3A_381 masked %masked_sort3A_396 {descending = true} : (vector<16xf32>, vector<16xi32>, vector<16xi1>) -> (vector<16xi1>, vector<16xf32>, vector<16xi32>)
          %rev3A_400 = arith.constant 15 : i32
          %rev3A_401 = vector.broadcast %rev3A_400 : i32 to vector<16xi32>
          %rev3A_402 = tpu.iota {dimensions = array<i32: 0>} : vector<16xi32>
          %rev3A_403 = arith.subi %rev3A_401, %rev3A_402 : vector<16xi32>
          %rev3A_404 = tpu.dynamic_gather %masked_sort3A_390[%rev3A_403] in [0] : vector<16xf32>, vector<16xi32> -> vector<16xf32>
          %rev3A_405 = arith.constant 15 : i32
          %rev3A_406 = vector.broadcast %rev3A_405 : i32 to vector<16xi32>
          %rev3A_407 = tpu.iota {dimensions = array<i32: 0>} : vector<16xi32>
          %rev3A_408 = arith.subi %rev3A_406, %rev3A_407 : vector<16xi32>
          %rev3A_409 = tpu.dynamic_gather %masked_sort3A_391[%rev3A_408] in [0] : vector<16xi32>, vector<16xi32> -> vector<16xi32>
          %ge3A_410 = arith.cmpf oge, %masked_sort3A_386, %rev3A_404 : vector<16xf32>
          %select_n3A_411 = arith.select %ge3A_410, %masked_sort3A_386, %rev3A_404 : vector<16xi1>, vector<16xf32>
          %select_n3A_412 = arith.select %ge3A_410, %masked_sort3A_387, %rev3A_409 : vector<16xi1>, vector<16xi32>
          %select_n3A_413 = arith.select %ge3A_410, %rev3A_404, %masked_sort3A_386 : vector<16xi1>, vector<16xf32>
          %select_n3A_414 = arith.select %ge3A_410, %rev3A_409, %masked_sort3A_387 : vector<16xi1>, vector<16xi32>
          %masked_sort3A_415 = arith.constant dense<true> : vector<16xi1>
          %masked_sort3A_416, %masked_sort3A_417, %masked_sort3A_418 = tpu.sort %select_n3A_411, %select_n3A_412 masked %masked_sort3A_415 {descending = true} : (vector<16xf32>, vector<16xi32>, vector<16xi1>) -> (vector<16xi1>, vector<16xf32>, vector<16xi32>)
          %masked_sort3A_419 = arith.constant dense<true> : vector<16xi1>
          %masked_sort3A_420, %masked_sort3A_421, %masked_sort3A_422 = tpu.sort %select_n3A_413, %select_n3A_414 masked %masked_sort3A_419 {descending = true} : (vector<16xf32>, vector<16xi32>, vector<16xi1>) -> (vector<16xi1>, vector<16xf32>, vector<16xi32>)
          %rev3A_423 = arith.constant 15 : i32
          %rev3A_424 = vector.broadcast %rev3A_423 : i32 to vector<16xi32>
          %rev3A_425 = tpu.iota {dimensions = array<i32: 0>} : vector<16xi32>
          %rev3A_426 = arith.subi %rev3A_424, %rev3A_425 : vector<16xi32>
          %rev3A_427 = tpu.dynamic_gather %masked_sort3A_398[%rev3A_426] in [0] : vector<16xf32>, vector<16xi32> -> vector<16xf32>
          %rev3A_428 = arith.constant 15 : i32
          %rev3A_429 = vector.broadcast %rev3A_428 : i32 to vector<16xi32>
          %rev3A_430 = tpu.iota {dimensions = array<i32: 0>} : vector<16xi32>
          %rev3A_431 = arith.subi %rev3A_429, %rev3A_430 : vector<16xi32>
          %rev3A_432 = tpu.dynamic_gather %masked_sort3A_399[%rev3A_431] in [0] : vector<16xi32>, vector<16xi32> -> vector<16xi32>
          %ge3A_433 = arith.cmpf oge, %masked_sort3A_394, %rev3A_427 : vector<16xf32>
          %select_n3A_434 = arith.select %ge3A_433, %masked_sort3A_394, %rev3A_427 : vector<16xi1>, vector<16xf32>
          %select_n3A_435 = arith.select %ge3A_433, %masked_sort3A_395, %rev3A_432 : vector<16xi1>, vector<16xi32>
          %select_n3A_436 = arith.select %ge3A_433, %rev3A_427, %masked_sort3A_394 : vector<16xi1>, vector<16xf32>
          %select_n3A_437 = arith.select %ge3A_433, %rev3A_432, %masked_sort3A_395 : vector<16xi1>, vector<16xi32>
          %masked_sort3A_438 = arith.constant dense<true> : vector<16xi1>
          %masked_sort3A_439, %masked_sort3A_440, %masked_sort3A_441 = tpu.sort %select_n3A_434, %select_n3A_435 masked %masked_sort3A_438 {descending = true} : (vector<16xf32>, vector<16xi32>, vector<16xi1>) -> (vector<16xi1>, vector<16xf32>, vector<16xi32>)
          %masked_sort3A_442 = arith.constant dense<true> : vector<16xi1>
          %masked_sort3A_443, %masked_sort3A_444, %masked_sort3A_445 = tpu.sort %select_n3A_436, %select_n3A_437 masked %masked_sort3A_442 {descending = true} : (vector<16xf32>, vector<16xi32>, vector<16xi1>) -> (vector<16xi1>, vector<16xf32>, vector<16xi32>)
          %rev3A_446 = arith.constant 15 : i32
          %rev3A_447 = vector.broadcast %rev3A_446 : i32 to vector<16xi32>
          %rev3A_448 = tpu.iota {dimensions = array<i32: 0>} : vector<16xi32>
          %rev3A_449 = arith.subi %rev3A_447, %rev3A_448 : vector<16xi32>
          %rev3A_450 = tpu.dynamic_gather %masked_sort3A_444[%rev3A_449] in [0] : vector<16xf32>, vector<16xi32> -> vector<16xf32>
          %rev3A_451 = arith.constant 15 : i32
          %rev3A_452 = vector.broadcast %rev3A_451 : i32 to vector<16xi32>
          %rev3A_453 = tpu.iota {dimensions = array<i32: 0>} : vector<16xi32>
          %rev3A_454 = arith.subi %rev3A_452, %rev3A_453 : vector<16xi32>
          %rev3A_455 = tpu.dynamic_gather %masked_sort3A_440[%rev3A_454] in [0] : vector<16xf32>, vector<16xi32> -> vector<16xf32>
          %rev3A_456 = arith.constant 15 : i32
          %rev3A_457 = vector.broadcast %rev3A_456 : i32 to vector<16xi32>
          %rev3A_458 = tpu.iota {dimensions = array<i32: 0>} : vector<16xi32>
          %rev3A_459 = arith.subi %rev3A_457, %rev3A_458 : vector<16xi32>
          %rev3A_460 = tpu.dynamic_gather %masked_sort3A_445[%rev3A_459] in [0] : vector<16xi32>, vector<16xi32> -> vector<16xi32>
          %rev3A_461 = arith.constant 15 : i32
          %rev3A_462 = vector.broadcast %rev3A_461 : i32 to vector<16xi32>
          %rev3A_463 = tpu.iota {dimensions = array<i32: 0>} : vector<16xi32>
          %rev3A_464 = arith.subi %rev3A_462, %rev3A_463 : vector<16xi32>
          %rev3A_465 = tpu.dynamic_gather %masked_sort3A_441[%rev3A_464] in [0] : vector<16xi32>, vector<16xi32> -> vector<16xi32>
          %ge3A_466 = arith.cmpf oge, %masked_sort3A_417, %rev3A_450 : vector<16xf32>
          %select_n3A_467 = arith.select %ge3A_466, %masked_sort3A_417, %rev3A_450 : vector<16xi1>, vector<16xf32>
          %select_n3A_468 = arith.select %ge3A_466, %masked_sort3A_418, %rev3A_460 : vector<16xi1>, vector<16xi32>
          %select_n3A_469 = arith.select %ge3A_466, %rev3A_450, %masked_sort3A_417 : vector<16xi1>, vector<16xf32>
          %select_n3A_470 = arith.select %ge3A_466, %rev3A_460, %masked_sort3A_418 : vector<16xi1>, vector<16xi32>
          %ge3A_471 = arith.cmpf oge, %masked_sort3A_421, %rev3A_455 : vector<16xf32>
          %select_n3A_472 = arith.select %ge3A_471, %masked_sort3A_421, %rev3A_455 : vector<16xi1>, vector<16xf32>
          %select_n3A_473 = arith.select %ge3A_471, %masked_sort3A_422, %rev3A_465 : vector<16xi1>, vector<16xi32>
          %select_n3A_474 = arith.select %ge3A_471, %rev3A_455, %masked_sort3A_421 : vector<16xi1>, vector<16xf32>
          %select_n3A_475 = arith.select %ge3A_471, %rev3A_465, %masked_sort3A_422 : vector<16xi1>, vector<16xi32>
          %ge3A_476 = arith.cmpf oge, %select_n3A_467, %select_n3A_472 : vector<16xf32>
          %select_n3A_477 = arith.select %ge3A_476, %select_n3A_467, %select_n3A_472 : vector<16xi1>, vector<16xf32>
          %select_n3A_478 = arith.select %ge3A_476, %select_n3A_468, %select_n3A_473 : vector<16xi1>, vector<16xi32>
          %select_n3A_479 = arith.select %ge3A_476, %select_n3A_472, %select_n3A_467 : vector<16xi1>, vector<16xf32>
          %select_n3A_480 = arith.select %ge3A_476, %select_n3A_473, %select_n3A_468 : vector<16xi1>, vector<16xi32>
          %ge3A_481 = arith.cmpf oge, %select_n3A_469, %select_n3A_474 : vector<16xf32>
          %select_n3A_482 = arith.select %ge3A_481, %select_n3A_469, %select_n3A_474 : vector<16xi1>, vector<16xf32>
          %select_n3A_483 = arith.select %ge3A_481, %select_n3A_470, %select_n3A_475 : vector<16xi1>, vector<16xi32>
          %select_n3A_484 = arith.select %ge3A_481, %select_n3A_474, %select_n3A_469 : vector<16xi1>, vector<16xf32>
          %select_n3A_485 = arith.select %ge3A_481, %select_n3A_475, %select_n3A_470 : vector<16xi1>, vector<16xi32>
          %masked_sort3A_486 = arith.constant dense<true> : vector<16xi1>
          %masked_sort3A_487, %masked_sort3A_488, %masked_sort3A_489 = tpu.sort %select_n3A_477, %select_n3A_478 masked %masked_sort3A_486 {descending = true} : (vector<16xf32>, vector<16xi32>, vector<16xi1>) -> (vector<16xi1>, vector<16xf32>, vector<16xi32>)
          %masked_sort3A_490 = arith.constant dense<true> : vector<16xi1>
          %masked_sort3A_491, %masked_sort3A_492, %masked_sort3A_493 = tpu.sort %select_n3A_479, %select_n3A_480 masked %masked_sort3A_490 {descending = true} : (vector<16xf32>, vector<16xi32>, vector<16xi1>) -> (vector<16xi1>, vector<16xf32>, vector<16xi32>)
          %masked_sort3A_494 = arith.constant dense<true> : vector<16xi1>
          %masked_sort3A_495, %masked_sort3A_496, %masked_sort3A_497 = tpu.sort %select_n3A_482, %select_n3A_483 masked %masked_sort3A_494 {descending = true} : (vector<16xf32>, vector<16xi32>, vector<16xi1>) -> (vector<16xi1>, vector<16xf32>, vector<16xi32>)
          %masked_sort3A_498 = arith.constant dense<true> : vector<16xi1>
          %masked_sort3A_499, %masked_sort3A_500, %masked_sort3A_501 = tpu.sort %select_n3A_484, %select_n3A_485 masked %masked_sort3A_498 {descending = true} : (vector<16xf32>, vector<16xi32>, vector<16xi1>) -> (vector<16xi1>, vector<16xf32>, vector<16xi32>)
          scf.yield %masked_sort3A_488, %masked_sort3A_492, %masked_sort3A_496, %masked_sort3A_500, %masked_sort3A_489, %masked_sort3A_493, %masked_sort3A_497, %masked_sort3A_501 : vector<16xf32>, vector<16xf32>, vector<16xf32>, vector<16xf32>, vector<16xi32>, vector<16xi32>, vector<16xi32>, vector<16xi32>
        }
        %while3A_274 = arith.constant 1 : i32
        %while3A_275:8 = scf.for %while3A_348 = %while3A_271 to %while3A_267 step %while3A_274 iter_args(%while3A_349 = %while3A_273#0, %while3A_350 = %while3A_273#1, %while3A_351 = %while3A_273#2, %while3A_352 = %while3A_273#3, %while3A_353 = %while3A_273#4, %while3A_354 = %while3A_273#5, %while3A_355 = %while3A_273#6, %while3A_356 = %while3A_273#7) -> (vector<16xf32>, vector<16xf32>, vector<16xf32>, vector<16xf32>, vector<16xi32>, vector<16xi32>, vector<16xi32>, vector<16xi32>)  : i32 {
          %mul3A_357 = arith.constant 16 : i32
          %mul3A_358 = arith.muli %while3A_348, %mul3A_357 : i32
          %get3A_359 = arith.index_cast %mul3A_358 : i32 to index
          %get3A_360 = tpu.vector_load %arg9[%get3A_359] {strides = array<i32>} : memref<528xf32, #tpu.memory_space<vmem>>, vector<16xf32>,
          %mul3A_361 = arith.constant 16 : i32
          %mul3A_362 = arith.muli %while3A_348, %mul3A_361 : i32
          %get3A_363 = arith.index_cast %mul3A_362 : i32 to index
          %get3A_364 = tpu.vector_load %arg10[%get3A_363] {strides = array<i32>} : memref<528xi32, #tpu.memory_space<vmem>>, vector<16xi32>,
          %masked_sort3A_365 = arith.constant dense<true> : vector<16xi1>
          %masked_sort3A_366, %masked_sort3A_367, %masked_sort3A_368 = tpu.sort %get3A_360, %get3A_364 masked %masked_sort3A_365 {descending = true} : (vector<16xf32>, vector<16xi32>, vector<16xi1>) -> (vector<16xi1>, vector<16xf32>, vector<16xi32>)
          %rev3A_369 = arith.constant 15 : i32
          %rev3A_370 = vector.broadcast %rev3A_369 : i32 to vector<16xi32>
          %rev3A_371 = tpu.iota {dimensions = array<i32: 0>} : vector<16xi32>
          %rev3A_372 = arith.subi %rev3A_370, %rev3A_371 : vector<16xi32>
          %rev3A_373 = tpu.dynamic_gather %masked_sort3A_367[%rev3A_372] in [0] : vector<16xf32>, vector<16xi32> -> vector<16xf32>
          %rev3A_374 = arith.constant 15 : i32
          %rev3A_375 = vector.broadcast %rev3A_374 : i32 to vector<16xi32>
          %rev3A_376 = tpu.iota {dimensions = array<i32: 0>} : vector<16xi32>
          %rev3A_377 = arith.subi %rev3A_375, %rev3A_376 : vector<16xi32>
          %rev3A_378 = tpu.dynamic_gather %masked_sort3A_368[%rev3A_377] in [0] : vector<16xi32>, vector<16xi32> -> vector<16xi32>
          %ge3A_379 = arith.cmpf oge, %while3A_352, %rev3A_373 : vector<16xf32>
          %select_n3A_380 = arith.select %ge3A_379, %while3A_352, %rev3A_373 : vector<16xi1>, vector<16xf32>
          %select_n3A_381 = arith.select %ge3A_379, %while3A_356, %rev3A_378 : vector<16xi1>, vector<16xi32>
          %select_n3A_382 = arith.select %ge3A_379, %rev3A_373, %while3A_352 : vector<16xi1>, vector<16xf32>
          %select_n3A_383 = arith.select %ge3A_379, %rev3A_378, %while3A_356 : vector<16xi1>, vector<16xi32>
          %masked_sort3A_384 = arith.constant dense<true> : vector<16xi1>
          %masked_sort3A_385, %masked_sort3A_386, %masked_sort3A_387 = tpu.sort %while3A_349, %while3A_353 masked %masked_sort3A_384 {descending = true} : (vector<16xf32>, vector<16xi32>, vector<16xi1>) -> (vector<16xi1>, vector<16xf32>, vector<16xi32>)
          %masked_sort3A_388 = arith.constant dense<true> : vector<16xi1>
          %masked_sort3A_389, %masked_sort3A_390, %masked_sort3A_391 = tpu.sort %while3A_350, %while3A_354 masked %masked_sort3A_388 {descending = true} : (vector<16xf32>, vector<16xi32>, vector<16xi1>) -> (vector<16xi1>, vector<16xf32>, vector<16xi32>)
          %masked_sort3A_392 = arith.constant dense<true> : vector<16xi1>
          %masked_sort3A_393, %masked_sort3A_394, %masked_sort3A_395 = tpu.sort %while3A_351, %while3A_355 masked %masked_sort3A_392 {descending = true} : (vector<16xf32>, vector<16xi32>, vector<16xi1>) -> (vector<16xi1>, vector<16xf32>, vector<16xi32>)
          %masked_sort3A_396 = arith.constant dense<true> : vector<16xi1>
          %masked_sort3A_397, %masked_sort3A_398, %masked_sort3A_399 = tpu.sort %select_n3A_380, %select_n3A_381 masked %masked_sort3A_396 {descending = true} : (vector<16xf32>, vector<16xi32>, vector<16xi1>) -> (vector<16xi1>, vector<16xf32>, vector<16xi32>)
          %rev3A_400 = arith.constant 15 : i32
          %rev3A_401 = vector.broadcast %rev3A_400 : i32 to vector<16xi32>
          %rev3A_402 = tpu.iota {dimensions = array<i32: 0>} : vector<16xi32>
          %rev3A_403 = arith.subi %rev3A_401, %rev3A_402 : vector<16xi32>
          %rev3A_404 = tpu.dynamic_gather %masked_sort3A_390[%rev3A_403] in [0] : vector<16xf32>, vector<16xi32> -> vector<16xf32>
          %rev3A_405 = arith.constant 15 : i32
          %rev3A_406 = vector.broadcast %rev3A_405 : i32 to vector<16xi32>
          %rev3A_407 = tpu.iota {dimensions = array<i32: 0>} : vector<16xi32>
          %rev3A_408 = arith.subi %rev3A_406, %rev3A_407 : vector<16xi32>
          %rev3A_409 = tpu.dynamic_gather %masked_sort3A_391[%rev3A_408] in [0] : vector<16xi32>, vector<16xi32> -> vector<16xi32>
          %ge3A_410 = arith.cmpf oge, %masked_sort3A_386, %rev3A_404 : vector<16xf32>
          %select_n3A_411 = arith.select %ge3A_410, %masked_sort3A_386, %rev3A_404 : vector<16xi1>, vector<16xf32>
          %select_n3A_412 = arith.select %ge3A_410, %masked_sort3A_387, %rev3A_409 : vector<16xi1>, vector<16xi32>
          %select_n3A_413 = arith.select %ge3A_410, %rev3A_404, %masked_sort3A_386 : vector<16xi1>, vector<16xf32>
          %select_n3A_414 = arith.select %ge3A_410, %rev3A_409, %masked_sort3A_387 : vector<16xi1>, vector<16xi32>
          %masked_sort3A_415 = arith.constant dense<true> : vector<16xi1>
          %masked_sort3A_416, %masked_sort3A_417, %masked_sort3A_418 = tpu.sort %select_n3A_411, %select_n3A_412 masked %masked_sort3A_415 {descending = true} : (vector<16xf32>, vector<16xi32>, vector<16xi1>) -> (vector<16xi1>, vector<16xf32>, vector<16xi32>)
          %masked_sort3A_419 = arith.constant dense<true> : vector<16xi1>
          %masked_sort3A_420, %masked_sort3A_421, %masked_sort3A_422 = tpu.sort %select_n3A_413, %select_n3A_414 masked %masked_sort3A_419 {descending = true} : (vector<16xf32>, vector<16xi32>, vector<16xi1>) -> (vector<16xi1>, vector<16xf32>, vector<16xi32>)
          %rev3A_423 = arith.constant 15 : i32
          %rev3A_424 = vector.broadcast %rev3A_423 : i32 to vector<16xi32>
          %rev3A_425 = tpu.iota {dimensions = array<i32: 0>} : vector<16xi32>
          %rev3A_426 = arith.subi %rev3A_424, %rev3A_425 : vector<16xi32>
          %rev3A_427 = tpu.dynamic_gather %masked_sort3A_398[%rev3A_426] in [0] : vector<16xf32>, vector<16xi32> -> vector<16xf32>
          %rev3A_428 = arith.constant 15 : i32
          %rev3A_429 = vector.broadcast %rev3A_428 : i32 to vector<16xi32>
          %rev3A_430 = tpu.iota {dimensions = array<i32: 0>} : vector<16xi32>
          %rev3A_431 = arith.subi %rev3A_429, %rev3A_430 : vector<16xi32>
          %rev3A_432 = tpu.dynamic_gather %masked_sort3A_399[%rev3A_431] in [0] : vector<16xi32>, vector<16xi32> -> vector<16xi32>
          %ge3A_433 = arith.cmpf oge, %masked_sort3A_394, %rev3A_427 : vector<16xf32>
          %select_n3A_434 = arith.select %ge3A_433, %masked_sort3A_394, %rev3A_427 : vector<16xi1>, vector<16xf32>
          %select_n3A_435 = arith.select %ge3A_433, %masked_sort3A_395, %rev3A_432 : vector<16xi1>, vector<16xi32>
          %select_n3A_436 = arith.select %ge3A_433, %rev3A_427, %masked_sort3A_394 : vector<16xi1>, vector<16xf32>
          %select_n3A_437 = arith.select %ge3A_433, %rev3A_432, %masked_sort3A_395 : vector<16xi1>, vector<16xi32>
          %masked_sort3A_438 = arith.constant dense<true> : vector<16xi1>
          %masked_sort3A_439, %masked_sort3A_440, %masked_sort3A_441 = tpu.sort %select_n3A_434, %select_n3A_435 masked %masked_sort3A_438 {descending = true} : (vector<16xf32>, vector<16xi32>, vector<16xi1>) -> (vector<16xi1>, vector<16xf32>, vector<16xi32>)
          %masked_sort3A_442 = arith.constant dense<true> : vector<16xi1>
          %masked_sort3A_443, %masked_sort3A_444, %masked_sort3A_445 = tpu.sort %select_n3A_436, %select_n3A_437 masked %masked_sort3A_442 {descending = true} : (vector<16xf32>, vector<16xi32>, vector<16xi1>) -> (vector<16xi1>, vector<16xf32>, vector<16xi32>)
          %rev3A_446 = arith.constant 15 : i32
          %rev3A_447 = vector.broadcast %rev3A_446 : i32 to vector<16xi32>
          %rev3A_448 = tpu.iota {dimensions = array<i32: 0>} : vector<16xi32>
          %rev3A_449 = arith.subi %rev3A_447, %rev3A_448 : vector<16xi32>
          %rev3A_450 = tpu.dynamic_gather %masked_sort3A_444[%rev3A_449] in [0] : vector<16xf32>, vector<16xi32> -> vector<16xf32>
          %rev3A_451 = arith.constant 15 : i32
          %rev3A_452 = vector.broadcast %rev3A_451 : i32 to vector<16xi32>
          %rev3A_453 = tpu.iota {dimensions = array<i32: 0>} : vector<16xi32>
          %rev3A_454 = arith.subi %rev3A_452, %rev3A_453 : vector<16xi32>
          %rev3A_455 = tpu.dynamic_gather %masked_sort3A_440[%rev3A_454] in [0] : vector<16xf32>, vector<16xi32> -> vector<16xf32>
          %rev3A_456 = arith.constant 15 : i32
          %rev3A_457 = vector.broadcast %rev3A_456 : i32 to vector<16xi32>
          %rev3A_458 = tpu.iota {dimensions = array<i32: 0>} : vector<16xi32>
          %rev3A_459 = arith.subi %rev3A_457, %rev3A_458 : vector<16xi32>
          %rev3A_460 = tpu.dynamic_gather %masked_sort3A_445[%rev3A_459] in [0] : vector<16xi32>, vector<16xi32> -> vector<16xi32>
          %rev3A_461 = arith.constant 15 : i32
          %rev3A_462 = vector.broadcast %rev3A_461 : i32 to vector<16xi32>
          %rev3A_463 = tpu.iota {dimensions = array<i32: 0>} : vector<16xi32>
          %rev3A_464 = arith.subi %rev3A_462, %rev3A_463 : vector<16xi32>
          %rev3A_465 = tpu.dynamic_gather %masked_sort3A_441[%rev3A_464] in [0] : vector<16xi32>, vector<16xi32> -> vector<16xi32>
          %ge3A_466 = arith.cmpf oge, %masked_sort3A_417, %rev3A_450 : vector<16xf32>
          %select_n3A_467 = arith.select %ge3A_466, %masked_sort3A_417, %rev3A_450 : vector<16xi1>, vector<16xf32>
          %select_n3A_468 = arith.select %ge3A_466, %masked_sort3A_418, %rev3A_460 : vector<16xi1>, vector<16xi32>
          %select_n3A_469 = arith.select %ge3A_466, %rev3A_450, %masked_sort3A_417 : vector<16xi1>, vector<16xf32>
          %select_n3A_470 = arith.select %ge3A_466, %rev3A_460, %masked_sort3A_418 : vector<16xi1>, vector<16xi32>
          %ge3A_471 = arith.cmpf oge, %masked_sort3A_421, %rev3A_455 : vector<16xf32>
          %select_n3A_472 = arith.select %ge3A_471, %masked_sort3A_421, %rev3A_455 : vector<16xi1>, vector<16xf32>
          %select_n3A_473 = arith.select %ge3A_471, %masked_sort3A_422, %rev3A_465 : vector<16xi1>, vector<16xi32>
          %select_n3A_474 = arith.select %ge3A_471, %rev3A_455, %masked_sort3A_421 : vector<16xi1>, vector<16xf32>
          %select_n3A_475 = arith.select %ge3A_471, %rev3A_465, %masked_sort3A_422 : vector<16xi1>, vector<16xi32>
          %ge3A_476 = arith.cmpf oge, %select_n3A_467, %select_n3A_472 : vector<16xf32>
          %select_n3A_477 = arith.select %ge3A_476, %select_n3A_467, %select_n3A_472 : vector<16xi1>, vector<16xf32>
          %select_n3A_478 = arith.select %ge3A_476, %select_n3A_468, %select_n3A_473 : vector<16xi1>, vector<16xi32>
          %select_n3A_479 = arith.select %ge3A_476, %select_n3A_472, %select_n3A_467 : vector<16xi1>, vector<16xf32>
          %select_n3A_480 = arith.select %ge3A_476, %select_n3A_473, %select_n3A_468 : vector<16xi1>, vector<16xi32>
          %ge3A_481 = arith.cmpf oge, %select_n3A_469, %select_n3A_474 : vector<16xf32>
          %select_n3A_482 = arith.select %ge3A_481, %select_n3A_469, %select_n3A_474 : vector<16xi1>, vector<16xf32>
          %select_n3A_483 = arith.select %ge3A_481, %select_n3A_470, %select_n3A_475 : vector<16xi1>, vector<16xi32>
          %select_n3A_484 = arith.select %ge3A_481, %select_n3A_474, %select_n3A_469 : vector<16xi1>, vector<16xf32>
          %select_n3A_485 = arith.select %ge3A_481, %select_n3A_475, %select_n3A_470 : vector<16xi1>, vector<16xi32>
          %masked_sort3A_486 = arith.constant dense<true> : vector<16xi1>
          %masked_sort3A_487, %masked_sort3A_488, %masked_sort3A_489 = tpu.sort %select_n3A_477, %select_n3A_478 masked %masked_sort3A_486 {descending = true} : (vector<16xf32>, vector<16xi32>, vector<16xi1>) -> (vector<16xi1>, vector<16xf32>, vector<16xi32>)
          %masked_sort3A_490 = arith.constant dense<true> : vector<16xi1>
          %masked_sort3A_491, %masked_sort3A_492, %masked_sort3A_493 = tpu.sort %select_n3A_479, %select_n3A_480 masked %masked_sort3A_490 {descending = true} : (vector<16xf32>, vector<16xi32>, vector<16xi1>) -> (vector<16xi1>, vector<16xf32>, vector<16xi32>)
          %masked_sort3A_494 = arith.constant dense<true> : vector<16xi1>
          %masked_sort3A_495, %masked_sort3A_496, %masked_sort3A_497 = tpu.sort %select_n3A_482, %select_n3A_483 masked %masked_sort3A_494 {descending = true} : (vector<16xf32>, vector<16xi32>, vector<16xi1>) -> (vector<16xi1>, vector<16xf32>, vector<16xi32>)
          %masked_sort3A_498 = arith.constant dense<true> : vector<16xi1>
          %masked_sort3A_499, %masked_sort3A_500, %masked_sort3A_501 = tpu.sort %select_n3A_484, %select_n3A_485 masked %masked_sort3A_498 {descending = true} : (vector<16xf32>, vector<16xi32>, vector<16xi1>) -> (vector<16xi1>, vector<16xf32>, vector<16xi32>)
          scf.yield %masked_sort3A_488, %masked_sort3A_492, %masked_sort3A_496, %masked_sort3A_500, %masked_sort3A_489, %masked_sort3A_493, %masked_sort3A_497, %masked_sort3A_501 : vector<16xf32>, vector<16xf32>, vector<16xf32>, vector<16xf32>, vector<16xi32>, vector<16xi32>, vector<16xi32>, vector<16xi32>
        }
        %min3A = arith.constant 64 : i32
        %min3A_276 = arith.minsi %scan3A_113, %min3A : i32
        %add3A_277 = arith.constant 0 : i32
        %add3A_278 = vector.broadcast %add3A_277 : i32 to vector<16xi32>
        %add3A_279 = arith.addi %iota3A, %add3A_278 : vector<16xi32>
        %lt3A_280 = vector.broadcast %min3A_276 : i32 to vector<16xi32>
        %lt3A_281 = arith.cmpi slt, %add3A_279, %lt3A_280 : vector<16xi32>
        %jit3A_282 = arith.constant 0 : i32
        %broadcast_in_dim3A_283 = vector.broadcast %jit3A_282 : i32 to vector<16xi32>
        %select_n3A_284 = arith.select %lt3A_281, %while3A_275#4, %broadcast_in_dim3A_283 : vector<16xi1>, vector<16xi32>
        %mul3A_285 = arith.constant 1024 : i32
        %mul3A_286 = arith.muli %rem3A_40, %mul3A_285 : i32
        %mul3A_287 = arith.constant 64 : i32
        %mul3A_288 = arith.muli %scan3A_93, %mul3A_287 : i32
        %add3A_289 = arith.addi %mul3A_286, %mul3A_288 : i32
        %add3A_290 = arith.constant 0 : i32
        %add3A_291 = arith.addi %add3A_289, %add3A_290 : i32
        %swap3A_292 = arith.index_cast %add3A_291 : i32 to index
        %swap3A_293 = tpu.vector_load %arg7[%swap3A_292] {strides = array<i32>} : memref<2048xi32, #tpu.memory_space<vmem>>, vector<16xi32>,
        tpu.vector_store %arg7[%swap3A_292], %select_n3A_284 {strides = array<i32>} : memref<2048xi32, #tpu.memory_space<vmem>>, vector<16xi32>,
        %add3A_294 = arith.constant 16 : i32
        %add3A_295 = vector.broadcast %add3A_294 : i32 to vector<16xi32>
        %add3A_296 = arith.addi %iota3A, %add3A_295 : vector<16xi32>
        %lt3A_297 = vector.broadcast %min3A_276 : i32 to vector<16xi32>
        %lt3A_298 = arith.cmpi slt, %add3A_296, %lt3A_297 : vector<16xi32>
        %jit3A_299 = arith.constant 0 : i32
        %broadcast_in_dim3A_300 = vector.broadcast %jit3A_299 : i32 to vector<16xi32>
        %select_n3A_301 = arith.select %lt3A_298, %while3A_275#5, %broadcast_in_dim3A_300 : vector<16xi1>, vector<16xi32>
        %mul3A_302 = arith.constant 1024 : i32
        %mul3A_303 = arith.muli %rem3A_40, %mul3A_302 : i32
        %mul3A_304 = arith.constant 64 : i32
        %mul3A_305 = arith.muli %scan3A_93, %mul3A_304 : i32
        %add3A_306 = arith.addi %mul3A_303, %mul3A_305 : i32
        %add3A_307 = arith.constant 16 : i32
        %add3A_308 = arith.addi %add3A_306, %add3A_307 : i32
        %swap3A_309 = arith.index_cast %add3A_308 : i32 to index
        %swap3A_310 = tpu.vector_load %arg7[%swap3A_309] {strides = array<i32>} : memref<2048xi32, #tpu.memory_space<vmem>>, vector<16xi32>,
        tpu.vector_store %arg7[%swap3A_309], %select_n3A_301 {strides = array<i32>} : memref<2048xi32, #tpu.memory_space<vmem>>, vector<16xi32>,
        %add3A_311 = arith.constant 32 : i32
        %add3A_312 = vector.broadcast %add3A_311 : i32 to vector<16xi32>
        %add3A_313 = arith.addi %iota3A, %add3A_312 : vector<16xi32>
        %lt3A_314 = vector.broadcast %min3A_276 : i32 to vector<16xi32>
        %lt3A_315 = arith.cmpi slt, %add3A_313, %lt3A_314 : vector<16xi32>
        %jit3A_316 = arith.constant 0 : i32
        %broadcast_in_dim3A_317 = vector.broadcast %jit3A_316 : i32 to vector<16xi32>
        %select_n3A_318 = arith.select %lt3A_315, %while3A_275#6, %broadcast_in_dim3A_317 : vector<16xi1>, vector<16xi32>
        %mul3A_319 = arith.constant 1024 : i32
        %mul3A_320 = arith.muli %rem3A_40, %mul3A_319 : i32
        %mul3A_321 = arith.constant 64 : i32
        %mul3A_322 = arith.muli %scan3A_93, %mul3A_321 : i32
        %add3A_323 = arith.addi %mul3A_320, %mul3A_322 : i32
        %add3A_324 = arith.constant 32 : i32
        %add3A_325 = arith.addi %add3A_323, %add3A_324 : i32
        %swap3A_326 = arith.index_cast %add3A_325 : i32 to index
        %swap3A_327 = tpu.vector_load %arg7[%swap3A_326] {strides = array<i32>} : memref<2048xi32, #tpu.memory_space<vmem>>, vector<16xi32>,
        tpu.vector_store %arg7[%swap3A_326], %select_n3A_318 {strides = array<i32>} : memref<2048xi32, #tpu.memory_space<vmem>>, vector<16xi32>,
        %add3A_328 = arith.constant 48 : i32
        %add3A_329 = vector.broadcast %add3A_328 : i32 to vector<16xi32>
        %add3A_330 = arith.addi %iota3A, %add3A_329 : vector<16xi32>
        %lt3A_331 = vector.broadcast %min3A_276 : i32 to vector<16xi32>
        %lt3A_332 = arith.cmpi slt, %add3A_330, %lt3A_331 : vector<16xi32>
        %jit3A_333 = arith.constant 0 : i32
        %broadcast_in_dim3A_334 = vector.broadcast %jit3A_333 : i32 to vector<16xi32>
        %select_n3A_335 = arith.select %lt3A_332, %while3A_275#7, %broadcast_in_dim3A_334 : vector<16xi1>, vector<16xi32>
        %mul3A_336 = arith.constant 1024 : i32
        %mul3A_337 = arith.muli %rem3A_40, %mul3A_336 : i32
        %mul3A_338 = arith.constant 64 : i32
        %mul3A_339 = arith.muli %scan3A_93, %mul3A_338 : i32
        %add3A_340 = arith.addi %mul3A_337, %mul3A_339 : i32
        %add3A_341 = arith.constant 48 : i32
        %add3A_342 = arith.addi %add3A_340, %add3A_341 : i32
        %swap3A_343 = arith.index_cast %add3A_342 : i32 to index
        %swap3A_344 = tpu.vector_load %arg7[%swap3A_343] {strides = array<i32>} : memref<2048xi32, #tpu.memory_space<vmem>>, vector<16xi32>,
        tpu.vector_store %arg7[%swap3A_343], %select_n3A_335 {strides = array<i32>} : memref<2048xi32, #tpu.memory_space<vmem>>, vector<16xi32>,
        %eq3A = vector.broadcast %scan3A_93 : i32 to vector<16xi32>
        %eq3A_345 = arith.cmpi eq, %iota3A, %eq3A : vector<16xi32>
        %broadcast_in_dim3A_346 = vector.broadcast %min3A_276 : i32 to vector<16xi32>
        %select_n3A_347 = arith.select %eq3A_345, %broadcast_in_dim3A_346, %scan3A_94 : vector<16xi1>, vector<16xi32>
        scf.yield %select_n3A_347 : vector<16xi32>
      }
      %scan3A_69 = arith.constant 16 : i32
      %mul3A_70 = arith.constant 16 : i32
      %mul3A_71 = arith.muli %rem3A_40, %mul3A_70 : i32
      %swap3A = arith.index_cast %mul3A_71 : i32 to index
      %swap3A_72 = tpu.vector_load %arg8[%swap3A] {strides = array<i32>} : memref<32xi32, #tpu.memory_space<vmem>>, vector<16xi32>,
      tpu.vector_store %arg8[%swap3A], %scan3A_68 {strides = array<i32>} : memref<32xi32, #tpu.memory_space<vmem>>, vector<16xi32>,
      %mul3A_73 = arith.constant 128 : i32
      %mul3A_74 = arith.muli %add3A, %mul3A_73 : i32
      %mul3A_75 = arith.constant 16 : i32
      %mul3A_76 = arith.muli %scan3A_38, %mul3A_75 : i32
      %add3A_77 = arith.addi %mul3A_74, %mul3A_76 : i32
      %mul3A_78 = arith.constant 1024 : i32
      %mul3A_79 = arith.muli %rem3A_40, %mul3A_78 : i32
      %mul3A_80 = arith.constant 64 : i32
      %mul3A_81 = arith.muli %add3A_77, %mul3A_80 : i32
      %mul3A_82 = arith.constant 16 : i32
      %mul3A_83 = arith.muli %rem3A_40, %mul3A_82 : i32
      %dma_start3A_84 = tpu.memref_slice %arg7[%mul3A_79] : memref<2048xi32, #tpu.memory_space<vmem>> -> memref<1024xi32, #tpu.memory_space<vmem>>
      %dma_start3A_85 = tpu.memref_slice %arg4[%mul3A_81] : memref<262144xi32, #tpu.memory_space<hbm>> -> memref<1024xi32, #tpu.memory_space<hbm>>
      %dma_start3A_86 = tpu.memref_slice %arg4[%mul3A_81] : memref<262144xi32, #tpu.memory_space<hbm>> -> memref<1024xi32, #tpu.memory_space<hbm>>
      %dma_start3A_87 = tpu.memref_slice %arg7[%mul3A_79] : memref<2048xi32, #tpu.memory_space<vmem>> -> memref<1024xi32, #tpu.memory_space<vmem>>
      tpu.enqueue_dma source(%dma_start3A_87 : memref<1024xi32, #tpu.memory_space<vmem>>) target(%dma_start3A_86 : memref<1024xi32, #tpu.memory_space<hbm>>) target_semaphore(%arg12 : memref<!tpu.dma_semaphore, #tpu.memory_space<semaphore_mem>>)
      %dma_start3A_88 = tpu.memref_slice %arg8[%mul3A_83] : memref<32xi32, #tpu.memory_space<vmem>> -> memref<16xi32, #tpu.memory_space<vmem>>
      %dma_start3A_89 = tpu.memref_slice %arg5[%add3A_77] : memref<4096xi32, #tpu.memory_space<hbm>> -> memref<16xi32, #tpu.memory_space<hbm>>
      %dma_start3A_90 = tpu.memref_slice %arg5[%add3A_77] : memref<4096xi32, #tpu.memory_space<hbm>> -> memref<16xi32, #tpu.memory_space<hbm>>
      %dma_start3A_91 = tpu.memref_slice %arg8[%mul3A_83] : memref<32xi32, #tpu.memory_space<vmem>> -> memref<16xi32, #tpu.memory_space<vmem>>
      tpu.enqueue_dma source(%dma_start3A_91 : memref<16xi32, #tpu.memory_space<vmem>>) target(%dma_start3A_90 : memref<16xi32, #tpu.memory_space<hbm>>) target_semaphore(%arg12 : memref<!tpu.dma_semaphore, #tpu.memory_space<semaphore_mem>>)
      %scan3A_92 = arith.constant 0 : i32
      scf.yield %scan3A_92 : i32
    }
    %scan3A_20 = arith.constant 8 : i32
    %mul3A_21 = arith.constant 128 : i32
    %mul3A_22 = arith.muli %add3A, %mul3A_21 : i32
    %add3A_23 = arith.constant 112 : i32
    %add3A_24 = arith.addi %mul3A_22, %add3A_23 : i32
    %mul3A_25 = arith.constant 64 : i32
    %mul3A_26 = arith.muli %add3A_24, %mul3A_25 : i32
    %dma_wait3A = arith.constant 1024 : i32
    %dma_wait3A_27 = tpu.memref_slice %arg7[%dma_wait3A] : memref<2048xi32, #tpu.memory_space<vmem>> -> memref<1024xi32, #tpu.memory_space<vmem>>
    %dma_wait3A_28 = tpu.memref_slice %arg4[%mul3A_26] : memref<262144xi32, #tpu.memory_space<hbm>> -> memref<1024xi32, #tpu.memory_space<hbm>>
    %dma_wait3A_29 = tpu.memref_slice %arg4[%mul3A_26] : memref<262144xi32, #tpu.memory_space<hbm>> -> memref<1024xi32, #tpu.memory_space<hbm>>
    %dma_wait3A_30 = arith.constant 1024 : i32
    %dma_wait3A_31 = tpu.memref_slice %arg7[%dma_wait3A_30] : memref<2048xi32, #tpu.memory_space<vmem>> -> memref<1024xi32, #tpu.memory_space<vmem>>
    tpu.wait_dma2 semaphore(%arg12 : memref<!tpu.dma_semaphore, #tpu.memory_space<semaphore_mem>>) src(%dma_wait3A_31 : memref<1024xi32, #tpu.memory_space<vmem>>) dst(%dma_wait3A_29 : memref<1024xi32, #tpu.memory_space<hbm>>)
    %dma_wait3A_32 = arith.constant 16 : i32
    %dma_wait3A_33 = tpu.memref_slice %arg8[%dma_wait3A_32] : memref<32xi32, #tpu.memory_space<vmem>> -> memref<16xi32, #tpu.memory_space<vmem>>
    %dma_wait3A_34 = tpu.memref_slice %arg5[%add3A_24] : memref<4096xi32, #tpu.memory_space<hbm>> -> memref<16xi32, #tpu.memory_space<hbm>>
    %dma_wait3A_35 = tpu.memref_slice %arg5[%add3A_24] : memref<4096xi32, #tpu.memory_space<hbm>> -> memref<16xi32, #tpu.memory_space<hbm>>
    %dma_wait3A_36 = arith.constant 16 : i32
    %dma_wait3A_37 = tpu.memref_slice %arg8[%dma_wait3A_36] : memref<32xi32, #tpu.memory_space<vmem>> -> memref<16xi32, #tpu.memory_space<vmem>>
    tpu.wait_dma2 semaphore(%arg12 : memref<!tpu.dma_semaphore, #tpu.memory_space<semaphore_mem>>) src(%dma_wait3A_37 : memref<16xi32, #tpu.memory_space<vmem>>) dst(%dma_wait3A_35 : memref<16xi32, #tpu.memory_space<hbm>>)
    return
  }
}

module attributes {stable_mosaic.version = 14 : i64} {
  func.func @_mm_scan_body(%arg0: i32, %arg1: memref<512x1024xf32, #tpu.memory_space<vmem>>, %arg2: memref<1024x1024xf32, #tpu.memory_space<vmem>>, %arg3: memref<1x1024xf32, #tpu.memory_space<vmem>>, %arg4: memref<1x1024xf32, #tpu.memory_space<vmem>>, %arg5: memref<8x1024xf32, #tpu.memory_space<vmem>>, %arg6: memref<64x8x1024xf32, #tpu.memory_space<vmem>>, %arg7: memref<64x8x1024xf32, #tpu.memory_space<vmem>>, %arg8: memref<8x1024xf32, #tpu.memory_space<vmem>>, %arg9: memref<64x8x1024xf32, #tpu.memory_space<vmem>>) attributes {dimension_semantics = [#tpu.dimension_semantics<arbitrary>], iteration_bounds = array<i64: 8>, scalar_prefetch = 0 : i64, scratch_operands = 2 : i64, tpu.core_type = #tpu.core_type<tc>, window_params = [{transform_indices = @transform_0, window_bounds = array<i64: 512, 1024>}, {pipeline_mode = #tpu.pipeline_mode<synchronous>, transform_indices = @transform_1, window_bounds = array<i64: 1024, 1024>}, {pipeline_mode = #tpu.pipeline_mode<synchronous>, transform_indices = @transform_2, window_bounds = array<i64: 1, 1024>}, {pipeline_mode = #tpu.pipeline_mode<synchronous>, transform_indices = @transform_3, window_bounds = array<i64: 1, 1024>}, {pipeline_mode = #tpu.pipeline_mode<synchronous>, transform_indices = @transform_4, window_bounds = array<i64: 8, 1024>}, {transform_indices = @transform_5, window_bounds = array<i64: 64, 8, 1024>}, {transform_indices = @transform_6, window_bounds = array<i64: 64, 8, 1024>}]} {
    %eq3A = arith.constant 0 : i32
    %eq3A_0 = arith.cmpi eq, %arg0, %eq3A : i32
    %convert_element_type3A = arith.extui %eq3A_0 : i1 to i32
    %cond3A = arith.constant 0 : i32
    %cond3A_1 = arith.cmpi ne, %convert_element_type3A, %cond3A : i32
    scf.if %cond3A_1 {
      %get3A_28 = arith.constant 0 : index
      %get3A_29 = arith.constant 0 : index
      %get3A_30 = vector.load %arg5[%get3A_28, %get3A_29] : memref<8x1024xf32, #tpu.memory_space<vmem>>, vector<8x1024xf32>
      %swap3A_31 = arith.constant 0 : index
      %swap3A_32 = arith.constant 0 : index
      %swap3A_33 = vector.load %arg8[%swap3A_31, %swap3A_32] : memref<8x1024xf32, #tpu.memory_space<vmem>>, vector<8x1024xf32>
      tpu.vector_store %arg8[%swap3A_31, %swap3A_32], %get3A_30 {strides = array<i32>} : memref<8x1024xf32, #tpu.memory_space<vmem>>, vector<8x1024xf32>,
    } else {
    }
    %get3A = arith.constant 0 : index
    %get3A_2 = arith.constant 0 : index
    %get3A_3 = vector.load %arg1[%get3A, %get3A_2] : memref<512x1024xf32, #tpu.memory_space<vmem>>, vector<512x1024xf32>
    %get3A_4 = arith.constant 0 : index
    %get3A_5 = arith.constant 0 : index
    %get3A_6 = vector.load %arg2[%get3A_4, %get3A_5] : memref<1024x1024xf32, #tpu.memory_space<vmem>>, vector<1024x1024xf32>
    %dot_general3A = arith.constant dense<0.000000e+00> : vector<512x1024xf32>
    %dot_general3A_7 = tpu.matmul %get3A_3, %get3A_6, %dot_general3A {dimension_numbers = #tpu.dot_dimension_numbers<[1], [0], [0], [1], [0, 0, 1, 1], [], []>, precision = #tpu.contract_precision<fp32>, transpose_lhs_hint = false} : vector<512x1024xf32>, vector<1024x1024xf32>, vector<512x1024xf32> -> vector<512x1024xf32>
    %reshape3A = vector.shape_cast %dot_general3A_7 : vector<512x1024xf32> to vector<64x8x1024xf32>
    %swap3A = arith.constant 0 : index
    %swap3A_8 = arith.constant 0 : index
    %swap3A_9 = arith.constant 0 : index
    %swap3A_10 = vector.load %arg9[%swap3A, %swap3A_8, %swap3A_9] : memref<64x8x1024xf32, #tpu.memory_space<vmem>>, vector<64x8x1024xf32>
    tpu.vector_store %arg9[%swap3A, %swap3A_8, %swap3A_9], %reshape3A {strides = array<i32>} : memref<64x8x1024xf32, #tpu.memory_space<vmem>>, vector<64x8x1024xf32>,
    %get3A_11 = arith.constant 0 : index
    %get3A_12 = arith.constant 0 : index
    %get3A_13 = vector.load %arg3[%get3A_11, %get3A_12] : memref<1x1024xf32, #tpu.memory_space<vmem>>, vector<1x1024xf32>
    %get3A_14 = arith.constant 0 : index
    %get3A_15 = arith.constant 0 : index
    %get3A_16 = vector.load %arg4[%get3A_14, %get3A_15] : memref<1x1024xf32, #tpu.memory_space<vmem>>, vector<1x1024xf32>
    %get3A_17 = arith.constant 0 : index
    %get3A_18 = arith.constant 0 : index
    %get3A_19 = vector.load %arg8[%get3A_17, %get3A_18] : memref<8x1024xf32, #tpu.memory_space<vmem>>, vector<8x1024xf32>
    %scan3A = arith.constant 0 : i32
    %scan3A_20 = arith.constant 64 : i32
    %scan3A_21 = arith.addi %scan3A, %scan3A_20 : i32
    %scan3A_22 = arith.constant 1 : i32
    %scan3A_23 = scf.for %scan3A_28 = %scan3A to %scan3A_21 step %scan3A_22 iter_args(%scan3A_29 = %get3A_19) -> (vector<8x1024xf32>)  : i32 {
      %mul3A = vector.broadcast %get3A_13 : vector<1x1024xf32> to vector<8x1024xf32>
      %mul3A_30 = arith.mulf %mul3A, %scan3A_29 : vector<8x1024xf32>
      %get3A_31 = arith.index_cast %scan3A_28 : i32 to index
      %get3A_32 = arith.constant 0 : index
      %get3A_33 = arith.constant 0 : index
      %get3A_34 = vector.load %arg9[%get3A_31, %get3A_32, %get3A_33] : memref<64x8x1024xf32, #tpu.memory_space<vmem>>, vector<1x8x1024xf32>
      %get3A_35 = vector.shape_cast %get3A_34 : vector<1x8x1024xf32> to vector<8x1024xf32>
      %add3A = arith.addf %mul3A_30, %get3A_35 : vector<8x1024xf32>
      %gt3A = vector.broadcast %get3A_16 : vector<1x1024xf32> to vector<8x1024xf32>
      %gt3A_36 = arith.cmpf ogt, %add3A, %gt3A : vector<8x1024xf32>
      %jit3A = arith.constant 0.000000e+00 : f32
      %broadcast_in_dim3A = vector.broadcast %jit3A : f32 to vector<8x1024xf32>
      %select_n3A = arith.select %gt3A_36, %broadcast_in_dim3A, %add3A : vector<8x1024xi1>, vector<8x1024xf32>
      %swap3A_37 = arith.index_cast %scan3A_28 : i32 to index
      %swap3A_38 = arith.constant 0 : index
      %swap3A_39 = arith.constant 0 : index
      %swap3A_40 = vector.load %arg6[%swap3A_37, %swap3A_38, %swap3A_39] : memref<64x8x1024xf32, #tpu.memory_space<vmem>>, vector<1x8x1024xf32>
      %swap3A_41 = vector.shape_cast %swap3A_40 : vector<1x8x1024xf32> to vector<8x1024xf32>
      %swap3A_42 = vector.shape_cast %select_n3A : vector<8x1024xf32> to vector<1x8x1024xf32>
      tpu.vector_store %arg6[%swap3A_37, %swap3A_38, %swap3A_39], %swap3A_42 {strides = array<i32>} : memref<64x8x1024xf32, #tpu.memory_space<vmem>>, vector<1x8x1024xf32>,
      %jit3A_43 = arith.constant 0xFF800000 : f32
      %broadcast_in_dim3A_44 = vector.broadcast %jit3A_43 : f32 to vector<8x1024xf32>
      %select_n3A_45 = arith.select %gt3A_36, %add3A, %broadcast_in_dim3A_44 : vector<8x1024xi1>, vector<8x1024xf32>
      %swap3A_46 = arith.index_cast %scan3A_28 : i32 to index
      %swap3A_47 = arith.constant 0 : index
      %swap3A_48 = arith.constant 0 : index
      %swap3A_49 = vector.load %arg7[%swap3A_46, %swap3A_47, %swap3A_48] : memref<64x8x1024xf32, #tpu.memory_space<vmem>>, vector<1x8x1024xf32>
      %swap3A_50 = vector.shape_cast %swap3A_49 : vector<1x8x1024xf32> to vector<8x1024xf32>
      %swap3A_51 = vector.shape_cast %select_n3A_45 : vector<8x1024xf32> to vector<1x8x1024xf32>
      tpu.vector_store %arg7[%swap3A_46, %swap3A_47, %swap3A_48], %swap3A_51 {strides = array<i32>} : memref<64x8x1024xf32, #tpu.memory_space<vmem>>, vector<1x8x1024xf32>,
      scf.yield %select_n3A : vector<8x1024xf32>
    }
    %scan3A_24 = arith.constant 64 : i32
    %swap3A_25 = arith.constant 0 : index
    %swap3A_26 = arith.constant 0 : index
    %swap3A_27 = vector.load %arg8[%swap3A_25, %swap3A_26] : memref<8x1024xf32, #tpu.memory_space<vmem>>, vector<8x1024xf32>
    tpu.vector_store %arg8[%swap3A_25, %swap3A_26], %scan3A_23 {strides = array<i32>} : memref<8x1024xf32, #tpu.memory_space<vmem>>, vector<8x1024xf32>,
    return
  }
  func.func @transform_0(%arg0: i32) -> (i32, i32) {
    %c0_i32 = arith.constant 0 : i32
    %c0_i32_0 = arith.constant 0 : i32
    return %arg0, %c0_i32 : i32, i32
  }
  func.func @transform_1(%arg0: i32) -> (i32, i32) {
    %c0_i32 = arith.constant 0 : i32
    %c0_i32_0 = arith.constant 0 : i32
    %c0_i32_1 = arith.constant 0 : i32
    return %c0_i32, %c0_i32_0 : i32, i32
  }
  func.func @transform_2(%arg0: i32) -> (i32, i32) {
    %c0_i32 = arith.constant 0 : i32
    %c0_i32_0 = arith.constant 0 : i32
    %c0_i32_1 = arith.constant 0 : i32
    return %c0_i32, %c0_i32_0 : i32, i32
  }
  func.func @transform_3(%arg0: i32) -> (i32, i32) {
    %c0_i32 = arith.constant 0 : i32
    %c0_i32_0 = arith.constant 0 : i32
    %c0_i32_1 = arith.constant 0 : i32
    return %c0_i32, %c0_i32_0 : i32, i32
  }
  func.func @transform_4(%arg0: i32) -> (i32, i32) {
    %c0_i32 = arith.constant 0 : i32
    %c0_i32_0 = arith.constant 0 : i32
    %c0_i32_1 = arith.constant 0 : i32
    return %c0_i32, %c0_i32_0 : i32, i32
  }
  func.func @transform_5(%arg0: i32) -> (i32, i32, i32) {
    %c0_i32 = arith.constant 0 : i32
    %c0_i32_0 = arith.constant 0 : i32
    %c0_i32_1 = arith.constant 0 : i32
    return %arg0, %c0_i32, %c0_i32_0 : i32, i32, i32
  }
  func.func @transform_6(%arg0: i32) -> (i32, i32, i32) {
    %c0_i32 = arith.constant 0 : i32
    %c0_i32_0 = arith.constant 0 : i32
    %c0_i32_1 = arith.constant 0 : i32
    return %arg0, %c0_i32, %c0_i32_0 : i32, i32, i32
  }
}

module attributes {stable_mosaic.version = 14 : i64} {
  func.func @_mm_scan_body(%arg0: i32, %arg1: memref<512x1024xf32, #tpu.memory_space<vmem>>, %arg2: memref<1024x512xf32, #tpu.memory_space<vmem>>, %arg3: memref<1x512xf32, #tpu.memory_space<vmem>>, %arg4: memref<1x512xf32, #tpu.memory_space<vmem>>, %arg5: memref<8x512xf32, #tpu.memory_space<vmem>>, %arg6: memref<64x8x512xf32, #tpu.memory_space<vmem>>, %arg7: memref<64x8x512xf32, #tpu.memory_space<vmem>>, %arg8: memref<8x512xf32, #tpu.memory_space<vmem>>, %arg9: memref<64x8x512xf32, #tpu.memory_space<vmem>>) attributes {dimension_semantics = [#tpu.dimension_semantics<arbitrary>], iteration_bounds = array<i64: 8>, scalar_prefetch = 0 : i64, scratch_operands = 2 : i64, tpu.core_type = #tpu.core_type<tc>, window_params = [{transform_indices = @transform_0, window_bounds = array<i64: 512, 1024>}, {pipeline_mode = #tpu.pipeline_mode<synchronous>, transform_indices = @transform_1, window_bounds = array<i64: 1024, 512>}, {pipeline_mode = #tpu.pipeline_mode<synchronous>, transform_indices = @transform_2, window_bounds = array<i64: 1, 512>}, {pipeline_mode = #tpu.pipeline_mode<synchronous>, transform_indices = @transform_3, window_bounds = array<i64: 1, 512>}, {pipeline_mode = #tpu.pipeline_mode<synchronous>, transform_indices = @transform_4, window_bounds = array<i64: 8, 512>}, {transform_indices = @transform_5, window_bounds = array<i64: 64, 8, 512>}, {transform_indices = @transform_6, window_bounds = array<i64: 64, 8, 512>}]} {
    %eq3A = arith.constant 0 : i32
    %eq3A_0 = arith.cmpi eq, %arg0, %eq3A : i32
    %convert_element_type3A = arith.extui %eq3A_0 : i1 to i32
    %cond3A = arith.constant 0 : i32
    %cond3A_1 = arith.cmpi ne, %convert_element_type3A, %cond3A : i32
    scf.if %cond3A_1 {
      %get3A_28 = arith.constant 0 : index
      %get3A_29 = arith.constant 0 : index
      %get3A_30 = vector.load %arg5[%get3A_28, %get3A_29] : memref<8x512xf32, #tpu.memory_space<vmem>>, vector<8x512xf32>
      %swap3A_31 = arith.constant 0 : index
      %swap3A_32 = arith.constant 0 : index
      %swap3A_33 = vector.load %arg8[%swap3A_31, %swap3A_32] : memref<8x512xf32, #tpu.memory_space<vmem>>, vector<8x512xf32>
      tpu.vector_store %arg8[%swap3A_31, %swap3A_32], %get3A_30 {strides = array<i32>} : memref<8x512xf32, #tpu.memory_space<vmem>>, vector<8x512xf32>,
    } else {
    }
    %get3A = arith.constant 0 : index
    %get3A_2 = arith.constant 0 : index
    %get3A_3 = vector.load %arg1[%get3A, %get3A_2] : memref<512x1024xf32, #tpu.memory_space<vmem>>, vector<512x1024xf32>
    %get3A_4 = arith.constant 0 : index
    %get3A_5 = arith.constant 0 : index
    %get3A_6 = vector.load %arg2[%get3A_4, %get3A_5] : memref<1024x512xf32, #tpu.memory_space<vmem>>, vector<1024x512xf32>
    %dot_general3A = arith.constant dense<0.000000e+00> : vector<512x512xf32>
    %dot_general3A_7 = tpu.matmul %get3A_3, %get3A_6, %dot_general3A {dimension_numbers = #tpu.dot_dimension_numbers<[1], [0], [0], [1], [0, 0, 1, 1], [], []>, precision = #tpu.contract_precision<fp32>, transpose_lhs_hint = false} : vector<512x1024xf32>, vector<1024x512xf32>, vector<512x512xf32> -> vector<512x512xf32>
    %reshape3A = vector.shape_cast %dot_general3A_7 : vector<512x512xf32> to vector<64x8x512xf32>
    %swap3A = arith.constant 0 : index
    %swap3A_8 = arith.constant 0 : index
    %swap3A_9 = arith.constant 0 : index
    %swap3A_10 = vector.load %arg9[%swap3A, %swap3A_8, %swap3A_9] : memref<64x8x512xf32, #tpu.memory_space<vmem>>, vector<64x8x512xf32>
    tpu.vector_store %arg9[%swap3A, %swap3A_8, %swap3A_9], %reshape3A {strides = array<i32>} : memref<64x8x512xf32, #tpu.memory_space<vmem>>, vector<64x8x512xf32>,
    %get3A_11 = arith.constant 0 : index
    %get3A_12 = arith.constant 0 : index
    %get3A_13 = vector.load %arg3[%get3A_11, %get3A_12] : memref<1x512xf32, #tpu.memory_space<vmem>>, vector<1x512xf32>
    %get3A_14 = arith.constant 0 : index
    %get3A_15 = arith.constant 0 : index
    %get3A_16 = vector.load %arg4[%get3A_14, %get3A_15] : memref<1x512xf32, #tpu.memory_space<vmem>>, vector<1x512xf32>
    %get3A_17 = arith.constant 0 : index
    %get3A_18 = arith.constant 0 : index
    %get3A_19 = vector.load %arg8[%get3A_17, %get3A_18] : memref<8x512xf32, #tpu.memory_space<vmem>>, vector<8x512xf32>
    %scan3A = arith.constant 0 : i32
    %scan3A_20 = arith.constant 64 : i32
    %scan3A_21 = arith.addi %scan3A, %scan3A_20 : i32
    %scan3A_22 = arith.constant 1 : i32
    %scan3A_23 = scf.for %scan3A_28 = %scan3A to %scan3A_21 step %scan3A_22 iter_args(%scan3A_29 = %get3A_19) -> (vector<8x512xf32>)  : i32 {
      %mul3A = vector.broadcast %get3A_13 : vector<1x512xf32> to vector<8x512xf32>
      %mul3A_30 = arith.mulf %mul3A, %scan3A_29 : vector<8x512xf32>
      %get3A_31 = arith.index_cast %scan3A_28 : i32 to index
      %get3A_32 = arith.constant 0 : index
      %get3A_33 = arith.constant 0 : index
      %get3A_34 = vector.load %arg9[%get3A_31, %get3A_32, %get3A_33] : memref<64x8x512xf32, #tpu.memory_space<vmem>>, vector<1x8x512xf32>
      %get3A_35 = vector.shape_cast %get3A_34 : vector<1x8x512xf32> to vector<8x512xf32>
      %add3A = arith.addf %mul3A_30, %get3A_35 : vector<8x512xf32>
      %gt3A = vector.broadcast %get3A_16 : vector<1x512xf32> to vector<8x512xf32>
      %gt3A_36 = arith.cmpf ogt, %add3A, %gt3A : vector<8x512xf32>
      %jit3A = arith.constant 0.000000e+00 : f32
      %broadcast_in_dim3A = vector.broadcast %jit3A : f32 to vector<8x512xf32>
      %select_n3A = arith.select %gt3A_36, %broadcast_in_dim3A, %add3A : vector<8x512xi1>, vector<8x512xf32>
      %swap3A_37 = arith.index_cast %scan3A_28 : i32 to index
      %swap3A_38 = arith.constant 0 : index
      %swap3A_39 = arith.constant 0 : index
      %swap3A_40 = vector.load %arg6[%swap3A_37, %swap3A_38, %swap3A_39] : memref<64x8x512xf32, #tpu.memory_space<vmem>>, vector<1x8x512xf32>
      %swap3A_41 = vector.shape_cast %swap3A_40 : vector<1x8x512xf32> to vector<8x512xf32>
      %swap3A_42 = vector.shape_cast %select_n3A : vector<8x512xf32> to vector<1x8x512xf32>
      tpu.vector_store %arg6[%swap3A_37, %swap3A_38, %swap3A_39], %swap3A_42 {strides = array<i32>} : memref<64x8x512xf32, #tpu.memory_space<vmem>>, vector<1x8x512xf32>,
      %jit3A_43 = arith.constant 0xFF800000 : f32
      %broadcast_in_dim3A_44 = vector.broadcast %jit3A_43 : f32 to vector<8x512xf32>
      %select_n3A_45 = arith.select %gt3A_36, %add3A, %broadcast_in_dim3A_44 : vector<8x512xi1>, vector<8x512xf32>
      %swap3A_46 = arith.index_cast %scan3A_28 : i32 to index
      %swap3A_47 = arith.constant 0 : index
      %swap3A_48 = arith.constant 0 : index
      %swap3A_49 = vector.load %arg7[%swap3A_46, %swap3A_47, %swap3A_48] : memref<64x8x512xf32, #tpu.memory_space<vmem>>, vector<1x8x512xf32>
      %swap3A_50 = vector.shape_cast %swap3A_49 : vector<1x8x512xf32> to vector<8x512xf32>
      %swap3A_51 = vector.shape_cast %select_n3A_45 : vector<8x512xf32> to vector<1x8x512xf32>
      tpu.vector_store %arg7[%swap3A_46, %swap3A_47, %swap3A_48], %swap3A_51 {strides = array<i32>} : memref<64x8x512xf32, #tpu.memory_space<vmem>>, vector<1x8x512xf32>,
      scf.yield %select_n3A : vector<8x512xf32>
    }
    %scan3A_24 = arith.constant 64 : i32
    %swap3A_25 = arith.constant 0 : index
    %swap3A_26 = arith.constant 0 : index
    %swap3A_27 = vector.load %arg8[%swap3A_25, %swap3A_26] : memref<8x512xf32, #tpu.memory_space<vmem>>, vector<8x512xf32>
    tpu.vector_store %arg8[%swap3A_25, %swap3A_26], %scan3A_23 {strides = array<i32>} : memref<8x512xf32, #tpu.memory_space<vmem>>, vector<8x512xf32>,
    return
  }
  func.func @transform_0(%arg0: i32) -> (i32, i32) {
    %c0_i32 = arith.constant 0 : i32
    %c0_i32_0 = arith.constant 0 : i32
    return %arg0, %c0_i32 : i32, i32
  }
  func.func @transform_1(%arg0: i32) -> (i32, i32) {
    %c0_i32 = arith.constant 0 : i32
    %c0_i32_0 = arith.constant 0 : i32
    %c0_i32_1 = arith.constant 0 : i32
    return %c0_i32, %c0_i32_0 : i32, i32
  }
  func.func @transform_2(%arg0: i32) -> (i32, i32) {
    %c0_i32 = arith.constant 0 : i32
    %c0_i32_0 = arith.constant 0 : i32
    %c0_i32_1 = arith.constant 0 : i32
    return %c0_i32, %c0_i32_0 : i32, i32
  }
  func.func @transform_3(%arg0: i32) -> (i32, i32) {
    %c0_i32 = arith.constant 0 : i32
    %c0_i32_0 = arith.constant 0 : i32
    %c0_i32_1 = arith.constant 0 : i32
    return %c0_i32, %c0_i32_0 : i32, i32
  }
  func.func @transform_4(%arg0: i32) -> (i32, i32) {
    %c0_i32 = arith.constant 0 : i32
    %c0_i32_0 = arith.constant 0 : i32
    %c0_i32_1 = arith.constant 0 : i32
    return %c0_i32, %c0_i32_0 : i32, i32
  }
  func.func @transform_5(%arg0: i32) -> (i32, i32, i32) {
    %c0_i32 = arith.constant 0 : i32
    %c0_i32_0 = arith.constant 0 : i32
    %c0_i32_1 = arith.constant 0 : i32
    return %arg0, %c0_i32, %c0_i32_0 : i32, i32, i32
  }
  func.func @transform_6(%arg0: i32) -> (i32, i32, i32) {
    %c0_i32 = arith.constant 0 : i32
    %c0_i32_0 = arith.constant 0 : i32
    %c0_i32_1 = arith.constant 0 : i32
    return %arg0, %c0_i32, %c0_i32_0 : i32, i32, i32
  }
}

</mosaic_0001>

<sc_bundles>
// kernel: kernel.10.cloned.1.call-start
scs
__scs_entry_jumppad:
0x0: {  	(pc) =	sbr.rel $0x88, $3  }
0x1: {  	(tag) =	ssettag $0x0;
	lr =	simm.s32 $0x1  }
0x2: {  	[smem:$0x3F97] =	sst lr;
	_ =	strace $0xD0000000  }
0x3: {  	_ = 	snop  }
0x4: {  	_ = 	snop  }
0x5: {  	_ = 	snop  }
0x6: {  	_ = 	snop  }
0x7: {  	_ = 	snop  }
__scs_overlays_trampoline_lowered:
0x8: {  	[smem:$0x3FA6] =	sst s0  }
0x9: {  	[smem:$0x3FA7] =	sst s1  }
0xa: {  	[smem:$0x3FA8] =	sst s2  }
0xb: {  	[smem:$0x3FA9] =	sst s3  }
0xc: {  	[smem:$0x3FAA] =	sst s4  }
0xd: {  	[smem:$0x3FAB] =	sst s5  }
0xe: {  	[smem:$0x3FAC] =	sst s6  }
0xf: {  	[smem:$0x3FAD] =	sst s7  }
0x10: {  	[smem:$0x3FAE] =	sst s8  }
0x11: {  	[smem:$0x3FAF] =	sst s9;
	s0 =	simm.s32 @!p0 $0x0  }
0x12: {  	s1 =	sld [smem:$0x3F95];
	s0 =	simm.s32 @p0 $0x1  }
0x13: {  	[smem:$0x3FB0] =	sst s0;
	s0 =	simm.s32 @!p1 $0x0  }
0x14: {  	s2 =	sld [smem:$0x3F94];
	s0 =	simm.s32 @p1 $0x1  }
0x15: {  	[smem:$0x3FB1] =	sst s0;
	s0 =	simm.s32 @!p2 $0x0  }
0x16: {  	s3 =	sld [smem:$0x3FDB];
	s0 =	simm.s32 @p2 $0x1  }
0x17: {  	s4 =	simm.s32 $0x1BF5;
	[smem:$0x3FB3] =	sst s0  }
0x18: {  	s0 =	sld [smem:$0x3F96];
	_ =	swait.ge [sflag:s4], $0x0  }
0x19: {  	s7 =	sld [smem:$0x3F97]  }
0x1a: {  	s8 =	sadd.s32 $0xFFFFE003, lr  }
0x1b: {  	s9 =	sadd.s32 $0xFFFFFEF7, lr;
	s5 =	simm.s32 $0xFFFFFFFF;
	p2 =	slt.u32 s8, $0xFFFFF086  }
0x1c: {  	p1 =	slt.u32 s9, $0xF7A;
	s5 =	simm.s32 @!p2 $0x0  }
0x1d: {  	s5 =	simm.s32 @p1 $0x1;
	p0 =	seq.s32 s7, s2  }
0x1e: {  	s7 =	smul.u32 @!p0 $0xF7A, s2;
	p2 =	seq.s32 @!p0 s5, $0x0  }
0x1f: {  	s9 =	smul.u32 $0xF7A, s1;
	s8 =	simm.s32 @!p0 $0x1BF5;
	p2 =	por !p2, p0  }
0x20: {  	[sflag:s8] =	ssyncset.s32 @!p0 $0xFFFFF086;
	s6 =	sadd.s32 @!p0 s3, s7;
	s7 =	simm.s32 @!p0 $0x108  }
0x21: {  	s3 =	sadd.s32 s3, s9;
	s6 =	sadd.s32 @!p0 $0x88, s6;
	s7 =	simm.s32 @p2 $0x1082  }
0x22: {  	[simem:s7], [sflag:s8] =	dma.local @!p0 [hbm:s6], $0xF7A  }
0x23: {  	s9 =	sor.u32 $0xD0000000, s2;
	s6 =	simm.s32 $0x108;
	_ =	swait.ge @!p0 [sflag:s8], $0x0  }
0x24: {  	s3 =	sadd.s32 $0x88, s3;
	s6 =	simm.s32 @!p1 $0x1082;
	[sflag:s4] =	ssyncset.s32 $0xFFFFF086  }
0x25: {  	[simem:s6], [sflag:s4] =	dma.local [hbm:s3], $0xF7A  }
0x26: {  	[smem:$0x3F97] =	sst s1;
	(tag) =	ssettag s2;
	_ =	strace s9  }
0x27: {  	s1 =	sld [smem:$0x3FA7]  }
0x28: {  	s2 =	sld [smem:$0x3FA8]  }
0x29: {  	s4 =	sld [smem:$0x3FAA]  }
0x2a: {  	p0 =	seq.s32 s5, $0x0;
	s5 =	sld [smem:$0x3FAB]  }
0x2b: {  	s6 =	sld [smem:$0x3FAC]  }
0x2c: {  	s7 =	sld [smem:$0x3FAD]  }
0x2d: {  	s3 =	simm.s32 $0x108;
	s8 =	sld [smem:$0x3FAE]  }
0x2e: {  	s3 =	simm.s32 @!p0 $0x1082;
	s9 =	sld [smem:$0x3FAF]  }
0x2f: {  	lr =	sadd.s32 s0, s3;
	s0 =	sld [smem:$0x3FA6]  }
0x30: {  	s3 =	sld [smem:$0x3FA9]  }
0x31: {  	[smem:$0x3FB2] =	sst s10  }
0x32: {  	s10 =	sld [smem:$0x3FB0];
	_ =	sdelay $0x3  }
0x33: {  	p0 =	seq.s32 s10, $0x1;
	s10 =	sld [smem:$0x3FB2];
	_ =	sdelay $0x3  }
0x34: {  	[smem:$0x3FB2] =	sst s10  }
0x35: {  	s10 =	sld [smem:$0x3FB1];
	_ =	sdelay $0x3  }
0x36: {  	p1 =	seq.s32 s10, $0x1;
	s10 =	sld [smem:$0x3FB2];
	_ =	sdelay $0x3  }
0x37: {  	[smem:$0x3FB2] =	sst s10  }
0x38: {  	s10 =	sld [smem:$0x3FB3]  }
0x39: {  	_ = 	snop;
	(pc) =	sbr.ind lr, $3  }
0x3a: {  	_ = 	snop  }
0x3b: {  	_ = 	snop  }
0x3c: {  	p2 =	seq.s32 s10, $0x1;
	s10 =	sld [smem:$0x3FB2]  }
0x3d: {  	_ =	shalt  }
0x3e: {  	_ =	shalt  }
0x3f: {  	_ =	shalt  }
0x40: {  	_ =	shalt  }
0x41: {  	_ =	shalt  }
0x42: {  	_ =	shalt  }
0x43: {  	_ =	shalt  }
0x44: {  	_ =	shalt  }
0x45: {  	_ =	shalt  }
0x46: {  	_ =	shalt  }
0x47: {  	_ =	shalt  }
0x48: {  	_ =	shalt  }
0x49: {  	_ =	shalt  }
0x4a: {  	_ =	shalt  }
0x4b: {  	_ =	shalt  }
0x4c: {  	_ =	shalt  }
0x4d: {  	_ =	shalt  }
0x4e: {  	_ =	shalt  }
0x4f: {  	_ =	shalt  }
0x50: {  	_ =	shalt  }
0x51: {  	_ =	shalt  }
0x52: {  	_ =	shalt  }
0x53: {  	_ =	shalt  }
0x54: {  	_ =	shalt  }
0x55: {  	_ =	shalt  }
0x56: {  	_ =	shalt  }
0x57: {  	_ =	shalt  }
0x58: {  	_ =	shalt  }
0x59: {  	_ =	shalt  }
0x5a: {  	_ =	shalt  }
0x5b: {  	_ =	shalt  }
0x5c: {  	_ =	shalt  }
0x5d: {  	_ =	shalt  }
0x5e: {  	_ =	shalt  }
0x5f: {  	_ =	shalt  }
0x60: {  	_ =	shalt  }
0x61: {  	_ =	shalt  }
0x62: {  	_ =	shalt  }
0x63: {  	_ =	shalt  }
0x64: {  	_ =	shalt  }
0x65: {  	_ =	shalt  }
0x66: {  	_ =	shalt  }
0x67: {  	_ =	shalt  }
0x68: {  	_ =	shalt  }
0x69: {  	_ =	shalt  }
0x6a: {  	_ =	shalt  }
0x6b: {  	_ =	shalt  }
0x6c: {  	_ =	shalt  }
0x6d: {  	_ =	shalt  }
0x6e: {  	_ =	shalt  }
0x6f: {  	_ =	shalt  }
0x70: {  	_ =	shalt  }
0x71: {  	_ =	shalt  }
0x72: {  	_ =	shalt  }
0x73: {  	_ =	shalt  }
0x74: {  	_ =	shalt  }
0x75: {  	_ =	shalt  }
0x76: {  	_ =	shalt  }
0x77: {  	_ =	shalt  }
0x78: {  	_ =	shalt  }
0x79: {  	_ =	shalt  }
0x7a: {  	_ =	shalt  }
0x7b: {  	_ =	shalt  }
0x7c: {  	_ =	shalt  }
0x7d: {  	_ =	shalt  }
0x7e: {  	_ =	shalt  }
0x7f: {  	_ =	shalt  }
0x80: {  	_ =	shalt  }
0x81: {  	_ =	shalt  }
0x82: {  	_ =	shalt  }
0x83: {  	_ =	shalt  }
0x84: {  	_ =	shalt  }
0x85: {  	_ =	shalt  }
0x86: {  	_ =	shalt  }
0x87: {  	_ =	shalt  }
.Lfunc_end0:
.L_simem_size_0:
called_computation.1_lowered:
.L_overlay_start_0:
0x88: {  	s2 =	sld [smem:$0x3FD9]  }
0x89: {  	s3 =	sld [smem:$0x3FFE];
	_ =	sdelay $0x1  }
0x8a: {  	s1 =	srdreg.scid  }
0x8b: {  	s0 =	sand.u32 $0x1, s1  }
0x8c: {  	s14 =	sshll.u32 s0, $0xA;
	s2 =	sadd.s32 s3, s2  }
0x8d: {  	s2 =	sadd.s32 s2, s14  }
0x8e: {  	[smem:$0x3FBE] =	sst s2  }
0x8f: {  	_ = 	snop  }
0x90: {  	s2 =	sld [smem:$0x3FD0];
	_ =	sdelay $0x2  }
0x91: {  	s15 =	simm.s32 $0xA;
	s4 =	simm.s32 $0x10  }
0x92: {  	[smem:s4], [sflag:s15] =	dma.local [hbm:s2], $0x1  }
0x93: {  	_ =	swait.eq [sflag:s15], $0x1  }
0x94: {  	s16 =	sld [smem:$0x10];
	[sflag:s15] =	ssyncset.done $0x0  }
0x95: {  	s17 =	sld [smem:$0x11];
	[sflag:s15] =	ssyncadd.s32 $0xFFFFFFFF  }
0x96: {  	s18 =	sld [smem:$0x12];
	(tm) =	ssettm $0x1  }
0x97: {  	s5 =	sld [smem:$0x3FFB];
	_ =	sdelay $0x3  }
0x98: {  	_ =	strace s5  }
0x99: {  	s5 =	sld [smem:$0x3FFC];
	_ =	sdelay $0x3  }
0x9a: {  	_ =	strace s5  }
0x9b: {  	s5 =	sld [smem:$0x3FFD];
	_ =	sdelay $0x3  }
0x9c: {  	_ =	strace s5  }
0x9d: {  	_ =	strace $0x8FFFFFFF  }
0x9e: {  	s19 =	sld [smem:$0x3FDB];
	_ =	sdelay $0x1  }
0x9f: {  	s6 =	simm.s32 $_scs_section_size  }
0xa0: {  	s7 =	simm.s32 $_size__tile_overlayer_lowered;
	s8 =	simm.s32 $_tile_overlayer_lowered  }
0xa1: {  	s22 =	simm.s32 $0x1BFF;
	s21 =	sshll.u32 s8, $0x1;
	s5 =	sadd.s32 s6, s19  }
0xa2: {  	s9 =	simm.s32 $0x0;
	s20 =	sshll.u32 s7, $0x1;
	s7 =	sadd.s32 s21, s5  }
0xa3: {  	[timem:s9], [sflag:s22] =	dma.local [hbm:s7], s20  }
0xa4: {  	_ =	swait.ge [sflag:s22], s20  }
0xa5: {  	s6 =	ssub.s32 $0x0, s20;
	[sflag:s22] =	ssyncset.done $0x0  }
0xa6: {  	[sflag:s22] =	ssyncadd.s32 s6;
	_ =	sdelay $0x1  }
0xa7: {  	s23 =	simm.s32 $0x1B8B  }
0xa8: {  	_ =	swait.ge [sflag:s23], $0x1  }
0xa9: {  	[sflag:s23] =	ssyncset.done $0x0  }
0xaa: {  	s25 =	simm.s32 $0x1B8E;
	s24 =	sld [smem:$0x3FFE];
	[sflag:s23] =	ssyncadd.s32 $0xFFFFFFFF  }
0xab: {  	s26 =	simm.s32 $execute0_lowered;
	[smem:$0x3FD2] =	sst s25  }
0xac: {  	s7 =	sshll.u32 s26, $0x1;
	_ =	strace $0x80000049;
	[dreg:$0x1] =	wrdreg $0xFFFFFFFF  }
0xad: {  	s28 =	simm.s32 $_size_execute0_lowered;
	s5 =	sadd.s32 s5, s7;
	[dreg:$0x0] =	wrdreg $0x0  }
0xae: {  	s7 =	sshll.u32 s28, $0x1;
	[dreg:$0x2] =	wrdreg s5  }
0xaf: {  	[dreg:$0x3] =	wrdreg s7  }
0xb0: {  	[dreg:$0x4] =	wrdreg $0xC0  }
0xb1: {  	_ =	task [dreg:s9], $0x5FFFF  }
0xb2: {  	[dreg:$0x1] =	wrdreg $0xFFFFFFFF  }
0xb3: {  	[dreg:$0x0] =	wrdreg $0x60  }
0xb4: {  	[dreg:$0x2] =	wrdreg s24  }
0xb5: {  	[dreg:$0x3] =	wrdreg s17  }
0xb6: {  	[dreg:$0x4] =	wrdreg s16  }
0xb7: {  	[dreg:$0x5] =	wrdreg s18  }
0xb8: {  	[dreg:$0x6] =	wrdreg $0x9  }
0xb9: {  	_ =	task.clear_ibuf [dreg:s9], $0x7FFFF;
	_ =	strace $0x90000049  }
0xba: {  	s29 =	simm.s32 $0x9;
	_ =	strace $0x8000004B  }
0xbb: {  	_ =	swait.ge [sflag:s29], $0x1  }
0xbc: {  	[sflag:s29] =	ssyncadd.s32 $0xFFFFFFFF  }
0xbd: {  	_ =	strace $0x9000004B  }
0xbe: {  	_ =	sfence  }
0xbf: {  	s30 =	sld [smem:$0x0];
	_ =	sdelay $0x2  }
0xc0: {  	s31 =	sshll.u32 s1, $0xD;
	s1 =	sshrl.u32 s1, $0x2  }
0xc1: {  	s3 =	sand.u32 $0x4000, s31;
	s1 =	sadd.s32 s1, s30  }
0xc2: {  	s0 =	sor.u32 s3, s0;
	s1 =	sshll.u32 s1, $0x11  }
0xc3: {  	s0 =	sor.u32 s1, s0  }
0xc4: {  	s0 =	sadd.s32 $0x8F2B, s0  }
0xc5: {  	[sflag:s0] =	ssyncadd.remote.s32 $0x1  }
0xc6: {  	_ =	sfence.sel $0xFFFF  }
0xc7: {  	[dreg:$0x0] =	wrdreg $0xFFFFFFFF;
	(pc) =	sbr.abs _section_cstart, $3  }
0xc8: {  	[dreg:$0x1] =	wrdreg $0xFFFFFFFF  }
0xc9: {  	_ =	task.clear_ibuf [dreg:s9], $0x2FFFF;
	_ =	strace $0x9FFFFFFF  }
0xca: {  	(tm) =	ssettm $0x7FFFFFFF  }
0xcb: {  	_ =	shalt  }
tec
execute0_lowered:
.L_overlay_start_1:
0x0: {  	(tag) =	ssettag $0x1  }
0x1: {  	s6 =	rddreg [dreg:$0x0]  }
0x2: {  	s1 =	rddreg [dreg:$0x1]  }
0x3: {  	s3 =	rddreg [dreg:$0x2];
	s2 =	srdreg.scid  }
0x4: {  	s0 =	stileid.u32;
	s4 =	rddreg [dreg:$0x3]  }
0x5: {  	s5 =	simm.s32 $0x0;
	s11 =	simm.s32 $0x1;
	s12 =	simm.s32 $0x2  }
0x6: {  	s13 =	simm.s32 $0x0;
	s7 =	sand.u32 $0x1, s2;
	s2 =	rddreg [dreg:$0x4]  }
.Ltmp0:
0x7: {  	s8 =	sshll.u32 s0, $0x1;
	[smem:$0x7FF] =	sst s5;
	(pc) =	sbr.rel .LBB2_1-.Ltmp0, $4  }
0x8: {  	v0 =	vlaneseq.u32;
	s8 =	sor.u32 s7, s8;
	s7 =	ssub.s32 $0x2, s7;
	_ =	strace $0x8000004A  }
0x9: {  	v3 =	vmul.u32 $0xFFFFFFFF, v0;
	s9 =	sshll.u32 s8, $0xE;
	s10 =	sshrl.u32 s7, $0x1;
	s8 =	sshll.u32 s8, $0x7  }
0xa: {  	v1 =	vimm.f32 $-Inf;
	s9 =	sadd.s32 s9, s6;
	s6 =	sadd.s32 $0x82A00, s6;
	s10 =	ssub.s32 s7, s10  }
0xb: {  	v2 =	vimm.s32 $0x0;
	v4 =	vimm.f32 $1.000000000e+00;
	v3 =	vadd.s32 $0xF, v3;
	s7 =	sadd.s32 $0x2A00, s9;
	s9 =	smax.u32 s10, $0x1;
	s10 =	simm.s32 $0x9980  }
.LBB2_11:
0xc: {  	_ =	swait.ge [sflag:s12], $0x800  }
0xd: {  	[sflag:s12] =	ssyncset.done $0x0  }
0xe: {  	s13 =	sadd.s32 $0x1, s13;
	[sflag:s12] =	ssyncadd.s32 $0xFFFFF800  }
0xf: {  	p0 =	sne.s32 s13, s9;
	_ =	swait.ge [sflag:s12], $0x10  }
.Ltmp1:
0x10: {  	[sflag:s12] =	ssyncset.done $0x0;
	(pc) =	sbr.rel @!p0 .LBB2_12-.Ltmp1, $4  }
0x11: {  	[sflag:s12] =	ssyncadd.s32 $0xFFFFFFF0  }
0x12: {  	_ =	swait.ge [sflag:s12], $0x4000  }
0x13: {  	[sflag:s12] =	ssyncset.done $0x0  }
0x14: {  	[sflag:s12] =	ssyncadd.s32 $0xFFFFC000  }
.LBB2_1:
.Ltmp2:
0x15: {  	(pc) =	sbr.rel .LBB2_2-.Ltmp2, $4  }
0x16: {  	_ = 	snop  }
0x17: {  	[tilespmem:s5], [sflag:$0x1] =	stream.linear.gather [hbm4b:s7+s5], $0x4000, $0x38;
	[tilespmem:$0x11980] =	vst v63  }
0x18: {  	s14 =	simm.s32 $0x0  }
0x19: {  	[tilespmem:s10], [sflag:$0x1] =	stream.linear.gather [hbm4b:s1+s5], $0x4000, $0x38;
	[tilespmem:$0x11980] =	vst v63  }
.LBB2_10:
0x1a: {  	s15 =	sshll.u32 s15, $0x4;
	s16 =	sshll.u32 s17, $0x4  }
0x1b: {  	p0 =	sne.s32 s14, $0x8;
	[tilespmem:s15+$0x9000] =	vst v5;
	s16 =	sadd.s32 s3, s16  }
0x1c: {  	[hbm4b:s16+s5] =	stream.linear.scatter [tilespmem:s19], [sflag:$0x2], $0x800, $0x38;
	[tilespmem:$0x11980] =	vst v63  }
.Ltmp3:
0x1d: {  	s30 =	sshrl.u32 s17, $0x3;
	(pc) =	sbr.rel @!p0 .LBB2_11-.Ltmp3, $4  }
0x1e: {  	s31 =	sshll.u32 s17, $0x7;
	s15 =	sor.u32 $0x9000, s15;
	s16 =	sadd.s32 s4, s30  }
0x1f: {  	[hbm4b:s16+s5] =	stream.linear.scatter [tilespmem:s15], [sflag:$0x2], $0x10, $0x38;
	[tilespmem:$0x11980] =	vst v63  }
0x20: {  	s15 =	sadd.s32 s6, s31  }
0x21: {  	[hbm4b:s15+s5] =	stream.linear.scatter [tilespmem:s18], [sflag:$0x2], $0x4000, $0x38;
	[tilespmem:$0x11980] =	vst v63  }
.LBB2_2:
0x22: {  	p0 =	seq.s32 s14, $0x0  }
0x23: {  	s17 =	smov.u32 s14;
	s14 =	simm.s32 @!p0 $0x2  }
0x24: {  	_ =	swait.ge @!p0 [sflag:s14], $0x800  }
0x25: {  	[sflag:s14] =	ssyncset.done @!p0 $0x0  }
0x26: {  	[sflag:s14] =	ssyncadd.s32 @!p0 $0xFFFFF800  }
0x27: {  	_ =	swait.ge @!p0 [sflag:s14], $0x10  }
0x28: {  	[sflag:s14] =	ssyncset.done @!p0 $0x0  }
0x29: {  	[sflag:s14] =	ssyncadd.s32 @!p0 $0xFFFFFFF0  }
0x2a: {  	_ =	swait.ge @!p0 [sflag:s14], $0x4000  }
0x2b: {  	[sflag:s14] =	ssyncset.done @!p0 $0x0  }
0x2c: {  	[sflag:s14] =	ssyncadd.s32 @!p0 $0xFFFFC000  }
0x2d: {  	s15 =	sand.u32 $0x1, s17;
	_ =	swait.ge [sflag:s11], $0x4000  }
0x2e: {  	s21 =	simm.s32 $0x0;
	s16 =	sshll.u32 s15, $0xE;
	[sflag:s11] =	ssyncset.done $0x0  }
0x2f: {  	s14 =	sadd.s32 $0x1, s17;
	p0 =	seq.s32 s17, $0x7;
	[sflag:s11] =	ssyncadd.s32 $0xFFFFC000  }
0x30: {  	s31 =	sshll.u32 s15, $0xB;
	s18 =	sshll.u32 @!p0 s14, $0xB;
	_ =	swait.ge [sflag:s11], $0x4000  }
0x31: {  	s19 =	ssub.s32 @!p0 $0x4000, s16;
	s20 =	simm.s32 @!p0 $0x0;
	[sflag:s11] =	ssyncset.done $0x0  }
.Ltmp4:
0x32: {  	s18 =	sadd.s32 @!p0 s18, s7;
	[sflag:s11] =	ssyncadd.s32 $0xFFFFC000;
	(pc) =	sbr.rel .LBB2_3-.Ltmp4, $4  }
0x33: {  	[tilespmem:s19], [sflag:$0x1] =	stream.linear.gather @!p0 [hbm4b:s18+s20], $0x4000, $0x38;
	[tilespmem:$0x11980] =	vst v63  }
0x34: {  	s17 =	sshll.u32 s17, $0x4;
	s18 =	ssub.s32 @!p0 $0xD980, s16;
	s19 =	sor.u32 $0x8000, s31  }
0x35: {  	[tilespmem:s18], [sflag:$0x1] =	stream.linear.gather @!p0 [hbm4b:s1+s20], $0x4000, $0x38;
	[tilespmem:$0x11980] =	vst v63  }
0x36: {  	v5 =	vimm.s32 $0x0;
	s17 =	sadd.s32 s8, s17;
	v6 =	vmov s19;
	s18 =	sor.u32 $0x9980, s16;
	s20 =	simm.s32 $0x0  }
.LBB2_8:
0x37: {  	v15 =	vsel vm0, v15, v19;
	v21 =	vsel vm0, v16, v9  }
0x38: {  	v47, v20, _ =	vpop (xrf1);
	vm1 =	vge.f32 v7, v10;
	vm2 =	vge.f32 v14, v13;
	v9 =	vsel vm0, v9, v16  }
0x39: {  	v19 =	vperm.xlane v47, v3;
	v22 =	vsel vm1, v8, v12;
	v20 =	vperm.xlane v20, v3  }
0x3a: {  	v23 =	vsel vm2, v13, v14;
	v25 =	vsel vm2, v18, v17;
	v49 =	vsel vm2, v17, v18  }
0x3b: {  	v27 =	vsel vm1, v10, v7;
	v8 =	vsel vm1, v12, v8;
	v13 =	vsel vm2, v14, v13  }
0x3c: {  	v48, v24, _ =	vpop (xrf1);
	v7 =	vsel vm1, v7, v10;
	vm3 =	vge.f32 v23, v11;
	vm12 =	vge.f32 v13, v15  }
0x3d: {  	vm10 =	vge.f32 v48, v19;
	v12 =	vsel vm3, v21, v49;
	v10 =	vsel vm3, v23, v11  }
0x3e: {  	v51 =	vsel vm3, v49, v21;
	v11 =	vsel vm3, v11, v23;
	v55 =	vsel vm12, v13, v15  }
0x3f: {  	v58 =	vsel vm12, v25, v9;
	v13 =	vsel vm12, v15, v13;
	v9 =	vsel vm12, v9, v25  }
0x40: {  	v50 =	vsel vm10, v19, v48;
	v26 =	vsel vm10, v20, v24;
	v14 =	vsel vm10, v48, v19  }
0x41: {  	v52 =	vsel vm10, v24, v20;
	vm1 =	vge.f32 v14, v7;
	vm11 =	vge.f32 v50, v27  }
0x42: {  	v19 =	vsel vm1, v14, v7;
	v53 =	vsel vm11, v50, v27;
	v54 =	vsel vm11, v26, v8  }
0x43: {  	v28 =	vsel vm1, v52, v22;
	v18 =	vsel vm11, v27, v50;
	v7 =	vsel vm1, v7, v14  }
0x44: {  	v14 =	vsel vm1, v22, v52;
	vm13 =	vge.f32 v10, v53;
	vm14 =	vge.f32 v13, v7  }
0x45: {  	vm15 =	vge.f32 v55, v19;
	v56 =	vsel vm13, v53, v10;
	v57 =	vsel vm13, v54, v51  }
0x46: {  	v15 =	vsel vm14, v7, v13;
	v17 =	vsel vm14, v14, v9;
	(xrf1) =	vsort.dscd.msk.f32 $0xffff, v56, v57  }
0x47: {  	v59 =	vsel vm15, v19, v55;
	v60 =	vsel vm15, v28, v58;
	(xrf1) =	vsort.dscd.msk.f32 $0xffff, v15, v17  }
0x48: {  	v61 =	vsel vm15, v58, v28;
	v15 =	vsel vm15, v55, v19;
	(xrf1) =	vsort.dscd.msk.f32 $0xffff, v59, v60  }
0x49: {  	v8 =	vsel vm11, v8, v26;
	vm2 =	vge.f32 v11, v18;
	(xrf1) =	vsort.dscd.msk.f32 $0xffff, v15, v61  }
0x4a: {  	v62 =	vsel vm2, v18, v11;
	v63 =	vsel vm2, v8, v12  }
0x4b: {  	v7 =	vsel vm14, v13, v7;
	v9 =	vsel vm14, v9, v14;
	(xrf1) =	vsort.dscd.msk.f32 $0xffff, v62, v63  }
0x4c: {  	(xrf1) =	vsort.dscd.msk.f32 $0xffff, v7, v9  }
0x4d: {  	v11 =	vsel vm2, v11, v18;
	v8 =	vsel vm2, v12, v8  }
0x4e: {  	(xrf1) =	vsort.dscd.msk.f32 $0xffff, v11, v8  }
0x4f: {  	v7 =	vsel vm13, v10, v53;
	v9 =	vsel vm13, v51, v54  }
0x50: {  	(xrf1) =	vsort.dscd.msk.f32 $0xffff, v7, v9;
	_ =	sdelay $0x3  }
0x51: {  	v7, v9, _ =	vpop (xrf1)  }
0x52: {  	v7, v11, _ =	vpop (xrf1)  }
0x53: {  	v7, v13, _ =	vpop (xrf1)  }
0x54: {  	v7, v14, _ =	vpop (xrf1);
	_ =	sdelay $0x1  }
0x55: {  	v8, v7, _ =	vpop (xrf1)  }
0x56: {  	v8, v12, _ =	vpop (xrf1);
	_ =	sdelay $0x1  }
0x57: {  	v10, v8, _ =	vpop (xrf1);
	_ =	sdelay $0x1  }
0x58: {  	v15, v10, _ =	vpop (xrf1)  }
.LBB2_9:
0x59: {  	p0 =	slt.s32 s23, $0x80  }
0x5a: {  	s23 =	simm.s32 @!p0 $0x80  }
0x5b: {  	v15 =	vmov s23  }
0x5c: {  	vm0 =	vgt.s32 v15, v0  }
0x5d: {  	v16 =	vadd.s32 s22, v14;
	v17 =	vor.u32 $0x10, v0  }
0x5e: {  	vm1 =	vgt.s32 v15, v17  }
0x5f: {  	s24 =	sshll.u32 s21, $0x7;
	v46 =	vadd.s32 s22, v13;
	v18 =	vor.u32 $0x20, v0  }
0x60: {  	s24 =	sand.u32 $0x3FFFFF80, s24;
	vm2 =	vgt.s32 v15, v18;
	v47 =	vnsel vm0, $0x0, v14  }
0x61: {  	v48 =	vadd.s32 s22, v12;
	v49 =	vor.u32 $0x30, v0;
	[tilespmem:v6+s24+$0x0 ss:$0x1] =	vst.idx.msk $0xffff, v47  }
0x62: {  	vm10 =	vgt.s32 v15, v49;
	v50 =	vnsel vm1, $0x0, v13;
	[tilespmem:v16+s10+$0x0] =	vst.idx.add.f32.msk vm0, v4  }
0x63: {  	v51 =	vadd.s32 s22, v11;
	v52 =	vor.u32 $0x40, v0;
	[tilespmem:v6+s24+$0x10 ss:$0x1] =	vst.idx.msk $0xffff, v50  }
0x64: {  	vm11 =	vgt.s32 v15, v52;
	v53 =	vnsel vm2, $0x0, v12;
	[tilespmem:v46+s10+$0x0] =	vst.idx.add.f32.msk vm1, v4  }
0x65: {  	v54 =	vadd.s32 s22, v10;
	v55 =	vor.u32 $0x50, v0;
	[tilespmem:v6+s24+$0x20 ss:$0x1] =	vst.idx.msk $0xffff, v53  }
0x66: {  	vm12 =	vgt.s32 v15, v55;
	v56 =	vnsel vm10, $0x0, v11;
	[tilespmem:v48+s10+$0x0] =	vst.idx.add.f32.msk vm2, v4  }
0x67: {  	v57 =	vadd.s32 s22, v9;
	[tilespmem:v6+s24+$0x30 ss:$0x1] =	vst.idx.msk $0xffff, v56  }
0x68: {  	v59 =	vnsel vm11, $0x0, v10;
	[tilespmem:v51+s10+$0x0] =	vst.idx.add.f32.msk vm10, v4  }
0x69: {  	[tilespmem:v6+s24+$0x40 ss:$0x1] =	vst.idx.msk $0xffff, v59  }
0x6a: {  	v58 =	vor.u32 $0x60, v0;
	v62 =	vnsel vm12, $0x0, v9;
	[tilespmem:v54+s10+$0x0] =	vst.idx.add.f32.msk vm11, v4  }
0x6b: {  	vm13 =	vgt.s32 v15, v58;
	[tilespmem:v6+s24+$0x50 ss:$0x1] =	vst.idx.msk $0xffff, v62  }
0x6c: {  	v60 =	vadd.s32 s22, v8;
	v61 =	vor.u32 $0x70, v0;
	v8 =	vnsel vm13, $0x0, v8;
	[tilespmem:v57+s10+$0x0] =	vst.idx.add.f32.msk vm12, v4  }
0x6d: {  	vm14 =	vgt.s32 v15, v61;
	[tilespmem:v6+s24+$0x60 ss:$0x1] =	vst.idx.msk $0xffff, v8;
	v8 =	vmov s21;
	s21 =	sadd.s32 $0x1, s21  }
0x6e: {  	v63 =	vadd.s32 s22, v7;
	p0 =	sne.s32 s21, $0x10  }
.Ltmp5:
0x6f: {  	_ = 	snop;
	(pc) =	sbr.rel @!p0 .LBB2_10-.Ltmp5, $4  }
0x70: {  	_ = 	snop  }
0x71: {  	v7 =	vnsel vm14, $0x0, v7;
	[tilespmem:v60+s10+$0x0] =	vst.idx.add.f32.msk vm13, v4  }
0x72: {  	vm15 =	veq.s32 v8, v0;
	[tilespmem:v6+s24+$0x70 ss:$0x1] =	vst.idx.msk $0xffff, v7  }
0x73: {  	v5 =	vsel vm15, s23, v5;
	[tilespmem:v63+s10+$0x0] =	vst.idx.add.f32.msk vm14, v4  }
.LBB2_3:
0x74: {  	[tilespmem:$0x9080] =	vst v1  }
0x75: {  	[tilespmem:$0x9090] =	vst v1  }
0x76: {  	[tilespmem:$0x90A0] =	vst v1  }
0x77: {  	[tilespmem:$0x90B0] =	vst v1  }
0x78: {  	s22 =	sshll.u32 s21, $0xA;
	[tilespmem:$0x90C0] =	vst v1  }
0x79: {  	[tilespmem:$0x90D0] =	vst v1;
	s23 =	sand.u32 $0x380, s20;
	s22 =	sadd.s32 s16, s22  }
0x7a: {  	[tilespmem:$0x90E0] =	vst v1;
	s24 =	sand.u32 $0x70, s20;
	s23 =	sadd.s32 s23, s22  }
0x7b: {  	[tilespmem:$0x90F0] =	vst v1;
	s23 =	sadd.s32 s24, s23  }
0x7c: {  	v7 =	vld [tilespmem:s23+$0x0];
	_ =	sdelay $0x4  }
0x7d: {  	vm0 =	vgt.f32 v7, $-3.000000010e+38  }
0x7e: {  	v8 =	vsel vm0, $0x1, v2  }
0x7f: {  	(xrf0) =	vadd.scan.msk.s32 $0xffff, v8;
	_ =	sdelay $0x5  }
0x80: {  	s23 =	simm.s32 $0x10;
	v8, _, _ =	vpop (xrf0)  }
0x81: {  	s25 =	simm.s32 $0x20;
	s24 =	simm.s32 $0x0;
	s26 =	sand.u32 $0x380, s23;
	[tilespmem:s20+$0x9080] =	vst.msk vm0, v7;
	v7 =	vor.u32 s20, v0;
	(v2sf) =	vpush v8, $0xF  }
.LBB2_4:
0x82: {  	p0 =	sne.s32 s25, $0x3F0;
	s28 =	sand.u32 $0x70, s23;
	s26 =	sadd.s32 s26, s22;
	[tilespmem:s24+$0x9500] =	vst.msk vm0, v7  }
0x83: {  	s26 =	sadd.s32 s28, s26  }
0x84: {  	v7 =	vld [tilespmem:s26+$0x0];
	_ =	sdelay $0x4  }
0x85: {  	vm0 =	vgt.f32 v7, $-3.000000010e+38  }
0x86: {  	v8 =	vsel vm0, $0x1, v2  }
0x87: {  	(xrf0) =	vadd.scan.msk.s32 $0xffff, v8;
	_ =	sdelay $0x2  }
.Ltmp6:
0x88: {  	(pc) =	sbr.rel @p0 .LBB2_4-.Ltmp6, $4  }
0x89: {  	_ = 	snop  }
0x8a: {  	s26 =	spop (v2sf)  }
0x8b: {  	v8, _, _ =	vpop (xrf0);
	s24 =	sadd.s32 s24, s26  }
0x8c: {  	s26 =	sand.u32 $0x380, s25;
	[tilespmem:s24+$0x9080] =	vst.msk vm0, v7;
	v7 =	vor.u32 s23, v0;
	(v2sf) =	vpush v8, $0xF;
	s23 =	smov.u32 s25;
	s25 =	sadd.s32 $0x10, s25  }
0x8d: {  	s25 =	sand.u32 $0x70, s23;
	s26 =	sadd.s32 s26, s22  }
0x8e: {  	[tilespmem:s24+$0x9500] =	vst.msk vm0, v7;
	s25 =	sadd.s32 s25, s26  }
0x8f: {  	v7 =	vld [tilespmem:s25+$0x0];
	_ =	sdelay $0x4  }
0x90: {  	vm4 =	vgt.f32 v7, $-3.000000010e+38  }
0x91: {  	v8 =	vsel vm4, $0x1, v2  }
0x92: {  	(xrf0) =	vadd.scan.msk.s32 $0xffff, v8;
	_ =	sdelay $0x5  }
0x93: {  	v8, _, _ =	vpop (xrf0)  }
0x94: {  	(v2sf) =	vpush v8, $0xF;
	_ =	sdelay $0xc  }
0x95: {  	s31 =	spop (v2sf)  }
0x96: {  	s26 =	sadd.s32 s24, s31  }
0x97: {  	[tilespmem:s26+$0x9080] =	vst.msk vm4, v7;
	v7 =	vor.u32 s23, v0;
	s28 =	spop (v2sf)  }
0x98: {  	[tilespmem:s26+$0x9500] =	vst.msk vm4, v7;
	s23 =	sadd.s32 s26, s28  }
0x99: {  	[tilespmem:s23+$0x9080] =	vst v1  }
0x9a: {  	v7 =	vld [tilespmem:$0x9080]  }
0x9b: {  	v8 =	vld [tilespmem:$0x9090]  }
0x9c: {  	v9 =	vld [tilespmem:$0x90A0]  }
0x9d: {  	v10 =	vld [tilespmem:$0x9500]  }
0x9e: {  	v11 =	vld [tilespmem:$0x9510]  }
0x9f: {  	v12 =	vld [tilespmem:$0x90B0]  }
0xa0: {  	v13 =	vld [tilespmem:$0x9520]  }
0xa1: {  	v14 =	vld [tilespmem:$0x9530]  }
0xa2: {  	(xrf1) =	vsort.dscd.msk.f32 $0xffff, v7, v10  }
0xa3: {  	(xrf1) =	vsort.dscd.msk.f32 $0xffff, v8, v11;
	_ =	sdelay $0x1  }
0xa4: {  	v7 =	vld [tilespmem:$0x90C0];
	(xrf1) =	vsort.dscd.msk.f32 $0xffff, v9, v13  }
0xa5: {  	v10 =	vld [tilespmem:$0x90E0];
	(xrf1) =	vsort.dscd.msk.f32 $0xffff, v12, v14  }
0xa6: {  	v8 =	vld [tilespmem:$0x90D0]  }
0xa7: {  	v9 =	vld [tilespmem:$0x9540]  }
0xa8: {  	v11 =	vld [tilespmem:$0x9550]  }
0xa9: {  	v13 =	vld [tilespmem:$0x9560]  }
0xaa: {  	v12 =	vld [tilespmem:$0x90F0]  }
0xab: {  	v14 =	vld [tilespmem:$0x9570]  }
0xac: {  	(xrf1) =	vsort.dscd.msk.f32 $0xffff, v7, v9  }
0xad: {  	(xrf1) =	vsort.dscd.msk.f32 $0xffff, v8, v11;
	_ =	sdelay $0x1  }
0xae: {  	(xrf1) =	vsort.dscd.msk.f32 $0xffff, v10, v13;
	v7, v8, _ =	vpop (xrf1)  }
0xaf: {  	(xrf1) =	vsort.dscd.msk.f32 $0xffff, v12, v14;
	v9, v10, _ =	vpop (xrf1)  }
0xb0: {  	v9 =	vperm.xlane v9, v3  }
0xb1: {  	v11, v12, _ =	vpop (xrf1)  }
0xb2: {  	v10 =	vperm.xlane v10, v3;
	v13, v14, _ =	vpop (xrf1);
	vm5 =	vge.f32 v7, v9  }
0xb3: {  	v13 =	vperm.xlane v13, v3;
	v15 =	vsel vm5, v7, v9  }
0xb4: {  	v16 =	vsel vm5, v8, v10;
	v7 =	vsel vm5, v9, v7;
	v9 =	vperm.xlane v14, v3  }
0xb5: {  	v8 =	vsel vm5, v10, v8;
	(xrf1) =	vsort.dscd.msk.f32 $0xffff, v15, v16;
	vm6 =	vge.f32 v11, v13  }
0xb6: {  	(xrf1) =	vsort.dscd.msk.f32 $0xffff, v7, v8;
	v8 =	vsel vm6, v12, v9  }
0xb7: {  	v7 =	vsel vm6, v11, v13  }
0xb8: {  	v11 =	vsel vm6, v13, v11  }
0xb9: {  	v10, v14, _ =	vpop (xrf1);
	v9 =	vsel vm6, v9, v12;
	(xrf1) =	vsort.dscd.msk.f32 $0xffff, v7, v8  }
0xba: {  	(xrf1) =	vsort.dscd.msk.f32 $0xffff, v11, v9;
	v7, v8, _ =	vpop (xrf1)  }
0xbb: {  	v7 =	vperm.xlane v7, v3  }
0xbc: {  	v9, v11, _ =	vpop (xrf1)  }
0xbd: {  	v8 =	vperm.xlane v8, v3;
	v12, v13, _ =	vpop (xrf1);
	vm7 =	vge.f32 v10, v7  }
0xbe: {  	v12 =	vperm.xlane v12, v3;
	v15 =	vsel vm7, v10, v7  }
0xbf: {  	v16 =	vsel vm7, v14, v8;
	v7 =	vsel vm7, v7, v10;
	v10 =	vperm.xlane v13, v3  }
0xc0: {  	v8 =	vsel vm7, v8, v14;
	(xrf1) =	vsort.dscd.msk.f32 $0xffff, v15, v16;
	vm8 =	vge.f32 v9, v12  }
0xc1: {  	(xrf1) =	vsort.dscd.msk.f32 $0xffff, v7, v8;
	v8 =	vsel vm8, v11, v10  }
0xc2: {  	v7 =	vsel vm8, v9, v12;
	v10 =	vsel vm8, v10, v11  }
0xc3: {  	v9 =	vsel vm8, v12, v9;
	(xrf1) =	vsort.dscd.msk.f32 $0xffff, v7, v8  }
0xc4: {  	(xrf1) =	vsort.dscd.msk.f32 $0xffff, v9, v10  }
0xc5: {  	v7, v8, _ =	vpop (xrf1)  }
0xc6: {  	v9, v10, _ =	vpop (xrf1)  }
0xc7: {  	v11, v12, _ =	vpop (xrf1)  }
0xc8: {  	v13, v14, _ =	vpop (xrf1)  }
0xc9: {  	v13 =	vperm.xlane v13, v3  }
0xca: {  	v11 =	vperm.xlane v11, v3;
	v14 =	vperm.xlane v14, v3  }
0xcb: {  	v12 =	vperm.xlane v12, v3;
	vm9 =	vge.f32 v7, v13  }
0xcc: {  	vm1 =	vge.f32 v9, v11;
	v15 =	vsel vm9, v7, v13;
	v16 =	vsel vm9, v8, v14  }
0xcd: {  	v7 =	vsel vm9, v13, v7;
	v13 =	vsel vm1, v9, v11;
	v8 =	vsel vm9, v14, v8  }
0xce: {  	v14 =	vsel vm1, v10, v12;
	v9 =	vsel vm1, v11, v9;
	vm10 =	vge.f32 v15, v13  }
0xcf: {  	v10 =	vsel vm1, v12, v10;
	vm11 =	vge.f32 v7, v9;
	v17, v18, _ =	vpop (xrf1);
	v11 =	vsel vm10, v15, v13  }
0xd0: {  	v22 =	vsel vm10, v16, v14;
	v13 =	vsel vm10, v13, v15;
	v14 =	vsel vm10, v14, v16;
	v19, v20, _ =	vpop (xrf1)  }
0xd1: {  	v16 =	vsel vm11, v7, v9;
	v7 =	vsel vm11, v9, v7;
	(xrf1) =	vsort.dscd.msk.f32 $0xffff, v11, v22;
	v12, v21, _ =	vpop (xrf1)  }
0xd2: {  	v11 =	vsel vm11, v8, v10;
	v8 =	vsel vm11, v10, v8;
	(xrf1) =	vsort.dscd.msk.f32 $0xffff, v13, v14;
	v15, v23, _ =	vpop (xrf1)  }
0xd3: {  	(xrf1) =	vsort.dscd.msk.f32 $0xffff, v16, v11;
	v9 =	vperm.xlane v12, v3;
	v13 =	vperm.xlane v15, v3  }
0xd4: {  	(xrf1) =	vsort.dscd.msk.f32 $0xffff, v7, v8;
	v7 =	vperm.xlane v21, v3  }
0xd5: {  	v10 =	vperm.xlane v23, v3;
	vm13 =	vge.f32 v19, v9;
	vm12 =	vge.f32 v17, v13  }
0xd6: {  	v14 =	vsel vm13, v20, v7;
	v7 =	vsel vm13, v7, v20;
	v8 =	vsel vm12, v17, v13  }
0xd7: {  	v11 =	vsel vm12, v18, v10;
	v12 =	vsel vm12, v13, v17;
	v13 =	vsel vm13, v19, v9  }
0xd8: {  	v10 =	vsel vm12, v10, v18;
	v9 =	vsel vm13, v9, v19;
	vm14 =	vge.f32 v8, v13  }
0xd9: {  	vm15 =	vge.f32 v12, v9;
	v15 =	vsel vm14, v8, v13;
	v16 =	vsel vm14, v11, v14  }
0xda: {  	v8 =	vsel vm14, v13, v8;
	v11 =	vsel vm14, v14, v11;
	(xrf1) =	vsort.dscd.msk.f32 $0xffff, v15, v16  }
0xdb: {  	v13 =	vsel vm15, v12, v9;
	v14 =	vsel vm15, v10, v7;
	(xrf1) =	vsort.dscd.msk.f32 $0xffff, v8, v11  }
0xdc: {  	v7 =	vsel vm15, v7, v10;
	v8 =	vsel vm15, v9, v12;
	(xrf1) =	vsort.dscd.msk.f32 $0xffff, v13, v14  }
0xdd: {  	(xrf1) =	vsort.dscd.msk.f32 $0xffff, v8, v7;
	_ =	sdelay $0x6  }
0xde: {  	v7, v8, _ =	vpop (xrf1)  }
0xdf: {  	v9, v10, _ =	vpop (xrf1)  }
0xe0: {  	v11, v12, _ =	vpop (xrf1)  }
0xe1: {  	v13, v14, _ =	vpop (xrf1)  }
0xe2: {  	v15, v16, _ =	vpop (xrf1)  }
0xe3: {  	v17, v18, _ =	vpop (xrf1)  }
0xe4: {  	v15 =	vperm.xlane v15, v3;
	v16 =	vperm.xlane v16, v3;
	v19, v20, _ =	vpop (xrf1)  }
0xe5: {  	v17 =	vperm.xlane v17, v3;
	v18 =	vperm.xlane v18, v3;
	v21, v22, _ =	vpop (xrf1)  }
0xe6: {  	v19 =	vperm.xlane v19, v3;
	v21 =	vperm.xlane v21, v3  }
0xe7: {  	v20 =	vperm.xlane v20, v3;
	vm7 =	vge.f32 v13, v15;
	v22 =	vperm.xlane v22, v3  }
0xe8: {  	vm6 =	vge.f32 v11, v17;
	vm5 =	vge.f32 v9, v19;
	vm4 =	vge.f32 v7, v21  }
0xe9: {  	v24 =	vsel vm5, v10, v20;
	v10 =	vsel vm5, v20, v10;
	v20 =	vsel vm6, v12, v18  }
0xea: {  	v12 =	vsel vm6, v18, v12;
	v23 =	vsel vm4, v7, v21;
	v7 =	vsel vm4, v21, v7  }
0xeb: {  	v21 =	vsel vm4, v8, v22;
	v8 =	vsel vm4, v22, v8;
	v22 =	vsel vm5, v9, v19  }
0xec: {  	v9 =	vsel vm5, v19, v9;
	v19 =	vsel vm6, v11, v17;
	v11 =	vsel vm6, v17, v11  }
0xed: {  	v17 =	vsel vm7, v13, v15;
	v13 =	vsel vm7, v15, v13;
	v15 =	vsel vm7, v14, v16  }
0xee: {  	v14 =	vsel vm7, v16, v14;
	vm8 =	vge.f32 v23, v19;
	vm9 =	vge.f32 v22, v17  }
0xef: {  	vm10 =	vge.f32 v7, v11;
	vm11 =	vge.f32 v9, v13;
	v16 =	vsel vm8, v23, v19  }
0xf0: {  	v18 =	vsel vm8, v21, v20;
	v19 =	vsel vm8, v19, v23;
	v20 =	vsel vm8, v20, v21  }
0xf1: {  	v21 =	vsel vm9, v22, v17;
	v23 =	vsel vm9, v24, v15;
	v17 =	vsel vm9, v17, v22  }
0xf2: {  	v15 =	vsel vm9, v15, v24;
	v22 =	vsel vm10, v7, v11;
	v7 =	vsel vm10, v11, v7  }
0xf3: {  	v11 =	vsel vm10, v8, v12;
	v8 =	vsel vm10, v12, v8;
	v12 =	vsel vm11, v9, v13  }
0xf4: {  	v63 =	vsel vm11, v10, v14;
	v9 =	vsel vm11, v13, v9;
	v10 =	vsel vm11, v14, v10  }
0xf5: {  	vm12 =	vge.f32 v16, v21;
	vm13 =	vge.f32 v19, v17;
	vm14 =	vge.f32 v22, v12  }
0xf6: {  	vm15 =	vge.f32 v7, v9;
	v13 =	vsel vm12, v16, v21;
	v14 =	vsel vm12, v18, v23  }
0xf7: {  	v16 =	vsel vm12, v21, v16;
	v18 =	vsel vm12, v23, v18;
	(xrf1) =	vsort.dscd.msk.f32 $0xffff, v13, v14  }
0xf8: {  	v21 =	vsel vm13, v19, v17;
	v23 =	vsel vm13, v20, v15;
	(xrf1) =	vsort.dscd.msk.f32 $0xffff, v16, v18  }
0xf9: {  	v13 =	vsel vm13, v17, v19;
	v14 =	vsel vm13, v15, v20;
	(xrf1) =	vsort.dscd.msk.f32 $0xffff, v21, v23  }
0xfa: {  	v15 =	vsel vm14, v22, v12;
	v16 =	vsel vm14, v11, v63;
	(xrf1) =	vsort.dscd.msk.f32 $0xffff, v13, v14  }
0xfb: {  	v12 =	vsel vm14, v12, v22;
	v11 =	vsel vm14, v63, v11;
	(xrf1) =	vsort.dscd.msk.f32 $0xffff, v15, v16  }
0xfc: {  	v13 =	vsel vm15, v7, v9;
	v14 =	vsel vm15, v8, v10;
	(xrf1) =	vsort.dscd.msk.f32 $0xffff, v12, v11  }
0xfd: {  	v7 =	vsel vm15, v9, v7;
	v8 =	vsel vm15, v10, v8;
	(xrf1) =	vsort.dscd.msk.f32 $0xffff, v13, v14  }
0xfe: {  	(xrf1) =	vsort.dscd.msk.f32 $0xffff, v7, v8;
	_ =	sdelay $0x1  }
0xff: {  	s24 =	sadd.s32 $0xF, s23  }
0x100: {  	s29 =	sand.u32 $0xF, s24  }
0x101: {  	s30 =	sshra.s32 s24, $0x1F;
	p0 =	slt.s32 s24, $0x1;
	p1 =	sne.s32 s29, $0x0  }
0x102: {  	s31 =	sshrl.u32 s30, $0x1C;
	p0 =	por !p0, !p1  }
0x103: {  	s25 =	simm.s32 $0x1;
	s24 =	sadd.s32 s31, s24;
	p0 =	por !p0, !p0  }
0x104: {  	s26 =	sshra.s32 s24, $0x4;
	s25 =	simm.s32 @!p0 $0x0;
	v15, v14, _ =	vpop (xrf1)  }
0x105: {  	s24 =	ssub.s32 s26, s25;
	v17, v13, _ =	vpop (xrf1)  }
0x106: {  	p1 =	slt.s32 s24, $0x9;
	v16, v12, _ =	vpop (xrf1)  }
.Ltmp7:
0x107: {  	v20, v11, _ =	vpop (xrf1);
	(pc) =	sbr.rel @p1 .LBB2_9-.Ltmp7, $4  }
0x108: {  	v18, v10, _ =	vpop (xrf1)  }
0x109: {  	v22, v9, _ =	vpop (xrf1)  }
0x10a: {  	v19, v8, _ =	vpop (xrf1)  }
0x10b: {  	v21, v7, _ =	vpop (xrf1)  }
0x10c: {  	s24 =	simm.s32 $0x9100  }
0x10d: {  	s25 =	simm.s32 $0x9580;
	v23 =	vld [tilespmem:s24+$0x0]  }
0x10e: {  	v24 =	vld [tilespmem:s25+$0x0];
	_ =	sdelay $0x4  }
0x10f: {  	(xrf1) =	vsort.dscd.msk.f32 $0xffff, v23, v24;
	_ =	sdelay $0xa  }
0x110: {  	(xrf1) =	vsort.dscd.msk.f32 $0xffff, v22, v9  }
0x111: {  	(xrf1) =	vsort.dscd.msk.f32 $0xffff, v17, v13  }
0x112: {  	(xrf1) =	vsort.dscd.msk.f32 $0xffff, v20, v11  }
0x113: {  	v9, v11, _ =	vpop (xrf1);
	(xrf1) =	vsort.dscd.msk.f32 $0xffff, v15, v14  }
0x114: {  	(xrf1) =	vsort.dscd.msk.f32 $0xffff, v16, v12;
	_ =	sdelay $0x2  }
0x115: {  	v9 =	vperm.xlane v9, v3  }
0x116: {  	v11 =	vperm.xlane v11, v3  }
0x117: {  	vm0 =	vge.f32 v21, v9  }
0x118: {  	(xrf1) =	vsort.dscd.msk.f32 $0xffff, v18, v10;
	v9 =	vsel vm0, v21, v9;
	v7 =	vsel vm0, v7, v11  }
0x119: {  	(xrf1) =	vsort.dscd.msk.f32 $0xffff, v9, v7;
	_ =	sdelay $0x1  }
0x11a: {  	(xrf1) =	vsort.dscd.msk.f32 $0xffff, v19, v8  }
0x11b: {  	v7, v8, _ =	vpop (xrf1)  }
0x11c: {  	v9, v10, _ =	vpop (xrf1)  }
0x11d: {  	v11, v12, _ =	vpop (xrf1)  }
0x11e: {  	v11 =	vperm.xlane v11, v3;
	v13, v14, _ =	vpop (xrf1)  }
0x11f: {  	v12 =	vperm.xlane v12, v3;
	v15, v16, _ =	vpop (xrf1)  }
0x120: {  	v9 =	vperm.xlane v9, v3;
	v10 =	vperm.xlane v10, v3;
	vm1 =	vge.f32 v15, v11  }
0x121: {  	v20 =	vsel vm1, v16, v12;
	v56 =	vsel vm1, v11, v15;
	v12 =	vsel vm1, v12, v16  }
0x122: {  	vm0 =	vge.f32 v13, v9;
	v11 =	vsel vm1, v15, v11;
	(xrf1) =	vsort.dscd.msk.f32 $0xffff, v56, v12  }
0x123: {  	v17 =	vsel vm0, v14, v10;
	v16 =	vsel vm0, v13, v9;
	(xrf1) =	vsort.dscd.msk.f32 $0xffff, v11, v20  }
0x124: {  	v10 =	vsel vm0, v10, v14;
	v9 =	vsel vm0, v9, v13;
	(xrf1) =	vsort.dscd.msk.f32 $0xffff, v16, v17  }
0x125: {  	v18, v19, _ =	vpop (xrf1);
	(xrf1) =	vsort.dscd.msk.f32 $0xffff, v9, v10  }
0x126: {  	v15, v57, _ =	vpop (xrf1)  }
0x127: {  	v7 =	vperm.xlane v7, v3;
	v12 =	vperm.xlane v15, v3  }
0x128: {  	v11 =	vperm.xlane v57, v3;
	v13, v14, _ =	vpop (xrf1)  }
0x129: {  	v8 =	vperm.xlane v8, v3;
	vm1 =	vge.f32 v18, v7;
	vm0 =	vge.f32 v13, v12  }
0x12a: {  	v9 =	vsel vm0, v12, v13;
	v10 =	vsel vm0, v11, v14;
	v11 =	vsel vm0, v14, v11  }
0x12b: {  	v12 =	vsel vm0, v13, v12;
	(xrf1) =	vsort.dscd.msk.f32 $0xffff, v9, v10;
	v9 =	vsel vm1, v18, v7  }
0x12c: {  	v10 =	vsel vm1, v19, v8;
	v8 =	vsel vm1, v8, v19;
	(xrf1) =	vsort.dscd.msk.f32 $0xffff, v12, v11  }
0x12d: {  	v7 =	vsel vm1, v7, v18;
	(xrf1) =	vsort.dscd.msk.f32 $0xffff, v9, v10  }
0x12e: {  	(xrf1) =	vsort.dscd.msk.f32 $0xffff, v7, v8;
	_ =	sdelay $0x1  }
0x12f: {  	v7, v8, _ =	vpop (xrf1)  }
0x130: {  	v9, v10, _ =	vpop (xrf1)  }
0x131: {  	v7 =	vperm.xlane v7, v3;
	v9 =	vperm.xlane v9, v3;
	v11, v12, _ =	vpop (xrf1)  }
0x132: {  	v8 =	vperm.xlane v8, v3;
	v13, v14, _ =	vpop (xrf1)  }
0x133: {  	v10 =	vperm.xlane v10, v3;
	vm1 =	vge.f32 v11, v7;
	vm0 =	vge.f32 v13, v9  }
0x134: {  	v16 =	vsel vm1, v11, v7;
	v7 =	vsel vm1, v7, v11;
	v15 =	vsel vm0, v9, v13  }
0x135: {  	v11 =	vsel vm1, v8, v12;
	v19 =	vsel vm0, v10, v14;
	vm2 =	vge.f32 v7, v15  }
0x136: {  	v59 =	vsel vm2, v11, v19;
	v60 =	vsel vm2, v15, v7;
	v7 =	vsel vm2, v7, v15  }
0x137: {  	v11 =	vsel vm2, v19, v11;
	(xrf1) =	vsort.dscd.msk.f32 $0xffff, v7, v59  }
0x138: {  	v17, v18, _ =	vpop (xrf1);
	(xrf1) =	vsort.dscd.msk.f32 $0xffff, v60, v11  }
0x139: {  	v12 =	vsel vm1, v12, v8;
	v13 =	vsel vm0, v13, v9;
	v17 =	vperm.xlane v17, v3;
	v20, v58, _ =	vpop (xrf1)  }
0x13a: {  	v10 =	vsel vm0, v14, v10;
	v18 =	vperm.xlane v18, v3;
	v61, v25, _ =	vpop (xrf1);
	v20 =	vperm.xlane v20, v3  }
0x13b: {  	vm0 =	vge.f32 v16, v13;
	v19 =	vperm.xlane v58, v3;
	vm3 =	vge.f32 v61, v17;
	v62, v26, _ =	vpop (xrf1)  }
0x13c: {  	v8 =	vsel vm3, v61, v17;
	vm1 =	vge.f32 v62, v20;
	v63 =	vsel vm3, v18, v25  }
0x13d: {  	v15 =	vsel vm3, v25, v18;
	v18 =	vsel vm1, v19, v26;
	v7 =	vsel vm1, v62, v20  }
0x13e: {  	v19 =	vsel vm1, v26, v19;
	v20 =	vsel vm1, v20, v62;
	vm1 =	vge.f32 v8, v7  }
0x13f: {  	v17 =	vsel vm3, v17, v61;
	v9 =	vsel vm1, v7, v8;
	v11 =	vsel vm1, v19, v15  }
0x140: {  	v7 =	vsel vm1, v8, v7;
	(xrf1) =	vsort.dscd.msk.f32 $0xffff, v9, v11;
	v9 =	vsel vm1, v15, v19  }
0x141: {  	vm2 =	vge.f32 v17, v20;
	(xrf1) =	vsort.dscd.msk.f32 $0xffff, v7, v9;
	v9 =	vsel vm0, v12, v10  }
0x142: {  	v8 =	vsel vm2, v18, v63  }
0x143: {  	v11 =	vsel vm2, v20, v17;
	v7 =	vsel vm0, v16, v13  }
0x144: {  	v10 =	vsel vm0, v10, v12;
	(xrf1) =	vsort.dscd.msk.f32 $0xffff, v11, v8  }
0x145: {  	v12 =	vsel vm2, v17, v20;
	v11 =	vsel vm2, v63, v18;
	(xrf1) =	vsort.dscd.msk.f32 $0xffff, v7, v9;
	v15, v9, _ =	vpop (xrf1)  }
0x146: {  	v7, v8, _ =	vpop (xrf1);
	(xrf1) =	vsort.dscd.msk.f32 $0xffff, v12, v11  }
0x147: {  	v11 =	vsel vm0, v13, v16  }
0x148: {  	(xrf1) =	vsort.dscd.msk.f32 $0xffff, v11, v10;
	_ =	sdelay $0x1  }
0x149: {  	s28 =	simm.s32 $0xFFFFFFFF  }
0x14a: {  	s28 =	simm.s32 @!p0 $0x0  }
0x14b: {  	s26 =	sadd.s32 s28, s26  }
0x14c: {  	s26 =	sadd.s32 $0xFFFFFFF8, s26  }
0x14d: {  	p0 =	sne.s32 s26, $0x1  }
.Ltmp8:
0x14e: {  	v14, v17, _ =	vpop (xrf1);
	(pc) =	sbr.rel @!p0 .LBB2_8-.Ltmp8, $4  }
0x14f: {  	v19 =	vperm.xlane v14, v3  }
0x150: {  	v16 =	vperm.xlane v17, v3;
	v10, v11, _ =	vpop (xrf1)  }
0x151: {  	v10 =	vperm.xlane v10, v3;
	v12 =	vperm.xlane v11, v3;
	v11, v14, _ =	vpop (xrf1);
	vm0 =	vge.f32 v15, v19  }
0x152: {  	s26 =	sadd.s32 $0xFFFFFFFF, s26;
	v13 =	vperm.xlane v11, v3;
	v17 =	vperm.xlane v14, v3;
	v14, v18, _ =	vpop (xrf1);
	v11 =	vsel vm0, v19, v15  }
.LBB2_7:
0x153: {  	p0 =	sne.s32 s26, $0x1;
	v15 =	vsel vm0, v15, v19;
	v19 =	vsel vm0, v16, v9;
	vm1 =	vge.f32 v7, v10;
	s24 =	sadd.s32 $0x10, s24;
	s25 =	sadd.s32 $0x10, s25;
	v20, v21, _ =	vpop (xrf1)  }
0x154: {  	s26 =	sadd.s32 $0xFFFFFFFF, s26;
	vm2 =	vge.f32 v14, v13;
	v20 =	vperm.xlane v20, v3;
	v22 =	vsel vm1, v8, v12  }
0x155: {  	v9 =	vsel vm0, v9, v16;
	v21 =	vperm.xlane v21, v3;
	v23 =	vsel vm2, v13, v14;
	v16, v24, _ =	vpop (xrf1)  }
0x156: {  	v25 =	vsel vm2, v18, v17;
	vm3 =	vge.f32 v23, v11;
	vm0 =	vge.f32 v16, v20  }
0x157: {  	v17 =	vsel vm2, v17, v18;
	v18 =	vsel vm0, v20, v16;
	v26 =	vsel vm0, v21, v24  }
0x158: {  	v27 =	vsel vm1, v10, v7;
	v8 =	vsel vm1, v12, v8;
	v12 =	vsel vm3, v19, v17  }
0x159: {  	v13 =	vsel vm2, v14, v13;
	v7 =	vsel vm1, v7, v10;
	v10 =	vsel vm3, v23, v11  }
0x15a: {  	v11 =	vsel vm3, v11, v23;
	v14 =	vsel vm0, v16, v20;
	v16 =	vsel vm3, v17, v19  }
0x15b: {  	v17 =	vsel vm0, v24, v21;
	vm1 =	vge.f32 v14, v7;
	vm2 =	vge.f32 v18, v27  }
0x15c: {  	v19 =	vsel vm1, v14, v7;
	v20 =	vsel vm2, v18, v27;
	v21 =	vsel vm2, v26, v8  }
0x15d: {  	vm3 =	vge.f32 v13, v15;
	v8 =	vsel vm2, v8, v26;
	vm0 =	vge.f32 v10, v20  }
0x15e: {  	v23 =	vsel vm3, v13, v15;
	v24 =	vsel vm0, v20, v10;
	v26 =	vsel vm0, v21, v16  }
0x15f: {  	v28 =	vsel vm1, v17, v22;
	v18 =	vsel vm2, v27, v18;
	(xrf1) =	vsort.dscd.msk.f32 $0xffff, v24, v26  }
0x160: {  	v13 =	vsel vm3, v15, v13;
	vm2 =	vge.f32 v11, v18;
	v24 =	vsel vm3, v25, v9  }
0x161: {  	v7 =	vsel vm1, v7, v14;
	v14 =	vsel vm1, v22, v17  }
0x162: {  	vm1 =	vge.f32 v23, v19;
	v9 =	vsel vm3, v9, v25;
	vm3 =	vge.f32 v13, v7  }
0x163: {  	v15 =	vsel vm1, v19, v23;
	v17 =	vsel vm3, v7, v13;
	v22 =	vsel vm3, v14, v9  }
0x164: {  	v19 =	vsel vm1, v23, v19;
	v23 =	vsel vm1, v28, v24;
	v25 =	vld [tilespmem:s24+$0x0];
	(xrf1) =	vsort.dscd.msk.f32 $0xffff, v17, v22  }
0x165: {  	v22 =	vsel vm1, v24, v28;
	v24 =	vsel vm2, v11, v18;
	v17 =	vld [tilespmem:s25+$0x0];
	(xrf1) =	vsort.dscd.msk.f32 $0xffff, v15, v23  }
0x166: {  	v11 =	vsel vm2, v18, v11;
	v15 =	vsel vm2, v8, v12;
	(xrf1) =	vsort.dscd.msk.f32 $0xffff, v19, v22  }
0x167: {  	v10 =	vsel vm0, v10, v20;
	v7 =	vsel vm3, v13, v7;
	v8 =	vsel vm2, v12, v8  }
0x168: {  	v9 =	vsel vm3, v9, v14;
	v12 =	vsel vm0, v16, v21;
	(xrf1) =	vsort.dscd.msk.f32 $0xffff, v11, v15  }
0x169: {  	(xrf1) =	vsort.dscd.msk.f32 $0xffff, v7, v9  }
0x16a: {  	(xrf1) =	vsort.dscd.msk.f32 $0xffff, v25, v17  }
0x16b: {  	(xrf1) =	vsort.dscd.msk.f32 $0xffff, v24, v8  }
0x16c: {  	(xrf1) =	vsort.dscd.msk.f32 $0xffff, v10, v12  }
0x16d: {  	v7, v8, _ =	vpop (xrf1);
	_ =	sdelay $0x3  }
0x16e: {  	(xrf1) =	vsort.dscd.msk.f32 $0xffff, v7, v8  }
0x16f: {  	v7, v8, _ =	vpop (xrf1)  }
0x170: {  	v9, v10, _ =	vpop (xrf1)  }
0x171: {  	v11, v12, _ =	vpop (xrf1);
	_ =	sdelay $0x1  }
0x172: {  	(xrf1) =	vsort.dscd.msk.f32 $0xffff, v9, v10;
	v9, v10, _ =	vpop (xrf1)  }
0x173: {  	(xrf1) =	vsort.dscd.msk.f32 $0xffff, v7, v8;
	v7, v8, _ =	vpop (xrf1)  }
0x174: {  	v13, v14, _ =	vpop (xrf1)  }
0x175: {  	(xrf1) =	vsort.dscd.msk.f32 $0xffff, v11, v12  }
0x176: {  	v11 =	vperm.xlane v13, v3;
	v12, v13, _ =	vpop (xrf1)  }
0x177: {  	v14 =	vperm.xlane v14, v3;
	(xrf1) =	vsort.dscd.msk.f32 $0xffff, v7, v8;
	v7, v8, _ =	vpop (xrf1)  }
0x178: {  	vm0 =	vge.f32 v9, v11;
	(xrf1) =	vsort.dscd.msk.f32 $0xffff, v7, v8  }
0x179: {  	v7 =	vsel vm0, v9, v11;
	v9 =	vsel vm0, v10, v14  }
0x17a: {  	(xrf1) =	vsort.dscd.msk.f32 $0xffff, v7, v9;
	_ =	sdelay $0x1  }
0x17b: {  	v7, v8, _ =	vpop (xrf1);
	(xrf1) =	vsort.dscd.msk.f32 $0xffff, v12, v13;
	_ =	sdelay $0x4  }
0x17c: {  	v9, v10, _ =	vpop (xrf1)  }
0x17d: {  	v7 =	vperm.xlane v7, v3;
	v9 =	vperm.xlane v9, v3;
	v11, v12, _ =	vpop (xrf1)  }
0x17e: {  	v8 =	vperm.xlane v8, v3;
	v10 =	vperm.xlane v10, v3;
	v13, v14, _ =	vpop (xrf1)  }
0x17f: {  	v11 =	vperm.xlane v11, v3;
	v12 =	vperm.xlane v12, v3;
	vm0 =	vge.f32 v13, v9  }
0x180: {  	v15 =	vsel vm0, v14, v10;
	v16, v17, _ =	vpop (xrf1)  }
0x181: {  	vm1 =	vge.f32 v16, v11;
	v18, v19, _ =	vpop (xrf1)  }
0x182: {  	v20 =	vsel vm1, v17, v12;
	v21 =	vsel vm1, v11, v16;
	v12 =	vsel vm1, v12, v17  }
0x183: {  	v17 =	vsel vm0, v13, v9;
	v11 =	vsel vm1, v16, v11;
	v16, v22, _ =	vpop (xrf1);
	(xrf1) =	vsort.dscd.msk.f32 $0xffff, v21, v12  }
0x184: {  	v9 =	vsel vm0, v9, v13;
	v12 =	vperm.xlane v16, v3;
	(xrf1) =	vsort.dscd.msk.f32 $0xffff, v11, v20  }
0x185: {  	v10 =	vsel vm0, v10, v14;
	v11 =	vperm.xlane v22, v3;
	v13, v14, _ =	vpop (xrf1);
	(xrf1) =	vsort.dscd.msk.f32 $0xffff, v17, v15  }
0x186: {  	vm0 =	vge.f32 v18, v7;
	vm1 =	vge.f32 v13, v12;
	(xrf1) =	vsort.dscd.msk.f32 $0xffff, v9, v10  }
0x187: {  	v9 =	vsel vm1, v14, v11;
	v10 =	vsel vm1, v12, v13;
	v11 =	vsel vm1, v11, v14  }
0x188: {  	v14 =	vsel vm0, v18, v7;
	v12 =	vsel vm1, v13, v12;
	(xrf1) =	vsort.dscd.msk.f32 $0xffff, v10, v11  }
0x189: {  	v7 =	vsel vm0, v7, v18;
	v10 =	vsel vm0, v19, v8;
	(xrf1) =	vsort.dscd.msk.f32 $0xffff, v12, v9  }
0x18a: {  	v8 =	vsel vm0, v8, v19;
	(xrf1) =	vsort.dscd.msk.f32 $0xffff, v14, v10  }
0x18b: {  	(xrf1) =	vsort.dscd.msk.f32 $0xffff, v7, v8;
	_ =	sdelay $0x5  }
0x18c: {  	v7, v8, _ =	vpop (xrf1)  }
0x18d: {  	v7 =	vperm.xlane v7, v3;
	v9, v10, _ =	vpop (xrf1)  }
0x18e: {  	v9 =	vperm.xlane v9, v3;
	v11, v12, _ =	vpop (xrf1)  }
0x18f: {  	v8 =	vperm.xlane v8, v3;
	v10 =	vperm.xlane v10, v3;
	vm1 =	vge.f32 v11, v7;
	v13, v14, _ =	vpop (xrf1)  }
0x190: {  	v15 =	vsel vm1, v11, v7;
	v7 =	vsel vm1, v7, v11;
	vm0 =	vge.f32 v13, v9  }
0x191: {  	v11 =	vsel vm1, v8, v12;
	v16 =	vsel vm0, v9, v13;
	v17 =	vsel vm0, v10, v14;
	v18, v19, _ =	vpop (xrf1)  }
0x192: {  	vm2 =	vge.f32 v7, v16;
	v18 =	vperm.xlane v18, v3;
	v19 =	vperm.xlane v19, v3;
	v20, v21, _ =	vpop (xrf1)  }
0x193: {  	v22 =	vsel vm2, v11, v17;
	v23 =	vsel vm2, v16, v7;
	v20 =	vperm.xlane v20, v3;
	v24, v25, _ =	vpop (xrf1)  }
0x194: {  	v11 =	vsel vm2, v17, v11;
	v17 =	vperm.xlane v21, v3;
	vm3 =	vge.f32 v24, v18;
	v21, v26, _ =	vpop (xrf1)  }
0x195: {  	v8 =	vsel vm1, v12, v8;
	v12 =	vsel vm3, v24, v18;
	v18 =	vsel vm3, v18, v24  }
0x196: {  	v7 =	vsel vm2, v7, v16;
	v16 =	vsel vm3, v19, v25;
	vm1 =	vge.f32 v21, v20  }
0x197: {  	v19 =	vsel vm3, v25, v19;
	v24 =	vsel vm1, v17, v26;
	(xrf1) =	vsort.dscd.msk.f32 $0xffff, v7, v22  }
0x198: {  	v17 =	vsel vm1, v26, v17;
	v7 =	vsel vm1, v21, v20;
	v20 =	vsel vm1, v20, v21  }
0x199: {  	v9 =	vsel vm0, v13, v9;
	vm1 =	vge.f32 v12, v7;
	(xrf1) =	vsort.dscd.msk.f32 $0xffff, v23, v11  }
0x19a: {  	vm2 =	vge.f32 v18, v20;
	v11 =	vsel vm1, v7, v12;
	v13 =	vsel vm1, v17, v19  }
0x19b: {  	v10 =	vsel vm0, v14, v10;
	v14 =	vsel vm1, v19, v17;
	v17 =	vsel vm2, v16, v24  }
0x19c: {  	vm0 =	vge.f32 v15, v9;
	v7 =	vsel vm1, v12, v7;
	(xrf1) =	vsort.dscd.msk.f32 $0xffff, v11, v13  }
0x19d: {  	v12 =	vsel vm0, v8, v10;
	v11 =	vsel vm0, v15, v9;
	v13 =	vsel vm2, v24, v16  }
0x19e: {  	v8 =	vsel vm0, v10, v8;
	v10 =	vsel vm2, v20, v18;
	(xrf1) =	vsort.dscd.msk.f32 $0xffff, v7, v14  }
0x19f: {  	v7 =	vsel vm2, v18, v20;
	(xrf1) =	vsort.dscd.msk.f32 $0xffff, v10, v13  }
0x1a0: {  	(xrf1) =	vsort.dscd.msk.f32 $0xffff, v11, v12  }
0x1a1: {  	(xrf1) =	vsort.dscd.msk.f32 $0xffff, v7, v17  }
0x1a2: {  	v7 =	vsel vm0, v9, v15  }
0x1a3: {  	(xrf1) =	vsort.dscd.msk.f32 $0xffff, v7, v8;
	_ =	sdelay $0x1  }
0x1a4: {  	v15, v9, _ =	vpop (xrf1);
	_ =	sdelay $0x1  }
0x1a5: {  	v7, v8, _ =	vpop (xrf1);
	_ =	sdelay $0x2  }
.Ltmp9:
0x1a6: {  	v10, v11, _ =	vpop (xrf1);
	(pc) =	sbr.rel @p0 .LBB2_7-.Ltmp9, $4  }
0x1a7: {  	v19 =	vperm.xlane v10, v3  }
0x1a8: {  	v16 =	vperm.xlane v11, v3;
	v10, v11, _ =	vpop (xrf1)  }
0x1a9: {  	v10 =	vperm.xlane v10, v3;
	v12 =	vperm.xlane v11, v3;
	vm0 =	vge.f32 v15, v19;
	v11, v14, _ =	vpop (xrf1)  }
0x1aa: {  	v13 =	vperm.xlane v11, v3;
	v17 =	vperm.xlane v14, v3;
	v11 =	vsel vm0, v19, v15;
	v14, v18, _ =	vpop (xrf1)  }
.Ltmp10:
0x1ab: {  	_ = 	snop;
	(pc) =	sbr.rel .LBB2_8-.Ltmp10, $1  }
0x1ac: {  	_ =	sdelay $0x3  }
.LBB2_12:
0x1ad: {  	_ =	sfence.sel $0x180000  }
0x1ae: {  	[bflag:$0x0] =	sbarrier.arrive $0xFFFF  }
0x1af: {  	p0 =	sne.s32 s0, $0x0;
	_ =	strace $0x9000004A  }
0x1b0: {  	s0 =	sadd.s32 @!p0 $0x100000, s2;
	[bflag:$0x2] =	sbarrier.arrive $0xFFFF  }
0x1b1: {  	[sflag:s0] =	ssyncadd.tile.s32 @!p0 $0x1;
	_ =	shalt  }
.Lfunc_end2:
_tile_overlayer_lowered:
.L_overlay_start_2:
0x1b2: {  	(tag) =	ssettag $0x2  }
0x1b3: {  	s0 =	rddreg [dreg:$0x0];
	s2 =	stileid.u32  }
0x1b4: {  	s1 =	rddreg [dreg:$0x1];
	p0 =	sne.s32 s2, $0x0  }
0x1b5: {  	s3 =	rddreg [dreg:$0x2];
	[bflag:$0x3] =	sbarrier.arrive $0xFFFF;
	s2 =	simm.s32 @!p0 $0x1C03  }
0x1b6: {  	[timem:s3], [sflag:s2] =	dma.local @!p0 [hbm:s0], s1  }
0x1b7: {  	s0 =	simm.s32 @!p0 $0x3  }
0x1b8: {  	_ =	swait.ge @!p0 [sflag:s0], s1  }
0x1b9: {  	s1 =	ssub.s32 @!p0 $0x0, s1;
	[sflag:s0] =	ssyncset.done @!p0 $0x0  }
0x1ba: {  	[sflag:s0] =	ssyncadd.s32 @!p0 s1  }
0x1bb: {  	[bflag:$0x3] =	sbarrier.arrive $0xFFFF  }
0x1bc: {  	_ =	shalt  }

// kernel: kernel.13.cloned.1.call-start
scs
__scs_entry_jumppad:
0x0: {  	(pc) =	sbr.rel $0x88, $3  }
0x1: {  	(tag) =	ssettag $0x0;
	lr =	simm.s32 $0x1  }
0x2: {  	[smem:$0x3F97] =	sst lr;
	_ =	strace $0xD0000000  }
0x3: {  	_ = 	snop  }
0x4: {  	_ = 	snop  }
0x5: {  	_ = 	snop  }
0x6: {  	_ = 	snop  }
0x7: {  	_ = 	snop  }
__scs_overlays_trampoline_lowered:
0x8: {  	[smem:$0x3FA6] =	sst s0  }
0x9: {  	[smem:$0x3FA7] =	sst s1  }
0xa: {  	[smem:$0x3FA8] =	sst s2  }
0xb: {  	[smem:$0x3FA9] =	sst s3  }
0xc: {  	[smem:$0x3FAA] =	sst s4  }
0xd: {  	[smem:$0x3FAB] =	sst s5  }
0xe: {  	[smem:$0x3FAC] =	sst s6  }
0xf: {  	[smem:$0x3FAD] =	sst s7  }
0x10: {  	[smem:$0x3FAE] =	sst s8  }
0x11: {  	[smem:$0x3FAF] =	sst s9;
	s0 =	simm.s32 @!p0 $0x0  }
0x12: {  	s1 =	sld [smem:$0x3F95];
	s0 =	simm.s32 @p0 $0x1  }
0x13: {  	[smem:$0x3FB0] =	sst s0;
	s0 =	simm.s32 @!p1 $0x0  }
0x14: {  	s2 =	sld [smem:$0x3F94];
	s0 =	simm.s32 @p1 $0x1  }
0x15: {  	[smem:$0x3FB1] =	sst s0;
	s0 =	simm.s32 @!p2 $0x0  }
0x16: {  	s3 =	sld [smem:$0x3FDB];
	s0 =	simm.s32 @p2 $0x1  }
0x17: {  	s4 =	simm.s32 $0x1BF5;
	[smem:$0x3FB3] =	sst s0  }
0x18: {  	s0 =	sld [smem:$0x3F96];
	_ =	swait.ge [sflag:s4], $0x0  }
0x19: {  	s7 =	sld [smem:$0x3F97]  }
0x1a: {  	s8 =	sadd.s32 $0xFFFFE003, lr  }
0x1b: {  	s9 =	sadd.s32 $0xFFFFFEF7, lr;
	s5 =	simm.s32 $0xFFFFFFFF;
	p2 =	slt.u32 s8, $0xFFFFF086  }
0x1c: {  	p1 =	slt.u32 s9, $0xF7A;
	s5 =	simm.s32 @!p2 $0x0  }
0x1d: {  	s5 =	simm.s32 @p1 $0x1;
	p0 =	seq.s32 s7, s2  }
0x1e: {  	s7 =	smul.u32 @!p0 $0xF7A, s2;
	p2 =	seq.s32 @!p0 s5, $0x0  }
0x1f: {  	s9 =	smul.u32 $0xF7A, s1;
	s8 =	simm.s32 @!p0 $0x1BF5;
	p2 =	por !p2, p0  }
0x20: {  	[sflag:s8] =	ssyncset.s32 @!p0 $0xFFFFF086;
	s6 =	sadd.s32 @!p0 s3, s7;
	s7 =	simm.s32 @!p0 $0x108  }
0x21: {  	s3 =	sadd.s32 s3, s9;
	s6 =	sadd.s32 @!p0 $0x88, s6;
	s7 =	simm.s32 @p2 $0x1082  }
0x22: {  	[simem:s7], [sflag:s8] =	dma.local @!p0 [hbm:s6], $0xF7A  }
0x23: {  	s9 =	sor.u32 $0xD0000000, s2;
	s6 =	simm.s32 $0x108;
	_ =	swait.ge @!p0 [sflag:s8], $0x0  }
0x24: {  	s3 =	sadd.s32 $0x88, s3;
	s6 =	simm.s32 @!p1 $0x1082;
	[sflag:s4] =	ssyncset.s32 $0xFFFFF086  }
0x25: {  	[simem:s6], [sflag:s4] =	dma.local [hbm:s3], $0xF7A  }
0x26: {  	[smem:$0x3F97] =	sst s1;
	(tag) =	ssettag s2;
	_ =	strace s9  }
0x27: {  	s1 =	sld [smem:$0x3FA7]  }
0x28: {  	s2 =	sld [smem:$0x3FA8]  }
0x29: {  	s4 =	sld [smem:$0x3FAA]  }
0x2a: {  	p0 =	seq.s32 s5, $0x0;
	s5 =	sld [smem:$0x3FAB]  }
0x2b: {  	s6 =	sld [smem:$0x3FAC]  }
0x2c: {  	s7 =	sld [smem:$0x3FAD]  }
0x2d: {  	s3 =	simm.s32 $0x108;
	s8 =	sld [smem:$0x3FAE]  }
0x2e: {  	s3 =	simm.s32 @!p0 $0x1082;
	s9 =	sld [smem:$0x3FAF]  }
0x2f: {  	lr =	sadd.s32 s0, s3;
	s0 =	sld [smem:$0x3FA6]  }
0x30: {  	s3 =	sld [smem:$0x3FA9]  }
0x31: {  	[smem:$0x3FB2] =	sst s10  }
0x32: {  	s10 =	sld [smem:$0x3FB0];
	_ =	sdelay $0x3  }
0x33: {  	p0 =	seq.s32 s10, $0x1;
	s10 =	sld [smem:$0x3FB2];
	_ =	sdelay $0x3  }
0x34: {  	[smem:$0x3FB2] =	sst s10  }
0x35: {  	s10 =	sld [smem:$0x3FB1];
	_ =	sdelay $0x3  }
0x36: {  	p1 =	seq.s32 s10, $0x1;
	s10 =	sld [smem:$0x3FB2];
	_ =	sdelay $0x3  }
0x37: {  	[smem:$0x3FB2] =	sst s10  }
0x38: {  	s10 =	sld [smem:$0x3FB3]  }
0x39: {  	_ = 	snop;
	(pc) =	sbr.ind lr, $3  }
0x3a: {  	_ = 	snop  }
0x3b: {  	_ = 	snop  }
0x3c: {  	p2 =	seq.s32 s10, $0x1;
	s10 =	sld [smem:$0x3FB2]  }
0x3d: {  	_ =	shalt  }
0x3e: {  	_ =	shalt  }
0x3f: {  	_ =	shalt  }
0x40: {  	_ =	shalt  }
0x41: {  	_ =	shalt  }
0x42: {  	_ =	shalt  }
0x43: {  	_ =	shalt  }
0x44: {  	_ =	shalt  }
0x45: {  	_ =	shalt  }
0x46: {  	_ =	shalt  }
0x47: {  	_ =	shalt  }
0x48: {  	_ =	shalt  }
0x49: {  	_ =	shalt  }
0x4a: {  	_ =	shalt  }
0x4b: {  	_ =	shalt  }
0x4c: {  	_ =	shalt  }
0x4d: {  	_ =	shalt  }
0x4e: {  	_ =	shalt  }
0x4f: {  	_ =	shalt  }
0x50: {  	_ =	shalt  }
0x51: {  	_ =	shalt  }
0x52: {  	_ =	shalt  }
0x53: {  	_ =	shalt  }
0x54: {  	_ =	shalt  }
0x55: {  	_ =	shalt  }
0x56: {  	_ =	shalt  }
0x57: {  	_ =	shalt  }
0x58: {  	_ =	shalt  }
0x59: {  	_ =	shalt  }
0x5a: {  	_ =	shalt  }
0x5b: {  	_ =	shalt  }
0x5c: {  	_ =	shalt  }
0x5d: {  	_ =	shalt  }
0x5e: {  	_ =	shalt  }
0x5f: {  	_ =	shalt  }
0x60: {  	_ =	shalt  }
0x61: {  	_ =	shalt  }
0x62: {  	_ =	shalt  }
0x63: {  	_ =	shalt  }
0x64: {  	_ =	shalt  }
0x65: {  	_ =	shalt  }
0x66: {  	_ =	shalt  }
0x67: {  	_ =	shalt  }
0x68: {  	_ =	shalt  }
0x69: {  	_ =	shalt  }
0x6a: {  	_ =	shalt  }
0x6b: {  	_ =	shalt  }
0x6c: {  	_ =	shalt  }
0x6d: {  	_ =	shalt  }
0x6e: {  	_ =	shalt  }
0x6f: {  	_ =	shalt  }
0x70: {  	_ =	shalt  }
0x71: {  	_ =	shalt  }
0x72: {  	_ =	shalt  }
0x73: {  	_ =	shalt  }
0x74: {  	_ =	shalt  }
0x75: {  	_ =	shalt  }
0x76: {  	_ =	shalt  }
0x77: {  	_ =	shalt  }
0x78: {  	_ =	shalt  }
0x79: {  	_ =	shalt  }
0x7a: {  	_ =	shalt  }
0x7b: {  	_ =	shalt  }
0x7c: {  	_ =	shalt  }
0x7d: {  	_ =	shalt  }
0x7e: {  	_ =	shalt  }
0x7f: {  	_ =	shalt  }
0x80: {  	_ =	shalt  }
0x81: {  	_ =	shalt  }
0x82: {  	_ =	shalt  }
0x83: {  	_ =	shalt  }
0x84: {  	_ =	shalt  }
0x85: {  	_ =	shalt  }
0x86: {  	_ =	shalt  }
0x87: {  	_ =	shalt  }
.Lfunc_end0:
.L_simem_size_0:
called_computation.2_lowered:
.L_overlay_start_0:
0x88: {  	s2 =	sld [smem:$0x3FD9]  }
0x89: {  	s3 =	sld [smem:$0x3FFE];
	_ =	sdelay $0x1  }
0x8a: {  	s1 =	srdreg.scid  }
0x8b: {  	s0 =	sand.u32 $0x1, s1  }
0x8c: {  	s14 =	sshll.u32 s0, $0xA;
	s2 =	sadd.s32 s3, s2  }
0x8d: {  	s2 =	sadd.s32 s2, s14  }
0x8e: {  	[smem:$0x3FBE] =	sst s2  }
0x8f: {  	_ = 	snop  }
0x90: {  	s2 =	sld [smem:$0x3FD0];
	_ =	sdelay $0x2  }
0x91: {  	s15 =	simm.s32 $0xA;
	s4 =	simm.s32 $0x10  }
0x92: {  	[smem:s4], [sflag:s15] =	dma.local [hbm:s2], $0x1  }
0x93: {  	_ =	swait.eq [sflag:s15], $0x1  }
0x94: {  	[sflag:s15] =	ssyncset.done $0x0  }
0x95: {  	[sflag:s15] =	ssyncadd.s32 $0xFFFFFFFF  }
0x96: {  	s16 =	sld [smem:$0x11];
	(tm) =	ssettm $0x1  }
0x97: {  	s17 =	sld [smem:$0x3FFB];
	_ =	sdelay $0x3  }
0x98: {  	_ =	strace s17  }
0x99: {  	s3 =	sld [smem:$0x3FFC];
	_ =	sdelay $0x3  }
0x9a: {  	_ =	strace s3  }
0x9b: {  	s3 =	sld [smem:$0x3FFD];
	_ =	sdelay $0x3  }
0x9c: {  	_ =	strace s3  }
0x9d: {  	_ =	strace $0x8FFFFFFF  }
0x9e: {  	s18 =	sld [smem:$0x3FDB];
	_ =	sdelay $0x1  }
0x9f: {  	s19 =	simm.s32 $_scs_section_size  }
0xa0: {  	s5 =	simm.s32 $_size__tile_overlayer_lowered;
	s6 =	simm.s32 $_tile_overlayer_lowered  }
0xa1: {  	s22 =	simm.s32 $0x1BFF;
	s21 =	sshll.u32 s6, $0x1;
	s3 =	sadd.s32 s19, s18  }
0xa2: {  	s7 =	simm.s32 $0x0;
	s20 =	sshll.u32 s5, $0x1;
	s5 =	sadd.s32 s21, s3  }
0xa3: {  	[timem:s7], [sflag:s22] =	dma.local [hbm:s5], s20  }
0xa4: {  	_ =	swait.ge [sflag:s22], s20  }
0xa5: {  	s4 =	ssub.s32 $0x0, s20;
	[sflag:s22] =	ssyncset.done $0x0  }
0xa6: {  	[sflag:s22] =	ssyncadd.s32 s4;
	_ =	sdelay $0x1  }
0xa7: {  	s23 =	simm.s32 $0x1B8B  }
0xa8: {  	_ =	swait.ge [sflag:s23], $0x1  }
0xa9: {  	[sflag:s23] =	ssyncset.done $0x0  }
0xaa: {  	s25 =	simm.s32 $0x1B8E;
	s24 =	sld [smem:$0x3FFE];
	[sflag:s23] =	ssyncadd.s32 $0xFFFFFFFF  }
0xab: {  	s26 =	simm.s32 $execute0_lowered;
	[smem:$0x3FD2] =	sst s25  }
0xac: {  	s5 =	sshll.u32 s26, $0x1;
	_ =	strace $0x8000004C;
	[dreg:$0x1] =	wrdreg $0xFFFFFFFF  }
0xad: {  	s28 =	simm.s32 $_size_execute0_lowered;
	s3 =	sadd.s32 s3, s5;
	[dreg:$0x0] =	wrdreg $0x0  }
0xae: {  	s5 =	sshll.u32 s28, $0x1;
	[dreg:$0x2] =	wrdreg s3  }
0xaf: {  	[dreg:$0x3] =	wrdreg s5  }
0xb0: {  	[dreg:$0x4] =	wrdreg $0xC0  }
0xb1: {  	_ =	task [dreg:s7], $0x5FFFF  }
0xb2: {  	[dreg:$0x1] =	wrdreg $0xFFFFFFFF  }
0xb3: {  	[dreg:$0x0] =	wrdreg $0x60  }
0xb4: {  	[dreg:$0x2] =	wrdreg s24  }
0xb5: {  	[dreg:$0x3] =	wrdreg s16  }
0xb6: {  	[dreg:$0x4] =	wrdreg $0x9  }
0xb7: {  	_ =	task.clear_ibuf [dreg:s7], $0x5FFFF;
	_ =	strace $0x9000004C  }
0xb8: {  	s29 =	simm.s32 $0x9;
	_ =	strace $0x8000004E  }
0xb9: {  	_ =	swait.ge [sflag:s29], $0x1  }
0xba: {  	[sflag:s29] =	ssyncadd.s32 $0xFFFFFFFF  }
0xbb: {  	_ =	strace $0x9000004E  }
0xbc: {  	_ =	sfence  }
0xbd: {  	s30 =	sld [smem:$0x0];
	_ =	sdelay $0x2  }
0xbe: {  	s31 =	sshll.u32 s1, $0xD;
	s1 =	sshrl.u32 s1, $0x2  }
0xbf: {  	s3 =	sand.u32 $0x4000, s31;
	s1 =	sadd.s32 s1, s30  }
0xc0: {  	s0 =	sor.u32 s3, s0;
	s1 =	sshll.u32 s1, $0x11  }
0xc1: {  	s0 =	sor.u32 s1, s0  }
0xc2: {  	s0 =	sadd.s32 $0x8F2B, s0  }
0xc3: {  	[sflag:s0] =	ssyncadd.remote.s32 $0x1  }
0xc4: {  	_ =	sfence.sel $0xFFFF  }
0xc5: {  	[dreg:$0x0] =	wrdreg $0xFFFFFFFF;
	(pc) =	sbr.abs _section_cstart, $3  }
0xc6: {  	[dreg:$0x1] =	wrdreg $0xFFFFFFFF  }
0xc7: {  	_ =	task.clear_ibuf [dreg:s7], $0x2FFFF;
	_ =	strace $0x9FFFFFFF  }
0xc8: {  	(tm) =	ssettm $0x7FFFFFFF  }
0xc9: {  	_ =	shalt  }
tec
execute0_lowered:
.L_overlay_start_1:
0x0: {  	(tag) =	ssettag $0x1  }
0x1: {  	s4 =	rddreg [dreg:$0x0]  }
0x2: {  	s2 =	rddreg [dreg:$0x1]  }
0x3: {  	s0 =	rddreg [dreg:$0x2]  }
0x4: {  	s5 =	srdreg.scid;
	s1 =	stileid.u32;
	s3 =	simm.s32 $0x0  }
0x5: {  	s9 =	simm.s32 $0x2;
	s10 =	simm.s32 $0x0;
	s5 =	sand.u32 $0x1, s5  }
.Ltmp0:
0x6: {  	s6 =	sshll.u32 s1, $0x1;
	[smem:$0x7FF] =	sst s3;
	(pc) =	sbr.rel .LBB2_1-.Ltmp0, $4  }
0x7: {  	v0 =	vlaneseq.u32;
	s6 =	sor.u32 s5, s6;
	s5 =	ssub.s32 $0x2, s5;
	_ =	strace $0x8000004D  }
0x8: {  	v3 =	vmul.u32 $0xFFFFFFFF, v0;
	s7 =	sshll.u32 s6, $0xD;
	s8 =	sshrl.u32 s5, $0x1;
	s6 =	sshll.u32 s6, $0x7  }
0x9: {  	s7 =	sadd.s32 s7, s4;
	s4 =	sadd.s32 $0x42A00, s4;
	s8 =	ssub.s32 s5, s8  }
0xa: {  	v1 =	vimm.f32 $-Inf;
	v2 =	vimm.s32 $0x0;
	v3 =	vadd.s32 $0xF, v3;
	s5 =	sadd.s32 $0x2A00, s7;
	s7 =	smax.u32 s8, $0x1;
	s8 =	simm.s32 $0x1  }
.LBB2_15:
0xb: {  	s10 =	sadd.s32 $0x1, s10  }
0xc: {  	_ =	swait.ge [sflag:s9], $0x400;
	p0 =	sne.s32 s10, s7  }
.Ltmp1:
0xd: {  	[sflag:s9] =	ssyncset.done $0x0;
	(pc) =	sbr.rel @!p0 .LBB2_16-.Ltmp1, $4  }
0xe: {  	[sflag:s9] =	ssyncadd.s32 $0xFFFFFC00  }
0xf: {  	_ =	swait.ge [sflag:s9], $0x10  }
0x10: {  	[sflag:s9] =	ssyncset.done $0x0  }
0x11: {  	[sflag:s9] =	ssyncadd.s32 $0xFFFFFFF0  }
.LBB2_1:
.Ltmp2:
0x12: {  	(pc) =	sbr.rel .LBB2_2-.Ltmp2, $3  }
0x13: {  	_ =	sdelay $0x1  }
0x14: {  	[tilespmem:s3], [sflag:$0x1] =	stream.linear.gather [hbm4b:s5+s3], $0x2000, $0x38;
	[tilespmem:$0x4D80] =	vst v63  }
0x15: {  	s11 =	simm.s32 $0x0;
	s12 =	simm.s32 $0x0  }
.LBB2_14:
0x16: {  	s15 =	sshll.u32 s13, $0x4;
	p0 =	sne.s32 s12, $0x8  }
.Ltmp3:
0x17: {  	s16 =	sshll.u32 s14, $0x3;
	s29 =	sshll.u32 s13, $0xA;
	(pc) =	sbr.rel @!p0 .LBB2_15-.Ltmp3, $4  }
0x18: {  	s30 =	sshrl.u32 s14, $0x3;
	[tilespmem:s15+$0x4800] =	vst v4;
	s16 =	sadd.s32 s2, s16;
	s13 =	sor.u32 $0x4000, s29  }
0x19: {  	[hbm4b:s16+s3] =	stream.linear.scatter [tilespmem:s13], [sflag:$0x2], $0x400, $0x38;
	[tilespmem:$0x4D80] =	vst v63  }
0x1a: {  	s11 =	sadd.s32 $0x2000, s11;
	s31 =	sor.u32 $0x4800, s15;
	s13 =	sadd.s32 s4, s30  }
0x1b: {  	[hbm4b:s13+s3] =	stream.linear.scatter [tilespmem:s31], [sflag:$0x2], $0x10, $0x38;
	[tilespmem:$0x4D80] =	vst v63  }
.LBB2_2:
0x1c: {  	p0 =	seq.s32 s12, $0x0  }
0x1d: {  	s15 =	smov.u32 s12;
	s12 =	simm.s32 @!p0 $0x2  }
0x1e: {  	_ =	swait.ge @!p0 [sflag:s12], $0x400  }
0x1f: {  	[sflag:s12] =	ssyncset.done @!p0 $0x0  }
0x20: {  	[sflag:s12] =	ssyncadd.s32 @!p0 $0xFFFFFC00  }
0x21: {  	_ =	swait.ge @!p0 [sflag:s12], $0x10  }
0x22: {  	s14 =	sshll.u32 s15, $0x4;
	[sflag:s12] =	ssyncset.done @!p0 $0x0  }
0x23: {  	s13 =	sand.u32 $0x1, s15;
	s14 =	sadd.s32 s6, s14;
	[sflag:s12] =	ssyncadd.s32 @!p0 $0xFFFFFFF0  }
0x24: {  	s12 =	sadd.s32 $0x1, s15;
	p0 =	seq.s32 s15, $0x7;
	s15 =	sshll.u32 s15, $0xA  }
.Ltmp4:
0x25: {  	_ =	swait.ge [sflag:s8], $0x2000;
	s16 =	sshll.u32 @!p0 s13, $0xD;
	(pc) =	sbr.rel .LBB2_3-.Ltmp4, $4  }
0x26: {  	s17 =	sshll.u32 @!p0 s12, $0xA;
	s18 =	simm.s32 @!p0 $0x0;
	[sflag:s8] =	ssyncset.done $0x0  }
0x27: {  	s16 =	sxor.u32 @!p0 $0x2000, s16;
	s17 =	sadd.s32 @!p0 s17, s5;
	[sflag:s8] =	ssyncadd.s32 $0xFFFFE000  }
0x28: {  	[tilespmem:s16], [sflag:$0x1] =	stream.linear.gather @!p0 [hbm4b:s17+s18], $0x2000, $0x38;
	[tilespmem:$0x4D80] =	vst v63  }
0x29: {  	v4 =	vimm.s32 $0x0;
	s16 =	simm.s32 $0x0;
	s17 =	smov.u32 s11;
	s18 =	simm.s32 $0x0  }
.LBB2_7:
0x2a: {  	_ = 	snop  }
.LBB2_12:
0x2b: {  	v22 =	vsel @p1 vm1, v20, v19;
	v19 =	vsel @p1 vm1, v19, v20;
	v20 =	vsel @p1 vm0, v17, v14  }
0x2c: {  	v23 =	vsel @p1 vm1, v15, v21;
	v14 =	vsel @p1 vm0, v14, v17;
	v17 =	vsel @p1 vm0, v16, v18  }
0x2d: {  	v15 =	vsel @p1 vm1, v21, v15;
	v16 =	vsel @p1 vm0, v18, v16;
	vm0 =	vge.f32 @p1 v23, v14  }
0x2e: {  	v18 =	vsel @p1 vm0, v23, v14;
	v14 =	vsel @p1 vm0, v14, v23;
	v21 =	vsel @p1 vm0, v17, v19  }
0x2f: {  	(xrf1) =	vsort.dscd.msk.f32 @p1 $0xffff, v14, v21;
	_ =	sdelay $0x1  }
0x30: {  	vm1 =	vge.f32 @p1 v15, v20;
	v17 =	vsel @p1 vm0, v19, v17  }
0x31: {  	v19 =	vsel @p1 vm1, v22, v16;
	v14 =	vsel @p1 vm1, v15, v20;
	(xrf1) =	vsort.dscd.msk.f32 @p1 $0xffff, v18, v17  }
0x32: {  	v16 =	vsel @p1 vm1, v16, v22;
	v15 =	vsel @p1 vm1, v20, v15;
	(xrf1) =	vsort.dscd.msk.f32 @p1 $0xffff, v14, v19  }
0x33: {  	(xrf1) =	vsort.dscd.msk.f32 @p1 $0xffff, v15, v16;
	_ =	sdelay $0x7  }
0x34: {  	v14, v15, _ =	vpop @p0 (xrf1)  }
0x35: {  	v16, v17, _ =	vpop @p1 (xrf1)  }
0x36: {  	v17 =	vpsel p1, v17, v7  }
0x37: {  	v14 =	vperm.xlane @p0 v14, v3;
	v16 =	vpsel p1, v16, v12  }
0x38: {  	v15 =	vperm.xlane @p0 v15, v3;
	v18, v19, _ =	vpop @p1 (xrf1)  }
0x39: {  	vm0 =	vge.f32 @p0 v16, v14;
	v20, v21, _ =	vpop @p1 (xrf1)  }
0x3a: {  	v14 =	vsel @p0 vm0, v16, v14;
	v15 =	vsel @p0 vm0, v17, v15;
	v16, v17, _ =	vpop @p1 (xrf1)  }
0x3b: {  	(xrf1) =	vsort.dscd.msk.f32 @p0 $0xffff, v14, v15;
	v14 =	vpsel p1, v16, v11;
	v15 =	vpsel p1, v17, v8  }
0x3c: {  	(xrf1) =	vsort.dscd.msk.f32 @p0 $0xffff, v14, v15;
	v14 =	vpsel p1, v18, v10;
	v15 =	vpsel p1, v19, v5  }
0x3d: {  	(xrf1) =	vsort.dscd.msk.f32 @p0 $0xffff, v14, v15  }
0x3e: {  	v14 =	vpsel p1, v20, v9;
	v15 =	vpsel p1, v21, v6  }
0x3f: {  	(xrf1) =	vsort.dscd.msk.f32 @p0 $0xffff, v14, v15;
	_ =	sdelay $0x9  }
0x40: {  	v14, v15, _ =	vpop @p0 (xrf1)  }
0x41: {  	v14 =	vperm.xlane @p0 v14, v3;
	v16, v17, _ =	vpop @p0 (xrf1)  }
0x42: {  	v15 =	vperm.xlane @p0 v15, v3;
	v18, v19, _ =	vpop @p0 (xrf1)  }
0x43: {  	v16 =	vperm.xlane @p0 v16, v3;
	v17 =	vperm.xlane @p0 v17, v3;
	vm0 =	vge.f32 @p0 v18, v14  }
0x44: {  	v20 =	vsel @p0 vm0, v18, v14;
	v21 =	vsel @p0 vm0, v19, v15;
	v14 =	vsel @p0 vm0, v14, v18;
	v18, v22, _ =	vpop @p0 (xrf1)  }
0x45: {  	v15 =	vsel @p0 vm0, v15, v19;
	vm1 =	vge.f32 @p0 v18, v16;
	(xrf1) =	vsort.dscd.msk.f32 @p0 $0xffff, v20, v21  }
0x46: {  	v19 =	vsel @p0 vm1, v16, v18;
	v20 =	vsel @p0 vm1, v17, v22;
	(xrf1) =	vsort.dscd.msk.f32 @p0 $0xffff, v14, v15  }
0x47: {  	v14 =	vsel @p0 vm1, v18, v16;
	v15 =	vsel @p0 vm1, v22, v17;
	(xrf1) =	vsort.dscd.msk.f32 @p0 $0xffff, v19, v20  }
0x48: {  	(xrf1) =	vsort.dscd.msk.f32 @p0 $0xffff, v14, v15;
	_ =	sdelay $0x7  }
0x49: {  	v54 =	vld [tilespmem:s20+$0x0];
	_ =	sdelay $0x2  }
0x4a: {  	v14, v15, _ =	vpop @p0 (xrf1)  }
0x4b: {  	v17, v18, _ =	vpop @p0 (xrf1);
	v14 =	vperm.xlane @p0 v14, v3;
	v15 =	vperm.xlane @p0 v15, v3  }
0x4c: {  	(xrf1) =	vsort.dscd.msk.f32 $0xffff, v54, v13;
	v17 =	vperm.xlane @p0 v17, v3;
	v19, v20, _ =	vpop @p0 (xrf1);
	v18 =	vperm.xlane @p0 v18, v3  }
0x4d: {  	v21, v22, _ =	vpop @p0 (xrf1);
	vm1 =	vge.f32 @p0 v19, v14;
	v14 =	vpsel p0, v14, v0;
	v15 =	vpsel p0, v15, v0  }
0x4e: {  	v20 =	vpsel p0, v20, v0;
	vm0 =	vge.f32 @p0 v21, v17;
	v13 =	vpsel p0, v22, v0  }
0x4f: {  	v16 =	vpsel p0, v18, v0;
	vm1 =	vmmov @p0 vm1;
	v18 =	vpsel p0, v19, v0  }
0x50: {  	v17 =	vpsel p0, v17, v0;
	v19 =	vpsel p0, v21, v0;
	vm0 =	vmmov @p0 vm0  }
0x51: {  	v21 =	vsel @p0 vm0, v13, v16;
	v13 =	vsel @p0 vm0, v16, v13;
	v16 =	vsel @p0 vm1, v18, v14  }
0x52: {  	v22 =	vsel @p0 vm0, v17, v19;
	v14 =	vsel @p0 vm1, v14, v18;
	v18 =	vsel @p0 vm1, v15, v20  }
0x53: {  	v17 =	vsel @p0 vm0, v19, v17;
	v15 =	vsel @p0 vm1, v20, v15;
	vm0 =	vge.f32 @p0 v22, v14  }
0x54: {  	v19 =	vsel @p0 vm0, v22, v14;
	v14 =	vsel @p0 vm0, v14, v22;
	v20 =	vsel @p0 vm0, v18, v13  }
0x55: {  	vm1 =	vge.f32 @p0 v17, v16;
	v13 =	vsel @p0 vm0, v13, v18;
	(xrf1) =	vsort.dscd.msk.f32 @p0 $0xffff, v14, v20  }
0x56: {  	v18 =	vsel @p0 vm1, v21, v15;
	v14 =	vsel @p0 vm1, v17, v16;
	(xrf1) =	vsort.dscd.msk.f32 @p0 $0xffff, v19, v13  }
0x57: {  	v15 =	vsel @p0 vm1, v15, v21;
	v13 =	vsel @p0 vm1, v16, v17;
	(xrf1) =	vsort.dscd.msk.f32 @p0 $0xffff, v14, v18  }
0x58: {  	(xrf1) =	vsort.dscd.msk.f32 @p0 $0xffff, v13, v15;
	_ =	sdelay $0x7  }
0x59: {  	v56, v55, _ =	vpop (xrf1)  }
0x5a: {  	v14 =	vperm.xlane v55, v3  }
0x5b: {  	v13 =	vperm.xlane v56, v3  }
0x5c: {  	v15, v16, _ =	vpop @p0 (xrf1)  }
0x5d: {  	v57 =	vpsel p0, v15, v12;
	v15, v17, _ =	vpop @p0 (xrf1)  }
0x5e: {  	v7 =	vpsel p0, v16, v7;
	vm10 =	vge.f32 v57, v13;
	v16, v18, _ =	vpop @p0 (xrf1)  }
0x5f: {  	v12 =	vsel vm10, v57, v13;
	v7 =	vsel vm10, v7, v14;
	v13, v14, _ =	vpop @p0 (xrf1)  }
0x60: {  	(xrf1) =	vsort.dscd.msk.f32 $0xffff, v12, v7;
	v7 =	vpsel p0, v13, v11;
	v8 =	vpsel p0, v14, v8  }
0x61: {  	v5 =	vpsel p0, v17, v5;
	(xrf1) =	vsort.dscd.msk.f32 $0xffff, v7, v8;
	v7 =	vpsel p0, v15, v10  }
0x62: {  	(xrf1) =	vsort.dscd.msk.f32 $0xffff, v7, v5  }
0x63: {  	v6 =	vpsel p0, v18, v6;
	v5 =	vpsel p0, v16, v9  }
0x64: {  	(xrf1) =	vsort.dscd.msk.f32 $0xffff, v5, v6;
	_ =	sdelay $0x9  }
0x65: {  	v5, v6, _ =	vpop (xrf1)  }
0x66: {  	v5 =	vperm.xlane v5, v3;
	v7, v8, _ =	vpop (xrf1)  }
0x67: {  	v6 =	vperm.xlane v6, v3;
	v9, v10, _ =	vpop (xrf1)  }
0x68: {  	v7 =	vperm.xlane v7, v3;
	v8 =	vperm.xlane v8, v3;
	vm11 =	vge.f32 v9, v5  }
0x69: {  	v11 =	vsel vm11, v9, v5;
	v58 =	vsel vm11, v10, v6;
	v5 =	vsel vm11, v5, v9;
	v9, v59, _ =	vpop (xrf1)  }
0x6a: {  	v6 =	vsel vm11, v6, v10;
	vm12 =	vge.f32 v9, v7;
	(xrf1) =	vsort.dscd.msk.f32 $0xffff, v11, v58  }
0x6b: {  	v10 =	vsel vm12, v7, v9;
	v11 =	vsel vm12, v8, v59;
	(xrf1) =	vsort.dscd.msk.f32 $0xffff, v5, v6  }
0x6c: {  	v5 =	vsel vm12, v9, v7;
	v6 =	vsel vm12, v59, v8;
	(xrf1) =	vsort.dscd.msk.f32 $0xffff, v10, v11  }
0x6d: {  	(xrf1) =	vsort.dscd.msk.f32 $0xffff, v5, v6;
	_ =	sdelay $0xa  }
0x6e: {  	v5, v6, _ =	vpop (xrf1)  }
0x6f: {  	v7, v8, _ =	vpop (xrf1)  }
0x70: {  	v5 =	vperm.xlane v5, v3;
	v7 =	vperm.xlane v7, v3;
	v9, v10, _ =	vpop (xrf1)  }
0x71: {  	v6 =	vperm.xlane v6, v3;
	v11, v60, _ =	vpop (xrf1)  }
0x72: {  	v8 =	vperm.xlane v8, v3;
	vm13 =	vge.f32 v9, v5;
	vm14 =	vge.f32 v11, v7  }
0x73: {  	v62 =	vsel vm13, v9, v5;
	v5 =	vsel vm13, v5, v9;
	v9 =	vsel vm13, v6, v10  }
0x74: {  	v6 =	vsel vm13, v10, v6;
	v61 =	vsel vm14, v60, v8;
	v63 =	vsel vm14, v7, v11  }
0x75: {  	v8 =	vsel vm14, v8, v60;
	v7 =	vsel vm14, v11, v7;
	vm15 =	vge.f32 v63, v5  }
0x76: {  	v10 =	vsel vm15, v63, v5;
	v5 =	vsel vm15, v5, v63;
	v11 =	vsel vm15, v9, v8  }
0x77: {  	(xrf1) =	vsort.dscd.msk.f32 $0xffff, v5, v11  }
0x78: {  	v8 =	vsel vm15, v8, v9  }
0x79: {  	vm1 =	vge.f32 v7, v62;
	(xrf1) =	vsort.dscd.msk.f32 $0xffff, v10, v8  }
0x7a: {  	v9 =	vsel vm1, v61, v6;
	v5 =	vsel vm1, v7, v62  }
0x7b: {  	(xrf1) =	vsort.dscd.msk.f32 $0xffff, v5, v9  }
0x7c: {  	v6 =	vsel vm1, v6, v61;
	v7 =	vsel vm1, v62, v7  }
0x7d: {  	(xrf1) =	vsort.dscd.msk.f32 $0xffff, v7, v6;
	_ =	sdelay $0x7  }
0x7e: {  	v5, v7, _ =	vpop (xrf1);
	_ =	sdelay $0x1  }
0x7f: {  	v6, v5, _ =	vpop (xrf1);
	_ =	sdelay $0x1  }
0x80: {  	v8, v6, _ =	vpop (xrf1);
	_ =	sdelay $0x1  }
0x81: {  	v9, v8, _ =	vpop (xrf1)  }
.LBB2_13:
0x82: {  	p0 =	slt.s32 s19, $0x40  }
0x83: {  	s20 =	sshll.u32 s18, $0x6;
	s19 =	simm.s32 @!p0 $0x40  }
0x84: {  	v63 =	vmov s18;
	s18 =	sadd.s32 $0x1, s18;
	s21 =	sadd.s32 s15, s20;
	v9 =	vmov s19  }
0x85: {  	v10 =	vor.u32 $0x10, v0;
	s20 =	sand.u32 $0x40, s20;
	p0 =	sne.s32 s18, $0x10;
	s21 =	sand.u32 $0x780, s21;
	vm0 =	vgt.s32 v9, v0  }
.Ltmp5:
0x86: {  	v62 =	vor.u32 $0x20, v0;
	vm1 =	vgt.s32 v9, v10;
	s20 =	sor.u32 s20, s21;
	v6 =	vnsel vm0, $0x0, v6;
	(pc) =	sbr.rel @!p0 .LBB2_14-.Ltmp5, $4  }
0x87: {  	vm13 =	vgt.s32 v9, v62;
	v8 =	vnsel vm1, $0x0, v8;
	[tilespmem:s20+$0x4000] =	vst v6;
	v6 =	vor.u32 $0x30, v0  }
0x88: {  	v5 =	vnsel vm13, $0x0, v5;
	[tilespmem:s20+$0x4010] =	vst v8;
	vm14 =	vgt.s32 v9, v6  }
0x89: {  	vm15 =	veq.s32 v63, v0;
	[tilespmem:s20+$0x4020] =	vst v5;
	v5 =	vnsel vm14, $0x0, v7  }
0x8a: {  	s17 =	sadd.s32 $0x200, s17;
	v4 =	vsel vm15, s19, v4;
	[tilespmem:s20+$0x4030] =	vst v5  }
.LBB2_3:
0x8b: {  	[tilespmem:$0x4880] =	vst v1  }
0x8c: {  	[tilespmem:$0x4890] =	vst v1;
	s19 =	sadd.s32 $0x0, s17  }
0x8d: {  	[tilespmem:$0x48A0] =	vst v1;
	s20 =	sand.u32 $0x70, s16;
	s19 =	sand.u32 $0x3F80, s19  }
0x8e: {  	[tilespmem:$0x48B0] =	vst v1;
	s19 =	sor.u32 s20, s19  }
0x8f: {  	v5 =	vld [tilespmem:s19+$0x0];
	_ =	sdelay $0x4  }
0x90: {  	vm0 =	vgt.f32 v5, $-3.000000010e+38  }
0x91: {  	v6 =	vsel vm0, $0x1, v2  }
0x92: {  	(xrf0) =	vadd.scan.msk.s32 $0xffff, v6;
	_ =	sdelay $0x5  }
0x93: {  	s22 =	sadd.s32 $0x10, s17;
	v6, _, _ =	vpop (xrf0)  }
0x94: {  	s21 =	simm.s32 $0x20;
	s20 =	simm.s32 $0x0;
	s19 =	simm.s32 $0x10;
	[tilespmem:s16+$0x4880] =	vst.msk vm0, v5;
	v5 =	vor.u32 s16, v0;
	(v2sf) =	vpush v6, $0xF  }
.LBB2_4:
0x95: {  	p0 =	sne.s32 s21, $0x1F0;
	s22 =	sand.u32 $0x3F80, s22;
	s23 =	sand.u32 $0x70, s19;
	[tilespmem:s20+$0x4B00] =	vst.msk vm0, v5  }
0x96: {  	s22 =	sor.u32 s23, s22  }
0x97: {  	v5 =	vld [tilespmem:s22+$0x0];
	_ =	sdelay $0x4  }
0x98: {  	vm0 =	vgt.f32 v5, $-3.000000010e+38  }
0x99: {  	v6 =	vsel vm0, $0x1, v2  }
0x9a: {  	(xrf0) =	vadd.scan.msk.s32 $0xffff, v6;
	_ =	sdelay $0x2  }
.Ltmp6:
0x9b: {  	(pc) =	sbr.rel @p0 .LBB2_4-.Ltmp6, $4  }
0x9c: {  	_ = 	snop  }
0x9d: {  	s22 =	spop (v2sf)  }
0x9e: {  	v6, _, _ =	vpop (xrf0);
	s20 =	sadd.s32 s20, s22  }
0x9f: {  	s22 =	sadd.s32 s21, s17;
	[tilespmem:s20+$0x4880] =	vst.msk vm0, v5;
	v5 =	vor.u32 s19, v0;
	(v2sf) =	vpush v6, $0xF;
	s19 =	smov.u32 s21;
	s21 =	sadd.s32 $0x10, s21  }
0xa0: {  	s21 =	sand.u32 $0x3F80, s22;
	s24 =	sand.u32 $0x70, s19  }
0xa1: {  	[tilespmem:s20+$0x4B00] =	vst.msk vm0, v5;
	s21 =	sor.u32 s24, s21  }
0xa2: {  	v5 =	vld [tilespmem:s21+$0x0];
	_ =	sdelay $0x4  }
0xa3: {  	vm10 =	vgt.f32 v5, $-3.000000010e+38  }
0xa4: {  	v6 =	vsel vm10, $0x1, v2  }
0xa5: {  	(xrf0) =	vadd.scan.msk.s32 $0xffff, v6;
	_ =	sdelay $0x5  }
0xa6: {  	v6, _, _ =	vpop (xrf0)  }
0xa7: {  	(v2sf) =	vpush v6, $0xF;
	_ =	sdelay $0xc  }
0xa8: {  	s25 =	spop (v2sf)  }
0xa9: {  	s26 =	sadd.s32 s20, s25  }
0xaa: {  	[tilespmem:s26+$0x4880] =	vst.msk vm10, v5;
	v5 =	vor.u32 s19, v0;
	s28 =	spop (v2sf)  }
0xab: {  	[tilespmem:s26+$0x4B00] =	vst.msk vm10, v5;
	s19 =	sadd.s32 s26, s28  }
0xac: {  	[tilespmem:s19+$0x4880] =	vst v1  }
0xad: {  	v5 =	vld [tilespmem:$0x4880]  }
0xae: {  	v6 =	vld [tilespmem:$0x4890]  }
0xaf: {  	v7 =	vld [tilespmem:$0x48A0]  }
0xb0: {  	v8 =	vld [tilespmem:$0x4B00]  }
0xb1: {  	v9 =	vld [tilespmem:$0x4B10]  }
0xb2: {  	v10 =	vld [tilespmem:$0x48B0]  }
0xb3: {  	v11 =	vld [tilespmem:$0x4B20]  }
0xb4: {  	v12 =	vld [tilespmem:$0x4B30]  }
0xb5: {  	(xrf1) =	vsort.dscd.msk.f32 $0xffff, v5, v8  }
0xb6: {  	(xrf1) =	vsort.dscd.msk.f32 $0xffff, v6, v9;
	_ =	sdelay $0x1  }
0xb7: {  	(xrf1) =	vsort.dscd.msk.f32 $0xffff, v7, v11  }
0xb8: {  	(xrf1) =	vsort.dscd.msk.f32 $0xffff, v10, v12;
	_ =	sdelay $0x9  }
0xb9: {  	v5, v6, _ =	vpop (xrf1)  }
0xba: {  	v7, v8, _ =	vpop (xrf1)  }
0xbb: {  	v7 =	vperm.xlane v7, v3  }
0xbc: {  	v9, v10, _ =	vpop (xrf1)  }
0xbd: {  	v8 =	vperm.xlane v8, v3;
	v11, v12, _ =	vpop (xrf1);
	vm11 =	vge.f32 v5, v7  }
0xbe: {  	v11 =	vperm.xlane v11, v3;
	v13 =	vsel vm11, v5, v7  }
0xbf: {  	v14 =	vsel vm11, v6, v8;
	v5 =	vsel vm11, v7, v5;
	v7 =	vperm.xlane v12, v3  }
0xc0: {  	v6 =	vsel vm11, v8, v6;
	(xrf1) =	vsort.dscd.msk.f32 $0xffff, v13, v14;
	vm12 =	vge.f32 v9, v11  }
0xc1: {  	(xrf1) =	vsort.dscd.msk.f32 $0xffff, v5, v6;
	v5 =	vsel vm12, v9, v11;
	v6 =	vsel vm12, v10, v7  }
0xc2: {  	v8 =	vsel vm12, v11, v9;
	v7 =	vsel vm12, v7, v10;
	(xrf1) =	vsort.dscd.msk.f32 $0xffff, v5, v6  }
0xc3: {  	(xrf1) =	vsort.dscd.msk.f32 $0xffff, v8, v7;
	_ =	sdelay $0xa  }
0xc4: {  	v5, v6, _ =	vpop (xrf1)  }
0xc5: {  	v7, v8, _ =	vpop (xrf1)  }
0xc6: {  	v9, v10, _ =	vpop (xrf1)  }
0xc7: {  	v11, v12, _ =	vpop (xrf1)  }
0xc8: {  	v9 =	vperm.xlane v9, v3;
	v11 =	vperm.xlane v11, v3  }
0xc9: {  	v12 =	vperm.xlane v12, v3  }
0xca: {  	v10 =	vperm.xlane v10, v3;
	vm1 =	vge.f32 v7, v9;
	vm13 =	vge.f32 v5, v11  }
0xcb: {  	v13 =	vsel vm13, v5, v11;
	v14 =	vsel vm13, v6, v12;
	v5 =	vsel vm13, v11, v5  }
0xcc: {  	v6 =	vsel vm13, v12, v6;
	v11 =	vsel vm1, v7, v9;
	v12 =	vsel vm1, v8, v10  }
0xcd: {  	v7 =	vsel vm1, v9, v7;
	v8 =	vsel vm1, v10, v8;
	vm14 =	vge.f32 v13, v11  }
0xce: {  	vm15 =	vge.f32 v5, v7;
	v9 =	vsel vm14, v13, v11;
	v10 =	vsel vm14, v14, v12  }
0xcf: {  	v11 =	vsel vm14, v11, v13;
	v12 =	vsel vm14, v12, v14;
	(xrf1) =	vsort.dscd.msk.f32 $0xffff, v9, v10  }
0xd0: {  	v9 =	vsel vm15, v5, v7;
	v10 =	vsel vm15, v6, v8;
	(xrf1) =	vsort.dscd.msk.f32 $0xffff, v11, v12  }
0xd1: {  	v5 =	vsel vm15, v7, v5;
	v6 =	vsel vm15, v8, v6;
	(xrf1) =	vsort.dscd.msk.f32 $0xffff, v9, v10  }
0xd2: {  	(xrf1) =	vsort.dscd.msk.f32 $0xffff, v5, v6;
	_ =	sdelay $0x1  }
0xd3: {  	s20 =	sadd.s32 $0xF, s19  }
0xd4: {  	s29 =	sand.u32 $0xF, s20  }
0xd5: {  	s30 =	sshra.s32 s20, $0x1F;
	p0 =	slt.s32 s20, $0x1;
	p1 =	sne.s32 s29, $0x0  }
0xd6: {  	s31 =	sshrl.u32 s30, $0x1C;
	p0 =	por !p0, !p1  }
0xd7: {  	s21 =	simm.s32 $0x1;
	s20 =	sadd.s32 s31, s20;
	p0 =	por !p0, !p0  }
0xd8: {  	s20 =	sshra.s32 s20, $0x4;
	s21 =	simm.s32 @!p0 $0x0  }
0xd9: {  	s21 =	ssub.s32 s20, s21  }
0xda: {  	p1 =	slt.s32 s21, $0x5  }
.Ltmp7:
0xdb: {  	_ = 	snop;
	(pc) =	sbr.rel @p1 .LBB2_13-.Ltmp7, $4  }
0xdc: {  	v9, v6, _ =	vpop (xrf1)  }
0xdd: {  	v11, v8, _ =	vpop (xrf1)  }
0xde: {  	v10, v5, _ =	vpop (xrf1)  }
0xdf: {  	v12, v7, _ =	vpop (xrf1)  }
0xe0: {  	s21 =	simm.s32 $0xFFFFFFFF  }
0xe1: {  	s21 =	simm.s32 @!p0 $0x0  }
0xe2: {  	s20 =	sadd.s32 s21, s20  }
0xe3: {  	s21 =	sadd.s32 $0xFFFFFFFC, s20  }
0xe4: {  	p2 =	sne.s32 s21, $0x1  }
.Ltmp8:
0xe5: {  	_ = 	snop;
	(pc) =	sbr.rel @!p2 .LBB2_7-.Ltmp8, $3  }
0xe6: {  	_ =	sdelay $0x1  }
0xe7: {  	s22 =	simm.s32 $0x4B40;
	p1 =	por $0x0, $0x0  }
0xe8: {  	v13 =	vld [tilespmem:s22+$0x0];
	p0 =	por $0x0, $0x0;
	s20 =	simm.s32 $0x48C0;
	s21 =	sadd.s32 $0xFFFFFFFF, s21  }
0xe9: {  	v14 =	vld [tilespmem:s20+$0x0];
	p2 =	sne.s32 s21, $0x1  }
.Ltmp9:
0xea: {  	_ = 	snop;
	(pc) =	sbr.rel @!p2 .LBB2_9-.Ltmp9, $3  }
0xeb: {  	_ =	sdelay $0x1  }
0xec: {  	s23 =	simm.s32 $0x4B50  }
0xed: {  	s22 =	sadd.s32 $0xFFFFFFFF, s21;
	s20 =	simm.s32 $0x48D0;
	p0 =	por $0x1, $0x1;
	v16 =	vld [tilespmem:s23+$0x0];
	(xrf1) =	vsort.dscd.msk.f32 $0xffff, v14, v13  }
0xee: {  	_ =	sdelay $0xc  }
0xef: {  	v13, v14, _ =	vpop (xrf1)  }
0xf0: {  	v13 =	vperm.xlane v13, v3  }
0xf1: {  	v14 =	vperm.xlane v14, v3  }
0xf2: {  	vm0 =	vge.f32 v12, v13  }
0xf3: {  	v13 =	vsel vm0, v12, v13;
	v14 =	vsel vm0, v7, v14  }
0xf4: {  	(xrf1) =	vsort.dscd.msk.f32 $0xffff, v13, v14  }
0xf5: {  	(xrf1) =	vsort.dscd.msk.f32 $0xffff, v11, v8  }
0xf6: {  	(xrf1) =	vsort.dscd.msk.f32 $0xffff, v10, v5;
	_ =	sdelay $0x3  }
0xf7: {  	(xrf1) =	vsort.dscd.msk.f32 $0xffff, v9, v6;
	_ =	sdelay $0x7  }
0xf8: {  	v13, v14, _ =	vpop (xrf1)  }
0xf9: {  	v13 =	vperm.xlane v13, v3;
	v15, v17, _ =	vpop (xrf1)  }
0xfa: {  	v14 =	vperm.xlane v14, v3;
	v18, v19, _ =	vpop (xrf1)  }
0xfb: {  	vm0 =	vge.f32 v18, v13  }
0xfc: {  	v15 =	vperm.xlane v15, v3;
	v20 =	vsel vm0, v18, v13;
	v21 =	vsel vm0, v19, v14  }
0xfd: {  	v13 =	vsel vm0, v13, v18;
	v14 =	vsel vm0, v14, v19;
	(xrf1) =	vsort.dscd.msk.f32 $0xffff, v20, v21  }
0xfe: {  	v17 =	vperm.xlane v17, v3;
	v18, v22, _ =	vpop (xrf1);
	(xrf1) =	vsort.dscd.msk.f32 $0xffff, v13, v14  }
0xff: {  	vm1 =	vge.f32 v18, v15  }
0x100: {  	v19 =	vsel vm1, v15, v18;
	v20 =	vsel vm1, v17, v22  }
0x101: {  	v13 =	vsel vm1, v18, v15;
	v14 =	vsel vm1, v22, v17;
	(xrf1) =	vsort.dscd.msk.f32 $0xffff, v19, v20  }
0x102: {  	(xrf1) =	vsort.dscd.msk.f32 $0xffff, v13, v14;
	_ =	sdelay $0x8  }
0x103: {  	v22 =	vld [tilespmem:s20+$0x0];
	v13, v23, _ =	vpop (xrf1)  }
0x104: {  	p2 =	sne.s32 s22, $0x1;
	s21 =	simm.s32 $0x4B60;
	v14 =	vperm.xlane v13, v3;
	v13, v19, _ =	vpop (xrf1)  }
.Ltmp10:
0x105: {  	v15 =	vperm.xlane v13, v3;
	v13 =	vld [tilespmem:s21+$0x0];
	(pc) =	sbr.rel @!p2 .LBB2_12-.Ltmp10, $4  }
0x106: {  	_ = 	snop  }
0x107: {  	v17, v18, _ =	vpop (xrf1)  }
0x108: {  	(xrf1) =	vsort.dscd.msk.f32 $0xffff, v22, v16;
	v19 =	vperm.xlane v19, v3;
	v21, v20, _ =	vpop (xrf1)  }
0x109: {  	s22 =	sadd.s32 $0xFFFFFFFF, s22;
	p1 =	por $0x1, $0x1;
	s20 =	simm.s32 $0x48E0;
	v16 =	vperm.xlane v23, v3;
	vm0 =	vge.f32 v17, v14;
	vm1 =	vge.f32 v21, v15  }
.LBB2_11:
0x10a: {  	p2 =	sne.s32 s22, $0x1;
	s22 =	sadd.s32 $0xFFFFFFFF, s22;
	v22 =	vsel vm1, v20, v19;
	v19 =	vsel vm1, v19, v20;
	v20 =	vsel vm0, v17, v14;
	v23 =	vmovc v13  }
0x10b: {  	v13 =	vsel vm1, v15, v21;
	v14 =	vsel vm0, v14, v17;
	v17 =	vsel vm0, v16, v18  }
0x10c: {  	v15 =	vsel vm1, v21, v15;
	v16 =	vsel vm0, v18, v16;
	vm0 =	vge.f32 v13, v14  }
0x10d: {  	v18 =	vsel vm0, v13, v14;
	v13 =	vsel vm0, v14, v13;
	v14 =	vsel vm0, v17, v19  }
0x10e: {  	vm1 =	vge.f32 v15, v20;
	v17 =	vsel vm0, v19, v17;
	(xrf1) =	vsort.dscd.msk.f32 $0xffff, v13, v14  }
0x10f: {  	v13 =	vsel vm1, v15, v20;
	v14 =	vsel vm1, v22, v16;
	(xrf1) =	vsort.dscd.msk.f32 $0xffff, v18, v17  }
0x110: {  	v15 =	vsel vm1, v20, v15;
	v16 =	vsel vm1, v16, v22;
	(xrf1) =	vsort.dscd.msk.f32 $0xffff, v13, v14  }
0x111: {  	(xrf1) =	vsort.dscd.msk.f32 $0xffff, v15, v16;
	_ =	sdelay $0x5  }
0x112: {  	v13, v14, _ =	vpop (xrf1);
	_ =	sdelay $0x3  }
0x113: {  	v13 =	vperm.xlane v13, v3  }
0x114: {  	v21 =	vperm.xlane v14, v3;
	v15, v16, _ =	vpop (xrf1)  }
0x115: {  	vm0 =	vge.f32 v15, v13;
	v17, v18, _ =	vpop (xrf1)  }
0x116: {  	v20 =	vsel vm0, v15, v13;
	v19 =	vsel vm0, v16, v21;
	v15, v16, _ =	vpop (xrf1)  }
0x117: {  	(xrf1) =	vsort.dscd.msk.f32 $0xffff, v20, v19;
	v13, v14, _ =	vpop (xrf1)  }
0x118: {  	(xrf1) =	vsort.dscd.msk.f32 $0xffff, v13, v14  }
0x119: {  	(xrf1) =	vsort.dscd.msk.f32 $0xffff, v17, v18;
	_ =	sdelay $0x1  }
0x11a: {  	(xrf1) =	vsort.dscd.msk.f32 $0xffff, v15, v16;
	_ =	sdelay $0x9  }
0x11b: {  	v13, v14, _ =	vpop (xrf1)  }
0x11c: {  	v13 =	vperm.xlane v13, v3;
	v14 =	vperm.xlane v14, v3;
	v15, v16, _ =	vpop (xrf1)  }
0x11d: {  	v15 =	vperm.xlane v15, v3;
	v17, v18, _ =	vpop (xrf1)  }
0x11e: {  	v16 =	vperm.xlane v16, v3;
	vm0 =	vge.f32 v17, v13  }
0x11f: {  	v19 =	vsel vm0, v17, v13;
	v20 =	vsel vm0, v18, v14;
	v13 =	vsel vm0, v13, v17;
	v17, v21, _ =	vpop (xrf1)  }
0x120: {  	v14 =	vsel vm0, v14, v18;
	vm1 =	vge.f32 v17, v15;
	(xrf1) =	vsort.dscd.msk.f32 $0xffff, v19, v20  }
0x121: {  	v18 =	vsel vm1, v15, v17;
	v19 =	vsel vm1, v16, v21;
	(xrf1) =	vsort.dscd.msk.f32 $0xffff, v13, v14  }
0x122: {  	v13 =	vsel vm1, v17, v15;
	v14 =	vsel vm1, v21, v16;
	(xrf1) =	vsort.dscd.msk.f32 $0xffff, v18, v19  }
0x123: {  	(xrf1) =	vsort.dscd.msk.f32 $0xffff, v13, v14;
	_ =	sdelay $0x9  }
0x124: {  	s21 =	sadd.s32 $0x10, s21;
	v16 =	vld [tilespmem:s20+$0x0];
	s20 =	sadd.s32 $0x10, s20  }
.Ltmp11:
0x125: {  	v13 =	vld [tilespmem:s21+$0x0];
	v14, v22, _ =	vpop (xrf1);
	(pc) =	sbr.rel @p2 .LBB2_11-.Ltmp11, $4  }
0x126: {  	v14 =	vperm.xlane v14, v3;
	v15, v17, _ =	vpop (xrf1)  }
0x127: {  	v15 =	vperm.xlane v15, v3;
	v19 =	vperm.xlane v17, v3;
	v17, v18, _ =	vpop (xrf1)  }
0x128: {  	vm0 =	vge.f32 v17, v14;
	v21, v20, _ =	vpop (xrf1)  }
0x129: {  	(xrf1) =	vsort.dscd.msk.f32 $0xffff, v16, v23;
	v16 =	vperm.xlane v22, v3;
	vm1 =	vge.f32 v21, v15  }
.Ltmp12:
0x12a: {  	_ = 	snop;
	(pc) =	sbr.rel .LBB2_12-.Ltmp12, $1  }
0x12b: {  	_ =	sdelay $0x3  }
.LBB2_9:
.Ltmp13:
0x12c: {  	_ = 	snop;
	(pc) =	sbr.rel .LBB2_12-.Ltmp13, $2  }
0x12d: {  	_ =	sdelay $0x2  }
0x12e: {  	v13 =	vmov v16  }
.LBB2_16:
0x12f: {  	_ =	sfence.sel $0x180000  }
0x130: {  	[bflag:$0x0] =	sbarrier.arrive $0xFFFF  }
0x131: {  	p0 =	sne.s32 s1, $0x0;
	_ =	strace $0x9000004D  }
0x132: {  	s0 =	sadd.s32 @!p0 $0x100000, s0;
	[bflag:$0x2] =	sbarrier.arrive $0xFFFF  }
0x133: {  	[sflag:s0] =	ssyncadd.tile.s32 @!p0 $0x1;
	_ =	shalt  }
.Lfunc_end2:
_tile_overlayer_lowered:
.L_overlay_start_2:
0x134: {  	(tag) =	ssettag $0x2  }
0x135: {  	s0 =	rddreg [dreg:$0x0];
	s2 =	stileid.u32  }
0x136: {  	s1 =	rddreg [dreg:$0x1];
	p0 =	sne.s32 s2, $0x0  }
0x137: {  	s3 =	rddreg [dreg:$0x2];
	[bflag:$0x3] =	sbarrier.arrive $0xFFFF;
	s2 =	simm.s32 @!p0 $0x1C03  }
0x138: {  	[timem:s3], [sflag:s2] =	dma.local @!p0 [hbm:s0], s1  }
0x139: {  	s0 =	simm.s32 @!p0 $0x3  }
0x13a: {  	_ =	swait.ge @!p0 [sflag:s0], s1  }
0x13b: {  	s1 =	ssub.s32 @!p0 $0x0, s1;
	[sflag:s0] =	ssyncset.done @!p0 $0x0  }
0x13c: {  	[sflag:s0] =	ssyncadd.s32 @!p0 s1  }
0x13d: {  	[bflag:$0x3] =	sbarrier.arrive $0xFFFF  }
0x13e: {  	_ =	shalt  }

// kernel: kernel.7.cloned.1.call-start
scs
__scs_entry_jumppad:
0x0: {  	(pc) =	sbr.rel $0x88, $3  }
0x1: {  	(tag) =	ssettag $0x0;
	lr =	simm.s32 $0x1  }
0x2: {  	[smem:$0x3F97] =	sst lr;
	_ =	strace $0xD0000000  }
0x3: {  	_ = 	snop  }
0x4: {  	_ = 	snop  }
0x5: {  	_ = 	snop  }
0x6: {  	_ = 	snop  }
0x7: {  	_ = 	snop  }
__scs_overlays_trampoline_lowered:
0x8: {  	[smem:$0x3FA6] =	sst s0  }
0x9: {  	[smem:$0x3FA7] =	sst s1  }
0xa: {  	[smem:$0x3FA8] =	sst s2  }
0xb: {  	[smem:$0x3FA9] =	sst s3  }
0xc: {  	[smem:$0x3FAA] =	sst s4  }
0xd: {  	[smem:$0x3FAB] =	sst s5  }
0xe: {  	[smem:$0x3FAC] =	sst s6  }
0xf: {  	[smem:$0x3FAD] =	sst s7  }
0x10: {  	[smem:$0x3FAE] =	sst s8  }
0x11: {  	[smem:$0x3FAF] =	sst s9;
	s0 =	simm.s32 @!p0 $0x0  }
0x12: {  	s1 =	sld [smem:$0x3F95];
	s0 =	simm.s32 @p0 $0x1  }
0x13: {  	[smem:$0x3FB0] =	sst s0;
	s0 =	simm.s32 @!p1 $0x0  }
0x14: {  	s2 =	sld [smem:$0x3F94];
	s0 =	simm.s32 @p1 $0x1  }
0x15: {  	[smem:$0x3FB1] =	sst s0;
	s0 =	simm.s32 @!p2 $0x0  }
0x16: {  	s3 =	sld [smem:$0x3FDB];
	s0 =	simm.s32 @p2 $0x1  }
0x17: {  	s4 =	simm.s32 $0x1BF5;
	[smem:$0x3FB3] =	sst s0  }
0x18: {  	s0 =	sld [smem:$0x3F96];
	_ =	swait.ge [sflag:s4], $0x0  }
0x19: {  	s7 =	sld [smem:$0x3F97]  }
0x1a: {  	s8 =	sadd.s32 $0xFFFFE003, lr  }
0x1b: {  	s9 =	sadd.s32 $0xFFFFFEF7, lr;
	s5 =	simm.s32 $0xFFFFFFFF;
	p2 =	slt.u32 s8, $0xFFFFF086  }
0x1c: {  	p1 =	slt.u32 s9, $0xF7A;
	s5 =	simm.s32 @!p2 $0x0  }
0x1d: {  	s5 =	simm.s32 @p1 $0x1;
	p0 =	seq.s32 s7, s2  }
0x1e: {  	s7 =	smul.u32 @!p0 $0xF7A, s2;
	p2 =	seq.s32 @!p0 s5, $0x0  }
0x1f: {  	s9 =	smul.u32 $0xF7A, s1;
	s8 =	simm.s32 @!p0 $0x1BF5;
	p2 =	por !p2, p0  }
0x20: {  	[sflag:s8] =	ssyncset.s32 @!p0 $0xFFFFF086;
	s6 =	sadd.s32 @!p0 s3, s7;
	s7 =	simm.s32 @!p0 $0x108  }
0x21: {  	s3 =	sadd.s32 s3, s9;
	s6 =	sadd.s32 @!p0 $0x88, s6;
	s7 =	simm.s32 @p2 $0x1082  }
0x22: {  	[simem:s7], [sflag:s8] =	dma.local @!p0 [hbm:s6], $0xF7A  }
0x23: {  	s9 =	sor.u32 $0xD0000000, s2;
	s6 =	simm.s32 $0x108;
	_ =	swait.ge @!p0 [sflag:s8], $0x0  }
0x24: {  	s3 =	sadd.s32 $0x88, s3;
	s6 =	simm.s32 @!p1 $0x1082;
	[sflag:s4] =	ssyncset.s32 $0xFFFFF086  }
0x25: {  	[simem:s6], [sflag:s4] =	dma.local [hbm:s3], $0xF7A  }
0x26: {  	[smem:$0x3F97] =	sst s1;
	(tag) =	ssettag s2;
	_ =	strace s9  }
0x27: {  	s1 =	sld [smem:$0x3FA7]  }
0x28: {  	s2 =	sld [smem:$0x3FA8]  }
0x29: {  	s4 =	sld [smem:$0x3FAA]  }
0x2a: {  	p0 =	seq.s32 s5, $0x0;
	s5 =	sld [smem:$0x3FAB]  }
0x2b: {  	s6 =	sld [smem:$0x3FAC]  }
0x2c: {  	s7 =	sld [smem:$0x3FAD]  }
0x2d: {  	s3 =	simm.s32 $0x108;
	s8 =	sld [smem:$0x3FAE]  }
0x2e: {  	s3 =	simm.s32 @!p0 $0x1082;
	s9 =	sld [smem:$0x3FAF]  }
0x2f: {  	lr =	sadd.s32 s0, s3;
	s0 =	sld [smem:$0x3FA6]  }
0x30: {  	s3 =	sld [smem:$0x3FA9]  }
0x31: {  	[smem:$0x3FB2] =	sst s10  }
0x32: {  	s10 =	sld [smem:$0x3FB0];
	_ =	sdelay $0x3  }
0x33: {  	p0 =	seq.s32 s10, $0x1;
	s10 =	sld [smem:$0x3FB2];
	_ =	sdelay $0x3  }
0x34: {  	[smem:$0x3FB2] =	sst s10  }
0x35: {  	s10 =	sld [smem:$0x3FB1];
	_ =	sdelay $0x3  }
0x36: {  	p1 =	seq.s32 s10, $0x1;
	s10 =	sld [smem:$0x3FB2];
	_ =	sdelay $0x3  }
0x37: {  	[smem:$0x3FB2] =	sst s10  }
0x38: {  	s10 =	sld [smem:$0x3FB3]  }
0x39: {  	_ = 	snop;
	(pc) =	sbr.ind lr, $3  }
0x3a: {  	_ = 	snop  }
0x3b: {  	_ = 	snop  }
0x3c: {  	p2 =	seq.s32 s10, $0x1;
	s10 =	sld [smem:$0x3FB2]  }
0x3d: {  	_ =	shalt  }
0x3e: {  	_ =	shalt  }
0x3f: {  	_ =	shalt  }
0x40: {  	_ =	shalt  }
0x41: {  	_ =	shalt  }
0x42: {  	_ =	shalt  }
0x43: {  	_ =	shalt  }
0x44: {  	_ =	shalt  }
0x45: {  	_ =	shalt  }
0x46: {  	_ =	shalt  }
0x47: {  	_ =	shalt  }
0x48: {  	_ =	shalt  }
0x49: {  	_ =	shalt  }
0x4a: {  	_ =	shalt  }
0x4b: {  	_ =	shalt  }
0x4c: {  	_ =	shalt  }
0x4d: {  	_ =	shalt  }
0x4e: {  	_ =	shalt  }
0x4f: {  	_ =	shalt  }
0x50: {  	_ =	shalt  }
0x51: {  	_ =	shalt  }
0x52: {  	_ =	shalt  }
0x53: {  	_ =	shalt  }
0x54: {  	_ =	shalt  }
0x55: {  	_ =	shalt  }
0x56: {  	_ =	shalt  }
0x57: {  	_ =	shalt  }
0x58: {  	_ =	shalt  }
0x59: {  	_ =	shalt  }
0x5a: {  	_ =	shalt  }
0x5b: {  	_ =	shalt  }
0x5c: {  	_ =	shalt  }
0x5d: {  	_ =	shalt  }
0x5e: {  	_ =	shalt  }
0x5f: {  	_ =	shalt  }
0x60: {  	_ =	shalt  }
0x61: {  	_ =	shalt  }
0x62: {  	_ =	shalt  }
0x63: {  	_ =	shalt  }
0x64: {  	_ =	shalt  }
0x65: {  	_ =	shalt  }
0x66: {  	_ =	shalt  }
0x67: {  	_ =	shalt  }
0x68: {  	_ =	shalt  }
0x69: {  	_ =	shalt  }
0x6a: {  	_ =	shalt  }
0x6b: {  	_ =	shalt  }
0x6c: {  	_ =	shalt  }
0x6d: {  	_ =	shalt  }
0x6e: {  	_ =	shalt  }
0x6f: {  	_ =	shalt  }
0x70: {  	_ =	shalt  }
0x71: {  	_ =	shalt  }
0x72: {  	_ =	shalt  }
0x73: {  	_ =	shalt  }
0x74: {  	_ =	shalt  }
0x75: {  	_ =	shalt  }
0x76: {  	_ =	shalt  }
0x77: {  	_ =	shalt  }
0x78: {  	_ =	shalt  }
0x79: {  	_ =	shalt  }
0x7a: {  	_ =	shalt  }
0x7b: {  	_ =	shalt  }
0x7c: {  	_ =	shalt  }
0x7d: {  	_ =	shalt  }
0x7e: {  	_ =	shalt  }
0x7f: {  	_ =	shalt  }
0x80: {  	_ =	shalt  }
0x81: {  	_ =	shalt  }
0x82: {  	_ =	shalt  }
0x83: {  	_ =	shalt  }
0x84: {  	_ =	shalt  }
0x85: {  	_ =	shalt  }
0x86: {  	_ =	shalt  }
0x87: {  	_ =	shalt  }
.Lfunc_end0:
.L_simem_size_0:
called_computation_lowered:
.L_overlay_start_0:
0x88: {  	s2 =	sld [smem:$0x3FD9]  }
0x89: {  	s3 =	sld [smem:$0x3FFE];
	_ =	sdelay $0x1  }
0x8a: {  	s1 =	srdreg.scid  }
0x8b: {  	s0 =	sand.u32 $0x1, s1  }
0x8c: {  	s15 =	sshll.u32 s0, $0xA;
	s2 =	sadd.s32 s3, s2  }
0x8d: {  	s2 =	sadd.s32 s2, s15  }
0x8e: {  	[smem:$0x3FBE] =	sst s2  }
0x8f: {  	_ = 	snop  }
0x90: {  	s2 =	sld [smem:$0x3FD0];
	_ =	sdelay $0x2  }
0x91: {  	s4 =	simm.s32 $0xA;
	s5 =	simm.s32 $0x10;
	s16 =	sld [smem:$0x3FC9]  }
0x92: {  	[smem:s5], [sflag:s4] =	dma.local [hbm:s2], $0x1  }
0x93: {  	_ =	swait.eq [sflag:s4], $0x1  }
0x94: {  	s17 =	sld [smem:$0x11];
	[sflag:s4] =	ssyncset.done $0x0  }
0x95: {  	s18 =	sld [smem:$0x13];
	[sflag:s4] =	ssyncadd.s32 $0xFFFFFFFF  }
0x96: {  	s19 =	sld [smem:$0x14];
	(tm) =	ssettm $0x1  }
0x97: {  	s6 =	sld [smem:$0x3FFB];
	_ =	sdelay $0x3  }
0x98: {  	_ =	strace s6  }
0x99: {  	s6 =	sld [smem:$0x3FFC];
	_ =	sdelay $0x3  }
0x9a: {  	_ =	strace s6  }
0x9b: {  	s6 =	sld [smem:$0x3FFD];
	_ =	sdelay $0x3  }
0x9c: {  	_ =	strace s6  }
0x9d: {  	_ =	strace $0x8FFFFFFF  }
0x9e: {  	s20 =	sld [smem:$0x3FDB];
	_ =	sdelay $0x1  }
0x9f: {  	s7 =	simm.s32 $_scs_section_size  }
0xa0: {  	s8 =	simm.s32 $_size__tile_overlayer_lowered;
	s9 =	simm.s32 $_tile_overlayer_lowered  }
0xa1: {  	s23 =	simm.s32 $0x1BFF;
	s22 =	sshll.u32 s9, $0x1;
	s6 =	sadd.s32 s7, s20  }
0xa2: {  	s10 =	simm.s32 $0x0;
	s21 =	sshll.u32 s8, $0x1;
	s8 =	sadd.s32 s22, s6  }
0xa3: {  	[timem:s10], [sflag:s23] =	dma.local [hbm:s8], s21  }
0xa4: {  	_ =	swait.ge [sflag:s23], s21  }
0xa5: {  	s7 =	ssub.s32 $0x0, s21;
	[sflag:s23] =	ssyncset.done $0x0  }
0xa6: {  	[sflag:s23] =	ssyncadd.s32 s7;
	_ =	sdelay $0x1  }
0xa7: {  	s24 =	simm.s32 $0x1B8B  }
0xa8: {  	_ =	swait.ge [sflag:s24], $0x1  }
0xa9: {  	[sflag:s24] =	ssyncset.done $0x0  }
0xaa: {  	s25 =	simm.s32 $0x1B8E;
	[sflag:s24] =	ssyncadd.s32 $0xFFFFFFFF  }
0xab: {  	s26 =	simm.s32 $execute0_lowered;
	[smem:$0x3FD2] =	sst s25  }
0xac: {  	s7 =	sshll.u32 s26, $0x1;
	_ =	strace $0x80000046;
	[dreg:$0x1] =	wrdreg $0xFFFFFFFF  }
0xad: {  	s28 =	simm.s32 $_size_execute0_lowered;
	s6 =	sadd.s32 s6, s7;
	[dreg:$0x0] =	wrdreg $0x0  }
0xae: {  	s7 =	sshll.u32 s28, $0x1;
	[dreg:$0x2] =	wrdreg s6  }
0xaf: {  	[dreg:$0x3] =	wrdreg s7  }
0xb0: {  	[dreg:$0x4] =	wrdreg $0xC0  }
0xb1: {  	_ =	task [dreg:s10], $0x5FFFF  }
0xb2: {  	[dreg:$0x1] =	wrdreg $0xFFFFFFFF  }
0xb3: {  	[dreg:$0x0] =	wrdreg $0x60  }
0xb4: {  	[dreg:$0x2] =	wrdreg s16  }
0xb5: {  	[dreg:$0x3] =	wrdreg s18  }
0xb6: {  	[dreg:$0x4] =	wrdreg s17  }
0xb7: {  	[dreg:$0x5] =	wrdreg s19  }
0xb8: {  	[dreg:$0x6] =	wrdreg $0x9  }
0xb9: {  	_ =	task.clear_ibuf [dreg:s10], $0x7FFFF;
	_ =	strace $0x90000046  }
0xba: {  	s29 =	simm.s32 $0x9;
	_ =	strace $0x80000048  }
0xbb: {  	_ =	swait.ge [sflag:s29], $0x1  }
0xbc: {  	[sflag:s29] =	ssyncadd.s32 $0xFFFFFFFF  }
0xbd: {  	_ =	strace $0x90000048  }
0xbe: {  	_ =	sfence  }
0xbf: {  	s30 =	sld [smem:$0x0];
	_ =	sdelay $0x2  }
0xc0: {  	s31 =	sshll.u32 s1, $0xD;
	s1 =	sshrl.u32 s1, $0x2  }
0xc1: {  	s3 =	sand.u32 $0x4000, s31;
	s1 =	sadd.s32 s1, s30  }
0xc2: {  	s0 =	sor.u32 s3, s0;
	s1 =	sshll.u32 s1, $0x11  }
0xc3: {  	s0 =	sor.u32 s1, s0  }
0xc4: {  	s0 =	sadd.s32 $0x8F2B, s0  }
0xc5: {  	[sflag:s0] =	ssyncadd.remote.s32 $0x1  }
0xc6: {  	_ =	sfence.sel $0xFFFF  }
0xc7: {  	[dreg:$0x0] =	wrdreg $0xFFFFFFFF;
	(pc) =	sbr.abs _section_cstart, $3  }
0xc8: {  	[dreg:$0x1] =	wrdreg $0xFFFFFFFF  }
0xc9: {  	_ =	task.clear_ibuf [dreg:s10], $0x2FFFF;
	_ =	strace $0x9FFFFFFF  }
0xca: {  	(tm) =	ssettm $0x7FFFFFFF  }
0xcb: {  	_ =	shalt  }
tec
execute0_lowered:
.L_overlay_start_1:
0x0: {  	(tag) =	ssettag $0x1  }
0x1: {  	s1 =	rddreg [dreg:$0x0]  }
0x2: {  	s2 =	rddreg [dreg:$0x1]  }
0x3: {  	s4 =	rddreg [dreg:$0x2]  }
0x4: {  	s9 =	rddreg [dreg:$0x3]  }
0x5: {  	s5 =	srdreg.scid;
	s0 =	rddreg [dreg:$0x4]  }
0x6: {  	s3 =	stileid.u32;
	s13 =	simm.s32 $0x1;
	s14 =	simm.s32 $0x2  }
0x7: {  	s15 =	simm.s32 $0x0;
	s6 =	sand.u32 $0x1, s5;
	s5 =	simm.s32 $0x0  }
0x8: {  	s8 =	sshll.u32 s3, $0x1;
	s7 =	ssub.s32 $0x2, s6;
	[smem:$0x7FF] =	sst s5  }
.Ltmp0:
0x9: {  	s8 =	sor.u32 s6, s8;
	s10 =	sshrl.u32 s7, $0x1;
	(pc) =	sbr.rel .LBB2_1-.Ltmp0, $4  }
0xa: {  	_ =	strace $0x80000047;
	s6 =	sshll.u32 s8, $0x7;
	s31 =	sshll.u32 s8, $0xB  }
0xb: {  	s11 =	sshll.u32 s8, $0x4;
	s12 =	sshll.u32 s8, $0xE;
	s10 =	ssub.s32 s7, s10  }
0xc: {  	v1 =	vlaneseq.u32;
	s7 =	sadd.s32 s1, s31;
	s8 =	sadd.s32 s2, s11;
	s9 =	sadd.s32 s9, s12  }
0xd: {  	v2 =	vimm.f32 $1.000000000e+00;
	v0 =	vmul.u32 $0x80, v1;
	v1 =	vmul.u32 $0x400, v1;
	s11 =	simm.s32 $0x1000;
	s12 =	simm.s32 $0x1080;
	s10 =	smax.u32 s10, $0x1  }
.LBB2_9:
0xe: {  	s15 =	sadd.s32 $0x1, s15  }
0xf: {  	p0 =	sne.s32 s15, s10  }
.Ltmp1:
0x10: {  	_ = 	snop;
	(pc) =	sbr.rel @!p0 .LBB2_10-.Ltmp1, $4  }
0x11: {  	_ = 	snop  }
0x12: {  	_ =	swait.ge [sflag:s14], $0x4000  }
0x13: {  	[sflag:s14] =	ssyncset.done $0x0  }
0x14: {  	[sflag:s14] =	ssyncadd.s32 $0xFFFFC000  }
.LBB2_1:
0x15: {  	[tilespmem:s5], [sflag:$0x1] =	stream.linear.gather [hbm4b:s7+s5], $0x800, $0x38;
	[tilespmem:$0x9080] =	vst v63  }
.Ltmp2:
0x16: {  	_ = 	snop;
	(pc) =	sbr.rel .LBB2_2-.Ltmp2, $4  }
0x17: {  	_ = 	snop  }
0x18: {  	[tilespmem:s11], [sflag:$0x1] =	stream.linear.gather [hbm4b:s8+s5], $0x10, $0x38;
	[tilespmem:$0x9080] =	vst v63  }
0x19: {  	s16 =	simm.s32 $0x0  }
0x1a: {  	[tilespmem:s12], [sflag:$0x1] =	stream.linear.gather [hbm4b:s4+s5], $0x4000, $0x38;
	[tilespmem:$0x9080] =	vst v63  }
.LBB2_4:
0x1b: {  	_ = 	snop  }
.LBB2_7:
0x1c: {  	_ =	sdelay $0x4  }
0x1d: {  	[tilespmem:v9+s12+$0x0] =	vst.idx.add.f32.msk @p0 vm0, v2  }
0x1e: {  	v8 =	vld.idx.msk [tilespmem:v8+s5+$0x0], $0xffff;
	_ =	sdelay $0x3  }
0x1f: {  	vm14 =	vlt.s32 v6, v3  }
0x20: {  	v63 =	vadd.s32 v5, v8  }
0x21: {  	v4 =	vadd.s32 s19, v4;
	_ =	sdelay $0x3  }
0x22: {  	[tilespmem:v63+s12+$0x0] =	vst.idx.add.f32.msk vm14, v2  }
0x23: {  	v4 =	vld.idx.msk [tilespmem:v4+s5+$0x0], $0xffff;
	_ =	sdelay $0x3  }
0x24: {  	vm15 =	vlt.s32 v7, v3  }
0x25: {  	v3 =	vadd.s32 v5, v4;
	_ =	sdelay $0x4  }
0x26: {  	[tilespmem:v3+s12+$0x0] =	vst.idx.add.f32.msk vm15, v2  }
.LBB2_8:
0x27: {  	p0 =	sne.s32 s17, $0x8  }
.Ltmp3:
0x28: {  	_ = 	snop;
	(pc) =	sbr.rel @!p0 .LBB2_9-.Ltmp3, $4  }
0x29: {  	s16 =	sshll.u32 s16, $0xB  }
0x2a: {  	s18 =	sor.u32 $0x1080, s18;
	s16 =	sadd.s32 s16, s9  }
0x2b: {  	[hbm4b:s16+s5] =	stream.linear.scatter [tilespmem:s18], [sflag:$0x2], $0x4000, $0x38;
	[tilespmem:$0x9080] =	vst v63  }
0x2c: {  	s16 =	smov.u32 s17  }
.LBB2_2:
0x2d: {  	p0 =	seq.s32 s16, $0x0  }
0x2e: {  	s17 =	simm.s32 @!p0 $0x2  }
0x2f: {  	_ =	swait.ge @!p0 [sflag:s17], $0x4000  }
0x30: {  	[sflag:s17] =	ssyncset.done @!p0 $0x0  }
0x31: {  	[sflag:s17] =	ssyncadd.s32 @!p0 $0xFFFFC000  }
0x32: {  	_ =	swait.ge [sflag:s13], $0x800  }
0x33: {  	[sflag:s13] =	ssyncset.done $0x0  }
0x34: {  	[sflag:s13] =	ssyncadd.s32 $0xFFFFF800  }
0x35: {  	s17 =	sadd.s32 $0x1, s16;
	p0 =	seq.s32 s16, $0x7;
	_ =	swait.ge [sflag:s13], $0x10  }
0x36: {  	s18 =	sshll.u32 @!p0 s17, $0x4;
	[sflag:s13] =	ssyncset.done $0x0  }
0x37: {  	s19 =	sand.u32 $0x1, s16;
	s18 =	sadd.s32 @!p0 s6, s18;
	[sflag:s13] =	ssyncadd.s32 $0xFFFFFFF0  }
0x38: {  	s21 =	sxor.u32 @!p0 $0x1, s19;
	s20 =	sshll.u32 @!p0 s18, $0x4;
	_ =	swait.ge [sflag:s13], $0x4000  }
0x39: {  	s23 =	simm.s32 @!p0 $0x0;
	s20 =	sand.u32 @!p0 $0x1FFFFF00, s20;
	[sflag:s13] =	ssyncset.done $0x0  }
0x3a: {  	s22 =	sshll.u32 @!p0 s21, $0xB;
	s20 =	sadd.s32 @!p0 s1, s20;
	[sflag:s13] =	ssyncadd.s32 $0xFFFFC000  }
0x3b: {  	[tilespmem:s22], [sflag:$0x1] =	stream.linear.gather @!p0 [hbm4b:s20+s23], $0x800, $0x38;
	[tilespmem:$0x9080] =	vst v63  }
0x3c: {  	s18 =	sshrl.u32 @!p0 s18, $0x3;
	s20 =	sshll.u32 @!p0 s21, $0x4  }
0x3d: {  	s18 =	sadd.s32 @!p0 s2, s18;
	s20 =	sor.u32 @!p0 $0x1000, s20  }
0x3e: {  	[tilespmem:s20], [sflag:$0x1] =	stream.linear.gather @!p0 [hbm4b:s18+s23], $0x10, $0x38;
	[tilespmem:$0x9080] =	vst v63  }
0x3f: {  	s18 =	sshll.u32 @!p0 s21, $0xE  }
0x40: {  	s25 =	sshll.u32 s19, $0x4;
	s18 =	sor.u32 @!p0 $0x1080, s18  }
0x41: {  	[tilespmem:s18], [sflag:$0x1] =	stream.linear.gather @!p0 [hbm4b:s4+s23], $0x4000, $0x38;
	[tilespmem:$0x9080] =	vst v63  }
0x42: {  	v3 =	vld [tilespmem:s25+$0x1000];
	_ =	sdelay $0x4  }
0x43: {  	v4 =	vxor.u32 $0x80000000, v3  }
0x44: {  	(xrf0) =	vmax.scan.msk.u32 $0xffff, v4;
	_ =	sdelay $0x5  }
0x45: {  	v4, _, _ =	vpop (xrf0)  }
0x46: {  	(v2sf) =	vpush v4, $0xF;
	_ =	sdelay $0xe  }
0x47: {  	s26 =	spop (v2sf)  }
0x48: {  	s18 =	simm.s32 $0x1;
	s28 =	sadd.s32 $0x80000001, s26;
	p0 =	slt.s32 s26, $0xFFFFFFFF  }
0x49: {  	s18 =	simm.s32 @!p0 $0x0;
	s29 =	sshra.s32 s28, $0x1F  }
0x4a: {  	s30 =	sand.u32 $0x1, s28;
	s18 =	sadd.s32 s18, s29  }
0x4b: {  	p1 =	seq.s32 s30, $0x1;
	p6 =	sne.s32 s18, $0x1  }
0x4c: {  	s31 =	sshrl.u32 s28, $0x1F;
	p0 =	por !p6, !p1  }
0x4d: {  	s20 =	simm.s32 $0x1;
	s18 =	sadd.s32 s31, s28;
	p0 =	por !p0, !p0  }
0x4e: {  	s18 =	sshra.s32 s18, $0x1;
	s20 =	simm.s32 @!p0 $0x0  }
0x4f: {  	s20 =	ssub.s32 s18, s20  }
0x50: {  	p0 =	slt.s32 s20, $0x1  }
.Ltmp4:
0x51: {  	_ = 	snop;
	(pc) =	sbr.rel @p0 .LBB2_8-.Ltmp4, $2  }
0x52: {  	_ =	sdelay $0x2  }
0x53: {  	s18 =	sshll.u32 s19, $0xE  }
0x54: {  	p1 =	sne.s32 s20, $0x1  }
.Ltmp5:
0x55: {  	s19 =	sshll.u32 s19, $0xB;
	(pc) =	sbr.rel @!p1 .LBB2_4-.Ltmp5, $4  }
0x56: {  	s31 =	simm.s32 $0x0;
	v4 =	vor.u32 s19, v0  }
0x57: {  	v6 =	vmov s31;
	v5 =	vadd.s32 s31, v4  }
0x58: {  	s19 =	simm.s32 $0x1;
	v9 =	vand.u32 $0x7E, v6;
	v8 =	vand.u32 $0xFFFFFF80, v5  }
0x59: {  	s20 =	sadd.s32 $0xFFFFFFFF, s20;
	p0 =	por $0x0, $0x0;
	v7 =	vmov s19;
	v5 =	vor.u32 s18, v1;
	v8 =	vor.u32 v9, v8  }
0x5a: {  	_ =	sdelay $0x3  }
0x5b: {  	v8 =	vld.idx.msk [tilespmem:v8+s5+$0x0], $0xffff;
	_ =	sdelay $0x3  }
0x5c: {  	vm0 =	vlt.s32 v6, v3  }
0x5d: {  	v6 =	vadd.s32 v5, v8  }
0x5e: {  	v8 =	vadd.s32 s19, v4;
	_ =	sdelay $0x3  }
0x5f: {  	[tilespmem:v6+s12+$0x0] =	vst.idx.add.f32.msk vm0, v2  }
0x60: {  	v8 =	vld.idx.msk [tilespmem:v8+s5+$0x0], $0xffff;
	_ =	sdelay $0x2  }
0x61: {  	s31 =	simm.s32 $0x2  }
0x62: {  	p1 =	sne.s32 s20, $0x1;
	v9 =	vadd.s32 s31, v4;
	v6 =	vmov s31;
	vm0 =	vlt.s32 v7, v3  }
.Ltmp6:
0x63: {  	v10 =	vand.u32 $0xFFFFFF80, v9;
	v11 =	vand.u32 $0x7E, v6;
	v9 =	vadd.s32 v5, v8;
	(pc) =	sbr.rel @!p1 .LBB2_7-.Ltmp6, $3  }
0x64: {  	v8 =	vor.u32 v11, v10;
	_ =	sdelay $0x1  }
0x65: {  	s19 =	simm.s32 $0x3  }
0x66: {  	s20 =	sadd.s32 $0xFFFFFFFF, s20;
	p0 =	por $0x1, $0x1;
	v7 =	vmov s19  }
.LBB2_6:
0x67: {  	p1 =	sne.s32 s20, $0x1;
	s20 =	sadd.s32 $0xFFFFFFFF, s20;
	[tilespmem:v9+s12+$0x0] =	vst.idx.add.f32.msk vm0, v2  }
0x68: {  	v8 =	vld.idx.msk [tilespmem:v8+s5+$0x0], $0xffff;
	_ =	sdelay $0x4  }
0x69: {  	vm0 =	vlt.s32 v6, v3  }
0x6a: {  	v6 =	vadd.s32 v5, v8  }
0x6b: {  	v8 =	vadd.s32 s19, v4;
	_ =	sdelay $0x3  }
0x6c: {  	[tilespmem:v6+s12+$0x0] =	vst.idx.add.f32.msk vm0, v2  }
0x6d: {  	v8 =	vld.idx.msk [tilespmem:v8+s5+$0x0], $0xffff;
	_ =	sdelay $0x2  }
.Ltmp7:
0x6e: {  	s19 =	sadd.s32 $0x2, s19;
	(pc) =	sbr.rel @p1 .LBB2_6-.Ltmp7, $4  }
0x6f: {  	s21 =	sadd.s32 $0xFFFFFFFF, s19;
	v9 =	vmov s19  }
0x70: {  	v10 =	vadd.s32 s21, v4;
	v6 =	vmov s21;
	vm0 =	vlt.s32 v7, v3;
	v7 =	vmovc v9  }
0x71: {  	v10 =	vand.u32 $0xFFFFFF80, v10;
	v11 =	vand.u32 $0x7E, v6;
	v9 =	vadd.s32 v5, v8  }
0x72: {  	v8 =	vor.u32 v11, v10  }
.Ltmp8:
0x73: {  	_ = 	snop;
	(pc) =	sbr.rel .LBB2_7-.Ltmp8, $1  }
0x74: {  	_ =	sdelay $0x3  }
.LBB2_10:
0x75: {  	_ =	sfence.sel $0x180000  }
0x76: {  	[bflag:$0x0] =	sbarrier.arrive $0xFFFF  }
0x77: {  	p0 =	sne.s32 s3, $0x0;
	_ =	strace $0x90000047  }
0x78: {  	s0 =	sadd.s32 @!p0 $0x100000, s0;
	[bflag:$0x2] =	sbarrier.arrive $0xFFFF  }
0x79: {  	[sflag:s0] =	ssyncadd.tile.s32 @!p0 $0x1;
	_ =	shalt  }
.Lfunc_end2:
_tile_overlayer_lowered:
.L_overlay_start_2:
0x7a: {  	(tag) =	ssettag $0x2  }
0x7b: {  	s0 =	rddreg [dreg:$0x0];
	s2 =	stileid.u32  }
0x7c: {  	s1 =	rddreg [dreg:$0x1];
	p0 =	sne.s32 s2, $0x0  }
0x7d: {  	s3 =	rddreg [dreg:$0x2];
	[bflag:$0x3] =	sbarrier.arrive $0xFFFF;
	s2 =	simm.s32 @!p0 $0x1C03  }
0x7e: {  	[timem:s3], [sflag:s2] =	dma.local @!p0 [hbm:s0], s1  }
0x7f: {  	s0 =	simm.s32 @!p0 $0x3  }
0x80: {  	_ =	swait.ge @!p0 [sflag:s0], s1  }
0x81: {  	s1 =	ssub.s32 @!p0 $0x0, s1;
	[sflag:s0] =	ssyncset.done @!p0 $0x0  }
0x82: {  	[sflag:s0] =	ssyncadd.s32 @!p0 s1  }
0x83: {  	[bflag:$0x3] =	sbarrier.arrive $0xFFFF  }
0x84: {  	_ =	shalt  }

</sc_bundles>
